<compile_context>
chip_gen: v7x
topology: tpu7x:2x2x1
jax: 0.10.2.dev20260603
libtpu: 0.0.44.dev20260713+nightly
codegen_flags: <defaults>
</compile_context>

<pallas_src>
import functools

import jax
import jax.numpy as jnp
from jax import lax
from jax.experimental import pallas as pl
from jax.experimental.pallas import tpu as pltpu
from jax.experimental.pallas import tpu_sc as plsc

NUM_FIELDS = 26
NUM_FEATURES = 100000
LATENT_DIM = 16
BATCH = 4096

NUM_WORKERS = 32
CHUNK_FEAT = 128
CHUNKS_PER_FIELD = -(-NUM_FEATURES // CHUNK_FEAT)
TAIL_FEAT = NUM_FEATURES - (CHUNKS_PER_FIELD - 1) * CHUNK_FEAT
TOTAL_CHUNKS = NUM_FIELDS * CHUNKS_PER_FIELD
SLAB_W = CHUNK_FEAT + 1
F_ROWS = CHUNKS_PER_FIELD * 16
NUM_UNITS = NUM_FIELDS * F_ROWS

SAMPLES_PER_W = BATCH // NUM_WORKERS
PAIRS_PER_W = SAMPLES_PER_W * NUM_FIELDS
CHUNK_S = 16
CHUNK_P = CHUNK_S * NUM_FIELDS
N_CHUNKS = SAMPLES_PER_W // CHUNK_S
IDX_DMA = 104


@functools.partial(
    pl.kernel,
    out_type=jax.ShapeDtypeStruct((NUM_UNITS, 128), jnp.float32),
    mesh=plsc.VectorSubcoreMesh(core_axis_name="c", subcore_axis_name="s"),
    compiler_params=pltpu.CompilerParams(needs_layout_passes=False),
    scratch_types=[
        pltpu.VMEM((16, SLAB_W), jnp.float32),
        pltpu.VMEM((16, SLAB_W), jnp.float32),
        pltpu.VMEM((16, 128), jnp.float32),
        pltpu.VMEM((16, 128), jnp.float32),
        pltpu.SemaphoreType.DMA,
        pltpu.SemaphoreType.DMA,
        pltpu.SemaphoreType.DMA,
        pltpu.SemaphoreType.DMA,
    ],
)
def _pack_sc(embt_hbm, tail_hbm, packed_hbm, sl_a, sl_b, ob_a, ob_b,
             sra, srb, swa, swb):
    wid = lax.axis_index("s") * 2 + lax.axis_index("c")
    lo = wid * TOTAL_CHUNKS // NUM_WORKERS
    hi = (wid + 1) * TOTAL_CHUNKS // NUM_WORKERS

    lanes = lax.iota(jnp.int32, 16)

    def fetch(cid, slab, sem):
        @pl.when(cid < hi)
        def _():
            i = cid // CHUNKS_PER_FIELD
            cb = cid % CHUNKS_PER_FIELD

            @pl.when(cb < CHUNKS_PER_FIELD - 1)
            def _():
                pltpu.async_copy(
                    embt_hbm.at[i, :, pl.ds(cb * CHUNK_FEAT, CHUNK_FEAT)],
                    slab.at[:, pl.ds(0, CHUNK_FEAT)],
                    sem,
                )

    def wait_fetch(cid, slab, sem):
        @pl.when((cid < hi) & (cid % CHUNKS_PER_FIELD < CHUNKS_PER_FIELD - 1))
        def _():
            pltpu.make_async_copy(embt_hbm.at[0, :, pl.ds(0, CHUNK_FEAT)],
                                  slab.at[:, pl.ds(0, CHUNK_FEAT)], sem).wait()

    def process(cid, slab, outb, semw):
        @pl.when(cid < hi)
        def _():
            i = cid // CHUNKS_PER_FIELD
            cb = cid % CHUNKS_PER_FIELD

            @pl.when(cid >= lo + 2)
            def _():
                pltpu.make_async_copy(
                    outb, packed_hbm.at[pl.ds(0, 16), :], semw
                ).wait()

            @pl.when(cb < CHUNKS_PER_FIELD - 1)
            def _():
                def tr_body(r2, _):
                    for rr in range(2):
                        for j in range(8):
                            col = jnp.full((16,), rr * 8 + j, jnp.int32)
                            v = plsc.load_gather(slab, [lanes, r2 * 16 + col])
                            outb[r2 * 2 + rr, pl.ds(j * 16, 16)] = v
                    return _

                lax.fori_loop(0, 8, tr_body, 0)

            @pl.when(cb == CHUNKS_PER_FIELD - 1)
            def _():
                pltpu.sync_copy(tail_hbm.at[i], outb.at[pl.ds(0, 8), :])

            pltpu.async_copy(
                outb,
                packed_hbm.at[pl.ds(i * F_ROWS + cb * 16, 16), :],
                semw,
            )

    fetch(lo, sl_a, sra)
    n = hi - lo

    def body(t, _):
        ce = lo + 2 * t
        fetch(ce + 1, sl_b, srb)
        wait_fetch(ce, sl_a, sra)
        process(ce, sl_a, ob_a, swa)
        fetch(ce + 2, sl_a, sra)
        wait_fetch(ce + 1, sl_b, srb)
        process(ce + 1, sl_b, ob_b, swb)
        return _

    lax.fori_loop(0, (n + 1) // 2, body, 0)
    pltpu.make_async_copy(ob_a, packed_hbm.at[pl.ds(0, 16), :], swa).wait()
    pltpu.make_async_copy(ob_b, packed_hbm.at[pl.ds(0, 16), :], swb).wait()


@functools.partial(
    pl.kernel,
    out_type=jax.ShapeDtypeStruct((BATCH,), jnp.float32),
    mesh=plsc.VectorSubcoreMesh(core_axis_name="c", subcore_axis_name="s"),
    compiler_params=pltpu.CompilerParams(needs_layout_passes=False),
    scratch_types=[
        pltpu.VMEM((PAIRS_PER_W,), jnp.int32),
        pltpu.VMEM((PAIRS_PER_W,), jnp.int32),
        pltpu.VMEM((2, CHUNK_P, 128), jnp.float32),
        pltpu.VMEM((SAMPLES_PER_W,), jnp.float32),
        pltpu.SemaphoreType.DMA,
        pltpu.SemaphoreType.DMA,
    ],
)
def _ffm_sc(table_hbm, x_hbm, u_hbm, out_hbm, xv, uv, buf, out_v, sem_a, sem_b):
    wid = lax.axis_index("s") * 2 + lax.axis_index("c")
    base = wid * PAIRS_PER_W

    pltpu.sync_copy(x_hbm.at[pl.ds(base, PAIRS_PER_W)], xv)
    pltpu.sync_copy(u_hbm.at[pl.ds(base, PAIRS_PER_W)], uv)

    lanes = lax.iota(jnp.int32, 16)
    zero_f = jnp.zeros((16,), jnp.float32)

    def fire(k, buf_ref, sem):
        for q in range(CHUNK_P // IDX_DMA):
            pltpu.async_copy(
                table_hbm.at[uv.at[pl.ds(k * CHUNK_P + q * IDX_DMA, IDX_DMA)]],
                buf_ref.at[pl.ds(q * IDX_DMA, IDX_DMA), :],
                sem,
            )

    def drain(buf_ref, sem):
        pltpu.make_async_copy(
            table_hbm.at[pl.ds(0, CHUNK_P), :], buf_ref, sem
        ).wait()

    def consume(k, buf_ref):
        p0 = k * CHUNK_P

        def field_body(i, carry):
            q, lin = carry[0], carry[1]
            accs = carry[2:]
            pv = p0 + lanes * NUM_FIELDS + i
            xr = plsc.load_gather(xv, [pv])
            lin = lin + xr
            row = lanes * NUM_FIELDS + i
            colb = (xr & 7) * LATENT_DIM
            new_accs = []
            for d in range(LATENT_DIM):
                w = plsc.load_gather(buf_ref, [row, colb + d])
                q = q + w * w
                new_accs.append(accs[d] + w)
            return (q, lin) + tuple(new_accs)

        init = (zero_f, jnp.zeros((16,), jnp.int32)) + tuple(
            zero_f for _ in range(LATENT_DIM)
        )
        res = lax.fori_loop(0, NUM_FIELDS, field_body, init)
        q, lin = res[0], res[1]
        s2 = zero_f
        for d in range(LATENT_DIM):
            s2 = s2 + res[2 + d] * res[2 + d]
        out = 0.5 * (s2 - q) + lin.astype(jnp.float32)
        out_v[pl.ds(k * CHUNK_S, CHUNK_S)] = out

    fire(0, buf.at[0], sem_a)

    def body(k2, _):
        ke = 2 * k2
        fire(ke + 1, buf.at[1], sem_b)
        drain(buf.at[0], sem_a)
        consume(ke, buf.at[0])
        fire(ke + 2, buf.at[0], sem_a)
        drain(buf.at[1], sem_b)
        consume(ke + 1, buf.at[1])
        return _

    lax.fori_loop(0, N_CHUNKS // 2 - 1, body, 0)
    fire(N_CHUNKS - 1, buf.at[1], sem_b)
    drain(buf.at[0], sem_a)
    consume(N_CHUNKS - 2, buf.at[0])
    drain(buf.at[1], sem_b)
    consume(N_CHUNKS - 1, buf.at[1])

    pltpu.sync_copy(out_v, out_hbm.at[pl.ds(wid * SAMPLES_PER_W, SAMPLES_PER_W)])


def kernel(x, field_indices, emb):
    del field_indices
    embt = jnp.transpose(emb, (0, 2, 1))
    tail = emb[:, NUM_FEATURES - TAIL_FEAT :, :].reshape(NUM_FIELDS, 4, 128)
    tail = jnp.concatenate(
        [tail, jnp.zeros((NUM_FIELDS, 4, 128), jnp.float32)], axis=1
    )
    packed = _pack_sc(embt, tail)
    u = (
        x // 8 + jnp.arange(NUM_FIELDS, dtype=jnp.int32) * F_ROWS
    ).reshape(-1)
    return _ffm_sc(packed, x.reshape(-1), u)

# --- scband reference (transcript-rebuilt; emitter-appended) ---
"""Pipeline reference for scband-field-aware-factorization-machine-55044300865787 (READ-ONLY COPY).

The authoritative reference and input builder live on the scoring server;
editing this copy changes nothing except your own understanding.
"""

import jax, jax.numpy as jnp
import numpy as np

NUM_FIELDS = 26
NUM_FEATURES = 100000
LATENT_DIM = 16
BATCH = 4096


def setup_inputs(seed: int = 0) -> dict:
    key = jax.random.key(seed)
    k1, k2 = jax.random.split(key)
    x = jax.random.randint(k1, (BATCH, NUM_FIELDS), 0, NUM_FEATURES, dtype=jnp.int32)
    field_indices = jnp.arange(NUM_FIELDS, dtype=jnp.int32)
    # one embedding table per field, stacked: [num_fields, num_features, latent_dim]
    emb = jax.random.normal(k2, (NUM_FIELDS, NUM_FEATURES, LATENT_DIM), dtype=jnp.float32)
    return {"x": x, "field_indices": field_indices, "emb": emb}


def reference(x, field_indices, emb):
    # linear part: sum over the raw (integer) feature indices, matching the
    # original torch code (torch.sum(x, dim=1))
    linear_part = jnp.sum(x, axis=1).astype(jnp.float32)
    interaction_part = jnp.zeros((x.shape[0],), dtype=jnp.float32)
    for i in range(NUM_FIELDS):
        for j in range(i + 1, NUM_FIELDS):
            v_i = jnp.take(emb[i], x[:, i], axis=0)
            v_j = jnp.take(emb[j], x[:, j], axis=0)
            interaction_part = interaction_part + jnp.sum(v_i * v_j, axis=1)
    return linear_part + interaction_part

if __name__ == "__main__":
    import jax
    _d = setup_inputs()
    print(jax.jit(kernel)(*tuple(_d.values())))

</pallas_src>

<mosaic_0001>
#map = affine_map<(d0, d1) -> (0, 0)>
#map1 = affine_map<(d0, d1) -> (0)>
module attributes {stable_mosaic.version = 14 : i64} {
  func.func @_ffm_sc(%arg0: i32, %arg1: i32, %arg2: memref<325312x128xf32, #tpu.memory_space<hbm>>, %arg3: memref<106496xi32, #tpu.memory_space<hbm>>, %arg4: memref<106496xi32, #tpu.memory_space<hbm>>, %arg5: memref<4096xf32, #tpu.memory_space<hbm>>, %arg6: memref<3328xi32, #tpu.memory_space<vmem>>, %arg7: memref<3328xi32, #tpu.memory_space<vmem>>, %arg8: memref<2x416x128xf32, #tpu.memory_space<vmem>>, %arg9: memref<128xf32, #tpu.memory_space<vmem>>, %arg10: memref<!tpu.dma_semaphore, #tpu.memory_space<semaphore_mem>>, %arg11: memref<!tpu.dma_semaphore, #tpu.memory_space<semaphore_mem>>) attributes {dimension_semantics = [#tpu.dimension_semantics<core_parallel>, #tpu.dimension_semantics<subcore_parallel>], iteration_bounds = array<i64: 2, 16>, scalar_prefetch = 0 : i64, scratch_operands = 6 : i64, tpu.core_type = #tpu.core_type<sc_vector_subcore>, window_params = [{transform_indices = #map}, {transform_indices = #map1}, {transform_indices = #map1}, {transform_indices = #map1}]} {
    %mul3A = arith.constant 2 : i32
    %mul3A_0 = arith.muli %arg1, %mul3A : i32
    %add3A = arith.addi %mul3A_0, %arg0 : i32
    %mul3A_1 = arith.constant 3328 : i32
    %mul3A_2 = arith.muli %add3A, %mul3A_1 : i32
    "tpu.region"() ({
      %run_scoped3A = tpu.sem_alloc : memref<!tpu.dma_semaphore, #tpu.memory_space<semaphore_mem>>
      %dma_start3A_238 = tpu.memref_slice %arg3[%mul3A_2] : memref<106496xi32, #tpu.memory_space<hbm>> -> memref<3328xi32, #tpu.memory_space<hbm>>
      %dma_start3A_239 = tpu.memref_slice %arg3[%mul3A_2] : memref<106496xi32, #tpu.memory_space<hbm>> -> memref<3328xi32, #tpu.memory_space<hbm>>
      tpu.enqueue_dma source(%dma_start3A_239 : memref<3328xi32, #tpu.memory_space<hbm>>) target(%arg6 : memref<3328xi32, #tpu.memory_space<vmem>>) target_semaphore(%run_scoped3A : memref<!tpu.dma_semaphore, #tpu.memory_space<semaphore_mem>>)
      %dma_wait3A_240 = tpu.memref_slice %arg3[%mul3A_2] : memref<106496xi32, #tpu.memory_space<hbm>> -> memref<3328xi32, #tpu.memory_space<hbm>>
      %dma_wait3A_241 = tpu.memref_slice %arg3[%mul3A_2] : memref<106496xi32, #tpu.memory_space<hbm>> -> memref<3328xi32, #tpu.memory_space<hbm>>
      tpu.wait_dma2 semaphore(%run_scoped3A : memref<!tpu.dma_semaphore, #tpu.memory_space<semaphore_mem>>) src(%dma_wait3A_241 : memref<3328xi32, #tpu.memory_space<hbm>>) dst(%arg6 : memref<3328xi32, #tpu.memory_space<vmem>>)
      tpu.yield
    }) : () -> ()
    "tpu.region"() ({
      %run_scoped3A = tpu.sem_alloc : memref<!tpu.dma_semaphore, #tpu.memory_space<semaphore_mem>>
      %dma_start3A_238 = tpu.memref_slice %arg4[%mul3A_2] : memref<106496xi32, #tpu.memory_space<hbm>> -> memref<3328xi32, #tpu.memory_space<hbm>>
      %dma_start3A_239 = tpu.memref_slice %arg4[%mul3A_2] : memref<106496xi32, #tpu.memory_space<hbm>> -> memref<3328xi32, #tpu.memory_space<hbm>>
      tpu.enqueue_dma source(%dma_start3A_239 : memref<3328xi32, #tpu.memory_space<hbm>>) target(%arg7 : memref<3328xi32, #tpu.memory_space<vmem>>) target_semaphore(%run_scoped3A : memref<!tpu.dma_semaphore, #tpu.memory_space<semaphore_mem>>)
      %dma_wait3A_240 = tpu.memref_slice %arg4[%mul3A_2] : memref<106496xi32, #tpu.memory_space<hbm>> -> memref<3328xi32, #tpu.memory_space<hbm>>
      %dma_wait3A_241 = tpu.memref_slice %arg4[%mul3A_2] : memref<106496xi32, #tpu.memory_space<hbm>> -> memref<3328xi32, #tpu.memory_space<hbm>>
      tpu.wait_dma2 semaphore(%run_scoped3A : memref<!tpu.dma_semaphore, #tpu.memory_space<semaphore_mem>>) src(%dma_wait3A_241 : memref<3328xi32, #tpu.memory_space<hbm>>) dst(%arg7 : memref<3328xi32, #tpu.memory_space<vmem>>)
      tpu.yield
    }) : () -> ()
    %iota3A = tpu.iota {dimensions = array<i32: 0>} : vector<16xi32>
    %broadcast_in_dim3A = arith.constant 0.000000e+00 : f32
    %broadcast_in_dim3A_3 = vector.broadcast %broadcast_in_dim3A : f32 to vector<16xf32>
    %dma_start3A = arith.constant 0 : i32
    %dma_start3A_4 = arith.constant 0 : i32
    %dma_start3A_5 = arith.constant 0 : i32
    %dma_start3A_6 = tpu.memref_slice %arg8[%dma_start3A, %dma_start3A_4, %dma_start3A_5] : memref<2x416x128xf32, #tpu.memory_space<vmem>> -> memref<1x416x128xf32, #tpu.memory_space<vmem>>
    %dma_start3A_7 = tpu.memref_squeeze %dma_start3A_6 : memref<1x416x128xf32, #tpu.memory_space<vmem>> -> memref<416x128xf32, #tpu.memory_space<vmem>>
    %dma_start3A_8 = arith.constant 0 : i32
    %dma_start3A_9 = arith.constant 0 : i32
    %dma_start3A_10 = tpu.memref_slice %dma_start3A_7[%dma_start3A_8, %dma_start3A_9] : memref<416x128xf32, #tpu.memory_space<vmem>> -> memref<104x128xf32, #tpu.memory_space<vmem>>
    %dma_start3A_11 = arith.constant 0 : i32
    %dma_start3A_12 = tpu.memref_slice %arg7[%dma_start3A_11] : memref<3328xi32, #tpu.memory_space<vmem>> -> memref<104xi32, #tpu.memory_space<vmem>>
    %dma_start3A_13 = arith.constant 0 : i32
    %dma_start3A_14 = arith.constant 0 : i32
    %dma_start3A_15 = tpu.memref_slice %arg2[%dma_start3A_13, %dma_start3A_14] : memref<325312x128xf32, #tpu.memory_space<hbm>> -> memref<325312x128xf32, #tpu.memory_space<hbm>>
    tpu.enqueue_indirect_dma source(%dma_start3A_15 : memref<325312x128xf32, #tpu.memory_space<hbm>>) target(%dma_start3A_10 : memref<104x128xf32, #tpu.memory_space<vmem>>) offsets(%dma_start3A_12 : memref<104xi32, #tpu.memory_space<vmem>>) semaphore(%arg10 : memref<!tpu.dma_semaphore, #tpu.memory_space<semaphore_mem>>)
    %dma_start3A_16 = arith.constant 0 : i32
    %dma_start3A_17 = arith.constant 0 : i32
    %dma_start3A_18 = arith.constant 0 : i32
    %dma_start3A_19 = tpu.memref_slice %arg8[%dma_start3A_16, %dma_start3A_17, %dma_start3A_18] : memref<2x416x128xf32, #tpu.memory_space<vmem>> -> memref<1x416x128xf32, #tpu.memory_space<vmem>>
    %dma_start3A_20 = tpu.memref_squeeze %dma_start3A_19 : memref<1x416x128xf32, #tpu.memory_space<vmem>> -> memref<416x128xf32, #tpu.memory_space<vmem>>
    %dma_start3A_21 = arith.constant 104 : i32
    %dma_start3A_22 = arith.constant 0 : i32
    %dma_start3A_23 = tpu.memref_slice %dma_start3A_20[%dma_start3A_21, %dma_start3A_22] : memref<416x128xf32, #tpu.memory_space<vmem>> -> memref<104x128xf32, #tpu.memory_space<vmem>>
    %dma_start3A_24 = arith.constant 104 : i32
    %dma_start3A_25 = tpu.memref_slice %arg7[%dma_start3A_24] : memref<3328xi32, #tpu.memory_space<vmem>> -> memref<104xi32, #tpu.memory_space<vmem>>
    %dma_start3A_26 = arith.constant 0 : i32
    %dma_start3A_27 = arith.constant 0 : i32
    %dma_start3A_28 = tpu.memref_slice %arg2[%dma_start3A_26, %dma_start3A_27] : memref<325312x128xf32, #tpu.memory_space<hbm>> -> memref<325312x128xf32, #tpu.memory_space<hbm>>
    tpu.enqueue_indirect_dma source(%dma_start3A_28 : memref<325312x128xf32, #tpu.memory_space<hbm>>) target(%dma_start3A_23 : memref<104x128xf32, #tpu.memory_space<vmem>>) offsets(%dma_start3A_25 : memref<104xi32, #tpu.memory_space<vmem>>) semaphore(%arg10 : memref<!tpu.dma_semaphore, #tpu.memory_space<semaphore_mem>>)
    %dma_start3A_29 = arith.constant 0 : i32
    %dma_start3A_30 = arith.constant 0 : i32
    %dma_start3A_31 = arith.constant 0 : i32
    %dma_start3A_32 = tpu.memref_slice %arg8[%dma_start3A_29, %dma_start3A_30, %dma_start3A_31] : memref<2x416x128xf32, #tpu.memory_space<vmem>> -> memref<1x416x128xf32, #tpu.memory_space<vmem>>
    %dma_start3A_33 = tpu.memref_squeeze %dma_start3A_32 : memref<1x416x128xf32, #tpu.memory_space<vmem>> -> memref<416x128xf32, #tpu.memory_space<vmem>>
    %dma_start3A_34 = arith.constant 208 : i32
    %dma_start3A_35 = arith.constant 0 : i32
    %dma_start3A_36 = tpu.memref_slice %dma_start3A_33[%dma_start3A_34, %dma_start3A_35] : memref<416x128xf32, #tpu.memory_space<vmem>> -> memref<104x128xf32, #tpu.memory_space<vmem>>
    %dma_start3A_37 = arith.constant 208 : i32
    %dma_start3A_38 = tpu.memref_slice %arg7[%dma_start3A_37] : memref<3328xi32, #tpu.memory_space<vmem>> -> memref<104xi32, #tpu.memory_space<vmem>>
    %dma_start3A_39 = arith.constant 0 : i32
    %dma_start3A_40 = arith.constant 0 : i32
    %dma_start3A_41 = tpu.memref_slice %arg2[%dma_start3A_39, %dma_start3A_40] : memref<325312x128xf32, #tpu.memory_space<hbm>> -> memref<325312x128xf32, #tpu.memory_space<hbm>>
    tpu.enqueue_indirect_dma source(%dma_start3A_41 : memref<325312x128xf32, #tpu.memory_space<hbm>>) target(%dma_start3A_36 : memref<104x128xf32, #tpu.memory_space<vmem>>) offsets(%dma_start3A_38 : memref<104xi32, #tpu.memory_space<vmem>>) semaphore(%arg10 : memref<!tpu.dma_semaphore, #tpu.memory_space<semaphore_mem>>)
    %dma_start3A_42 = arith.constant 0 : i32
    %dma_start3A_43 = arith.constant 0 : i32
    %dma_start3A_44 = arith.constant 0 : i32
    %dma_start3A_45 = tpu.memref_slice %arg8[%dma_start3A_42, %dma_start3A_43, %dma_start3A_44] : memref<2x416x128xf32, #tpu.memory_space<vmem>> -> memref<1x416x128xf32, #tpu.memory_space<vmem>>
    %dma_start3A_46 = tpu.memref_squeeze %dma_start3A_45 : memref<1x416x128xf32, #tpu.memory_space<vmem>> -> memref<416x128xf32, #tpu.memory_space<vmem>>
    %dma_start3A_47 = arith.constant 312 : i32
    %dma_start3A_48 = arith.constant 0 : i32
    %dma_start3A_49 = tpu.memref_slice %dma_start3A_46[%dma_start3A_47, %dma_start3A_48] : memref<416x128xf32, #tpu.memory_space<vmem>> -> memref<104x128xf32, #tpu.memory_space<vmem>>
    %dma_start3A_50 = arith.constant 312 : i32
    %dma_start3A_51 = tpu.memref_slice %arg7[%dma_start3A_50] : memref<3328xi32, #tpu.memory_space<vmem>> -> memref<104xi32, #tpu.memory_space<vmem>>
    %dma_start3A_52 = arith.constant 0 : i32
    %dma_start3A_53 = arith.constant 0 : i32
    %dma_start3A_54 = tpu.memref_slice %arg2[%dma_start3A_52, %dma_start3A_53] : memref<325312x128xf32, #tpu.memory_space<hbm>> -> memref<325312x128xf32, #tpu.memory_space<hbm>>
    tpu.enqueue_indirect_dma source(%dma_start3A_54 : memref<325312x128xf32, #tpu.memory_space<hbm>>) target(%dma_start3A_49 : memref<104x128xf32, #tpu.memory_space<vmem>>) offsets(%dma_start3A_51 : memref<104xi32, #tpu.memory_space<vmem>>) semaphore(%arg10 : memref<!tpu.dma_semaphore, #tpu.memory_space<semaphore_mem>>)
    %scan3A = arith.constant 0 : i32
    %scan3A_55 = arith.constant 0 : i32
    %scan3A_56 = arith.constant 3 : i32
    %scan3A_57 = arith.addi %scan3A_55, %scan3A_56 : i32
    %scan3A_58 = arith.constant 1 : i32
    scf.for %scan3A_238 = %scan3A_55 to %scan3A_57 step %scan3A_58  : i32 {
      %mul3A_239 = arith.constant 2 : i32
      %mul3A_240 = arith.muli %mul3A_239, %scan3A_238 : i32
      %add3A_241 = arith.constant 1 : i32
      %add3A_242 = arith.addi %mul3A_240, %add3A_241 : i32
      %mul3A_243 = arith.constant 416 : i32
      %mul3A_244 = arith.muli %add3A_242, %mul3A_243 : i32
      %add3A_245 = arith.constant 0 : i32
      %add3A_246 = arith.addi %mul3A_244, %add3A_245 : i32
      %dma_start3A_247 = arith.constant 1 : i32
      %dma_start3A_248 = arith.constant 0 : i32
      %dma_start3A_249 = arith.constant 0 : i32
      %dma_start3A_250 = tpu.memref_slice %arg8[%dma_start3A_247, %dma_start3A_248, %dma_start3A_249] : memref<2x416x128xf32, #tpu.memory_space<vmem>> -> memref<1x416x128xf32, #tpu.memory_space<vmem>>
      %dma_start3A_251 = tpu.memref_squeeze %dma_start3A_250 : memref<1x416x128xf32, #tpu.memory_space<vmem>> -> memref<416x128xf32, #tpu.memory_space<vmem>>
      %dma_start3A_252 = arith.constant 0 : i32
      %dma_start3A_253 = arith.constant 0 : i32
      %dma_start3A_254 = tpu.memref_slice %dma_start3A_251[%dma_start3A_252, %dma_start3A_253] : memref<416x128xf32, #tpu.memory_space<vmem>> -> memref<104x128xf32, #tpu.memory_space<vmem>>
      %dma_start3A_255 = tpu.memref_slice %arg7[%add3A_246] : memref<3328xi32, #tpu.memory_space<vmem>> -> memref<104xi32, #tpu.memory_space<vmem>>
      %dma_start3A_256 = arith.constant 0 : i32
      %dma_start3A_257 = arith.constant 0 : i32
      %dma_start3A_258 = tpu.memref_slice %arg2[%dma_start3A_256, %dma_start3A_257] : memref<325312x128xf32, #tpu.memory_space<hbm>> -> memref<325312x128xf32, #tpu.memory_space<hbm>>
      tpu.enqueue_indirect_dma source(%dma_start3A_258 : memref<325312x128xf32, #tpu.memory_space<hbm>>) target(%dma_start3A_254 : memref<104x128xf32, #tpu.memory_space<vmem>>) offsets(%dma_start3A_255 : memref<104xi32, #tpu.memory_space<vmem>>) semaphore(%arg11 : memref<!tpu.dma_semaphore, #tpu.memory_space<semaphore_mem>>)
      %mul3A_259 = arith.constant 416 : i32
      %mul3A_260 = arith.muli %add3A_242, %mul3A_259 : i32
      %add3A_261 = arith.constant 104 : i32
      %add3A_262 = arith.addi %mul3A_260, %add3A_261 : i32
      %dma_start3A_263 = arith.constant 1 : i32
      %dma_start3A_264 = arith.constant 0 : i32
      %dma_start3A_265 = arith.constant 0 : i32
      %dma_start3A_266 = tpu.memref_slice %arg8[%dma_start3A_263, %dma_start3A_264, %dma_start3A_265] : memref<2x416x128xf32, #tpu.memory_space<vmem>> -> memref<1x416x128xf32, #tpu.memory_space<vmem>>
      %dma_start3A_267 = tpu.memref_squeeze %dma_start3A_266 : memref<1x416x128xf32, #tpu.memory_space<vmem>> -> memref<416x128xf32, #tpu.memory_space<vmem>>
      %dma_start3A_268 = arith.constant 104 : i32
      %dma_start3A_269 = arith.constant 0 : i32
      %dma_start3A_270 = tpu.memref_slice %dma_start3A_267[%dma_start3A_268, %dma_start3A_269] : memref<416x128xf32, #tpu.memory_space<vmem>> -> memref<104x128xf32, #tpu.memory_space<vmem>>
      %dma_start3A_271 = tpu.memref_slice %arg7[%add3A_262] : memref<3328xi32, #tpu.memory_space<vmem>> -> memref<104xi32, #tpu.memory_space<vmem>>
      %dma_start3A_272 = arith.constant 0 : i32
      %dma_start3A_273 = arith.constant 0 : i32
      %dma_start3A_274 = tpu.memref_slice %arg2[%dma_start3A_272, %dma_start3A_273] : memref<325312x128xf32, #tpu.memory_space<hbm>> -> memref<325312x128xf32, #tpu.memory_space<hbm>>
      tpu.enqueue_indirect_dma source(%dma_start3A_274 : memref<325312x128xf32, #tpu.memory_space<hbm>>) target(%dma_start3A_270 : memref<104x128xf32, #tpu.memory_space<vmem>>) offsets(%dma_start3A_271 : memref<104xi32, #tpu.memory_space<vmem>>) semaphore(%arg11 : memref<!tpu.dma_semaphore, #tpu.memory_space<semaphore_mem>>)
      %mul3A_275 = arith.constant 416 : i32
      %mul3A_276 = arith.muli %add3A_242, %mul3A_275 : i32
      %add3A_277 = arith.constant 208 : i32
      %add3A_278 = arith.addi %mul3A_276, %add3A_277 : i32
      %dma_start3A_279 = arith.constant 1 : i32
      %dma_start3A_280 = arith.constant 0 : i32
      %dma_start3A_281 = arith.constant 0 : i32
      %dma_start3A_282 = tpu.memref_slice %arg8[%dma_start3A_279, %dma_start3A_280, %dma_start3A_281] : memref<2x416x128xf32, #tpu.memory_space<vmem>> -> memref<1x416x128xf32, #tpu.memory_space<vmem>>
      %dma_start3A_283 = tpu.memref_squeeze %dma_start3A_282 : memref<1x416x128xf32, #tpu.memory_space<vmem>> -> memref<416x128xf32, #tpu.memory_space<vmem>>
      %dma_start3A_284 = arith.constant 208 : i32
      %dma_start3A_285 = arith.constant 0 : i32
      %dma_start3A_286 = tpu.memref_slice %dma_start3A_283[%dma_start3A_284, %dma_start3A_285] : memref<416x128xf32, #tpu.memory_space<vmem>> -> memref<104x128xf32, #tpu.memory_space<vmem>>
      %dma_start3A_287 = tpu.memref_slice %arg7[%add3A_278] : memref<3328xi32, #tpu.memory_space<vmem>> -> memref<104xi32, #tpu.memory_space<vmem>>
      %dma_start3A_288 = arith.constant 0 : i32
      %dma_start3A_289 = arith.constant 0 : i32
      %dma_start3A_290 = tpu.memref_slice %arg2[%dma_start3A_288, %dma_start3A_289] : memref<325312x128xf32, #tpu.memory_space<hbm>> -> memref<325312x128xf32, #tpu.memory_space<hbm>>
      tpu.enqueue_indirect_dma source(%dma_start3A_290 : memref<325312x128xf32, #tpu.memory_space<hbm>>) target(%dma_start3A_286 : memref<104x128xf32, #tpu.memory_space<vmem>>) offsets(%dma_start3A_287 : memref<104xi32, #tpu.memory_space<vmem>>) semaphore(%arg11 : memref<!tpu.dma_semaphore, #tpu.memory_space<semaphore_mem>>)
      %mul3A_291 = arith.constant 416 : i32
      %mul3A_292 = arith.muli %add3A_242, %mul3A_291 : i32
      %add3A_293 = arith.constant 312 : i32
      %add3A_294 = arith.addi %mul3A_292, %add3A_293 : i32
      %dma_start3A_295 = arith.constant 1 : i32
      %dma_start3A_296 = arith.constant 0 : i32
      %dma_start3A_297 = arith.constant 0 : i32
      %dma_start3A_298 = tpu.memref_slice %arg8[%dma_start3A_295, %dma_start3A_296, %dma_start3A_297] : memref<2x416x128xf32, #tpu.memory_space<vmem>> -> memref<1x416x128xf32, #tpu.memory_space<vmem>>
      %dma_start3A_299 = tpu.memref_squeeze %dma_start3A_298 : memref<1x416x128xf32, #tpu.memory_space<vmem>> -> memref<416x128xf32, #tpu.memory_space<vmem>>
      %dma_start3A_300 = arith.constant 312 : i32
      %dma_start3A_301 = arith.constant 0 : i32
      %dma_start3A_302 = tpu.memref_slice %dma_start3A_299[%dma_start3A_300, %dma_start3A_301] : memref<416x128xf32, #tpu.memory_space<vmem>> -> memref<104x128xf32, #tpu.memory_space<vmem>>
      %dma_start3A_303 = tpu.memref_slice %arg7[%add3A_294] : memref<3328xi32, #tpu.memory_space<vmem>> -> memref<104xi32, #tpu.memory_space<vmem>>
      %dma_start3A_304 = arith.constant 0 : i32
      %dma_start3A_305 = arith.constant 0 : i32
      %dma_start3A_306 = tpu.memref_slice %arg2[%dma_start3A_304, %dma_start3A_305] : memref<325312x128xf32, #tpu.memory_space<hbm>> -> memref<325312x128xf32, #tpu.memory_space<hbm>>
      tpu.enqueue_indirect_dma source(%dma_start3A_306 : memref<325312x128xf32, #tpu.memory_space<hbm>>) target(%dma_start3A_302 : memref<104x128xf32, #tpu.memory_space<vmem>>) offsets(%dma_start3A_303 : memref<104xi32, #tpu.memory_space<vmem>>) semaphore(%arg11 : memref<!tpu.dma_semaphore, #tpu.memory_space<semaphore_mem>>)
      %dma_wait3A_307 = arith.constant 0 : i32
      %dma_wait3A_308 = arith.constant 0 : i32
      %dma_wait3A_309 = arith.constant 0 : i32
      %dma_wait3A_310 = tpu.memref_slice %arg8[%dma_wait3A_307, %dma_wait3A_308, %dma_wait3A_309] : memref<2x416x128xf32, #tpu.memory_space<vmem>> -> memref<1x416x128xf32, #tpu.memory_space<vmem>>
      %dma_wait3A_311 = tpu.memref_squeeze %dma_wait3A_310 : memref<1x416x128xf32, #tpu.memory_space<vmem>> -> memref<416x128xf32, #tpu.memory_space<vmem>>
      %dma_wait3A_312 = arith.constant 0 : i32
      %dma_wait3A_313 = arith.constant 0 : i32
      %dma_wait3A_314 = tpu.memref_slice %arg2[%dma_wait3A_312, %dma_wait3A_313] : memref<325312x128xf32, #tpu.memory_space<hbm>> -> memref<416x128xf32, #tpu.memory_space<hbm>>
      %dma_wait3A_315 = arith.constant 0 : i32
      %dma_wait3A_316 = arith.constant 0 : i32
      %dma_wait3A_317 = tpu.memref_slice %arg8[%dma_wait3A_307, %dma_wait3A_315, %dma_wait3A_316] : memref<2x416x128xf32, #tpu.memory_space<vmem>> -> memref<1x416x128xf32, #tpu.memory_space<vmem>>
      %dma_wait3A_318 = tpu.memref_squeeze %dma_wait3A_317 : memref<1x416x128xf32, #tpu.memory_space<vmem>> -> memref<416x128xf32, #tpu.memory_space<vmem>>
      %dma_wait3A_319 = arith.constant 0 : i32
      %dma_wait3A_320 = arith.constant 0 : i32
      %dma_wait3A_321 = tpu.memref_slice %arg2[%dma_wait3A_319, %dma_wait3A_320] : memref<325312x128xf32, #tpu.memory_space<hbm>> -> memref<416x128xf32, #tpu.memory_space<hbm>>
      tpu.wait_dma2 semaphore(%arg10 : memref<!tpu.dma_semaphore, #tpu.memory_space<semaphore_mem>>) src(%dma_wait3A_321 : memref<416x128xf32, #tpu.memory_space<hbm>>) dst(%dma_wait3A_318 : memref<416x128xf32, #tpu.memory_space<vmem>>)
      %mul3A_322 = arith.constant 416 : i32
      %mul3A_323 = arith.muli %mul3A_240, %mul3A_322 : i32
      %broadcast_in_dim3A_324 = arith.constant 0 : i32
      %broadcast_in_dim3A_325 = vector.broadcast %broadcast_in_dim3A_324 : i32 to vector<16xi32>
      %scan3A_326 = arith.constant 0 : i32
      %scan3A_327 = arith.constant 0 : i32
      %scan3A_328 = arith.constant 26 : i32
      %scan3A_329 = arith.addi %scan3A_327, %scan3A_328 : i32
      %scan3A_330 = arith.constant 1 : i32
      %scan3A_331:18 = scf.for %scan3A_511 = %scan3A_327 to %scan3A_329 step %scan3A_330 iter_args(%scan3A_512 = %broadcast_in_dim3A_3, %scan3A_513 = %broadcast_in_dim3A_325, %scan3A_514 = %broadcast_in_dim3A_3, %scan3A_515 = %broadcast_in_dim3A_3, %scan3A_516 = %broadcast_in_dim3A_3, %scan3A_517 = %broadcast_in_dim3A_3, %scan3A_518 = %broadcast_in_dim3A_3, %scan3A_519 = %broadcast_in_dim3A_3, %scan3A_520 = %broadcast_in_dim3A_3, %scan3A_521 = %broadcast_in_dim3A_3, %scan3A_522 = %broadcast_in_dim3A_3, %scan3A_523 = %broadcast_in_dim3A_3, %scan3A_524 = %broadcast_in_dim3A_3, %scan3A_525 = %broadcast_in_dim3A_3, %scan3A_526 = %broadcast_in_dim3A_3, %scan3A_527 = %broadcast_in_dim3A_3, %scan3A_528 = %broadcast_in_dim3A_3, %scan3A_529 = %broadcast_in_dim3A_3) -> (vector<16xf32>, vector<16xi32>, vector<16xf32>, vector<16xf32>, vector<16xf32>, vector<16xf32>, vector<16xf32>, vector<16xf32>, vector<16xf32>, vector<16xf32>, vector<16xf32>, vector<16xf32>, vector<16xf32>, vector<16xf32>, vector<16xf32>, vector<16xf32>, vector<16xf32>, vector<16xf32>)  : i32 {
        %mul3A_530 = arith.constant 26 : i32
        %mul3A_531 = vector.broadcast %mul3A_530 : i32 to vector<16xi32>
        %mul3A_532 = arith.muli %iota3A, %mul3A_531 : vector<16xi32>
        %add3A_533 = vector.broadcast %mul3A_323 : i32 to vector<16xi32>
        %add3A_534 = arith.addi %add3A_533, %mul3A_532 : vector<16xi32>
        %add3A_535 = vector.broadcast %scan3A_511 : i32 to vector<16xi32>
        %add3A_536 = arith.addi %add3A_534, %add3A_535 : vector<16xi32>
        %gather3A = tpu.vector_load_idx %arg6[%add3A_536] : memref<3328xi32, #tpu.memory_space<vmem>>[vector<16xi32>], vector<16xi32>,
        %add3A_537 = arith.addi %scan3A_513, %gather3A : vector<16xi32>
        %mul3A_538 = arith.constant 26 : i32
        %mul3A_539 = vector.broadcast %mul3A_538 : i32 to vector<16xi32>
        %mul3A_540 = arith.muli %iota3A, %mul3A_539 : vector<16xi32>
        %add3A_541 = vector.broadcast %scan3A_511 : i32 to vector<16xi32>
        %add3A_542 = arith.addi %mul3A_540, %add3A_541 : vector<16xi32>
        %and3A = arith.constant 7 : i32
        %and3A_543 = vector.broadcast %and3A : i32 to vector<16xi32>
        %and3A_544 = arith.andi %gather3A, %and3A_543 : vector<16xi32>
        %mul3A_545 = arith.constant 16 : i32
        %mul3A_546 = vector.broadcast %mul3A_545 : i32 to vector<16xi32>
        %mul3A_547 = arith.muli %and3A_544, %mul3A_546 : vector<16xi32>
        %add3A_548 = arith.constant 0 : i32
        %add3A_549 = vector.broadcast %add3A_548 : i32 to vector<16xi32>
        %add3A_550 = arith.addi %mul3A_547, %add3A_549 : vector<16xi32>
        %gather3A_551 = arith.constant 0 : i32
        %gather3A_552 = arith.constant 0 : i32
        %gather3A_553 = tpu.memref_slice %arg8[%scan3A_326, %gather3A_551, %gather3A_552] : memref<2x416x128xf32, #tpu.memory_space<vmem>> -> memref<1x416x128xf32, #tpu.memory_space<vmem>>
        %gather3A_554 = tpu.memref_squeeze %gather3A_553 : memref<1x416x128xf32, #tpu.memory_space<vmem>> -> memref<416x128xf32, #tpu.memory_space<vmem>>
        %gather3A_555 = tpu.vector_load_idx %gather3A_554[%add3A_542, %add3A_550] : memref<416x128xf32, #tpu.memory_space<vmem>>[vector<16xi32>, vector<16xi32>], vector<16xf32>,
        %mul3A_556 = arith.mulf %gather3A_555, %gather3A_555 : vector<16xf32>
        %add3A_557 = arith.addf %scan3A_512, %mul3A_556 : vector<16xf32>
        %add3A_558 = arith.addf %scan3A_514, %gather3A_555 : vector<16xf32>
        %add3A_559 = arith.constant 1 : i32
        %add3A_560 = vector.broadcast %add3A_559 : i32 to vector<16xi32>
        %add3A_561 = arith.addi %mul3A_547, %add3A_560 : vector<16xi32>
        %gather3A_562 = arith.constant 0 : i32
        %gather3A_563 = arith.constant 0 : i32
        %gather3A_564 = tpu.memref_slice %arg8[%scan3A_326, %gather3A_562, %gather3A_563] : memref<2x416x128xf32, #tpu.memory_space<vmem>> -> memref<1x416x128xf32, #tpu.memory_space<vmem>>
        %gather3A_565 = tpu.memref_squeeze %gather3A_564 : memref<1x416x128xf32, #tpu.memory_space<vmem>> -> memref<416x128xf32, #tpu.memory_space<vmem>>
        %gather3A_566 = tpu.vector_load_idx %gather3A_565[%add3A_542, %add3A_561] : memref<416x128xf32, #tpu.memory_space<vmem>>[vector<16xi32>, vector<16xi32>], vector<16xf32>,
        %mul3A_567 = arith.mulf %gather3A_566, %gather3A_566 : vector<16xf32>
        %add3A_568 = arith.addf %add3A_557, %mul3A_567 : vector<16xf32>
        %add3A_569 = arith.addf %scan3A_515, %gather3A_566 : vector<16xf32>
        %add3A_570 = arith.constant 2 : i32
        %add3A_571 = vector.broadcast %add3A_570 : i32 to vector<16xi32>
        %add3A_572 = arith.addi %mul3A_547, %add3A_571 : vector<16xi32>
        %gather3A_573 = arith.constant 0 : i32
        %gather3A_574 = arith.constant 0 : i32
        %gather3A_575 = tpu.memref_slice %arg8[%scan3A_326, %gather3A_573, %gather3A_574] : memref<2x416x128xf32, #tpu.memory_space<vmem>> -> memref<1x416x128xf32, #tpu.memory_space<vmem>>
        %gather3A_576 = tpu.memref_squeeze %gather3A_575 : memref<1x416x128xf32, #tpu.memory_space<vmem>> -> memref<416x128xf32, #tpu.memory_space<vmem>>
        %gather3A_577 = tpu.vector_load_idx %gather3A_576[%add3A_542, %add3A_572] : memref<416x128xf32, #tpu.memory_space<vmem>>[vector<16xi32>, vector<16xi32>], vector<16xf32>,
        %mul3A_578 = arith.mulf %gather3A_577, %gather3A_577 : vector<16xf32>
        %add3A_579 = arith.addf %add3A_568, %mul3A_578 : vector<16xf32>
        %add3A_580 = arith.addf %scan3A_516, %gather3A_577 : vector<16xf32>
        %add3A_581 = arith.constant 3 : i32
        %add3A_582 = vector.broadcast %add3A_581 : i32 to vector<16xi32>
        %add3A_583 = arith.addi %mul3A_547, %add3A_582 : vector<16xi32>
        %gather3A_584 = arith.constant 0 : i32
        %gather3A_585 = arith.constant 0 : i32
        %gather3A_586 = tpu.memref_slice %arg8[%scan3A_326, %gather3A_584, %gather3A_585] : memref<2x416x128xf32, #tpu.memory_space<vmem>> -> memref<1x416x128xf32, #tpu.memory_space<vmem>>
        %gather3A_587 = tpu.memref_squeeze %gather3A_586 : memref<1x416x128xf32, #tpu.memory_space<vmem>> -> memref<416x128xf32, #tpu.memory_space<vmem>>
        %gather3A_588 = tpu.vector_load_idx %gather3A_587[%add3A_542, %add3A_583] : memref<416x128xf32, #tpu.memory_space<vmem>>[vector<16xi32>, vector<16xi32>], vector<16xf32>,
        %mul3A_589 = arith.mulf %gather3A_588, %gather3A_588 : vector<16xf32>
        %add3A_590 = arith.addf %add3A_579, %mul3A_589 : vector<16xf32>
        %add3A_591 = arith.addf %scan3A_517, %gather3A_588 : vector<16xf32>
        %add3A_592 = arith.constant 4 : i32
        %add3A_593 = vector.broadcast %add3A_592 : i32 to vector<16xi32>
        %add3A_594 = arith.addi %mul3A_547, %add3A_593 : vector<16xi32>
        %gather3A_595 = arith.constant 0 : i32
        %gather3A_596 = arith.constant 0 : i32
        %gather3A_597 = tpu.memref_slice %arg8[%scan3A_326, %gather3A_595, %gather3A_596] : memref<2x416x128xf32, #tpu.memory_space<vmem>> -> memref<1x416x128xf32, #tpu.memory_space<vmem>>
        %gather3A_598 = tpu.memref_squeeze %gather3A_597 : memref<1x416x128xf32, #tpu.memory_space<vmem>> -> memref<416x128xf32, #tpu.memory_space<vmem>>
        %gather3A_599 = tpu.vector_load_idx %gather3A_598[%add3A_542, %add3A_594] : memref<416x128xf32, #tpu.memory_space<vmem>>[vector<16xi32>, vector<16xi32>], vector<16xf32>,
        %mul3A_600 = arith.mulf %gather3A_599, %gather3A_599 : vector<16xf32>
        %add3A_601 = arith.addf %add3A_590, %mul3A_600 : vector<16xf32>
        %add3A_602 = arith.addf %scan3A_518, %gather3A_599 : vector<16xf32>
        %add3A_603 = arith.constant 5 : i32
        %add3A_604 = vector.broadcast %add3A_603 : i32 to vector<16xi32>
        %add3A_605 = arith.addi %mul3A_547, %add3A_604 : vector<16xi32>
        %gather3A_606 = arith.constant 0 : i32
        %gather3A_607 = arith.constant 0 : i32
        %gather3A_608 = tpu.memref_slice %arg8[%scan3A_326, %gather3A_606, %gather3A_607] : memref<2x416x128xf32, #tpu.memory_space<vmem>> -> memref<1x416x128xf32, #tpu.memory_space<vmem>>
        %gather3A_609 = tpu.memref_squeeze %gather3A_608 : memref<1x416x128xf32, #tpu.memory_space<vmem>> -> memref<416x128xf32, #tpu.memory_space<vmem>>
        %gather3A_610 = tpu.vector_load_idx %gather3A_609[%add3A_542, %add3A_605] : memref<416x128xf32, #tpu.memory_space<vmem>>[vector<16xi32>, vector<16xi32>], vector<16xf32>,
        %mul3A_611 = arith.mulf %gather3A_610, %gather3A_610 : vector<16xf32>
        %add3A_612 = arith.addf %add3A_601, %mul3A_611 : vector<16xf32>
        %add3A_613 = arith.addf %scan3A_519, %gather3A_610 : vector<16xf32>
        %add3A_614 = arith.constant 6 : i32
        %add3A_615 = vector.broadcast %add3A_614 : i32 to vector<16xi32>
        %add3A_616 = arith.addi %mul3A_547, %add3A_615 : vector<16xi32>
        %gather3A_617 = arith.constant 0 : i32
        %gather3A_618 = arith.constant 0 : i32
        %gather3A_619 = tpu.memref_slice %arg8[%scan3A_326, %gather3A_617, %gather3A_618] : memref<2x416x128xf32, #tpu.memory_space<vmem>> -> memref<1x416x128xf32, #tpu.memory_space<vmem>>
        %gather3A_620 = tpu.memref_squeeze %gather3A_619 : memref<1x416x128xf32, #tpu.memory_space<vmem>> -> memref<416x128xf32, #tpu.memory_space<vmem>>
        %gather3A_621 = tpu.vector_load_idx %gather3A_620[%add3A_542, %add3A_616] : memref<416x128xf32, #tpu.memory_space<vmem>>[vector<16xi32>, vector<16xi32>], vector<16xf32>,
        %mul3A_622 = arith.mulf %gather3A_621, %gather3A_621 : vector<16xf32>
        %add3A_623 = arith.addf %add3A_612, %mul3A_622 : vector<16xf32>
        %add3A_624 = arith.addf %scan3A_520, %gather3A_621 : vector<16xf32>
        %add3A_625 = arith.constant 7 : i32
        %add3A_626 = vector.broadcast %add3A_625 : i32 to vector<16xi32>
        %add3A_627 = arith.addi %mul3A_547, %add3A_626 : vector<16xi32>
        %gather3A_628 = arith.constant 0 : i32
        %gather3A_629 = arith.constant 0 : i32
        %gather3A_630 = tpu.memref_slice %arg8[%scan3A_326, %gather3A_628, %gather3A_629] : memref<2x416x128xf32, #tpu.memory_space<vmem>> -> memref<1x416x128xf32, #tpu.memory_space<vmem>>
        %gather3A_631 = tpu.memref_squeeze %gather3A_630 : memref<1x416x128xf32, #tpu.memory_space<vmem>> -> memref<416x128xf32, #tpu.memory_space<vmem>>
        %gather3A_632 = tpu.vector_load_idx %gather3A_631[%add3A_542, %add3A_627] : memref<416x128xf32, #tpu.memory_space<vmem>>[vector<16xi32>, vector<16xi32>], vector<16xf32>,
        %mul3A_633 = arith.mulf %gather3A_632, %gather3A_632 : vector<16xf32>
        %add3A_634 = arith.addf %add3A_623, %mul3A_633 : vector<16xf32>
        %add3A_635 = arith.addf %scan3A_521, %gather3A_632 : vector<16xf32>
        %add3A_636 = arith.constant 8 : i32
        %add3A_637 = vector.broadcast %add3A_636 : i32 to vector<16xi32>
        %add3A_638 = arith.addi %mul3A_547, %add3A_637 : vector<16xi32>
        %gather3A_639 = arith.constant 0 : i32
        %gather3A_640 = arith.constant 0 : i32
        %gather3A_641 = tpu.memref_slice %arg8[%scan3A_326, %gather3A_639, %gather3A_640] : memref<2x416x128xf32, #tpu.memory_space<vmem>> -> memref<1x416x128xf32, #tpu.memory_space<vmem>>
        %gather3A_642 = tpu.memref_squeeze %gather3A_641 : memref<1x416x128xf32, #tpu.memory_space<vmem>> -> memref<416x128xf32, #tpu.memory_space<vmem>>
        %gather3A_643 = tpu.vector_load_idx %gather3A_642[%add3A_542, %add3A_638] : memref<416x128xf32, #tpu.memory_space<vmem>>[vector<16xi32>, vector<16xi32>], vector<16xf32>,
        %mul3A_644 = arith.mulf %gather3A_643, %gather3A_643 : vector<16xf32>
        %add3A_645 = arith.addf %add3A_634, %mul3A_644 : vector<16xf32>
        %add3A_646 = arith.addf %scan3A_522, %gather3A_643 : vector<16xf32>
        %add3A_647 = arith.constant 9 : i32
        %add3A_648 = vector.broadcast %add3A_647 : i32 to vector<16xi32>
        %add3A_649 = arith.addi %mul3A_547, %add3A_648 : vector<16xi32>
        %gather3A_650 = arith.constant 0 : i32
        %gather3A_651 = arith.constant 0 : i32
        %gather3A_652 = tpu.memref_slice %arg8[%scan3A_326, %gather3A_650, %gather3A_651] : memref<2x416x128xf32, #tpu.memory_space<vmem>> -> memref<1x416x128xf32, #tpu.memory_space<vmem>>
        %gather3A_653 = tpu.memref_squeeze %gather3A_652 : memref<1x416x128xf32, #tpu.memory_space<vmem>> -> memref<416x128xf32, #tpu.memory_space<vmem>>
        %gather3A_654 = tpu.vector_load_idx %gather3A_653[%add3A_542, %add3A_649] : memref<416x128xf32, #tpu.memory_space<vmem>>[vector<16xi32>, vector<16xi32>], vector<16xf32>,
        %mul3A_655 = arith.mulf %gather3A_654, %gather3A_654 : vector<16xf32>
        %add3A_656 = arith.addf %add3A_645, %mul3A_655 : vector<16xf32>
        %add3A_657 = arith.addf %scan3A_523, %gather3A_654 : vector<16xf32>
        %add3A_658 = arith.constant 10 : i32
        %add3A_659 = vector.broadcast %add3A_658 : i32 to vector<16xi32>
        %add3A_660 = arith.addi %mul3A_547, %add3A_659 : vector<16xi32>
        %gather3A_661 = arith.constant 0 : i32
        %gather3A_662 = arith.constant 0 : i32
        %gather3A_663 = tpu.memref_slice %arg8[%scan3A_326, %gather3A_661, %gather3A_662] : memref<2x416x128xf32, #tpu.memory_space<vmem>> -> memref<1x416x128xf32, #tpu.memory_space<vmem>>
        %gather3A_664 = tpu.memref_squeeze %gather3A_663 : memref<1x416x128xf32, #tpu.memory_space<vmem>> -> memref<416x128xf32, #tpu.memory_space<vmem>>
        %gather3A_665 = tpu.vector_load_idx %gather3A_664[%add3A_542, %add3A_660] : memref<416x128xf32, #tpu.memory_space<vmem>>[vector<16xi32>, vector<16xi32>], vector<16xf32>,
        %mul3A_666 = arith.mulf %gather3A_665, %gather3A_665 : vector<16xf32>
        %add3A_667 = arith.addf %add3A_656, %mul3A_666 : vector<16xf32>
        %add3A_668 = arith.addf %scan3A_524, %gather3A_665 : vector<16xf32>
        %add3A_669 = arith.constant 11 : i32
        %add3A_670 = vector.broadcast %add3A_669 : i32 to vector<16xi32>
        %add3A_671 = arith.addi %mul3A_547, %add3A_670 : vector<16xi32>
        %gather3A_672 = arith.constant 0 : i32
        %gather3A_673 = arith.constant 0 : i32
        %gather3A_674 = tpu.memref_slice %arg8[%scan3A_326, %gather3A_672, %gather3A_673] : memref<2x416x128xf32, #tpu.memory_space<vmem>> -> memref<1x416x128xf32, #tpu.memory_space<vmem>>
        %gather3A_675 = tpu.memref_squeeze %gather3A_674 : memref<1x416x128xf32, #tpu.memory_space<vmem>> -> memref<416x128xf32, #tpu.memory_space<vmem>>
        %gather3A_676 = tpu.vector_load_idx %gather3A_675[%add3A_542, %add3A_671] : memref<416x128xf32, #tpu.memory_space<vmem>>[vector<16xi32>, vector<16xi32>], vector<16xf32>,
        %mul3A_677 = arith.mulf %gather3A_676, %gather3A_676 : vector<16xf32>
        %add3A_678 = arith.addf %add3A_667, %mul3A_677 : vector<16xf32>
        %add3A_679 = arith.addf %scan3A_525, %gather3A_676 : vector<16xf32>
        %add3A_680 = arith.constant 12 : i32
        %add3A_681 = vector.broadcast %add3A_680 : i32 to vector<16xi32>
        %add3A_682 = arith.addi %mul3A_547, %add3A_681 : vector<16xi32>
        %gather3A_683 = arith.constant 0 : i32
        %gather3A_684 = arith.constant 0 : i32
        %gather3A_685 = tpu.memref_slice %arg8[%scan3A_326, %gather3A_683, %gather3A_684] : memref<2x416x128xf32, #tpu.memory_space<vmem>> -> memref<1x416x128xf32, #tpu.memory_space<vmem>>
        %gather3A_686 = tpu.memref_squeeze %gather3A_685 : memref<1x416x128xf32, #tpu.memory_space<vmem>> -> memref<416x128xf32, #tpu.memory_space<vmem>>
        %gather3A_687 = tpu.vector_load_idx %gather3A_686[%add3A_542, %add3A_682] : memref<416x128xf32, #tpu.memory_space<vmem>>[vector<16xi32>, vector<16xi32>], vector<16xf32>,
        %mul3A_688 = arith.mulf %gather3A_687, %gather3A_687 : vector<16xf32>
        %add3A_689 = arith.addf %add3A_678, %mul3A_688 : vector<16xf32>
        %add3A_690 = arith.addf %scan3A_526, %gather3A_687 : vector<16xf32>
        %add3A_691 = arith.constant 13 : i32
        %add3A_692 = vector.broadcast %add3A_691 : i32 to vector<16xi32>
        %add3A_693 = arith.addi %mul3A_547, %add3A_692 : vector<16xi32>
        %gather3A_694 = arith.constant 0 : i32
        %gather3A_695 = arith.constant 0 : i32
        %gather3A_696 = tpu.memref_slice %arg8[%scan3A_326, %gather3A_694, %gather3A_695] : memref<2x416x128xf32, #tpu.memory_space<vmem>> -> memref<1x416x128xf32, #tpu.memory_space<vmem>>
        %gather3A_697 = tpu.memref_squeeze %gather3A_696 : memref<1x416x128xf32, #tpu.memory_space<vmem>> -> memref<416x128xf32, #tpu.memory_space<vmem>>
        %gather3A_698 = tpu.vector_load_idx %gather3A_697[%add3A_542, %add3A_693] : memref<416x128xf32, #tpu.memory_space<vmem>>[vector<16xi32>, vector<16xi32>], vector<16xf32>,
        %mul3A_699 = arith.mulf %gather3A_698, %gather3A_698 : vector<16xf32>
        %add3A_700 = arith.addf %add3A_689, %mul3A_699 : vector<16xf32>
        %add3A_701 = arith.addf %scan3A_527, %gather3A_698 : vector<16xf32>
        %add3A_702 = arith.constant 14 : i32
        %add3A_703 = vector.broadcast %add3A_702 : i32 to vector<16xi32>
        %add3A_704 = arith.addi %mul3A_547, %add3A_703 : vector<16xi32>
        %gather3A_705 = arith.constant 0 : i32
        %gather3A_706 = arith.constant 0 : i32
        %gather3A_707 = tpu.memref_slice %arg8[%scan3A_326, %gather3A_705, %gather3A_706] : memref<2x416x128xf32, #tpu.memory_space<vmem>> -> memref<1x416x128xf32, #tpu.memory_space<vmem>>
        %gather3A_708 = tpu.memref_squeeze %gather3A_707 : memref<1x416x128xf32, #tpu.memory_space<vmem>> -> memref<416x128xf32, #tpu.memory_space<vmem>>
        %gather3A_709 = tpu.vector_load_idx %gather3A_708[%add3A_542, %add3A_704] : memref<416x128xf32, #tpu.memory_space<vmem>>[vector<16xi32>, vector<16xi32>], vector<16xf32>,
        %mul3A_710 = arith.mulf %gather3A_709, %gather3A_709 : vector<16xf32>
        %add3A_711 = arith.addf %add3A_700, %mul3A_710 : vector<16xf32>
        %add3A_712 = arith.addf %scan3A_528, %gather3A_709 : vector<16xf32>
        %add3A_713 = arith.constant 15 : i32
        %add3A_714 = vector.broadcast %add3A_713 : i32 to vector<16xi32>
        %add3A_715 = arith.addi %mul3A_547, %add3A_714 : vector<16xi32>
        %gather3A_716 = arith.constant 0 : i32
        %gather3A_717 = arith.constant 0 : i32
        %gather3A_718 = tpu.memref_slice %arg8[%scan3A_326, %gather3A_716, %gather3A_717] : memref<2x416x128xf32, #tpu.memory_space<vmem>> -> memref<1x416x128xf32, #tpu.memory_space<vmem>>
        %gather3A_719 = tpu.memref_squeeze %gather3A_718 : memref<1x416x128xf32, #tpu.memory_space<vmem>> -> memref<416x128xf32, #tpu.memory_space<vmem>>
        %gather3A_720 = tpu.vector_load_idx %gather3A_719[%add3A_542, %add3A_715] : memref<416x128xf32, #tpu.memory_space<vmem>>[vector<16xi32>, vector<16xi32>], vector<16xf32>,
        %mul3A_721 = arith.mulf %gather3A_720, %gather3A_720 : vector<16xf32>
        %add3A_722 = arith.addf %add3A_711, %mul3A_721 : vector<16xf32>
        %add3A_723 = arith.addf %scan3A_529, %gather3A_720 : vector<16xf32>
        scf.yield %add3A_722, %add3A_537, %add3A_558, %add3A_569, %add3A_580, %add3A_591, %add3A_602, %add3A_613, %add3A_624, %add3A_635, %add3A_646, %add3A_657, %add3A_668, %add3A_679, %add3A_690, %add3A_701, %add3A_712, %add3A_723 : vector<16xf32>, vector<16xi32>, vector<16xf32>, vector<16xf32>, vector<16xf32>, vector<16xf32>, vector<16xf32>, vector<16xf32>, vector<16xf32>, vector<16xf32>, vector<16xf32>, vector<16xf32>, vector<16xf32>, vector<16xf32>, vector<16xf32>, vector<16xf32>, vector<16xf32>, vector<16xf32>
      }
      %scan3A_332 = arith.constant 26 : i32
      %mul3A_333 = arith.mulf %scan3A_331#2, %scan3A_331#2 : vector<16xf32>
      %add3A_334 = arith.addf %broadcast_in_dim3A_3, %mul3A_333 : vector<16xf32>
      %mul3A_335 = arith.mulf %scan3A_331#3, %scan3A_331#3 : vector<16xf32>
      %add3A_336 = arith.addf %add3A_334, %mul3A_335 : vector<16xf32>
      %mul3A_337 = arith.mulf %scan3A_331#4, %scan3A_331#4 : vector<16xf32>
      %add3A_338 = arith.addf %add3A_336, %mul3A_337 : vector<16xf32>
      %mul3A_339 = arith.mulf %scan3A_331#5, %scan3A_331#5 : vector<16xf32>
      %add3A_340 = arith.addf %add3A_338, %mul3A_339 : vector<16xf32>
      %mul3A_341 = arith.mulf %scan3A_331#6, %scan3A_331#6 : vector<16xf32>
      %add3A_342 = arith.addf %add3A_340, %mul3A_341 : vector<16xf32>
      %mul3A_343 = arith.mulf %scan3A_331#7, %scan3A_331#7 : vector<16xf32>
      %add3A_344 = arith.addf %add3A_342, %mul3A_343 : vector<16xf32>
      %mul3A_345 = arith.mulf %scan3A_331#8, %scan3A_331#8 : vector<16xf32>
      %add3A_346 = arith.addf %add3A_344, %mul3A_345 : vector<16xf32>
      %mul3A_347 = arith.mulf %scan3A_331#9, %scan3A_331#9 : vector<16xf32>
      %add3A_348 = arith.addf %add3A_346, %mul3A_347 : vector<16xf32>
      %mul3A_349 = arith.mulf %scan3A_331#10, %scan3A_331#10 : vector<16xf32>
      %add3A_350 = arith.addf %add3A_348, %mul3A_349 : vector<16xf32>
      %mul3A_351 = arith.mulf %scan3A_331#11, %scan3A_331#11 : vector<16xf32>
      %add3A_352 = arith.addf %add3A_350, %mul3A_351 : vector<16xf32>
      %mul3A_353 = arith.mulf %scan3A_331#12, %scan3A_331#12 : vector<16xf32>
      %add3A_354 = arith.addf %add3A_352, %mul3A_353 : vector<16xf32>
      %mul3A_355 = arith.mulf %scan3A_331#13, %scan3A_331#13 : vector<16xf32>
      %add3A_356 = arith.addf %add3A_354, %mul3A_355 : vector<16xf32>
      %mul3A_357 = arith.mulf %scan3A_331#14, %scan3A_331#14 : vector<16xf32>
      %add3A_358 = arith.addf %add3A_356, %mul3A_357 : vector<16xf32>
      %mul3A_359 = arith.mulf %scan3A_331#15, %scan3A_331#15 : vector<16xf32>
      %add3A_360 = arith.addf %add3A_358, %mul3A_359 : vector<16xf32>
      %mul3A_361 = arith.mulf %scan3A_331#16, %scan3A_331#16 : vector<16xf32>
      %add3A_362 = arith.addf %add3A_360, %mul3A_361 : vector<16xf32>
      %mul3A_363 = arith.mulf %scan3A_331#17, %scan3A_331#17 : vector<16xf32>
      %add3A_364 = arith.addf %add3A_362, %mul3A_363 : vector<16xf32>
      %sub3A_365 = arith.subf %add3A_364, %scan3A_331#0 : vector<16xf32>
      %mul3A_366 = arith.constant 5.000000e-01 : f32
      %mul3A_367 = vector.broadcast %mul3A_366 : f32 to vector<16xf32>
      %mul3A_368 = arith.mulf %mul3A_367, %sub3A_365 : vector<16xf32>
      %convert_element_type3A_369 = arith.sitofp %scan3A_331#1 : vector<16xi32> to vector<16xf32>
      %add3A_370 = arith.addf %mul3A_368, %convert_element_type3A_369 : vector<16xf32>
      %mul3A_371 = arith.constant 16 : i32
      %mul3A_372 = arith.muli %mul3A_240, %mul3A_371 : i32
      %swap3A_373 = arith.index_cast %mul3A_372 : i32 to index
      %swap3A_374 = tpu.vector_load %arg9[%swap3A_373] {strides = array<i32>} : memref<128xf32, #tpu.memory_space<vmem>>, vector<16xf32>,
      tpu.vector_store %arg9[%swap3A_373], %add3A_370 {strides = array<i32>} : memref<128xf32, #tpu.memory_space<vmem>>, vector<16xf32>,
      %add3A_375 = arith.constant 2 : i32
      %add3A_376 = arith.addi %mul3A_240, %add3A_375 : i32
      %mul3A_377 = arith.constant 416 : i32
      %mul3A_378 = arith.muli %add3A_376, %mul3A_377 : i32
      %add3A_379 = arith.constant 0 : i32
      %add3A_380 = arith.addi %mul3A_378, %add3A_379 : i32
      %dma_start3A_381 = arith.constant 0 : i32
      %dma_start3A_382 = arith.constant 0 : i32
      %dma_start3A_383 = arith.constant 0 : i32
      %dma_start3A_384 = tpu.memref_slice %arg8[%dma_start3A_381, %dma_start3A_382, %dma_start3A_383] : memref<2x416x128xf32, #tpu.memory_space<vmem>> -> memref<1x416x128xf32, #tpu.memory_space<vmem>>
      %dma_start3A_385 = tpu.memref_squeeze %dma_start3A_384 : memref<1x416x128xf32, #tpu.memory_space<vmem>> -> memref<416x128xf32, #tpu.memory_space<vmem>>
      %dma_start3A_386 = arith.constant 0 : i32
      %dma_start3A_387 = arith.constant 0 : i32
      %dma_start3A_388 = tpu.memref_slice %dma_start3A_385[%dma_start3A_386, %dma_start3A_387] : memref<416x128xf32, #tpu.memory_space<vmem>> -> memref<104x128xf32, #tpu.memory_space<vmem>>
      %dma_start3A_389 = tpu.memref_slice %arg7[%add3A_380] : memref<3328xi32, #tpu.memory_space<vmem>> -> memref<104xi32, #tpu.memory_space<vmem>>
      %dma_start3A_390 = arith.constant 0 : i32
      %dma_start3A_391 = arith.constant 0 : i32
      %dma_start3A_392 = tpu.memref_slice %arg2[%dma_start3A_390, %dma_start3A_391] : memref<325312x128xf32, #tpu.memory_space<hbm>> -> memref<325312x128xf32, #tpu.memory_space<hbm>>
      tpu.enqueue_indirect_dma source(%dma_start3A_392 : memref<325312x128xf32, #tpu.memory_space<hbm>>) target(%dma_start3A_388 : memref<104x128xf32, #tpu.memory_space<vmem>>) offsets(%dma_start3A_389 : memref<104xi32, #tpu.memory_space<vmem>>) semaphore(%arg10 : memref<!tpu.dma_semaphore, #tpu.memory_space<semaphore_mem>>)
      %mul3A_393 = arith.constant 416 : i32
      %mul3A_394 = arith.muli %add3A_376, %mul3A_393 : i32
      %add3A_395 = arith.constant 104 : i32
      %add3A_396 = arith.addi %mul3A_394, %add3A_395 : i32
      %dma_start3A_397 = arith.constant 0 : i32
      %dma_start3A_398 = arith.constant 0 : i32
      %dma_start3A_399 = arith.constant 0 : i32
      %dma_start3A_400 = tpu.memref_slice %arg8[%dma_start3A_397, %dma_start3A_398, %dma_start3A_399] : memref<2x416x128xf32, #tpu.memory_space<vmem>> -> memref<1x416x128xf32, #tpu.memory_space<vmem>>
      %dma_start3A_401 = tpu.memref_squeeze %dma_start3A_400 : memref<1x416x128xf32, #tpu.memory_space<vmem>> -> memref<416x128xf32, #tpu.memory_space<vmem>>
      %dma_start3A_402 = arith.constant 104 : i32
      %dma_start3A_403 = arith.constant 0 : i32
      %dma_start3A_404 = tpu.memref_slice %dma_start3A_401[%dma_start3A_402, %dma_start3A_403] : memref<416x128xf32, #tpu.memory_space<vmem>> -> memref<104x128xf32, #tpu.memory_space<vmem>>
      %dma_start3A_405 = tpu.memref_slice %arg7[%add3A_396] : memref<3328xi32, #tpu.memory_space<vmem>> -> memref<104xi32, #tpu.memory_space<vmem>>
      %dma_start3A_406 = arith.constant 0 : i32
      %dma_start3A_407 = arith.constant 0 : i32
      %dma_start3A_408 = tpu.memref_slice %arg2[%dma_start3A_406, %dma_start3A_407] : memref<325312x128xf32, #tpu.memory_space<hbm>> -> memref<325312x128xf32, #tpu.memory_space<hbm>>
      tpu.enqueue_indirect_dma source(%dma_start3A_408 : memref<325312x128xf32, #tpu.memory_space<hbm>>) target(%dma_start3A_404 : memref<104x128xf32, #tpu.memory_space<vmem>>) offsets(%dma_start3A_405 : memref<104xi32, #tpu.memory_space<vmem>>) semaphore(%arg10 : memref<!tpu.dma_semaphore, #tpu.memory_space<semaphore_mem>>)
      %mul3A_409 = arith.constant 416 : i32
      %mul3A_410 = arith.muli %add3A_376, %mul3A_409 : i32
      %add3A_411 = arith.constant 208 : i32
      %add3A_412 = arith.addi %mul3A_410, %add3A_411 : i32
      %dma_start3A_413 = arith.constant 0 : i32
      %dma_start3A_414 = arith.constant 0 : i32
      %dma_start3A_415 = arith.constant 0 : i32
      %dma_start3A_416 = tpu.memref_slice %arg8[%dma_start3A_413, %dma_start3A_414, %dma_start3A_415] : memref<2x416x128xf32, #tpu.memory_space<vmem>> -> memref<1x416x128xf32, #tpu.memory_space<vmem>>
      %dma_start3A_417 = tpu.memref_squeeze %dma_start3A_416 : memref<1x416x128xf32, #tpu.memory_space<vmem>> -> memref<416x128xf32, #tpu.memory_space<vmem>>
      %dma_start3A_418 = arith.constant 208 : i32
      %dma_start3A_419 = arith.constant 0 : i32
      %dma_start3A_420 = tpu.memref_slice %dma_start3A_417[%dma_start3A_418, %dma_start3A_419] : memref<416x128xf32, #tpu.memory_space<vmem>> -> memref<104x128xf32, #tpu.memory_space<vmem>>
      %dma_start3A_421 = tpu.memref_slice %arg7[%add3A_412] : memref<3328xi32, #tpu.memory_space<vmem>> -> memref<104xi32, #tpu.memory_space<vmem>>
      %dma_start3A_422 = arith.constant 0 : i32
      %dma_start3A_423 = arith.constant 0 : i32
      %dma_start3A_424 = tpu.memref_slice %arg2[%dma_start3A_422, %dma_start3A_423] : memref<325312x128xf32, #tpu.memory_space<hbm>> -> memref<325312x128xf32, #tpu.memory_space<hbm>>
      tpu.enqueue_indirect_dma source(%dma_start3A_424 : memref<325312x128xf32, #tpu.memory_space<hbm>>) target(%dma_start3A_420 : memref<104x128xf32, #tpu.memory_space<vmem>>) offsets(%dma_start3A_421 : memref<104xi32, #tpu.memory_space<vmem>>) semaphore(%arg10 : memref<!tpu.dma_semaphore, #tpu.memory_space<semaphore_mem>>)
      %mul3A_425 = arith.constant 416 : i32
      %mul3A_426 = arith.muli %add3A_376, %mul3A_425 : i32
      %add3A_427 = arith.constant 312 : i32
      %add3A_428 = arith.addi %mul3A_426, %add3A_427 : i32
      %dma_start3A_429 = arith.constant 0 : i32
      %dma_start3A_430 = arith.constant 0 : i32
      %dma_start3A_431 = arith.constant 0 : i32
      %dma_start3A_432 = tpu.memref_slice %arg8[%dma_start3A_429, %dma_start3A_430, %dma_start3A_431] : memref<2x416x128xf32, #tpu.memory_space<vmem>> -> memref<1x416x128xf32, #tpu.memory_space<vmem>>
      %dma_start3A_433 = tpu.memref_squeeze %dma_start3A_432 : memref<1x416x128xf32, #tpu.memory_space<vmem>> -> memref<416x128xf32, #tpu.memory_space<vmem>>
      %dma_start3A_434 = arith.constant 312 : i32
      %dma_start3A_435 = arith.constant 0 : i32
      %dma_start3A_436 = tpu.memref_slice %dma_start3A_433[%dma_start3A_434, %dma_start3A_435] : memref<416x128xf32, #tpu.memory_space<vmem>> -> memref<104x128xf32, #tpu.memory_space<vmem>>
      %dma_start3A_437 = tpu.memref_slice %arg7[%add3A_428] : memref<3328xi32, #tpu.memory_space<vmem>> -> memref<104xi32, #tpu.memory_space<vmem>>
      %dma_start3A_438 = arith.constant 0 : i32
      %dma_start3A_439 = arith.constant 0 : i32
      %dma_start3A_440 = tpu.memref_slice %arg2[%dma_start3A_438, %dma_start3A_439] : memref<325312x128xf32, #tpu.memory_space<hbm>> -> memref<325312x128xf32, #tpu.memory_space<hbm>>
      tpu.enqueue_indirect_dma source(%dma_start3A_440 : memref<325312x128xf32, #tpu.memory_space<hbm>>) target(%dma_start3A_436 : memref<104x128xf32, #tpu.memory_space<vmem>>) offsets(%dma_start3A_437 : memref<104xi32, #tpu.memory_space<vmem>>) semaphore(%arg10 : memref<!tpu.dma_semaphore, #tpu.memory_space<semaphore_mem>>)
      %dma_wait3A_441 = arith.constant 1 : i32
      %dma_wait3A_442 = arith.constant 0 : i32
      %dma_wait3A_443 = arith.constant 0 : i32
      %dma_wait3A_444 = tpu.memref_slice %arg8[%dma_wait3A_441, %dma_wait3A_442, %dma_wait3A_443] : memref<2x416x128xf32, #tpu.memory_space<vmem>> -> memref<1x416x128xf32, #tpu.memory_space<vmem>>
      %dma_wait3A_445 = tpu.memref_squeeze %dma_wait3A_444 : memref<1x416x128xf32, #tpu.memory_space<vmem>> -> memref<416x128xf32, #tpu.memory_space<vmem>>
      %dma_wait3A_446 = arith.constant 0 : i32
      %dma_wait3A_447 = arith.constant 0 : i32
      %dma_wait3A_448 = tpu.memref_slice %arg2[%dma_wait3A_446, %dma_wait3A_447] : memref<325312x128xf32, #tpu.memory_space<hbm>> -> memref<416x128xf32, #tpu.memory_space<hbm>>
      %dma_wait3A_449 = arith.constant 0 : i32
      %dma_wait3A_450 = arith.constant 0 : i32
      %dma_wait3A_451 = tpu.memref_slice %arg8[%dma_wait3A_441, %dma_wait3A_449, %dma_wait3A_450] : memref<2x416x128xf32, #tpu.memory_space<vmem>> -> memref<1x416x128xf32, #tpu.memory_space<vmem>>
      %dma_wait3A_452 = tpu.memref_squeeze %dma_wait3A_451 : memref<1x416x128xf32, #tpu.memory_space<vmem>> -> memref<416x128xf32, #tpu.memory_space<vmem>>
      %dma_wait3A_453 = arith.constant 0 : i32
      %dma_wait3A_454 = arith.constant 0 : i32
      %dma_wait3A_455 = tpu.memref_slice %arg2[%dma_wait3A_453, %dma_wait3A_454] : memref<325312x128xf32, #tpu.memory_space<hbm>> -> memref<416x128xf32, #tpu.memory_space<hbm>>
      tpu.wait_dma2 semaphore(%arg11 : memref<!tpu.dma_semaphore, #tpu.memory_space<semaphore_mem>>) src(%dma_wait3A_455 : memref<416x128xf32, #tpu.memory_space<hbm>>) dst(%dma_wait3A_452 : memref<416x128xf32, #tpu.memory_space<vmem>>)
      %add3A_456 = arith.constant 1 : i32
      %add3A_457 = arith.addi %mul3A_240, %add3A_456 : i32
      %mul3A_458 = arith.constant 416 : i32
      %mul3A_459 = arith.muli %add3A_457, %mul3A_458 : i32
      %broadcast_in_dim3A_460 = arith.constant 0 : i32
      %broadcast_in_dim3A_461 = vector.broadcast %broadcast_in_dim3A_460 : i32 to vector<16xi32>
      %scan3A_462 = arith.constant 1 : i32
      %scan3A_463 = arith.constant 0 : i32
      %scan3A_464 = arith.constant 26 : i32
      %scan3A_465 = arith.addi %scan3A_463, %scan3A_464 : i32
      %scan3A_466 = arith.constant 1 : i32
      %scan3A_467:18 = scf.for %scan3A_511 = %scan3A_463 to %scan3A_465 step %scan3A_466 iter_args(%scan3A_512 = %broadcast_in_dim3A_3, %scan3A_513 = %broadcast_in_dim3A_461, %scan3A_514 = %broadcast_in_dim3A_3, %scan3A_515 = %broadcast_in_dim3A_3, %scan3A_516 = %broadcast_in_dim3A_3, %scan3A_517 = %broadcast_in_dim3A_3, %scan3A_518 = %broadcast_in_dim3A_3, %scan3A_519 = %broadcast_in_dim3A_3, %scan3A_520 = %broadcast_in_dim3A_3, %scan3A_521 = %broadcast_in_dim3A_3, %scan3A_522 = %broadcast_in_dim3A_3, %scan3A_523 = %broadcast_in_dim3A_3, %scan3A_524 = %broadcast_in_dim3A_3, %scan3A_525 = %broadcast_in_dim3A_3, %scan3A_526 = %broadcast_in_dim3A_3, %scan3A_527 = %broadcast_in_dim3A_3, %scan3A_528 = %broadcast_in_dim3A_3, %scan3A_529 = %broadcast_in_dim3A_3) -> (vector<16xf32>, vector<16xi32>, vector<16xf32>, vector<16xf32>, vector<16xf32>, vector<16xf32>, vector<16xf32>, vector<16xf32>, vector<16xf32>, vector<16xf32>, vector<16xf32>, vector<16xf32>, vector<16xf32>, vector<16xf32>, vector<16xf32>, vector<16xf32>, vector<16xf32>, vector<16xf32>)  : i32 {
        %mul3A_530 = arith.constant 26 : i32
        %mul3A_531 = vector.broadcast %mul3A_530 : i32 to vector<16xi32>
        %mul3A_532 = arith.muli %iota3A, %mul3A_531 : vector<16xi32>
        %add3A_533 = vector.broadcast %mul3A_459 : i32 to vector<16xi32>
        %add3A_534 = arith.addi %add3A_533, %mul3A_532 : vector<16xi32>
        %add3A_535 = vector.broadcast %scan3A_511 : i32 to vector<16xi32>
        %add3A_536 = arith.addi %add3A_534, %add3A_535 : vector<16xi32>
        %gather3A = tpu.vector_load_idx %arg6[%add3A_536] : memref<3328xi32, #tpu.memory_space<vmem>>[vector<16xi32>], vector<16xi32>,
        %add3A_537 = arith.addi %scan3A_513, %gather3A : vector<16xi32>
        %mul3A_538 = arith.constant 26 : i32
        %mul3A_539 = vector.broadcast %mul3A_538 : i32 to vector<16xi32>
        %mul3A_540 = arith.muli %iota3A, %mul3A_539 : vector<16xi32>
        %add3A_541 = vector.broadcast %scan3A_511 : i32 to vector<16xi32>
        %add3A_542 = arith.addi %mul3A_540, %add3A_541 : vector<16xi32>
        %and3A = arith.constant 7 : i32
        %and3A_543 = vector.broadcast %and3A : i32 to vector<16xi32>
        %and3A_544 = arith.andi %gather3A, %and3A_543 : vector<16xi32>
        %mul3A_545 = arith.constant 16 : i32
        %mul3A_546 = vector.broadcast %mul3A_545 : i32 to vector<16xi32>
        %mul3A_547 = arith.muli %and3A_544, %mul3A_546 : vector<16xi32>
        %add3A_548 = arith.constant 0 : i32
        %add3A_549 = vector.broadcast %add3A_548 : i32 to vector<16xi32>
        %add3A_550 = arith.addi %mul3A_547, %add3A_549 : vector<16xi32>
        %gather3A_551 = arith.constant 0 : i32
        %gather3A_552 = arith.constant 0 : i32
        %gather3A_553 = tpu.memref_slice %arg8[%scan3A_462, %gather3A_551, %gather3A_552] : memref<2x416x128xf32, #tpu.memory_space<vmem>> -> memref<1x416x128xf32, #tpu.memory_space<vmem>>
        %gather3A_554 = tpu.memref_squeeze %gather3A_553 : memref<1x416x128xf32, #tpu.memory_space<vmem>> -> memref<416x128xf32, #tpu.memory_space<vmem>>
        %gather3A_555 = tpu.vector_load_idx %gather3A_554[%add3A_542, %add3A_550] : memref<416x128xf32, #tpu.memory_space<vmem>>[vector<16xi32>, vector<16xi32>], vector<16xf32>,
        %mul3A_556 = arith.mulf %gather3A_555, %gather3A_555 : vector<16xf32>
        %add3A_557 = arith.addf %scan3A_512, %mul3A_556 : vector<16xf32>
        %add3A_558 = arith.addf %scan3A_514, %gather3A_555 : vector<16xf32>
        %add3A_559 = arith.constant 1 : i32
        %add3A_560 = vector.broadcast %add3A_559 : i32 to vector<16xi32>
        %add3A_561 = arith.addi %mul3A_547, %add3A_560 : vector<16xi32>
        %gather3A_562 = arith.constant 0 : i32
        %gather3A_563 = arith.constant 0 : i32
        %gather3A_564 = tpu.memref_slice %arg8[%scan3A_462, %gather3A_562, %gather3A_563] : memref<2x416x128xf32, #tpu.memory_space<vmem>> -> memref<1x416x128xf32, #tpu.memory_space<vmem>>
        %gather3A_565 = tpu.memref_squeeze %gather3A_564 : memref<1x416x128xf32, #tpu.memory_space<vmem>> -> memref<416x128xf32, #tpu.memory_space<vmem>>
        %gather3A_566 = tpu.vector_load_idx %gather3A_565[%add3A_542, %add3A_561] : memref<416x128xf32, #tpu.memory_space<vmem>>[vector<16xi32>, vector<16xi32>], vector<16xf32>,
        %mul3A_567 = arith.mulf %gather3A_566, %gather3A_566 : vector<16xf32>
        %add3A_568 = arith.addf %add3A_557, %mul3A_567 : vector<16xf32>
        %add3A_569 = arith.addf %scan3A_515, %gather3A_566 : vector<16xf32>
        %add3A_570 = arith.constant 2 : i32
        %add3A_571 = vector.broadcast %add3A_570 : i32 to vector<16xi32>
        %add3A_572 = arith.addi %mul3A_547, %add3A_571 : vector<16xi32>
        %gather3A_573 = arith.constant 0 : i32
        %gather3A_574 = arith.constant 0 : i32
        %gather3A_575 = tpu.memref_slice %arg8[%scan3A_462, %gather3A_573, %gather3A_574] : memref<2x416x128xf32, #tpu.memory_space<vmem>> -> memref<1x416x128xf32, #tpu.memory_space<vmem>>
        %gather3A_576 = tpu.memref_squeeze %gather3A_575 : memref<1x416x128xf32, #tpu.memory_space<vmem>> -> memref<416x128xf32, #tpu.memory_space<vmem>>
        %gather3A_577 = tpu.vector_load_idx %gather3A_576[%add3A_542, %add3A_572] : memref<416x128xf32, #tpu.memory_space<vmem>>[vector<16xi32>, vector<16xi32>], vector<16xf32>,
        %mul3A_578 = arith.mulf %gather3A_577, %gather3A_577 : vector<16xf32>
        %add3A_579 = arith.addf %add3A_568, %mul3A_578 : vector<16xf32>
        %add3A_580 = arith.addf %scan3A_516, %gather3A_577 : vector<16xf32>
        %add3A_581 = arith.constant 3 : i32
        %add3A_582 = vector.broadcast %add3A_581 : i32 to vector<16xi32>
        %add3A_583 = arith.addi %mul3A_547, %add3A_582 : vector<16xi32>
        %gather3A_584 = arith.constant 0 : i32
        %gather3A_585 = arith.constant 0 : i32
        %gather3A_586 = tpu.memref_slice %arg8[%scan3A_462, %gather3A_584, %gather3A_585] : memref<2x416x128xf32, #tpu.memory_space<vmem>> -> memref<1x416x128xf32, #tpu.memory_space<vmem>>
        %gather3A_587 = tpu.memref_squeeze %gather3A_586 : memref<1x416x128xf32, #tpu.memory_space<vmem>> -> memref<416x128xf32, #tpu.memory_space<vmem>>
        %gather3A_588 = tpu.vector_load_idx %gather3A_587[%add3A_542, %add3A_583] : memref<416x128xf32, #tpu.memory_space<vmem>>[vector<16xi32>, vector<16xi32>], vector<16xf32>,
        %mul3A_589 = arith.mulf %gather3A_588, %gather3A_588 : vector<16xf32>
        %add3A_590 = arith.addf %add3A_579, %mul3A_589 : vector<16xf32>
        %add3A_591 = arith.addf %scan3A_517, %gather3A_588 : vector<16xf32>
        %add3A_592 = arith.constant 4 : i32
        %add3A_593 = vector.broadcast %add3A_592 : i32 to vector<16xi32>
        %add3A_594 = arith.addi %mul3A_547, %add3A_593 : vector<16xi32>
        %gather3A_595 = arith.constant 0 : i32
        %gather3A_596 = arith.constant 0 : i32
        %gather3A_597 = tpu.memref_slice %arg8[%scan3A_462, %gather3A_595, %gather3A_596] : memref<2x416x128xf32, #tpu.memory_space<vmem>> -> memref<1x416x128xf32, #tpu.memory_space<vmem>>
        %gather3A_598 = tpu.memref_squeeze %gather3A_597 : memref<1x416x128xf32, #tpu.memory_space<vmem>> -> memref<416x128xf32, #tpu.memory_space<vmem>>
        %gather3A_599 = tpu.vector_load_idx %gather3A_598[%add3A_542, %add3A_594] : memref<416x128xf32, #tpu.memory_space<vmem>>[vector<16xi32>, vector<16xi32>], vector<16xf32>,
        %mul3A_600 = arith.mulf %gather3A_599, %gather3A_599 : vector<16xf32>
        %add3A_601 = arith.addf %add3A_590, %mul3A_600 : vector<16xf32>
        %add3A_602 = arith.addf %scan3A_518, %gather3A_599 : vector<16xf32>
        %add3A_603 = arith.constant 5 : i32
        %add3A_604 = vector.broadcast %add3A_603 : i32 to vector<16xi32>
        %add3A_605 = arith.addi %mul3A_547, %add3A_604 : vector<16xi32>
        %gather3A_606 = arith.constant 0 : i32
        %gather3A_607 = arith.constant 0 : i32
        %gather3A_608 = tpu.memref_slice %arg8[%scan3A_462, %gather3A_606, %gather3A_607] : memref<2x416x128xf32, #tpu.memory_space<vmem>> -> memref<1x416x128xf32, #tpu.memory_space<vmem>>
        %gather3A_609 = tpu.memref_squeeze %gather3A_608 : memref<1x416x128xf32, #tpu.memory_space<vmem>> -> memref<416x128xf32, #tpu.memory_space<vmem>>
        %gather3A_610 = tpu.vector_load_idx %gather3A_609[%add3A_542, %add3A_605] : memref<416x128xf32, #tpu.memory_space<vmem>>[vector<16xi32>, vector<16xi32>], vector<16xf32>,
        %mul3A_611 = arith.mulf %gather3A_610, %gather3A_610 : vector<16xf32>
        %add3A_612 = arith.addf %add3A_601, %mul3A_611 : vector<16xf32>
        %add3A_613 = arith.addf %scan3A_519, %gather3A_610 : vector<16xf32>
        %add3A_614 = arith.constant 6 : i32
        %add3A_615 = vector.broadcast %add3A_614 : i32 to vector<16xi32>
        %add3A_616 = arith.addi %mul3A_547, %add3A_615 : vector<16xi32>
        %gather3A_617 = arith.constant 0 : i32
        %gather3A_618 = arith.constant 0 : i32
        %gather3A_619 = tpu.memref_slice %arg8[%scan3A_462, %gather3A_617, %gather3A_618] : memref<2x416x128xf32, #tpu.memory_space<vmem>> -> memref<1x416x128xf32, #tpu.memory_space<vmem>>
        %gather3A_620 = tpu.memref_squeeze %gather3A_619 : memref<1x416x128xf32, #tpu.memory_space<vmem>> -> memref<416x128xf32, #tpu.memory_space<vmem>>
        %gather3A_621 = tpu.vector_load_idx %gather3A_620[%add3A_542, %add3A_616] : memref<416x128xf32, #tpu.memory_space<vmem>>[vector<16xi32>, vector<16xi32>], vector<16xf32>,
        %mul3A_622 = arith.mulf %gather3A_621, %gather3A_621 : vector<16xf32>
        %add3A_623 = arith.addf %add3A_612, %mul3A_622 : vector<16xf32>
        %add3A_624 = arith.addf %scan3A_520, %gather3A_621 : vector<16xf32>
        %add3A_625 = arith.constant 7 : i32
        %add3A_626 = vector.broadcast %add3A_625 : i32 to vector<16xi32>
        %add3A_627 = arith.addi %mul3A_547, %add3A_626 : vector<16xi32>
        %gather3A_628 = arith.constant 0 : i32
        %gather3A_629 = arith.constant 0 : i32
        %gather3A_630 = tpu.memref_slice %arg8[%scan3A_462, %gather3A_628, %gather3A_629] : memref<2x416x128xf32, #tpu.memory_space<vmem>> -> memref<1x416x128xf32, #tpu.memory_space<vmem>>
        %gather3A_631 = tpu.memref_squeeze %gather3A_630 : memref<1x416x128xf32, #tpu.memory_space<vmem>> -> memref<416x128xf32, #tpu.memory_space<vmem>>
        %gather3A_632 = tpu.vector_load_idx %gather3A_631[%add3A_542, %add3A_627] : memref<416x128xf32, #tpu.memory_space<vmem>>[vector<16xi32>, vector<16xi32>], vector<16xf32>,
        %mul3A_633 = arith.mulf %gather3A_632, %gather3A_632 : vector<16xf32>
        %add3A_634 = arith.addf %add3A_623, %mul3A_633 : vector<16xf32>
        %add3A_635 = arith.addf %scan3A_521, %gather3A_632 : vector<16xf32>
        %add3A_636 = arith.constant 8 : i32
        %add3A_637 = vector.broadcast %add3A_636 : i32 to vector<16xi32>
        %add3A_638 = arith.addi %mul3A_547, %add3A_637 : vector<16xi32>
        %gather3A_639 = arith.constant 0 : i32
        %gather3A_640 = arith.constant 0 : i32
        %gather3A_641 = tpu.memref_slice %arg8[%scan3A_462, %gather3A_639, %gather3A_640] : memref<2x416x128xf32, #tpu.memory_space<vmem>> -> memref<1x416x128xf32, #tpu.memory_space<vmem>>
        %gather3A_642 = tpu.memref_squeeze %gather3A_641 : memref<1x416x128xf32, #tpu.memory_space<vmem>> -> memref<416x128xf32, #tpu.memory_space<vmem>>
        %gather3A_643 = tpu.vector_load_idx %gather3A_642[%add3A_542, %add3A_638] : memref<416x128xf32, #tpu.memory_space<vmem>>[vector<16xi32>, vector<16xi32>], vector<16xf32>,
        %mul3A_644 = arith.mulf %gather3A_643, %gather3A_643 : vector<16xf32>
        %add3A_645 = arith.addf %add3A_634, %mul3A_644 : vector<16xf32>
        %add3A_646 = arith.addf %scan3A_522, %gather3A_643 : vector<16xf32>
        %add3A_647 = arith.constant 9 : i32
        %add3A_648 = vector.broadcast %add3A_647 : i32 to vector<16xi32>
        %add3A_649 = arith.addi %mul3A_547, %add3A_648 : vector<16xi32>
        %gather3A_650 = arith.constant 0 : i32
        %gather3A_651 = arith.constant 0 : i32
        %gather3A_652 = tpu.memref_slice %arg8[%scan3A_462, %gather3A_650, %gather3A_651] : memref<2x416x128xf32, #tpu.memory_space<vmem>> -> memref<1x416x128xf32, #tpu.memory_space<vmem>>
        %gather3A_653 = tpu.memref_squeeze %gather3A_652 : memref<1x416x128xf32, #tpu.memory_space<vmem>> -> memref<416x128xf32, #tpu.memory_space<vmem>>
        %gather3A_654 = tpu.vector_load_idx %gather3A_653[%add3A_542, %add3A_649] : memref<416x128xf32, #tpu.memory_space<vmem>>[vector<16xi32>, vector<16xi32>], vector<16xf32>,
        %mul3A_655 = arith.mulf %gather3A_654, %gather3A_654 : vector<16xf32>
        %add3A_656 = arith.addf %add3A_645, %mul3A_655 : vector<16xf32>
        %add3A_657 = arith.addf %scan3A_523, %gather3A_654 : vector<16xf32>
        %add3A_658 = arith.constant 10 : i32
        %add3A_659 = vector.broadcast %add3A_658 : i32 to vector<16xi32>
        %add3A_660 = arith.addi %mul3A_547, %add3A_659 : vector<16xi32>
        %gather3A_661 = arith.constant 0 : i32
        %gather3A_662 = arith.constant 0 : i32
        %gather3A_663 = tpu.memref_slice %arg8[%scan3A_462, %gather3A_661, %gather3A_662] : memref<2x416x128xf32, #tpu.memory_space<vmem>> -> memref<1x416x128xf32, #tpu.memory_space<vmem>>
        %gather3A_664 = tpu.memref_squeeze %gather3A_663 : memref<1x416x128xf32, #tpu.memory_space<vmem>> -> memref<416x128xf32, #tpu.memory_space<vmem>>
        %gather3A_665 = tpu.vector_load_idx %gather3A_664[%add3A_542, %add3A_660] : memref<416x128xf32, #tpu.memory_space<vmem>>[vector<16xi32>, vector<16xi32>], vector<16xf32>,
        %mul3A_666 = arith.mulf %gather3A_665, %gather3A_665 : vector<16xf32>
        %add3A_667 = arith.addf %add3A_656, %mul3A_666 : vector<16xf32>
        %add3A_668 = arith.addf %scan3A_524, %gather3A_665 : vector<16xf32>
        %add3A_669 = arith.constant 11 : i32
        %add3A_670 = vector.broadcast %add3A_669 : i32 to vector<16xi32>
        %add3A_671 = arith.addi %mul3A_547, %add3A_670 : vector<16xi32>
        %gather3A_672 = arith.constant 0 : i32
        %gather3A_673 = arith.constant 0 : i32
        %gather3A_674 = tpu.memref_slice %arg8[%scan3A_462, %gather3A_672, %gather3A_673] : memref<2x416x128xf32, #tpu.memory_space<vmem>> -> memref<1x416x128xf32, #tpu.memory_space<vmem>>
        %gather3A_675 = tpu.memref_squeeze %gather3A_674 : memref<1x416x128xf32, #tpu.memory_space<vmem>> -> memref<416x128xf32, #tpu.memory_space<vmem>>
        %gather3A_676 = tpu.vector_load_idx %gather3A_675[%add3A_542, %add3A_671] : memref<416x128xf32, #tpu.memory_space<vmem>>[vector<16xi32>, vector<16xi32>], vector<16xf32>,
        %mul3A_677 = arith.mulf %gather3A_676, %gather3A_676 : vector<16xf32>
        %add3A_678 = arith.addf %add3A_667, %mul3A_677 : vector<16xf32>
        %add3A_679 = arith.addf %scan3A_525, %gather3A_676 : vector<16xf32>
        %add3A_680 = arith.constant 12 : i32
        %add3A_681 = vector.broadcast %add3A_680 : i32 to vector<16xi32>
        %add3A_682 = arith.addi %mul3A_547, %add3A_681 : vector<16xi32>
        %gather3A_683 = arith.constant 0 : i32
        %gather3A_684 = arith.constant 0 : i32
        %gather3A_685 = tpu.memref_slice %arg8[%scan3A_462, %gather3A_683, %gather3A_684] : memref<2x416x128xf32, #tpu.memory_space<vmem>> -> memref<1x416x128xf32, #tpu.memory_space<vmem>>
        %gather3A_686 = tpu.memref_squeeze %gather3A_685 : memref<1x416x128xf32, #tpu.memory_space<vmem>> -> memref<416x128xf32, #tpu.memory_space<vmem>>
        %gather3A_687 = tpu.vector_load_idx %gather3A_686[%add3A_542, %add3A_682] : memref<416x128xf32, #tpu.memory_space<vmem>>[vector<16xi32>, vector<16xi32>], vector<16xf32>,
        %mul3A_688 = arith.mulf %gather3A_687, %gather3A_687 : vector<16xf32>
        %add3A_689 = arith.addf %add3A_678, %mul3A_688 : vector<16xf32>
        %add3A_690 = arith.addf %scan3A_526, %gather3A_687 : vector<16xf32>
        %add3A_691 = arith.constant 13 : i32
        %add3A_692 = vector.broadcast %add3A_691 : i32 to vector<16xi32>
        %add3A_693 = arith.addi %mul3A_547, %add3A_692 : vector<16xi32>
        %gather3A_694 = arith.constant 0 : i32
        %gather3A_695 = arith.constant 0 : i32
        %gather3A_696 = tpu.memref_slice %arg8[%scan3A_462, %gather3A_694, %gather3A_695] : memref<2x416x128xf32, #tpu.memory_space<vmem>> -> memref<1x416x128xf32, #tpu.memory_space<vmem>>
        %gather3A_697 = tpu.memref_squeeze %gather3A_696 : memref<1x416x128xf32, #tpu.memory_space<vmem>> -> memref<416x128xf32, #tpu.memory_space<vmem>>
        %gather3A_698 = tpu.vector_load_idx %gather3A_697[%add3A_542, %add3A_693] : memref<416x128xf32, #tpu.memory_space<vmem>>[vector<16xi32>, vector<16xi32>], vector<16xf32>,
        %mul3A_699 = arith.mulf %gather3A_698, %gather3A_698 : vector<16xf32>
        %add3A_700 = arith.addf %add3A_689, %mul3A_699 : vector<16xf32>
        %add3A_701 = arith.addf %scan3A_527, %gather3A_698 : vector<16xf32>
        %add3A_702 = arith.constant 14 : i32
        %add3A_703 = vector.broadcast %add3A_702 : i32 to vector<16xi32>
        %add3A_704 = arith.addi %mul3A_547, %add3A_703 : vector<16xi32>
        %gather3A_705 = arith.constant 0 : i32
        %gather3A_706 = arith.constant 0 : i32
        %gather3A_707 = tpu.memref_slice %arg8[%scan3A_462, %gather3A_705, %gather3A_706] : memref<2x416x128xf32, #tpu.memory_space<vmem>> -> memref<1x416x128xf32, #tpu.memory_space<vmem>>
        %gather3A_708 = tpu.memref_squeeze %gather3A_707 : memref<1x416x128xf32, #tpu.memory_space<vmem>> -> memref<416x128xf32, #tpu.memory_space<vmem>>
        %gather3A_709 = tpu.vector_load_idx %gather3A_708[%add3A_542, %add3A_704] : memref<416x128xf32, #tpu.memory_space<vmem>>[vector<16xi32>, vector<16xi32>], vector<16xf32>,
        %mul3A_710 = arith.mulf %gather3A_709, %gather3A_709 : vector<16xf32>
        %add3A_711 = arith.addf %add3A_700, %mul3A_710 : vector<16xf32>
        %add3A_712 = arith.addf %scan3A_528, %gather3A_709 : vector<16xf32>
        %add3A_713 = arith.constant 15 : i32
        %add3A_714 = vector.broadcast %add3A_713 : i32 to vector<16xi32>
        %add3A_715 = arith.addi %mul3A_547, %add3A_714 : vector<16xi32>
        %gather3A_716 = arith.constant 0 : i32
        %gather3A_717 = arith.constant 0 : i32
        %gather3A_718 = tpu.memref_slice %arg8[%scan3A_462, %gather3A_716, %gather3A_717] : memref<2x416x128xf32, #tpu.memory_space<vmem>> -> memref<1x416x128xf32, #tpu.memory_space<vmem>>
        %gather3A_719 = tpu.memref_squeeze %gather3A_718 : memref<1x416x128xf32, #tpu.memory_space<vmem>> -> memref<416x128xf32, #tpu.memory_space<vmem>>
        %gather3A_720 = tpu.vector_load_idx %gather3A_719[%add3A_542, %add3A_715] : memref<416x128xf32, #tpu.memory_space<vmem>>[vector<16xi32>, vector<16xi32>], vector<16xf32>,
        %mul3A_721 = arith.mulf %gather3A_720, %gather3A_720 : vector<16xf32>
        %add3A_722 = arith.addf %add3A_711, %mul3A_721 : vector<16xf32>
        %add3A_723 = arith.addf %scan3A_529, %gather3A_720 : vector<16xf32>
        scf.yield %add3A_722, %add3A_537, %add3A_558, %add3A_569, %add3A_580, %add3A_591, %add3A_602, %add3A_613, %add3A_624, %add3A_635, %add3A_646, %add3A_657, %add3A_668, %add3A_679, %add3A_690, %add3A_701, %add3A_712, %add3A_723 : vector<16xf32>, vector<16xi32>, vector<16xf32>, vector<16xf32>, vector<16xf32>, vector<16xf32>, vector<16xf32>, vector<16xf32>, vector<16xf32>, vector<16xf32>, vector<16xf32>, vector<16xf32>, vector<16xf32>, vector<16xf32>, vector<16xf32>, vector<16xf32>, vector<16xf32>, vector<16xf32>
      }
      %scan3A_468 = arith.constant 26 : i32
      %mul3A_469 = arith.mulf %scan3A_467#2, %scan3A_467#2 : vector<16xf32>
      %add3A_470 = arith.addf %broadcast_in_dim3A_3, %mul3A_469 : vector<16xf32>
      %mul3A_471 = arith.mulf %scan3A_467#3, %scan3A_467#3 : vector<16xf32>
      %add3A_472 = arith.addf %add3A_470, %mul3A_471 : vector<16xf32>
      %mul3A_473 = arith.mulf %scan3A_467#4, %scan3A_467#4 : vector<16xf32>
      %add3A_474 = arith.addf %add3A_472, %mul3A_473 : vector<16xf32>
      %mul3A_475 = arith.mulf %scan3A_467#5, %scan3A_467#5 : vector<16xf32>
      %add3A_476 = arith.addf %add3A_474, %mul3A_475 : vector<16xf32>
      %mul3A_477 = arith.mulf %scan3A_467#6, %scan3A_467#6 : vector<16xf32>
      %add3A_478 = arith.addf %add3A_476, %mul3A_477 : vector<16xf32>
      %mul3A_479 = arith.mulf %scan3A_467#7, %scan3A_467#7 : vector<16xf32>
      %add3A_480 = arith.addf %add3A_478, %mul3A_479 : vector<16xf32>
      %mul3A_481 = arith.mulf %scan3A_467#8, %scan3A_467#8 : vector<16xf32>
      %add3A_482 = arith.addf %add3A_480, %mul3A_481 : vector<16xf32>
      %mul3A_483 = arith.mulf %scan3A_467#9, %scan3A_467#9 : vector<16xf32>
      %add3A_484 = arith.addf %add3A_482, %mul3A_483 : vector<16xf32>
      %mul3A_485 = arith.mulf %scan3A_467#10, %scan3A_467#10 : vector<16xf32>
      %add3A_486 = arith.addf %add3A_484, %mul3A_485 : vector<16xf32>
      %mul3A_487 = arith.mulf %scan3A_467#11, %scan3A_467#11 : vector<16xf32>
      %add3A_488 = arith.addf %add3A_486, %mul3A_487 : vector<16xf32>
      %mul3A_489 = arith.mulf %scan3A_467#12, %scan3A_467#12 : vector<16xf32>
      %add3A_490 = arith.addf %add3A_488, %mul3A_489 : vector<16xf32>
      %mul3A_491 = arith.mulf %scan3A_467#13, %scan3A_467#13 : vector<16xf32>
      %add3A_492 = arith.addf %add3A_490, %mul3A_491 : vector<16xf32>
      %mul3A_493 = arith.mulf %scan3A_467#14, %scan3A_467#14 : vector<16xf32>
      %add3A_494 = arith.addf %add3A_492, %mul3A_493 : vector<16xf32>
      %mul3A_495 = arith.mulf %scan3A_467#15, %scan3A_467#15 : vector<16xf32>
      %add3A_496 = arith.addf %add3A_494, %mul3A_495 : vector<16xf32>
      %mul3A_497 = arith.mulf %scan3A_467#16, %scan3A_467#16 : vector<16xf32>
      %add3A_498 = arith.addf %add3A_496, %mul3A_497 : vector<16xf32>
      %mul3A_499 = arith.mulf %scan3A_467#17, %scan3A_467#17 : vector<16xf32>
      %add3A_500 = arith.addf %add3A_498, %mul3A_499 : vector<16xf32>
      %sub3A_501 = arith.subf %add3A_500, %scan3A_467#0 : vector<16xf32>
      %mul3A_502 = arith.constant 5.000000e-01 : f32
      %mul3A_503 = vector.broadcast %mul3A_502 : f32 to vector<16xf32>
      %mul3A_504 = arith.mulf %mul3A_503, %sub3A_501 : vector<16xf32>
      %convert_element_type3A_505 = arith.sitofp %scan3A_467#1 : vector<16xi32> to vector<16xf32>
      %add3A_506 = arith.addf %mul3A_504, %convert_element_type3A_505 : vector<16xf32>
      %mul3A_507 = arith.constant 16 : i32
      %mul3A_508 = arith.muli %add3A_457, %mul3A_507 : i32
      %swap3A_509 = arith.index_cast %mul3A_508 : i32 to index
      %swap3A_510 = tpu.vector_load %arg9[%swap3A_509] {strides = array<i32>} : memref<128xf32, #tpu.memory_space<vmem>>, vector<16xf32>,
      tpu.vector_store %arg9[%swap3A_509], %add3A_506 {strides = array<i32>} : memref<128xf32, #tpu.memory_space<vmem>>, vector<16xf32>,
    }
    %scan3A_59 = arith.constant 3 : i32
    %dma_start3A_60 = arith.constant 1 : i32
    %dma_start3A_61 = arith.constant 0 : i32
    %dma_start3A_62 = arith.constant 0 : i32
    %dma_start3A_63 = tpu.memref_slice %arg8[%dma_start3A_60, %dma_start3A_61, %dma_start3A_62] : memref<2x416x128xf32, #tpu.memory_space<vmem>> -> memref<1x416x128xf32, #tpu.memory_space<vmem>>
    %dma_start3A_64 = tpu.memref_squeeze %dma_start3A_63 : memref<1x416x128xf32, #tpu.memory_space<vmem>> -> memref<416x128xf32, #tpu.memory_space<vmem>>
    %dma_start3A_65 = arith.constant 0 : i32
    %dma_start3A_66 = arith.constant 0 : i32
    %dma_start3A_67 = tpu.memref_slice %dma_start3A_64[%dma_start3A_65, %dma_start3A_66] : memref<416x128xf32, #tpu.memory_space<vmem>> -> memref<104x128xf32, #tpu.memory_space<vmem>>
    %dma_start3A_68 = arith.constant 2912 : i32
    %dma_start3A_69 = tpu.memref_slice %arg7[%dma_start3A_68] : memref<3328xi32, #tpu.memory_space<vmem>> -> memref<104xi32, #tpu.memory_space<vmem>>
    %dma_start3A_70 = arith.constant 0 : i32
    %dma_start3A_71 = arith.constant 0 : i32
    %dma_start3A_72 = tpu.memref_slice %arg2[%dma_start3A_70, %dma_start3A_71] : memref<325312x128xf32, #tpu.memory_space<hbm>> -> memref<325312x128xf32, #tpu.memory_space<hbm>>
    tpu.enqueue_indirect_dma source(%dma_start3A_72 : memref<325312x128xf32, #tpu.memory_space<hbm>>) target(%dma_start3A_67 : memref<104x128xf32, #tpu.memory_space<vmem>>) offsets(%dma_start3A_69 : memref<104xi32, #tpu.memory_space<vmem>>) semaphore(%arg11 : memref<!tpu.dma_semaphore, #tpu.memory_space<semaphore_mem>>)
    %dma_start3A_73 = arith.constant 1 : i32
    %dma_start3A_74 = arith.constant 0 : i32
    %dma_start3A_75 = arith.constant 0 : i32
    %dma_start3A_76 = tpu.memref_slice %arg8[%dma_start3A_73, %dma_start3A_74, %dma_start3A_75] : memref<2x416x128xf32, #tpu.memory_space<vmem>> -> memref<1x416x128xf32, #tpu.memory_space<vmem>>
    %dma_start3A_77 = tpu.memref_squeeze %dma_start3A_76 : memref<1x416x128xf32, #tpu.memory_space<vmem>> -> memref<416x128xf32, #tpu.memory_space<vmem>>
    %dma_start3A_78 = arith.constant 104 : i32
    %dma_start3A_79 = arith.constant 0 : i32
    %dma_start3A_80 = tpu.memref_slice %dma_start3A_77[%dma_start3A_78, %dma_start3A_79] : memref<416x128xf32, #tpu.memory_space<vmem>> -> memref<104x128xf32, #tpu.memory_space<vmem>>
    %dma_start3A_81 = arith.constant 3016 : i32
    %dma_start3A_82 = tpu.memref_slice %arg7[%dma_start3A_81] : memref<3328xi32, #tpu.memory_space<vmem>> -> memref<104xi32, #tpu.memory_space<vmem>>
    %dma_start3A_83 = arith.constant 0 : i32
    %dma_start3A_84 = arith.constant 0 : i32
    %dma_start3A_85 = tpu.memref_slice %arg2[%dma_start3A_83, %dma_start3A_84] : memref<325312x128xf32, #tpu.memory_space<hbm>> -> memref<325312x128xf32, #tpu.memory_space<hbm>>
    tpu.enqueue_indirect_dma source(%dma_start3A_85 : memref<325312x128xf32, #tpu.memory_space<hbm>>) target(%dma_start3A_80 : memref<104x128xf32, #tpu.memory_space<vmem>>) offsets(%dma_start3A_82 : memref<104xi32, #tpu.memory_space<vmem>>) semaphore(%arg11 : memref<!tpu.dma_semaphore, #tpu.memory_space<semaphore_mem>>)
    %dma_start3A_86 = arith.constant 1 : i32
    %dma_start3A_87 = arith.constant 0 : i32
    %dma_start3A_88 = arith.constant 0 : i32
    %dma_start3A_89 = tpu.memref_slice %arg8[%dma_start3A_86, %dma_start3A_87, %dma_start3A_88] : memref<2x416x128xf32, #tpu.memory_space<vmem>> -> memref<1x416x128xf32, #tpu.memory_space<vmem>>
    %dma_start3A_90 = tpu.memref_squeeze %dma_start3A_89 : memref<1x416x128xf32, #tpu.memory_space<vmem>> -> memref<416x128xf32, #tpu.memory_space<vmem>>
    %dma_start3A_91 = arith.constant 208 : i32
    %dma_start3A_92 = arith.constant 0 : i32
    %dma_start3A_93 = tpu.memref_slice %dma_start3A_90[%dma_start3A_91, %dma_start3A_92] : memref<416x128xf32, #tpu.memory_space<vmem>> -> memref<104x128xf32, #tpu.memory_space<vmem>>
    %dma_start3A_94 = arith.constant 3120 : i32
    %dma_start3A_95 = tpu.memref_slice %arg7[%dma_start3A_94] : memref<3328xi32, #tpu.memory_space<vmem>> -> memref<104xi32, #tpu.memory_space<vmem>>
    %dma_start3A_96 = arith.constant 0 : i32
    %dma_start3A_97 = arith.constant 0 : i32
    %dma_start3A_98 = tpu.memref_slice %arg2[%dma_start3A_96, %dma_start3A_97] : memref<325312x128xf32, #tpu.memory_space<hbm>> -> memref<325312x128xf32, #tpu.memory_space<hbm>>
    tpu.enqueue_indirect_dma source(%dma_start3A_98 : memref<325312x128xf32, #tpu.memory_space<hbm>>) target(%dma_start3A_93 : memref<104x128xf32, #tpu.memory_space<vmem>>) offsets(%dma_start3A_95 : memref<104xi32, #tpu.memory_space<vmem>>) semaphore(%arg11 : memref<!tpu.dma_semaphore, #tpu.memory_space<semaphore_mem>>)
    %dma_start3A_99 = arith.constant 1 : i32
    %dma_start3A_100 = arith.constant 0 : i32
    %dma_start3A_101 = arith.constant 0 : i32
    %dma_start3A_102 = tpu.memref_slice %arg8[%dma_start3A_99, %dma_start3A_100, %dma_start3A_101] : memref<2x416x128xf32, #tpu.memory_space<vmem>> -> memref<1x416x128xf32, #tpu.memory_space<vmem>>
    %dma_start3A_103 = tpu.memref_squeeze %dma_start3A_102 : memref<1x416x128xf32, #tpu.memory_space<vmem>> -> memref<416x128xf32, #tpu.memory_space<vmem>>
    %dma_start3A_104 = arith.constant 312 : i32
    %dma_start3A_105 = arith.constant 0 : i32
    %dma_start3A_106 = tpu.memref_slice %dma_start3A_103[%dma_start3A_104, %dma_start3A_105] : memref<416x128xf32, #tpu.memory_space<vmem>> -> memref<104x128xf32, #tpu.memory_space<vmem>>
    %dma_start3A_107 = arith.constant 3224 : i32
    %dma_start3A_108 = tpu.memref_slice %arg7[%dma_start3A_107] : memref<3328xi32, #tpu.memory_space<vmem>> -> memref<104xi32, #tpu.memory_space<vmem>>
    %dma_start3A_109 = arith.constant 0 : i32
    %dma_start3A_110 = arith.constant 0 : i32
    %dma_start3A_111 = tpu.memref_slice %arg2[%dma_start3A_109, %dma_start3A_110] : memref<325312x128xf32, #tpu.memory_space<hbm>> -> memref<325312x128xf32, #tpu.memory_space<hbm>>
    tpu.enqueue_indirect_dma source(%dma_start3A_111 : memref<325312x128xf32, #tpu.memory_space<hbm>>) target(%dma_start3A_106 : memref<104x128xf32, #tpu.memory_space<vmem>>) offsets(%dma_start3A_108 : memref<104xi32, #tpu.memory_space<vmem>>) semaphore(%arg11 : memref<!tpu.dma_semaphore, #tpu.memory_space<semaphore_mem>>)
    %dma_wait3A = arith.constant 0 : i32
    %dma_wait3A_112 = arith.constant 0 : i32
    %dma_wait3A_113 = arith.constant 0 : i32
    %dma_wait3A_114 = tpu.memref_slice %arg8[%dma_wait3A, %dma_wait3A_112, %dma_wait3A_113] : memref<2x416x128xf32, #tpu.memory_space<vmem>> -> memref<1x416x128xf32, #tpu.memory_space<vmem>>
    %dma_wait3A_115 = tpu.memref_squeeze %dma_wait3A_114 : memref<1x416x128xf32, #tpu.memory_space<vmem>> -> memref<416x128xf32, #tpu.memory_space<vmem>>
    %dma_wait3A_116 = arith.constant 0 : i32
    %dma_wait3A_117 = arith.constant 0 : i32
    %dma_wait3A_118 = tpu.memref_slice %arg2[%dma_wait3A_116, %dma_wait3A_117] : memref<325312x128xf32, #tpu.memory_space<hbm>> -> memref<416x128xf32, #tpu.memory_space<hbm>>
    %dma_wait3A_119 = arith.constant 0 : i32
    %dma_wait3A_120 = arith.constant 0 : i32
    %dma_wait3A_121 = tpu.memref_slice %arg8[%dma_wait3A, %dma_wait3A_119, %dma_wait3A_120] : memref<2x416x128xf32, #tpu.memory_space<vmem>> -> memref<1x416x128xf32, #tpu.memory_space<vmem>>
    %dma_wait3A_122 = tpu.memref_squeeze %dma_wait3A_121 : memref<1x416x128xf32, #tpu.memory_space<vmem>> -> memref<416x128xf32, #tpu.memory_space<vmem>>
    %dma_wait3A_123 = arith.constant 0 : i32
    %dma_wait3A_124 = arith.constant 0 : i32
    %dma_wait3A_125 = tpu.memref_slice %arg2[%dma_wait3A_123, %dma_wait3A_124] : memref<325312x128xf32, #tpu.memory_space<hbm>> -> memref<416x128xf32, #tpu.memory_space<hbm>>
    tpu.wait_dma2 semaphore(%arg10 : memref<!tpu.dma_semaphore, #tpu.memory_space<semaphore_mem>>) src(%dma_wait3A_125 : memref<416x128xf32, #tpu.memory_space<hbm>>) dst(%dma_wait3A_122 : memref<416x128xf32, #tpu.memory_space<vmem>>)
    %broadcast_in_dim3A_126 = arith.constant 0 : i32
    %broadcast_in_dim3A_127 = vector.broadcast %broadcast_in_dim3A_126 : i32 to vector<16xi32>
    %scan3A_128 = arith.constant 0 : i32
    %scan3A_129 = arith.constant 0 : i32
    %scan3A_130 = arith.constant 26 : i32
    %scan3A_131 = arith.addi %scan3A_129, %scan3A_130 : i32
    %scan3A_132 = arith.constant 1 : i32
    %scan3A_133:18 = scf.for %scan3A_238 = %scan3A_129 to %scan3A_131 step %scan3A_132 iter_args(%scan3A_239 = %broadcast_in_dim3A_3, %scan3A_240 = %broadcast_in_dim3A_127, %scan3A_241 = %broadcast_in_dim3A_3, %scan3A_242 = %broadcast_in_dim3A_3, %scan3A_243 = %broadcast_in_dim3A_3, %scan3A_244 = %broadcast_in_dim3A_3, %scan3A_245 = %broadcast_in_dim3A_3, %scan3A_246 = %broadcast_in_dim3A_3, %scan3A_247 = %broadcast_in_dim3A_3, %scan3A_248 = %broadcast_in_dim3A_3, %scan3A_249 = %broadcast_in_dim3A_3, %scan3A_250 = %broadcast_in_dim3A_3, %scan3A_251 = %broadcast_in_dim3A_3, %scan3A_252 = %broadcast_in_dim3A_3, %scan3A_253 = %broadcast_in_dim3A_3, %scan3A_254 = %broadcast_in_dim3A_3, %scan3A_255 = %broadcast_in_dim3A_3, %scan3A_256 = %broadcast_in_dim3A_3) -> (vector<16xf32>, vector<16xi32>, vector<16xf32>, vector<16xf32>, vector<16xf32>, vector<16xf32>, vector<16xf32>, vector<16xf32>, vector<16xf32>, vector<16xf32>, vector<16xf32>, vector<16xf32>, vector<16xf32>, vector<16xf32>, vector<16xf32>, vector<16xf32>, vector<16xf32>, vector<16xf32>)  : i32 {
      %mul3A_257 = arith.constant 26 : i32
      %mul3A_258 = vector.broadcast %mul3A_257 : i32 to vector<16xi32>
      %mul3A_259 = arith.muli %iota3A, %mul3A_258 : vector<16xi32>
      %add3A_260 = arith.constant 2496 : i32
      %add3A_261 = vector.broadcast %add3A_260 : i32 to vector<16xi32>
      %add3A_262 = arith.addi %add3A_261, %mul3A_259 : vector<16xi32>
      %add3A_263 = vector.broadcast %scan3A_238 : i32 to vector<16xi32>
      %add3A_264 = arith.addi %add3A_262, %add3A_263 : vector<16xi32>
      %gather3A = tpu.vector_load_idx %arg6[%add3A_264] : memref<3328xi32, #tpu.memory_space<vmem>>[vector<16xi32>], vector<16xi32>,
      %add3A_265 = arith.addi %scan3A_240, %gather3A : vector<16xi32>
      %mul3A_266 = arith.constant 26 : i32
      %mul3A_267 = vector.broadcast %mul3A_266 : i32 to vector<16xi32>
      %mul3A_268 = arith.muli %iota3A, %mul3A_267 : vector<16xi32>
      %add3A_269 = vector.broadcast %scan3A_238 : i32 to vector<16xi32>
      %add3A_270 = arith.addi %mul3A_268, %add3A_269 : vector<16xi32>
      %and3A = arith.constant 7 : i32
      %and3A_271 = vector.broadcast %and3A : i32 to vector<16xi32>
      %and3A_272 = arith.andi %gather3A, %and3A_271 : vector<16xi32>
      %mul3A_273 = arith.constant 16 : i32
      %mul3A_274 = vector.broadcast %mul3A_273 : i32 to vector<16xi32>
      %mul3A_275 = arith.muli %and3A_272, %mul3A_274 : vector<16xi32>
      %add3A_276 = arith.constant 0 : i32
      %add3A_277 = vector.broadcast %add3A_276 : i32 to vector<16xi32>
      %add3A_278 = arith.addi %mul3A_275, %add3A_277 : vector<16xi32>
      %gather3A_279 = arith.constant 0 : i32
      %gather3A_280 = arith.constant 0 : i32
      %gather3A_281 = tpu.memref_slice %arg8[%scan3A_128, %gather3A_279, %gather3A_280] : memref<2x416x128xf32, #tpu.memory_space<vmem>> -> memref<1x416x128xf32, #tpu.memory_space<vmem>>
      %gather3A_282 = tpu.memref_squeeze %gather3A_281 : memref<1x416x128xf32, #tpu.memory_space<vmem>> -> memref<416x128xf32, #tpu.memory_space<vmem>>
      %gather3A_283 = tpu.vector_load_idx %gather3A_282[%add3A_270, %add3A_278] : memref<416x128xf32, #tpu.memory_space<vmem>>[vector<16xi32>, vector<16xi32>], vector<16xf32>,
      %mul3A_284 = arith.mulf %gather3A_283, %gather3A_283 : vector<16xf32>
      %add3A_285 = arith.addf %scan3A_239, %mul3A_284 : vector<16xf32>
      %add3A_286 = arith.addf %scan3A_241, %gather3A_283 : vector<16xf32>
      %add3A_287 = arith.constant 1 : i32
      %add3A_288 = vector.broadcast %add3A_287 : i32 to vector<16xi32>
      %add3A_289 = arith.addi %mul3A_275, %add3A_288 : vector<16xi32>
      %gather3A_290 = arith.constant 0 : i32
      %gather3A_291 = arith.constant 0 : i32
      %gather3A_292 = tpu.memref_slice %arg8[%scan3A_128, %gather3A_290, %gather3A_291] : memref<2x416x128xf32, #tpu.memory_space<vmem>> -> memref<1x416x128xf32, #tpu.memory_space<vmem>>
      %gather3A_293 = tpu.memref_squeeze %gather3A_292 : memref<1x416x128xf32, #tpu.memory_space<vmem>> -> memref<416x128xf32, #tpu.memory_space<vmem>>
      %gather3A_294 = tpu.vector_load_idx %gather3A_293[%add3A_270, %add3A_289] : memref<416x128xf32, #tpu.memory_space<vmem>>[vector<16xi32>, vector<16xi32>], vector<16xf32>,
      %mul3A_295 = arith.mulf %gather3A_294, %gather3A_294 : vector<16xf32>
      %add3A_296 = arith.addf %add3A_285, %mul3A_295 : vector<16xf32>
      %add3A_297 = arith.addf %scan3A_242, %gather3A_294 : vector<16xf32>
      %add3A_298 = arith.constant 2 : i32
      %add3A_299 = vector.broadcast %add3A_298 : i32 to vector<16xi32>
      %add3A_300 = arith.addi %mul3A_275, %add3A_299 : vector<16xi32>
      %gather3A_301 = arith.constant 0 : i32
      %gather3A_302 = arith.constant 0 : i32
      %gather3A_303 = tpu.memref_slice %arg8[%scan3A_128, %gather3A_301, %gather3A_302] : memref<2x416x128xf32, #tpu.memory_space<vmem>> -> memref<1x416x128xf32, #tpu.memory_space<vmem>>
      %gather3A_304 = tpu.memref_squeeze %gather3A_303 : memref<1x416x128xf32, #tpu.memory_space<vmem>> -> memref<416x128xf32, #tpu.memory_space<vmem>>
      %gather3A_305 = tpu.vector_load_idx %gather3A_304[%add3A_270, %add3A_300] : memref<416x128xf32, #tpu.memory_space<vmem>>[vector<16xi32>, vector<16xi32>], vector<16xf32>,
      %mul3A_306 = arith.mulf %gather3A_305, %gather3A_305 : vector<16xf32>
      %add3A_307 = arith.addf %add3A_296, %mul3A_306 : vector<16xf32>
      %add3A_308 = arith.addf %scan3A_243, %gather3A_305 : vector<16xf32>
      %add3A_309 = arith.constant 3 : i32
      %add3A_310 = vector.broadcast %add3A_309 : i32 to vector<16xi32>
      %add3A_311 = arith.addi %mul3A_275, %add3A_310 : vector<16xi32>
      %gather3A_312 = arith.constant 0 : i32
      %gather3A_313 = arith.constant 0 : i32
      %gather3A_314 = tpu.memref_slice %arg8[%scan3A_128, %gather3A_312, %gather3A_313] : memref<2x416x128xf32, #tpu.memory_space<vmem>> -> memref<1x416x128xf32, #tpu.memory_space<vmem>>
      %gather3A_315 = tpu.memref_squeeze %gather3A_314 : memref<1x416x128xf32, #tpu.memory_space<vmem>> -> memref<416x128xf32, #tpu.memory_space<vmem>>
      %gather3A_316 = tpu.vector_load_idx %gather3A_315[%add3A_270, %add3A_311] : memref<416x128xf32, #tpu.memory_space<vmem>>[vector<16xi32>, vector<16xi32>], vector<16xf32>,
      %mul3A_317 = arith.mulf %gather3A_316, %gather3A_316 : vector<16xf32>
      %add3A_318 = arith.addf %add3A_307, %mul3A_317 : vector<16xf32>
      %add3A_319 = arith.addf %scan3A_244, %gather3A_316 : vector<16xf32>
      %add3A_320 = arith.constant 4 : i32
      %add3A_321 = vector.broadcast %add3A_320 : i32 to vector<16xi32>
      %add3A_322 = arith.addi %mul3A_275, %add3A_321 : vector<16xi32>
      %gather3A_323 = arith.constant 0 : i32
      %gather3A_324 = arith.constant 0 : i32
      %gather3A_325 = tpu.memref_slice %arg8[%scan3A_128, %gather3A_323, %gather3A_324] : memref<2x416x128xf32, #tpu.memory_space<vmem>> -> memref<1x416x128xf32, #tpu.memory_space<vmem>>
      %gather3A_326 = tpu.memref_squeeze %gather3A_325 : memref<1x416x128xf32, #tpu.memory_space<vmem>> -> memref<416x128xf32, #tpu.memory_space<vmem>>
      %gather3A_327 = tpu.vector_load_idx %gather3A_326[%add3A_270, %add3A_322] : memref<416x128xf32, #tpu.memory_space<vmem>>[vector<16xi32>, vector<16xi32>], vector<16xf32>,
      %mul3A_328 = arith.mulf %gather3A_327, %gather3A_327 : vector<16xf32>
      %add3A_329 = arith.addf %add3A_318, %mul3A_328 : vector<16xf32>
      %add3A_330 = arith.addf %scan3A_245, %gather3A_327 : vector<16xf32>
      %add3A_331 = arith.constant 5 : i32
      %add3A_332 = vector.broadcast %add3A_331 : i32 to vector<16xi32>
      %add3A_333 = arith.addi %mul3A_275, %add3A_332 : vector<16xi32>
      %gather3A_334 = arith.constant 0 : i32
      %gather3A_335 = arith.constant 0 : i32
      %gather3A_336 = tpu.memref_slice %arg8[%scan3A_128, %gather3A_334, %gather3A_335] : memref<2x416x128xf32, #tpu.memory_space<vmem>> -> memref<1x416x128xf32, #tpu.memory_space<vmem>>
      %gather3A_337 = tpu.memref_squeeze %gather3A_336 : memref<1x416x128xf32, #tpu.memory_space<vmem>> -> memref<416x128xf32, #tpu.memory_space<vmem>>
      %gather3A_338 = tpu.vector_load_idx %gather3A_337[%add3A_270, %add3A_333] : memref<416x128xf32, #tpu.memory_space<vmem>>[vector<16xi32>, vector<16xi32>], vector<16xf32>,
      %mul3A_339 = arith.mulf %gather3A_338, %gather3A_338 : vector<16xf32>
      %add3A_340 = arith.addf %add3A_329, %mul3A_339 : vector<16xf32>
      %add3A_341 = arith.addf %scan3A_246, %gather3A_338 : vector<16xf32>
      %add3A_342 = arith.constant 6 : i32
      %add3A_343 = vector.broadcast %add3A_342 : i32 to vector<16xi32>
      %add3A_344 = arith.addi %mul3A_275, %add3A_343 : vector<16xi32>
      %gather3A_345 = arith.constant 0 : i32
      %gather3A_346 = arith.constant 0 : i32
      %gather3A_347 = tpu.memref_slice %arg8[%scan3A_128, %gather3A_345, %gather3A_346] : memref<2x416x128xf32, #tpu.memory_space<vmem>> -> memref<1x416x128xf32, #tpu.memory_space<vmem>>
      %gather3A_348 = tpu.memref_squeeze %gather3A_347 : memref<1x416x128xf32, #tpu.memory_space<vmem>> -> memref<416x128xf32, #tpu.memory_space<vmem>>
      %gather3A_349 = tpu.vector_load_idx %gather3A_348[%add3A_270, %add3A_344] : memref<416x128xf32, #tpu.memory_space<vmem>>[vector<16xi32>, vector<16xi32>], vector<16xf32>,
      %mul3A_350 = arith.mulf %gather3A_349, %gather3A_349 : vector<16xf32>
      %add3A_351 = arith.addf %add3A_340, %mul3A_350 : vector<16xf32>
      %add3A_352 = arith.addf %scan3A_247, %gather3A_349 : vector<16xf32>
      %add3A_353 = arith.constant 7 : i32
      %add3A_354 = vector.broadcast %add3A_353 : i32 to vector<16xi32>
      %add3A_355 = arith.addi %mul3A_275, %add3A_354 : vector<16xi32>
      %gather3A_356 = arith.constant 0 : i32
      %gather3A_357 = arith.constant 0 : i32
      %gather3A_358 = tpu.memref_slice %arg8[%scan3A_128, %gather3A_356, %gather3A_357] : memref<2x416x128xf32, #tpu.memory_space<vmem>> -> memref<1x416x128xf32, #tpu.memory_space<vmem>>
      %gather3A_359 = tpu.memref_squeeze %gather3A_358 : memref<1x416x128xf32, #tpu.memory_space<vmem>> -> memref<416x128xf32, #tpu.memory_space<vmem>>
      %gather3A_360 = tpu.vector_load_idx %gather3A_359[%add3A_270, %add3A_355] : memref<416x128xf32, #tpu.memory_space<vmem>>[vector<16xi32>, vector<16xi32>], vector<16xf32>,
      %mul3A_361 = arith.mulf %gather3A_360, %gather3A_360 : vector<16xf32>
      %add3A_362 = arith.addf %add3A_351, %mul3A_361 : vector<16xf32>
      %add3A_363 = arith.addf %scan3A_248, %gather3A_360 : vector<16xf32>
      %add3A_364 = arith.constant 8 : i32
      %add3A_365 = vector.broadcast %add3A_364 : i32 to vector<16xi32>
      %add3A_366 = arith.addi %mul3A_275, %add3A_365 : vector<16xi32>
      %gather3A_367 = arith.constant 0 : i32
      %gather3A_368 = arith.constant 0 : i32
      %gather3A_369 = tpu.memref_slice %arg8[%scan3A_128, %gather3A_367, %gather3A_368] : memref<2x416x128xf32, #tpu.memory_space<vmem>> -> memref<1x416x128xf32, #tpu.memory_space<vmem>>
      %gather3A_370 = tpu.memref_squeeze %gather3A_369 : memref<1x416x128xf32, #tpu.memory_space<vmem>> -> memref<416x128xf32, #tpu.memory_space<vmem>>
      %gather3A_371 = tpu.vector_load_idx %gather3A_370[%add3A_270, %add3A_366] : memref<416x128xf32, #tpu.memory_space<vmem>>[vector<16xi32>, vector<16xi32>], vector<16xf32>,
      %mul3A_372 = arith.mulf %gather3A_371, %gather3A_371 : vector<16xf32>
      %add3A_373 = arith.addf %add3A_362, %mul3A_372 : vector<16xf32>
      %add3A_374 = arith.addf %scan3A_249, %gather3A_371 : vector<16xf32>
      %add3A_375 = arith.constant 9 : i32
      %add3A_376 = vector.broadcast %add3A_375 : i32 to vector<16xi32>
      %add3A_377 = arith.addi %mul3A_275, %add3A_376 : vector<16xi32>
      %gather3A_378 = arith.constant 0 : i32
      %gather3A_379 = arith.constant 0 : i32
      %gather3A_380 = tpu.memref_slice %arg8[%scan3A_128, %gather3A_378, %gather3A_379] : memref<2x416x128xf32, #tpu.memory_space<vmem>> -> memref<1x416x128xf32, #tpu.memory_space<vmem>>
      %gather3A_381 = tpu.memref_squeeze %gather3A_380 : memref<1x416x128xf32, #tpu.memory_space<vmem>> -> memref<416x128xf32, #tpu.memory_space<vmem>>
      %gather3A_382 = tpu.vector_load_idx %gather3A_381[%add3A_270, %add3A_377] : memref<416x128xf32, #tpu.memory_space<vmem>>[vector<16xi32>, vector<16xi32>], vector<16xf32>,
      %mul3A_383 = arith.mulf %gather3A_382, %gather3A_382 : vector<16xf32>
      %add3A_384 = arith.addf %add3A_373, %mul3A_383 : vector<16xf32>
      %add3A_385 = arith.addf %scan3A_250, %gather3A_382 : vector<16xf32>
      %add3A_386 = arith.constant 10 : i32
      %add3A_387 = vector.broadcast %add3A_386 : i32 to vector<16xi32>
      %add3A_388 = arith.addi %mul3A_275, %add3A_387 : vector<16xi32>
      %gather3A_389 = arith.constant 0 : i32
      %gather3A_390 = arith.constant 0 : i32
      %gather3A_391 = tpu.memref_slice %arg8[%scan3A_128, %gather3A_389, %gather3A_390] : memref<2x416x128xf32, #tpu.memory_space<vmem>> -> memref<1x416x128xf32, #tpu.memory_space<vmem>>
      %gather3A_392 = tpu.memref_squeeze %gather3A_391 : memref<1x416x128xf32, #tpu.memory_space<vmem>> -> memref<416x128xf32, #tpu.memory_space<vmem>>
      %gather3A_393 = tpu.vector_load_idx %gather3A_392[%add3A_270, %add3A_388] : memref<416x128xf32, #tpu.memory_space<vmem>>[vector<16xi32>, vector<16xi32>], vector<16xf32>,
      %mul3A_394 = arith.mulf %gather3A_393, %gather3A_393 : vector<16xf32>
      %add3A_395 = arith.addf %add3A_384, %mul3A_394 : vector<16xf32>
      %add3A_396 = arith.addf %scan3A_251, %gather3A_393 : vector<16xf32>
      %add3A_397 = arith.constant 11 : i32
      %add3A_398 = vector.broadcast %add3A_397 : i32 to vector<16xi32>
      %add3A_399 = arith.addi %mul3A_275, %add3A_398 : vector<16xi32>
      %gather3A_400 = arith.constant 0 : i32
      %gather3A_401 = arith.constant 0 : i32
      %gather3A_402 = tpu.memref_slice %arg8[%scan3A_128, %gather3A_400, %gather3A_401] : memref<2x416x128xf32, #tpu.memory_space<vmem>> -> memref<1x416x128xf32, #tpu.memory_space<vmem>>
      %gather3A_403 = tpu.memref_squeeze %gather3A_402 : memref<1x416x128xf32, #tpu.memory_space<vmem>> -> memref<416x128xf32, #tpu.memory_space<vmem>>
      %gather3A_404 = tpu.vector_load_idx %gather3A_403[%add3A_270, %add3A_399] : memref<416x128xf32, #tpu.memory_space<vmem>>[vector<16xi32>, vector<16xi32>], vector<16xf32>,
      %mul3A_405 = arith.mulf %gather3A_404, %gather3A_404 : vector<16xf32>
      %add3A_406 = arith.addf %add3A_395, %mul3A_405 : vector<16xf32>
      %add3A_407 = arith.addf %scan3A_252, %gather3A_404 : vector<16xf32>
      %add3A_408 = arith.constant 12 : i32
      %add3A_409 = vector.broadcast %add3A_408 : i32 to vector<16xi32>
      %add3A_410 = arith.addi %mul3A_275, %add3A_409 : vector<16xi32>
      %gather3A_411 = arith.constant 0 : i32
      %gather3A_412 = arith.constant 0 : i32
      %gather3A_413 = tpu.memref_slice %arg8[%scan3A_128, %gather3A_411, %gather3A_412] : memref<2x416x128xf32, #tpu.memory_space<vmem>> -> memref<1x416x128xf32, #tpu.memory_space<vmem>>
      %gather3A_414 = tpu.memref_squeeze %gather3A_413 : memref<1x416x128xf32, #tpu.memory_space<vmem>> -> memref<416x128xf32, #tpu.memory_space<vmem>>
      %gather3A_415 = tpu.vector_load_idx %gather3A_414[%add3A_270, %add3A_410] : memref<416x128xf32, #tpu.memory_space<vmem>>[vector<16xi32>, vector<16xi32>], vector<16xf32>,
      %mul3A_416 = arith.mulf %gather3A_415, %gather3A_415 : vector<16xf32>
      %add3A_417 = arith.addf %add3A_406, %mul3A_416 : vector<16xf32>
      %add3A_418 = arith.addf %scan3A_253, %gather3A_415 : vector<16xf32>
      %add3A_419 = arith.constant 13 : i32
      %add3A_420 = vector.broadcast %add3A_419 : i32 to vector<16xi32>
      %add3A_421 = arith.addi %mul3A_275, %add3A_420 : vector<16xi32>
      %gather3A_422 = arith.constant 0 : i32
      %gather3A_423 = arith.constant 0 : i32
      %gather3A_424 = tpu.memref_slice %arg8[%scan3A_128, %gather3A_422, %gather3A_423] : memref<2x416x128xf32, #tpu.memory_space<vmem>> -> memref<1x416x128xf32, #tpu.memory_space<vmem>>
      %gather3A_425 = tpu.memref_squeeze %gather3A_424 : memref<1x416x128xf32, #tpu.memory_space<vmem>> -> memref<416x128xf32, #tpu.memory_space<vmem>>
      %gather3A_426 = tpu.vector_load_idx %gather3A_425[%add3A_270, %add3A_421] : memref<416x128xf32, #tpu.memory_space<vmem>>[vector<16xi32>, vector<16xi32>], vector<16xf32>,
      %mul3A_427 = arith.mulf %gather3A_426, %gather3A_426 : vector<16xf32>
      %add3A_428 = arith.addf %add3A_417, %mul3A_427 : vector<16xf32>
      %add3A_429 = arith.addf %scan3A_254, %gather3A_426 : vector<16xf32>
      %add3A_430 = arith.constant 14 : i32
      %add3A_431 = vector.broadcast %add3A_430 : i32 to vector<16xi32>
      %add3A_432 = arith.addi %mul3A_275, %add3A_431 : vector<16xi32>
      %gather3A_433 = arith.constant 0 : i32
      %gather3A_434 = arith.constant 0 : i32
      %gather3A_435 = tpu.memref_slice %arg8[%scan3A_128, %gather3A_433, %gather3A_434] : memref<2x416x128xf32, #tpu.memory_space<vmem>> -> memref<1x416x128xf32, #tpu.memory_space<vmem>>
      %gather3A_436 = tpu.memref_squeeze %gather3A_435 : memref<1x416x128xf32, #tpu.memory_space<vmem>> -> memref<416x128xf32, #tpu.memory_space<vmem>>
      %gather3A_437 = tpu.vector_load_idx %gather3A_436[%add3A_270, %add3A_432] : memref<416x128xf32, #tpu.memory_space<vmem>>[vector<16xi32>, vector<16xi32>], vector<16xf32>,
      %mul3A_438 = arith.mulf %gather3A_437, %gather3A_437 : vector<16xf32>
      %add3A_439 = arith.addf %add3A_428, %mul3A_438 : vector<16xf32>
      %add3A_440 = arith.addf %scan3A_255, %gather3A_437 : vector<16xf32>
      %add3A_441 = arith.constant 15 : i32
      %add3A_442 = vector.broadcast %add3A_441 : i32 to vector<16xi32>
      %add3A_443 = arith.addi %mul3A_275, %add3A_442 : vector<16xi32>
      %gather3A_444 = arith.constant 0 : i32
      %gather3A_445 = arith.constant 0 : i32
      %gather3A_446 = tpu.memref_slice %arg8[%scan3A_128, %gather3A_444, %gather3A_445] : memref<2x416x128xf32, #tpu.memory_space<vmem>> -> memref<1x416x128xf32, #tpu.memory_space<vmem>>
      %gather3A_447 = tpu.memref_squeeze %gather3A_446 : memref<1x416x128xf32, #tpu.memory_space<vmem>> -> memref<416x128xf32, #tpu.memory_space<vmem>>
      %gather3A_448 = tpu.vector_load_idx %gather3A_447[%add3A_270, %add3A_443] : memref<416x128xf32, #tpu.memory_space<vmem>>[vector<16xi32>, vector<16xi32>], vector<16xf32>,
      %mul3A_449 = arith.mulf %gather3A_448, %gather3A_448 : vector<16xf32>
      %add3A_450 = arith.addf %add3A_439, %mul3A_449 : vector<16xf32>
      %add3A_451 = arith.addf %scan3A_256, %gather3A_448 : vector<16xf32>
      scf.yield %add3A_450, %add3A_265, %add3A_286, %add3A_297, %add3A_308, %add3A_319, %add3A_330, %add3A_341, %add3A_352, %add3A_363, %add3A_374, %add3A_385, %add3A_396, %add3A_407, %add3A_418, %add3A_429, %add3A_440, %add3A_451 : vector<16xf32>, vector<16xi32>, vector<16xf32>, vector<16xf32>, vector<16xf32>, vector<16xf32>, vector<16xf32>, vector<16xf32>, vector<16xf32>, vector<16xf32>, vector<16xf32>, vector<16xf32>, vector<16xf32>, vector<16xf32>, vector<16xf32>, vector<16xf32>, vector<16xf32>, vector<16xf32>
    }
    %scan3A_134 = arith.constant 26 : i32
    %mul3A_135 = arith.mulf %scan3A_133#2, %scan3A_133#2 : vector<16xf32>
    %add3A_136 = arith.addf %broadcast_in_dim3A_3, %mul3A_135 : vector<16xf32>
    %mul3A_137 = arith.mulf %scan3A_133#3, %scan3A_133#3 : vector<16xf32>
    %add3A_138 = arith.addf %add3A_136, %mul3A_137 : vector<16xf32>
    %mul3A_139 = arith.mulf %scan3A_133#4, %scan3A_133#4 : vector<16xf32>
    %add3A_140 = arith.addf %add3A_138, %mul3A_139 : vector<16xf32>
    %mul3A_141 = arith.mulf %scan3A_133#5, %scan3A_133#5 : vector<16xf32>
    %add3A_142 = arith.addf %add3A_140, %mul3A_141 : vector<16xf32>
    %mul3A_143 = arith.mulf %scan3A_133#6, %scan3A_133#6 : vector<16xf32>
    %add3A_144 = arith.addf %add3A_142, %mul3A_143 : vector<16xf32>
    %mul3A_145 = arith.mulf %scan3A_133#7, %scan3A_133#7 : vector<16xf32>
    %add3A_146 = arith.addf %add3A_144, %mul3A_145 : vector<16xf32>
    %mul3A_147 = arith.mulf %scan3A_133#8, %scan3A_133#8 : vector<16xf32>
    %add3A_148 = arith.addf %add3A_146, %mul3A_147 : vector<16xf32>
    %mul3A_149 = arith.mulf %scan3A_133#9, %scan3A_133#9 : vector<16xf32>
    %add3A_150 = arith.addf %add3A_148, %mul3A_149 : vector<16xf32>
    %mul3A_151 = arith.mulf %scan3A_133#10, %scan3A_133#10 : vector<16xf32>
    %add3A_152 = arith.addf %add3A_150, %mul3A_151 : vector<16xf32>
    %mul3A_153 = arith.mulf %scan3A_133#11, %scan3A_133#11 : vector<16xf32>
    %add3A_154 = arith.addf %add3A_152, %mul3A_153 : vector<16xf32>
    %mul3A_155 = arith.mulf %scan3A_133#12, %scan3A_133#12 : vector<16xf32>
    %add3A_156 = arith.addf %add3A_154, %mul3A_155 : vector<16xf32>
    %mul3A_157 = arith.mulf %scan3A_133#13, %scan3A_133#13 : vector<16xf32>
    %add3A_158 = arith.addf %add3A_156, %mul3A_157 : vector<16xf32>
    %mul3A_159 = arith.mulf %scan3A_133#14, %scan3A_133#14 : vector<16xf32>
    %add3A_160 = arith.addf %add3A_158, %mul3A_159 : vector<16xf32>
    %mul3A_161 = arith.mulf %scan3A_133#15, %scan3A_133#15 : vector<16xf32>
    %add3A_162 = arith.addf %add3A_160, %mul3A_161 : vector<16xf32>
    %mul3A_163 = arith.mulf %scan3A_133#16, %scan3A_133#16 : vector<16xf32>
    %add3A_164 = arith.addf %add3A_162, %mul3A_163 : vector<16xf32>
    %mul3A_165 = arith.mulf %scan3A_133#17, %scan3A_133#17 : vector<16xf32>
    %add3A_166 = arith.addf %add3A_164, %mul3A_165 : vector<16xf32>
    %sub3A = arith.subf %add3A_166, %scan3A_133#0 : vector<16xf32>
    %mul3A_167 = arith.constant 5.000000e-01 : f32
    %mul3A_168 = vector.broadcast %mul3A_167 : f32 to vector<16xf32>
    %mul3A_169 = arith.mulf %mul3A_168, %sub3A : vector<16xf32>
    %convert_element_type3A = arith.sitofp %scan3A_133#1 : vector<16xi32> to vector<16xf32>
    %add3A_170 = arith.addf %mul3A_169, %convert_element_type3A : vector<16xf32>
    %swap3A = arith.constant 96 : index
    %swap3A_171 = tpu.vector_load %arg9[%swap3A] {strides = array<i32>} : memref<128xf32, #tpu.memory_space<vmem>>, vector<16xf32>,
    tpu.vector_store %arg9[%swap3A], %add3A_170 {strides = array<i32>} : memref<128xf32, #tpu.memory_space<vmem>>, vector<16xf32>,
    %dma_wait3A_172 = arith.constant 1 : i32
    %dma_wait3A_173 = arith.constant 0 : i32
    %dma_wait3A_174 = arith.constant 0 : i32
    %dma_wait3A_175 = tpu.memref_slice %arg8[%dma_wait3A_172, %dma_wait3A_173, %dma_wait3A_174] : memref<2x416x128xf32, #tpu.memory_space<vmem>> -> memref<1x416x128xf32, #tpu.memory_space<vmem>>
    %dma_wait3A_176 = tpu.memref_squeeze %dma_wait3A_175 : memref<1x416x128xf32, #tpu.memory_space<vmem>> -> memref<416x128xf32, #tpu.memory_space<vmem>>
    %dma_wait3A_177 = arith.constant 0 : i32
    %dma_wait3A_178 = arith.constant 0 : i32
    %dma_wait3A_179 = tpu.memref_slice %arg2[%dma_wait3A_177, %dma_wait3A_178] : memref<325312x128xf32, #tpu.memory_space<hbm>> -> memref<416x128xf32, #tpu.memory_space<hbm>>
    %dma_wait3A_180 = arith.constant 0 : i32
    %dma_wait3A_181 = arith.constant 0 : i32
    %dma_wait3A_182 = tpu.memref_slice %arg8[%dma_wait3A_172, %dma_wait3A_180, %dma_wait3A_181] : memref<2x416x128xf32, #tpu.memory_space<vmem>> -> memref<1x416x128xf32, #tpu.memory_space<vmem>>
    %dma_wait3A_183 = tpu.memref_squeeze %dma_wait3A_182 : memref<1x416x128xf32, #tpu.memory_space<vmem>> -> memref<416x128xf32, #tpu.memory_space<vmem>>
    %dma_wait3A_184 = arith.constant 0 : i32
    %dma_wait3A_185 = arith.constant 0 : i32
    %dma_wait3A_186 = tpu.memref_slice %arg2[%dma_wait3A_184, %dma_wait3A_185] : memref<325312x128xf32, #tpu.memory_space<hbm>> -> memref<416x128xf32, #tpu.memory_space<hbm>>
    tpu.wait_dma2 semaphore(%arg11 : memref<!tpu.dma_semaphore, #tpu.memory_space<semaphore_mem>>) src(%dma_wait3A_186 : memref<416x128xf32, #tpu.memory_space<hbm>>) dst(%dma_wait3A_183 : memref<416x128xf32, #tpu.memory_space<vmem>>)
    %broadcast_in_dim3A_187 = arith.constant 0 : i32
    %broadcast_in_dim3A_188 = vector.broadcast %broadcast_in_dim3A_187 : i32 to vector<16xi32>
    %scan3A_189 = arith.constant 1 : i32
    %scan3A_190 = arith.constant 0 : i32
    %scan3A_191 = arith.constant 26 : i32
    %scan3A_192 = arith.addi %scan3A_190, %scan3A_191 : i32
    %scan3A_193 = arith.constant 1 : i32
    %scan3A_194:18 = scf.for %scan3A_238 = %scan3A_190 to %scan3A_192 step %scan3A_193 iter_args(%scan3A_239 = %broadcast_in_dim3A_3, %scan3A_240 = %broadcast_in_dim3A_188, %scan3A_241 = %broadcast_in_dim3A_3, %scan3A_242 = %broadcast_in_dim3A_3, %scan3A_243 = %broadcast_in_dim3A_3, %scan3A_244 = %broadcast_in_dim3A_3, %scan3A_245 = %broadcast_in_dim3A_3, %scan3A_246 = %broadcast_in_dim3A_3, %scan3A_247 = %broadcast_in_dim3A_3, %scan3A_248 = %broadcast_in_dim3A_3, %scan3A_249 = %broadcast_in_dim3A_3, %scan3A_250 = %broadcast_in_dim3A_3, %scan3A_251 = %broadcast_in_dim3A_3, %scan3A_252 = %broadcast_in_dim3A_3, %scan3A_253 = %broadcast_in_dim3A_3, %scan3A_254 = %broadcast_in_dim3A_3, %scan3A_255 = %broadcast_in_dim3A_3, %scan3A_256 = %broadcast_in_dim3A_3) -> (vector<16xf32>, vector<16xi32>, vector<16xf32>, vector<16xf32>, vector<16xf32>, vector<16xf32>, vector<16xf32>, vector<16xf32>, vector<16xf32>, vector<16xf32>, vector<16xf32>, vector<16xf32>, vector<16xf32>, vector<16xf32>, vector<16xf32>, vector<16xf32>, vector<16xf32>, vector<16xf32>)  : i32 {
      %mul3A_257 = arith.constant 26 : i32
      %mul3A_258 = vector.broadcast %mul3A_257 : i32 to vector<16xi32>
      %mul3A_259 = arith.muli %iota3A, %mul3A_258 : vector<16xi32>
      %add3A_260 = arith.constant 2912 : i32
      %add3A_261 = vector.broadcast %add3A_260 : i32 to vector<16xi32>
      %add3A_262 = arith.addi %add3A_261, %mul3A_259 : vector<16xi32>
      %add3A_263 = vector.broadcast %scan3A_238 : i32 to vector<16xi32>
      %add3A_264 = arith.addi %add3A_262, %add3A_263 : vector<16xi32>
      %gather3A = tpu.vector_load_idx %arg6[%add3A_264] : memref<3328xi32, #tpu.memory_space<vmem>>[vector<16xi32>], vector<16xi32>,
      %add3A_265 = arith.addi %scan3A_240, %gather3A : vector<16xi32>
      %mul3A_266 = arith.constant 26 : i32
      %mul3A_267 = vector.broadcast %mul3A_266 : i32 to vector<16xi32>
      %mul3A_268 = arith.muli %iota3A, %mul3A_267 : vector<16xi32>
      %add3A_269 = vector.broadcast %scan3A_238 : i32 to vector<16xi32>
      %add3A_270 = arith.addi %mul3A_268, %add3A_269 : vector<16xi32>
      %and3A = arith.constant 7 : i32
      %and3A_271 = vector.broadcast %and3A : i32 to vector<16xi32>
      %and3A_272 = arith.andi %gather3A, %and3A_271 : vector<16xi32>
      %mul3A_273 = arith.constant 16 : i32
      %mul3A_274 = vector.broadcast %mul3A_273 : i32 to vector<16xi32>
      %mul3A_275 = arith.muli %and3A_272, %mul3A_274 : vector<16xi32>
      %add3A_276 = arith.constant 0 : i32
      %add3A_277 = vector.broadcast %add3A_276 : i32 to vector<16xi32>
      %add3A_278 = arith.addi %mul3A_275, %add3A_277 : vector<16xi32>
      %gather3A_279 = arith.constant 0 : i32
      %gather3A_280 = arith.constant 0 : i32
      %gather3A_281 = tpu.memref_slice %arg8[%scan3A_189, %gather3A_279, %gather3A_280] : memref<2x416x128xf32, #tpu.memory_space<vmem>> -> memref<1x416x128xf32, #tpu.memory_space<vmem>>
      %gather3A_282 = tpu.memref_squeeze %gather3A_281 : memref<1x416x128xf32, #tpu.memory_space<vmem>> -> memref<416x128xf32, #tpu.memory_space<vmem>>
      %gather3A_283 = tpu.vector_load_idx %gather3A_282[%add3A_270, %add3A_278] : memref<416x128xf32, #tpu.memory_space<vmem>>[vector<16xi32>, vector<16xi32>], vector<16xf32>,
      %mul3A_284 = arith.mulf %gather3A_283, %gather3A_283 : vector<16xf32>
      %add3A_285 = arith.addf %scan3A_239, %mul3A_284 : vector<16xf32>
      %add3A_286 = arith.addf %scan3A_241, %gather3A_283 : vector<16xf32>
      %add3A_287 = arith.constant 1 : i32
      %add3A_288 = vector.broadcast %add3A_287 : i32 to vector<16xi32>
      %add3A_289 = arith.addi %mul3A_275, %add3A_288 : vector<16xi32>
      %gather3A_290 = arith.constant 0 : i32
      %gather3A_291 = arith.constant 0 : i32
      %gather3A_292 = tpu.memref_slice %arg8[%scan3A_189, %gather3A_290, %gather3A_291] : memref<2x416x128xf32, #tpu.memory_space<vmem>> -> memref<1x416x128xf32, #tpu.memory_space<vmem>>
      %gather3A_293 = tpu.memref_squeeze %gather3A_292 : memref<1x416x128xf32, #tpu.memory_space<vmem>> -> memref<416x128xf32, #tpu.memory_space<vmem>>
      %gather3A_294 = tpu.vector_load_idx %gather3A_293[%add3A_270, %add3A_289] : memref<416x128xf32, #tpu.memory_space<vmem>>[vector<16xi32>, vector<16xi32>], vector<16xf32>,
      %mul3A_295 = arith.mulf %gather3A_294, %gather3A_294 : vector<16xf32>
      %add3A_296 = arith.addf %add3A_285, %mul3A_295 : vector<16xf32>
      %add3A_297 = arith.addf %scan3A_242, %gather3A_294 : vector<16xf32>
      %add3A_298 = arith.constant 2 : i32
      %add3A_299 = vector.broadcast %add3A_298 : i32 to vector<16xi32>
      %add3A_300 = arith.addi %mul3A_275, %add3A_299 : vector<16xi32>
      %gather3A_301 = arith.constant 0 : i32
      %gather3A_302 = arith.constant 0 : i32
      %gather3A_303 = tpu.memref_slice %arg8[%scan3A_189, %gather3A_301, %gather3A_302] : memref<2x416x128xf32, #tpu.memory_space<vmem>> -> memref<1x416x128xf32, #tpu.memory_space<vmem>>
      %gather3A_304 = tpu.memref_squeeze %gather3A_303 : memref<1x416x128xf32, #tpu.memory_space<vmem>> -> memref<416x128xf32, #tpu.memory_space<vmem>>
      %gather3A_305 = tpu.vector_load_idx %gather3A_304[%add3A_270, %add3A_300] : memref<416x128xf32, #tpu.memory_space<vmem>>[vector<16xi32>, vector<16xi32>], vector<16xf32>,
      %mul3A_306 = arith.mulf %gather3A_305, %gather3A_305 : vector<16xf32>
      %add3A_307 = arith.addf %add3A_296, %mul3A_306 : vector<16xf32>
      %add3A_308 = arith.addf %scan3A_243, %gather3A_305 : vector<16xf32>
      %add3A_309 = arith.constant 3 : i32
      %add3A_310 = vector.broadcast %add3A_309 : i32 to vector<16xi32>
      %add3A_311 = arith.addi %mul3A_275, %add3A_310 : vector<16xi32>
      %gather3A_312 = arith.constant 0 : i32
      %gather3A_313 = arith.constant 0 : i32
      %gather3A_314 = tpu.memref_slice %arg8[%scan3A_189, %gather3A_312, %gather3A_313] : memref<2x416x128xf32, #tpu.memory_space<vmem>> -> memref<1x416x128xf32, #tpu.memory_space<vmem>>
      %gather3A_315 = tpu.memref_squeeze %gather3A_314 : memref<1x416x128xf32, #tpu.memory_space<vmem>> -> memref<416x128xf32, #tpu.memory_space<vmem>>
      %gather3A_316 = tpu.vector_load_idx %gather3A_315[%add3A_270, %add3A_311] : memref<416x128xf32, #tpu.memory_space<vmem>>[vector<16xi32>, vector<16xi32>], vector<16xf32>,
      %mul3A_317 = arith.mulf %gather3A_316, %gather3A_316 : vector<16xf32>
      %add3A_318 = arith.addf %add3A_307, %mul3A_317 : vector<16xf32>
      %add3A_319 = arith.addf %scan3A_244, %gather3A_316 : vector<16xf32>
      %add3A_320 = arith.constant 4 : i32
      %add3A_321 = vector.broadcast %add3A_320 : i32 to vector<16xi32>
      %add3A_322 = arith.addi %mul3A_275, %add3A_321 : vector<16xi32>
      %gather3A_323 = arith.constant 0 : i32
      %gather3A_324 = arith.constant 0 : i32
      %gather3A_325 = tpu.memref_slice %arg8[%scan3A_189, %gather3A_323, %gather3A_324] : memref<2x416x128xf32, #tpu.memory_space<vmem>> -> memref<1x416x128xf32, #tpu.memory_space<vmem>>
      %gather3A_326 = tpu.memref_squeeze %gather3A_325 : memref<1x416x128xf32, #tpu.memory_space<vmem>> -> memref<416x128xf32, #tpu.memory_space<vmem>>
      %gather3A_327 = tpu.vector_load_idx %gather3A_326[%add3A_270, %add3A_322] : memref<416x128xf32, #tpu.memory_space<vmem>>[vector<16xi32>, vector<16xi32>], vector<16xf32>,
      %mul3A_328 = arith.mulf %gather3A_327, %gather3A_327 : vector<16xf32>
      %add3A_329 = arith.addf %add3A_318, %mul3A_328 : vector<16xf32>
      %add3A_330 = arith.addf %scan3A_245, %gather3A_327 : vector<16xf32>
      %add3A_331 = arith.constant 5 : i32
      %add3A_332 = vector.broadcast %add3A_331 : i32 to vector<16xi32>
      %add3A_333 = arith.addi %mul3A_275, %add3A_332 : vector<16xi32>
      %gather3A_334 = arith.constant 0 : i32
      %gather3A_335 = arith.constant 0 : i32
      %gather3A_336 = tpu.memref_slice %arg8[%scan3A_189, %gather3A_334, %gather3A_335] : memref<2x416x128xf32, #tpu.memory_space<vmem>> -> memref<1x416x128xf32, #tpu.memory_space<vmem>>
      %gather3A_337 = tpu.memref_squeeze %gather3A_336 : memref<1x416x128xf32, #tpu.memory_space<vmem>> -> memref<416x128xf32, #tpu.memory_space<vmem>>
      %gather3A_338 = tpu.vector_load_idx %gather3A_337[%add3A_270, %add3A_333] : memref<416x128xf32, #tpu.memory_space<vmem>>[vector<16xi32>, vector<16xi32>], vector<16xf32>,
      %mul3A_339 = arith.mulf %gather3A_338, %gather3A_338 : vector<16xf32>
      %add3A_340 = arith.addf %add3A_329, %mul3A_339 : vector<16xf32>
      %add3A_341 = arith.addf %scan3A_246, %gather3A_338 : vector<16xf32>
      %add3A_342 = arith.constant 6 : i32
      %add3A_343 = vector.broadcast %add3A_342 : i32 to vector<16xi32>
      %add3A_344 = arith.addi %mul3A_275, %add3A_343 : vector<16xi32>
      %gather3A_345 = arith.constant 0 : i32
      %gather3A_346 = arith.constant 0 : i32
      %gather3A_347 = tpu.memref_slice %arg8[%scan3A_189, %gather3A_345, %gather3A_346] : memref<2x416x128xf32, #tpu.memory_space<vmem>> -> memref<1x416x128xf32, #tpu.memory_space<vmem>>
      %gather3A_348 = tpu.memref_squeeze %gather3A_347 : memref<1x416x128xf32, #tpu.memory_space<vmem>> -> memref<416x128xf32, #tpu.memory_space<vmem>>
      %gather3A_349 = tpu.vector_load_idx %gather3A_348[%add3A_270, %add3A_344] : memref<416x128xf32, #tpu.memory_space<vmem>>[vector<16xi32>, vector<16xi32>], vector<16xf32>,
      %mul3A_350 = arith.mulf %gather3A_349, %gather3A_349 : vector<16xf32>
      %add3A_351 = arith.addf %add3A_340, %mul3A_350 : vector<16xf32>
      %add3A_352 = arith.addf %scan3A_247, %gather3A_349 : vector<16xf32>
      %add3A_353 = arith.constant 7 : i32
      %add3A_354 = vector.broadcast %add3A_353 : i32 to vector<16xi32>
      %add3A_355 = arith.addi %mul3A_275, %add3A_354 : vector<16xi32>
      %gather3A_356 = arith.constant 0 : i32
      %gather3A_357 = arith.constant 0 : i32
      %gather3A_358 = tpu.memref_slice %arg8[%scan3A_189, %gather3A_356, %gather3A_357] : memref<2x416x128xf32, #tpu.memory_space<vmem>> -> memref<1x416x128xf32, #tpu.memory_space<vmem>>
      %gather3A_359 = tpu.memref_squeeze %gather3A_358 : memref<1x416x128xf32, #tpu.memory_space<vmem>> -> memref<416x128xf32, #tpu.memory_space<vmem>>
      %gather3A_360 = tpu.vector_load_idx %gather3A_359[%add3A_270, %add3A_355] : memref<416x128xf32, #tpu.memory_space<vmem>>[vector<16xi32>, vector<16xi32>], vector<16xf32>,
      %mul3A_361 = arith.mulf %gather3A_360, %gather3A_360 : vector<16xf32>
      %add3A_362 = arith.addf %add3A_351, %mul3A_361 : vector<16xf32>
      %add3A_363 = arith.addf %scan3A_248, %gather3A_360 : vector<16xf32>
      %add3A_364 = arith.constant 8 : i32
      %add3A_365 = vector.broadcast %add3A_364 : i32 to vector<16xi32>
      %add3A_366 = arith.addi %mul3A_275, %add3A_365 : vector<16xi32>
      %gather3A_367 = arith.constant 0 : i32
      %gather3A_368 = arith.constant 0 : i32
      %gather3A_369 = tpu.memref_slice %arg8[%scan3A_189, %gather3A_367, %gather3A_368] : memref<2x416x128xf32, #tpu.memory_space<vmem>> -> memref<1x416x128xf32, #tpu.memory_space<vmem>>
      %gather3A_370 = tpu.memref_squeeze %gather3A_369 : memref<1x416x128xf32, #tpu.memory_space<vmem>> -> memref<416x128xf32, #tpu.memory_space<vmem>>
      %gather3A_371 = tpu.vector_load_idx %gather3A_370[%add3A_270, %add3A_366] : memref<416x128xf32, #tpu.memory_space<vmem>>[vector<16xi32>, vector<16xi32>], vector<16xf32>,
      %mul3A_372 = arith.mulf %gather3A_371, %gather3A_371 : vector<16xf32>
      %add3A_373 = arith.addf %add3A_362, %mul3A_372 : vector<16xf32>
      %add3A_374 = arith.addf %scan3A_249, %gather3A_371 : vector<16xf32>
      %add3A_375 = arith.constant 9 : i32
      %add3A_376 = vector.broadcast %add3A_375 : i32 to vector<16xi32>
      %add3A_377 = arith.addi %mul3A_275, %add3A_376 : vector<16xi32>
      %gather3A_378 = arith.constant 0 : i32
      %gather3A_379 = arith.constant 0 : i32
      %gather3A_380 = tpu.memref_slice %arg8[%scan3A_189, %gather3A_378, %gather3A_379] : memref<2x416x128xf32, #tpu.memory_space<vmem>> -> memref<1x416x128xf32, #tpu.memory_space<vmem>>
      %gather3A_381 = tpu.memref_squeeze %gather3A_380 : memref<1x416x128xf32, #tpu.memory_space<vmem>> -> memref<416x128xf32, #tpu.memory_space<vmem>>
      %gather3A_382 = tpu.vector_load_idx %gather3A_381[%add3A_270, %add3A_377] : memref<416x128xf32, #tpu.memory_space<vmem>>[vector<16xi32>, vector<16xi32>], vector<16xf32>,
      %mul3A_383 = arith.mulf %gather3A_382, %gather3A_382 : vector<16xf32>
      %add3A_384 = arith.addf %add3A_373, %mul3A_383 : vector<16xf32>
      %add3A_385 = arith.addf %scan3A_250, %gather3A_382 : vector<16xf32>
      %add3A_386 = arith.constant 10 : i32
      %add3A_387 = vector.broadcast %add3A_386 : i32 to vector<16xi32>
      %add3A_388 = arith.addi %mul3A_275, %add3A_387 : vector<16xi32>
      %gather3A_389 = arith.constant 0 : i32
      %gather3A_390 = arith.constant 0 : i32
      %gather3A_391 = tpu.memref_slice %arg8[%scan3A_189, %gather3A_389, %gather3A_390] : memref<2x416x128xf32, #tpu.memory_space<vmem>> -> memref<1x416x128xf32, #tpu.memory_space<vmem>>
      %gather3A_392 = tpu.memref_squeeze %gather3A_391 : memref<1x416x128xf32, #tpu.memory_space<vmem>> -> memref<416x128xf32, #tpu.memory_space<vmem>>
      %gather3A_393 = tpu.vector_load_idx %gather3A_392[%add3A_270, %add3A_388] : memref<416x128xf32, #tpu.memory_space<vmem>>[vector<16xi32>, vector<16xi32>], vector<16xf32>,
      %mul3A_394 = arith.mulf %gather3A_393, %gather3A_393 : vector<16xf32>
      %add3A_395 = arith.addf %add3A_384, %mul3A_394 : vector<16xf32>
      %add3A_396 = arith.addf %scan3A_251, %gather3A_393 : vector<16xf32>
      %add3A_397 = arith.constant 11 : i32
      %add3A_398 = vector.broadcast %add3A_397 : i32 to vector<16xi32>
      %add3A_399 = arith.addi %mul3A_275, %add3A_398 : vector<16xi32>
      %gather3A_400 = arith.constant 0 : i32
      %gather3A_401 = arith.constant 0 : i32
      %gather3A_402 = tpu.memref_slice %arg8[%scan3A_189, %gather3A_400, %gather3A_401] : memref<2x416x128xf32, #tpu.memory_space<vmem>> -> memref<1x416x128xf32, #tpu.memory_space<vmem>>
      %gather3A_403 = tpu.memref_squeeze %gather3A_402 : memref<1x416x128xf32, #tpu.memory_space<vmem>> -> memref<416x128xf32, #tpu.memory_space<vmem>>
      %gather3A_404 = tpu.vector_load_idx %gather3A_403[%add3A_270, %add3A_399] : memref<416x128xf32, #tpu.memory_space<vmem>>[vector<16xi32>, vector<16xi32>], vector<16xf32>,
      %mul3A_405 = arith.mulf %gather3A_404, %gather3A_404 : vector<16xf32>
      %add3A_406 = arith.addf %add3A_395, %mul3A_405 : vector<16xf32>
      %add3A_407 = arith.addf %scan3A_252, %gather3A_404 : vector<16xf32>
      %add3A_408 = arith.constant 12 : i32
      %add3A_409 = vector.broadcast %add3A_408 : i32 to vector<16xi32>
      %add3A_410 = arith.addi %mul3A_275, %add3A_409 : vector<16xi32>
      %gather3A_411 = arith.constant 0 : i32
      %gather3A_412 = arith.constant 0 : i32
      %gather3A_413 = tpu.memref_slice %arg8[%scan3A_189, %gather3A_411, %gather3A_412] : memref<2x416x128xf32, #tpu.memory_space<vmem>> -> memref<1x416x128xf32, #tpu.memory_space<vmem>>
      %gather3A_414 = tpu.memref_squeeze %gather3A_413 : memref<1x416x128xf32, #tpu.memory_space<vmem>> -> memref<416x128xf32, #tpu.memory_space<vmem>>
      %gather3A_415 = tpu.vector_load_idx %gather3A_414[%add3A_270, %add3A_410] : memref<416x128xf32, #tpu.memory_space<vmem>>[vector<16xi32>, vector<16xi32>], vector<16xf32>,
      %mul3A_416 = arith.mulf %gather3A_415, %gather3A_415 : vector<16xf32>
      %add3A_417 = arith.addf %add3A_406, %mul3A_416 : vector<16xf32>
      %add3A_418 = arith.addf %scan3A_253, %gather3A_415 : vector<16xf32>
      %add3A_419 = arith.constant 13 : i32
      %add3A_420 = vector.broadcast %add3A_419 : i32 to vector<16xi32>
      %add3A_421 = arith.addi %mul3A_275, %add3A_420 : vector<16xi32>
      %gather3A_422 = arith.constant 0 : i32
      %gather3A_423 = arith.constant 0 : i32
      %gather3A_424 = tpu.memref_slice %arg8[%scan3A_189, %gather3A_422, %gather3A_423] : memref<2x416x128xf32, #tpu.memory_space<vmem>> -> memref<1x416x128xf32, #tpu.memory_space<vmem>>
      %gather3A_425 = tpu.memref_squeeze %gather3A_424 : memref<1x416x128xf32, #tpu.memory_space<vmem>> -> memref<416x128xf32, #tpu.memory_space<vmem>>
      %gather3A_426 = tpu.vector_load_idx %gather3A_425[%add3A_270, %add3A_421] : memref<416x128xf32, #tpu.memory_space<vmem>>[vector<16xi32>, vector<16xi32>], vector<16xf32>,
      %mul3A_427 = arith.mulf %gather3A_426, %gather3A_426 : vector<16xf32>
      %add3A_428 = arith.addf %add3A_417, %mul3A_427 : vector<16xf32>
      %add3A_429 = arith.addf %scan3A_254, %gather3A_426 : vector<16xf32>
      %add3A_430 = arith.constant 14 : i32
      %add3A_431 = vector.broadcast %add3A_430 : i32 to vector<16xi32>
      %add3A_432 = arith.addi %mul3A_275, %add3A_431 : vector<16xi32>
      %gather3A_433 = arith.constant 0 : i32
      %gather3A_434 = arith.constant 0 : i32
      %gather3A_435 = tpu.memref_slice %arg8[%scan3A_189, %gather3A_433, %gather3A_434] : memref<2x416x128xf32, #tpu.memory_space<vmem>> -> memref<1x416x128xf32, #tpu.memory_space<vmem>>
      %gather3A_436 = tpu.memref_squeeze %gather3A_435 : memref<1x416x128xf32, #tpu.memory_space<vmem>> -> memref<416x128xf32, #tpu.memory_space<vmem>>
      %gather3A_437 = tpu.vector_load_idx %gather3A_436[%add3A_270, %add3A_432] : memref<416x128xf32, #tpu.memory_space<vmem>>[vector<16xi32>, vector<16xi32>], vector<16xf32>,
      %mul3A_438 = arith.mulf %gather3A_437, %gather3A_437 : vector<16xf32>
      %add3A_439 = arith.addf %add3A_428, %mul3A_438 : vector<16xf32>
      %add3A_440 = arith.addf %scan3A_255, %gather3A_437 : vector<16xf32>
      %add3A_441 = arith.constant 15 : i32
      %add3A_442 = vector.broadcast %add3A_441 : i32 to vector<16xi32>
      %add3A_443 = arith.addi %mul3A_275, %add3A_442 : vector<16xi32>
      %gather3A_444 = arith.constant 0 : i32
      %gather3A_445 = arith.constant 0 : i32
      %gather3A_446 = tpu.memref_slice %arg8[%scan3A_189, %gather3A_444, %gather3A_445] : memref<2x416x128xf32, #tpu.memory_space<vmem>> -> memref<1x416x128xf32, #tpu.memory_space<vmem>>
      %gather3A_447 = tpu.memref_squeeze %gather3A_446 : memref<1x416x128xf32, #tpu.memory_space<vmem>> -> memref<416x128xf32, #tpu.memory_space<vmem>>
      %gather3A_448 = tpu.vector_load_idx %gather3A_447[%add3A_270, %add3A_443] : memref<416x128xf32, #tpu.memory_space<vmem>>[vector<16xi32>, vector<16xi32>], vector<16xf32>,
      %mul3A_449 = arith.mulf %gather3A_448, %gather3A_448 : vector<16xf32>
      %add3A_450 = arith.addf %add3A_439, %mul3A_449 : vector<16xf32>
      %add3A_451 = arith.addf %scan3A_256, %gather3A_448 : vector<16xf32>
      scf.yield %add3A_450, %add3A_265, %add3A_286, %add3A_297, %add3A_308, %add3A_319, %add3A_330, %add3A_341, %add3A_352, %add3A_363, %add3A_374, %add3A_385, %add3A_396, %add3A_407, %add3A_418, %add3A_429, %add3A_440, %add3A_451 : vector<16xf32>, vector<16xi32>, vector<16xf32>, vector<16xf32>, vector<16xf32>, vector<16xf32>, vector<16xf32>, vector<16xf32>, vector<16xf32>, vector<16xf32>, vector<16xf32>, vector<16xf32>, vector<16xf32>, vector<16xf32>, vector<16xf32>, vector<16xf32>, vector<16xf32>, vector<16xf32>
    }
    %scan3A_195 = arith.constant 26 : i32
    %mul3A_196 = arith.mulf %scan3A_194#2, %scan3A_194#2 : vector<16xf32>
    %add3A_197 = arith.addf %broadcast_in_dim3A_3, %mul3A_196 : vector<16xf32>
    %mul3A_198 = arith.mulf %scan3A_194#3, %scan3A_194#3 : vector<16xf32>
    %add3A_199 = arith.addf %add3A_197, %mul3A_198 : vector<16xf32>
    %mul3A_200 = arith.mulf %scan3A_194#4, %scan3A_194#4 : vector<16xf32>
    %add3A_201 = arith.addf %add3A_199, %mul3A_200 : vector<16xf32>
    %mul3A_202 = arith.mulf %scan3A_194#5, %scan3A_194#5 : vector<16xf32>
    %add3A_203 = arith.addf %add3A_201, %mul3A_202 : vector<16xf32>
    %mul3A_204 = arith.mulf %scan3A_194#6, %scan3A_194#6 : vector<16xf32>
    %add3A_205 = arith.addf %add3A_203, %mul3A_204 : vector<16xf32>
    %mul3A_206 = arith.mulf %scan3A_194#7, %scan3A_194#7 : vector<16xf32>
    %add3A_207 = arith.addf %add3A_205, %mul3A_206 : vector<16xf32>
    %mul3A_208 = arith.mulf %scan3A_194#8, %scan3A_194#8 : vector<16xf32>
    %add3A_209 = arith.addf %add3A_207, %mul3A_208 : vector<16xf32>
    %mul3A_210 = arith.mulf %scan3A_194#9, %scan3A_194#9 : vector<16xf32>
    %add3A_211 = arith.addf %add3A_209, %mul3A_210 : vector<16xf32>
    %mul3A_212 = arith.mulf %scan3A_194#10, %scan3A_194#10 : vector<16xf32>
    %add3A_213 = arith.addf %add3A_211, %mul3A_212 : vector<16xf32>
    %mul3A_214 = arith.mulf %scan3A_194#11, %scan3A_194#11 : vector<16xf32>
    %add3A_215 = arith.addf %add3A_213, %mul3A_214 : vector<16xf32>
    %mul3A_216 = arith.mulf %scan3A_194#12, %scan3A_194#12 : vector<16xf32>
    %add3A_217 = arith.addf %add3A_215, %mul3A_216 : vector<16xf32>
    %mul3A_218 = arith.mulf %scan3A_194#13, %scan3A_194#13 : vector<16xf32>
    %add3A_219 = arith.addf %add3A_217, %mul3A_218 : vector<16xf32>
    %mul3A_220 = arith.mulf %scan3A_194#14, %scan3A_194#14 : vector<16xf32>
    %add3A_221 = arith.addf %add3A_219, %mul3A_220 : vector<16xf32>
    %mul3A_222 = arith.mulf %scan3A_194#15, %scan3A_194#15 : vector<16xf32>
    %add3A_223 = arith.addf %add3A_221, %mul3A_222 : vector<16xf32>
    %mul3A_224 = arith.mulf %scan3A_194#16, %scan3A_194#16 : vector<16xf32>
    %add3A_225 = arith.addf %add3A_223, %mul3A_224 : vector<16xf32>
    %mul3A_226 = arith.mulf %scan3A_194#17, %scan3A_194#17 : vector<16xf32>
    %add3A_227 = arith.addf %add3A_225, %mul3A_226 : vector<16xf32>
    %sub3A_228 = arith.subf %add3A_227, %scan3A_194#0 : vector<16xf32>
    %mul3A_229 = arith.constant 5.000000e-01 : f32
    %mul3A_230 = vector.broadcast %mul3A_229 : f32 to vector<16xf32>
    %mul3A_231 = arith.mulf %mul3A_230, %sub3A_228 : vector<16xf32>
    %convert_element_type3A_232 = arith.sitofp %scan3A_194#1 : vector<16xi32> to vector<16xf32>
    %add3A_233 = arith.addf %mul3A_231, %convert_element_type3A_232 : vector<16xf32>
    %swap3A_234 = arith.constant 112 : index
    %swap3A_235 = tpu.vector_load %arg9[%swap3A_234] {strides = array<i32>} : memref<128xf32, #tpu.memory_space<vmem>>, vector<16xf32>,
    tpu.vector_store %arg9[%swap3A_234], %add3A_233 {strides = array<i32>} : memref<128xf32, #tpu.memory_space<vmem>>, vector<16xf32>,
    %mul3A_236 = arith.constant 128 : i32
    %mul3A_237 = arith.muli %add3A, %mul3A_236 : i32
    "tpu.region"() ({
      %run_scoped3A = tpu.sem_alloc : memref<!tpu.dma_semaphore, #tpu.memory_space<semaphore_mem>>
      %dma_start3A_238 = tpu.memref_slice %arg5[%mul3A_237] : memref<4096xf32, #tpu.memory_space<hbm>> -> memref<128xf32, #tpu.memory_space<hbm>>
      %dma_start3A_239 = tpu.memref_slice %arg5[%mul3A_237] : memref<4096xf32, #tpu.memory_space<hbm>> -> memref<128xf32, #tpu.memory_space<hbm>>
      tpu.enqueue_dma source(%arg9 : memref<128xf32, #tpu.memory_space<vmem>>) target(%dma_start3A_239 : memref<128xf32, #tpu.memory_space<hbm>>) target_semaphore(%run_scoped3A : memref<!tpu.dma_semaphore, #tpu.memory_space<semaphore_mem>>)
      %dma_wait3A_240 = tpu.memref_slice %arg5[%mul3A_237] : memref<4096xf32, #tpu.memory_space<hbm>> -> memref<128xf32, #tpu.memory_space<hbm>>
      %dma_wait3A_241 = tpu.memref_slice %arg5[%mul3A_237] : memref<4096xf32, #tpu.memory_space<hbm>> -> memref<128xf32, #tpu.memory_space<hbm>>
      tpu.wait_dma2 semaphore(%run_scoped3A : memref<!tpu.dma_semaphore, #tpu.memory_space<semaphore_mem>>) src(%arg9 : memref<128xf32, #tpu.memory_space<vmem>>) dst(%dma_wait3A_241 : memref<128xf32, #tpu.memory_space<hbm>>)
      tpu.yield
    }) : () -> ()
    return
  }
}

#map = affine_map<(d0, d1) -> (0, 0, 0)>
#map1 = affine_map<(d0, d1) -> (0, 0)>
module attributes {stable_mosaic.version = 14 : i64} {
  func.func @_pack_sc(%arg0: i32, %arg1: i32, %arg2: memref<26x16x100000xf32, #tpu.memory_space<hbm>>, %arg3: memref<26x8x128xf32, #tpu.memory_space<hbm>>, %arg4: memref<325312x128xf32, #tpu.memory_space<hbm>>, %arg5: memref<16x129xf32, #tpu.memory_space<vmem>>, %arg6: memref<16x129xf32, #tpu.memory_space<vmem>>, %arg7: memref<16x128xf32, #tpu.memory_space<vmem>>, %arg8: memref<16x128xf32, #tpu.memory_space<vmem>>, %arg9: memref<!tpu.dma_semaphore, #tpu.memory_space<semaphore_mem>>, %arg10: memref<!tpu.dma_semaphore, #tpu.memory_space<semaphore_mem>>, %arg11: memref<!tpu.dma_semaphore, #tpu.memory_space<semaphore_mem>>, %arg12: memref<!tpu.dma_semaphore, #tpu.memory_space<semaphore_mem>>) attributes {dimension_semantics = [#tpu.dimension_semantics<core_parallel>, #tpu.dimension_semantics<subcore_parallel>], iteration_bounds = array<i64: 2, 16>, scalar_prefetch = 0 : i64, scratch_operands = 8 : i64, tpu.core_type = #tpu.core_type<sc_vector_subcore>, window_params = [{transform_indices = #map}, {transform_indices = #map}, {transform_indices = #map1}]} {
    %mul3A = arith.constant 2 : i32
    %mul3A_0 = arith.muli %arg1, %mul3A : i32
    %add3A = arith.addi %mul3A_0, %arg0 : i32
    %mul3A_1 = arith.constant 20332 : i32
    %mul3A_2 = arith.muli %add3A, %mul3A_1 : i32
    %jit3A = arith.constant 32 : i32
    %div3A = arith.divsi %mul3A_2, %jit3A : i32
    %sign3A = arith.constant 0 : i32
    %sign3A_3 = arith.cmpi sgt, %mul3A_2, %sign3A : i32
    %sign3A_4 = arith.extui %sign3A_3 : i1 to i32
    %sign3A_5 = arith.constant 0 : i32
    %sign3A_6 = arith.cmpi slt, %mul3A_2, %sign3A_5 : i32
    %sign3A_7 = arith.extui %sign3A_6 : i1 to i32
    %sign3A_8 = arith.subi %sign3A_4, %sign3A_7 : i32
    %sign3A_9 = arith.constant 0 : i32
    %sign3A_10 = arith.cmpi sgt, %jit3A, %sign3A_9 : i32
    %sign3A_11 = arith.extui %sign3A_10 : i1 to i32
    %sign3A_12 = arith.constant 0 : i32
    %sign3A_13 = arith.cmpi slt, %jit3A, %sign3A_12 : i32
    %sign3A_14 = arith.extui %sign3A_13 : i1 to i32
    %sign3A_15 = arith.subi %sign3A_11, %sign3A_14 : i32
    %ne3A = arith.cmpi ne, %sign3A_8, %sign3A_15 : i32
    %rem3A = arith.remsi %mul3A_2, %jit3A : i32
    %ne3A_16 = arith.constant 0 : i32
    %ne3A_17 = arith.cmpi ne, %rem3A, %ne3A_16 : i32
    %and3A = arith.andi %ne3A, %ne3A_17 : i1
    %sub3A = arith.constant 1 : i32
    %sub3A_18 = arith.subi %div3A, %sub3A : i32
    %select_n3A = arith.select %and3A, %sub3A_18, %div3A : i32
    %add3A_19 = arith.constant 1 : i32
    %add3A_20 = arith.addi %add3A, %add3A_19 : i32
    %mul3A_21 = arith.constant 20332 : i32
    %mul3A_22 = arith.muli %add3A_20, %mul3A_21 : i32
    %jit3A_23 = arith.constant 32 : i32
    %div3A_24 = arith.divsi %mul3A_22, %jit3A_23 : i32
    %sign3A_25 = arith.constant 0 : i32
    %sign3A_26 = arith.cmpi sgt, %mul3A_22, %sign3A_25 : i32
    %sign3A_27 = arith.extui %sign3A_26 : i1 to i32
    %sign3A_28 = arith.constant 0 : i32
    %sign3A_29 = arith.cmpi slt, %mul3A_22, %sign3A_28 : i32
    %sign3A_30 = arith.extui %sign3A_29 : i1 to i32
    %sign3A_31 = arith.subi %sign3A_27, %sign3A_30 : i32
    %sign3A_32 = arith.constant 0 : i32
    %sign3A_33 = arith.cmpi sgt, %jit3A_23, %sign3A_32 : i32
    %sign3A_34 = arith.extui %sign3A_33 : i1 to i32
    %sign3A_35 = arith.constant 0 : i32
    %sign3A_36 = arith.cmpi slt, %jit3A_23, %sign3A_35 : i32
    %sign3A_37 = arith.extui %sign3A_36 : i1 to i32
    %sign3A_38 = arith.subi %sign3A_34, %sign3A_37 : i32
    %ne3A_39 = arith.cmpi ne, %sign3A_31, %sign3A_38 : i32
    %rem3A_40 = arith.remsi %mul3A_22, %jit3A_23 : i32
    %ne3A_41 = arith.constant 0 : i32
    %ne3A_42 = arith.cmpi ne, %rem3A_40, %ne3A_41 : i32
    %and3A_43 = arith.andi %ne3A_39, %ne3A_42 : i1
    %sub3A_44 = arith.constant 1 : i32
    %sub3A_45 = arith.subi %div3A_24, %sub3A_44 : i32
    %select_n3A_46 = arith.select %and3A_43, %sub3A_45, %div3A_24 : i32
    %iota3A = tpu.iota {dimensions = array<i32: 0>} : vector<16xi32>
    %lt3A = arith.cmpi slt, %select_n3A, %select_n3A_46 : i32
    %convert_element_type3A = arith.extui %lt3A : i1 to i32
    %cond3A = arith.constant 0 : i32
    %cond3A_47 = arith.cmpi ne, %convert_element_type3A, %cond3A : i32
    scf.if %cond3A_47 {
      %jit3A_95 = arith.constant 782 : i32
      %div3A_96 = arith.divsi %select_n3A, %jit3A_95 : i32
      %sign3A_97 = arith.constant 0 : i32
      %sign3A_98 = arith.cmpi sgt, %select_n3A, %sign3A_97 : i32
      %sign3A_99 = arith.extui %sign3A_98 : i1 to i32
      %sign3A_100 = arith.constant 0 : i32
      %sign3A_101 = arith.cmpi slt, %select_n3A, %sign3A_100 : i32
      %sign3A_102 = arith.extui %sign3A_101 : i1 to i32
      %sign3A_103 = arith.subi %sign3A_99, %sign3A_102 : i32
      %sign3A_104 = arith.constant 0 : i32
      %sign3A_105 = arith.cmpi sgt, %jit3A_95, %sign3A_104 : i32
      %sign3A_106 = arith.extui %sign3A_105 : i1 to i32
      %sign3A_107 = arith.constant 0 : i32
      %sign3A_108 = arith.cmpi slt, %jit3A_95, %sign3A_107 : i32
      %sign3A_109 = arith.extui %sign3A_108 : i1 to i32
      %sign3A_110 = arith.subi %sign3A_106, %sign3A_109 : i32
      %ne3A_111 = arith.cmpi ne, %sign3A_103, %sign3A_110 : i32
      %rem3A_112 = arith.remsi %select_n3A, %jit3A_95 : i32
      %ne3A_113 = arith.constant 0 : i32
      %ne3A_114 = arith.cmpi ne, %rem3A_112, %ne3A_113 : i32
      %and3A_115 = arith.andi %ne3A_111, %ne3A_114 : i1
      %sub3A_116 = arith.constant 1 : i32
      %sub3A_117 = arith.subi %div3A_96, %sub3A_116 : i32
      %select_n3A_118 = arith.select %and3A_115, %sub3A_117, %div3A_96 : i32
      %jit3A_119 = arith.constant 782 : i32
      %eq3A = arith.constant 0 : i32
      %eq3A_120 = arith.cmpi eq, %jit3A_119, %eq3A : i32
      %jit3A_121 = arith.constant 1 : i32
      %select_n3A_122 = arith.select %eq3A_120, %jit3A_121, %jit3A_119 : i32
      %rem3A_123 = arith.remsi %select_n3A, %select_n3A_122 : i32
      %ne3A_124 = arith.constant 0 : i32
      %ne3A_125 = arith.cmpi ne, %rem3A_123, %ne3A_124 : i32
      %lt3A_126 = arith.constant 0 : i32
      %lt3A_127 = arith.cmpi slt, %rem3A_123, %lt3A_126 : i32
      %lt3A_128 = arith.constant 0 : i32
      %lt3A_129 = arith.cmpi slt, %select_n3A_122, %lt3A_128 : i32
      %ne3A_130 = arith.xori %lt3A_127, %lt3A_129 : i1
      %and3A_131 = arith.andi %ne3A_130, %ne3A_125 : i1
      %add3A_132 = arith.addi %rem3A_123, %select_n3A_122 : i32
      %select_n3A_133 = arith.select %and3A_131, %add3A_132, %rem3A_123 : i32
      %lt3A_134 = arith.constant 781 : i32
      %lt3A_135 = arith.cmpi slt, %select_n3A_133, %lt3A_134 : i32
      %convert_element_type3A_136 = arith.extui %lt3A_135 : i1 to i32
      %cond3A_137 = arith.constant 0 : i32
      %cond3A_138 = arith.cmpi ne, %convert_element_type3A_136, %cond3A_137 : i32
      scf.if %cond3A_138 {
        %mul3A_139 = arith.constant 128 : i32
        %mul3A_140 = arith.muli %select_n3A_133, %mul3A_139 : i32
        %dma_start3A = arith.constant 0 : i32
        %dma_start3A_141 = arith.constant 0 : i32
        %dma_start3A_142 = tpu.memref_slice %arg5[%dma_start3A, %dma_start3A_141] : memref<16x129xf32, #tpu.memory_space<vmem>> -> memref<16x128xf32, #tpu.memory_space<vmem>>
        %dma_start3A_143 = arith.constant 0 : i32
        %dma_start3A_144 = tpu.memref_slice %arg2[%select_n3A_118, %dma_start3A_143, %mul3A_140] : memref<26x16x100000xf32, #tpu.memory_space<hbm>> -> memref<1x16x128xf32, #tpu.memory_space<hbm>>
        %dma_start3A_145 = tpu.memref_squeeze %dma_start3A_144 : memref<1x16x128xf32, #tpu.memory_space<hbm>> -> memref<16x128xf32, #tpu.memory_space<hbm>>
        %dma_start3A_146 = arith.constant 0 : i32
        %dma_start3A_147 = arith.constant 0 : i32
        %dma_start3A_148 = tpu.memref_slice %arg5[%dma_start3A_146, %dma_start3A_147] : memref<16x129xf32, #tpu.memory_space<vmem>> -> memref<16x128xf32, #tpu.memory_space<vmem>>
        %dma_start3A_149 = arith.constant 0 : i32
        %dma_start3A_150 = tpu.memref_slice %arg2[%select_n3A_118, %dma_start3A_149, %mul3A_140] : memref<26x16x100000xf32, #tpu.memory_space<hbm>> -> memref<1x16x128xf32, #tpu.memory_space<hbm>>
        %dma_start3A_151 = tpu.memref_squeeze %dma_start3A_150 : memref<1x16x128xf32, #tpu.memory_space<hbm>> -> memref<16x128xf32, #tpu.memory_space<hbm>>
        tpu.enqueue_dma source(%dma_start3A_151 : memref<16x128xf32, #tpu.memory_space<hbm>>) target(%dma_start3A_148 : memref<16x128xf32, #tpu.memory_space<vmem>>) target_semaphore(%arg9 : memref<!tpu.dma_semaphore, #tpu.memory_space<semaphore_mem>>)
      } else {
      }
    } else {
    }
    %sub3A_48 = arith.subi %select_n3A_46, %select_n3A : i32
    %add3A_49 = arith.constant 1 : i32
    %add3A_50 = arith.addi %sub3A_48, %add3A_49 : i32
    %jit3A_51 = arith.constant 2 : i32
    %div3A_52 = arith.divsi %add3A_50, %jit3A_51 : i32
    %sign3A_53 = arith.constant 0 : i32
    %sign3A_54 = arith.cmpi sgt, %add3A_50, %sign3A_53 : i32
    %sign3A_55 = arith.extui %sign3A_54 : i1 to i32
    %sign3A_56 = arith.constant 0 : i32
    %sign3A_57 = arith.cmpi slt, %add3A_50, %sign3A_56 : i32
    %sign3A_58 = arith.extui %sign3A_57 : i1 to i32
    %sign3A_59 = arith.subi %sign3A_55, %sign3A_58 : i32
    %sign3A_60 = arith.constant 0 : i32
    %sign3A_61 = arith.cmpi sgt, %jit3A_51, %sign3A_60 : i32
    %sign3A_62 = arith.extui %sign3A_61 : i1 to i32
    %sign3A_63 = arith.constant 0 : i32
    %sign3A_64 = arith.cmpi slt, %jit3A_51, %sign3A_63 : i32
    %sign3A_65 = arith.extui %sign3A_64 : i1 to i32
    %sign3A_66 = arith.subi %sign3A_62, %sign3A_65 : i32
    %ne3A_67 = arith.cmpi ne, %sign3A_59, %sign3A_66 : i32
    %rem3A_68 = arith.remsi %add3A_50, %jit3A_51 : i32
    %ne3A_69 = arith.constant 0 : i32
    %ne3A_70 = arith.cmpi ne, %rem3A_68, %ne3A_69 : i32
    %and3A_71 = arith.andi %ne3A_67, %ne3A_70 : i1
    %sub3A_72 = arith.constant 1 : i32
    %sub3A_73 = arith.subi %div3A_52, %sub3A_72 : i32
    %select_n3A_74 = arith.select %and3A_71, %sub3A_73, %div3A_52 : i32
    %while3A = arith.constant 0 : i32
    %while3A_75 = arith.constant 0 : i32
    %while3A_76 = arith.subi %select_n3A_74, %while3A_75 : i32
    %while3A_77 = arith.addi %while3A_75, %while3A_76 : i32
    %while3A_78 = arith.constant 1 : i32
    %while3A_79 = arith.divsi %while3A_76, %while3A_78 : i32
    %while3A_80 = arith.muli %while3A_79, %while3A_78 : i32
    %while3A_81 = arith.addi %while3A_75, %while3A_80 : i32
    %while3A_82 = arith.constant 1 : i32
    scf.for %while3A_95 = %while3A_75 to %while3A_81 step %while3A_82  : i32 {
      %mul3A_96 = arith.constant 2 : i32
      %mul3A_97 = arith.muli %mul3A_96, %while3A_95 : i32
      %add3A_98 = arith.addi %select_n3A, %mul3A_97 : i32
      %add3A_99 = arith.constant 1 : i32
      %add3A_100 = arith.addi %add3A_98, %add3A_99 : i32
      %lt3A_101 = arith.cmpi slt, %add3A_100, %select_n3A_46 : i32
      %convert_element_type3A_102 = arith.extui %lt3A_101 : i1 to i32
      %cond3A_103 = arith.constant 0 : i32
      %cond3A_104 = arith.cmpi ne, %convert_element_type3A_102, %cond3A_103 : i32
      scf.if %cond3A_104 {
        %jit3A_168 = arith.constant 782 : i32
        %div3A_169 = arith.divsi %add3A_100, %jit3A_168 : i32
        %sign3A_170 = arith.constant 0 : i32
        %sign3A_171 = arith.cmpi sgt, %add3A_100, %sign3A_170 : i32
        %sign3A_172 = arith.extui %sign3A_171 : i1 to i32
        %sign3A_173 = arith.constant 0 : i32
        %sign3A_174 = arith.cmpi slt, %add3A_100, %sign3A_173 : i32
        %sign3A_175 = arith.extui %sign3A_174 : i1 to i32
        %sign3A_176 = arith.subi %sign3A_172, %sign3A_175 : i32
        %sign3A_177 = arith.constant 0 : i32
        %sign3A_178 = arith.cmpi sgt, %jit3A_168, %sign3A_177 : i32
        %sign3A_179 = arith.extui %sign3A_178 : i1 to i32
        %sign3A_180 = arith.constant 0 : i32
        %sign3A_181 = arith.cmpi slt, %jit3A_168, %sign3A_180 : i32
        %sign3A_182 = arith.extui %sign3A_181 : i1 to i32
        %sign3A_183 = arith.subi %sign3A_179, %sign3A_182 : i32
        %ne3A_184 = arith.cmpi ne, %sign3A_176, %sign3A_183 : i32
        %rem3A_185 = arith.remsi %add3A_100, %jit3A_168 : i32
        %ne3A_186 = arith.constant 0 : i32
        %ne3A_187 = arith.cmpi ne, %rem3A_185, %ne3A_186 : i32
        %and3A_188 = arith.andi %ne3A_184, %ne3A_187 : i1
        %sub3A_189 = arith.constant 1 : i32
        %sub3A_190 = arith.subi %div3A_169, %sub3A_189 : i32
        %select_n3A_191 = arith.select %and3A_188, %sub3A_190, %div3A_169 : i32
        %jit3A_192 = arith.constant 782 : i32
        %eq3A_193 = arith.constant 0 : i32
        %eq3A_194 = arith.cmpi eq, %jit3A_192, %eq3A_193 : i32
        %jit3A_195 = arith.constant 1 : i32
        %select_n3A_196 = arith.select %eq3A_194, %jit3A_195, %jit3A_192 : i32
        %rem3A_197 = arith.remsi %add3A_100, %select_n3A_196 : i32
        %ne3A_198 = arith.constant 0 : i32
        %ne3A_199 = arith.cmpi ne, %rem3A_197, %ne3A_198 : i32
        %lt3A_200 = arith.constant 0 : i32
        %lt3A_201 = arith.cmpi slt, %rem3A_197, %lt3A_200 : i32
        %lt3A_202 = arith.constant 0 : i32
        %lt3A_203 = arith.cmpi slt, %select_n3A_196, %lt3A_202 : i32
        %ne3A_204 = arith.xori %lt3A_201, %lt3A_203 : i1
        %and3A_205 = arith.andi %ne3A_204, %ne3A_199 : i1
        %add3A_206 = arith.addi %rem3A_197, %select_n3A_196 : i32
        %select_n3A_207 = arith.select %and3A_205, %add3A_206, %rem3A_197 : i32
        %lt3A_208 = arith.constant 781 : i32
        %lt3A_209 = arith.cmpi slt, %select_n3A_207, %lt3A_208 : i32
        %convert_element_type3A_210 = arith.extui %lt3A_209 : i1 to i32
        %cond3A_211 = arith.constant 0 : i32
        %cond3A_212 = arith.cmpi ne, %convert_element_type3A_210, %cond3A_211 : i32
        scf.if %cond3A_212 {
          %mul3A_213 = arith.constant 128 : i32
          %mul3A_214 = arith.muli %select_n3A_207, %mul3A_213 : i32
          %dma_start3A = arith.constant 0 : i32
          %dma_start3A_215 = arith.constant 0 : i32
          %dma_start3A_216 = tpu.memref_slice %arg6[%dma_start3A, %dma_start3A_215] : memref<16x129xf32, #tpu.memory_space<vmem>> -> memref<16x128xf32, #tpu.memory_space<vmem>>
          %dma_start3A_217 = arith.constant 0 : i32
          %dma_start3A_218 = tpu.memref_slice %arg2[%select_n3A_191, %dma_start3A_217, %mul3A_214] : memref<26x16x100000xf32, #tpu.memory_space<hbm>> -> memref<1x16x128xf32, #tpu.memory_space<hbm>>
          %dma_start3A_219 = tpu.memref_squeeze %dma_start3A_218 : memref<1x16x128xf32, #tpu.memory_space<hbm>> -> memref<16x128xf32, #tpu.memory_space<hbm>>
          %dma_start3A_220 = arith.constant 0 : i32
          %dma_start3A_221 = arith.constant 0 : i32
          %dma_start3A_222 = tpu.memref_slice %arg6[%dma_start3A_220, %dma_start3A_221] : memref<16x129xf32, #tpu.memory_space<vmem>> -> memref<16x128xf32, #tpu.memory_space<vmem>>
          %dma_start3A_223 = arith.constant 0 : i32
          %dma_start3A_224 = tpu.memref_slice %arg2[%select_n3A_191, %dma_start3A_223, %mul3A_214] : memref<26x16x100000xf32, #tpu.memory_space<hbm>> -> memref<1x16x128xf32, #tpu.memory_space<hbm>>
          %dma_start3A_225 = tpu.memref_squeeze %dma_start3A_224 : memref<1x16x128xf32, #tpu.memory_space<hbm>> -> memref<16x128xf32, #tpu.memory_space<hbm>>
          tpu.enqueue_dma source(%dma_start3A_225 : memref<16x128xf32, #tpu.memory_space<hbm>>) target(%dma_start3A_222 : memref<16x128xf32, #tpu.memory_space<vmem>>) target_semaphore(%arg10 : memref<!tpu.dma_semaphore, #tpu.memory_space<semaphore_mem>>)
        } else {
        }
      } else {
      }
      %lt3A_105 = arith.cmpi slt, %add3A_98, %select_n3A_46 : i32
      %jit3A_106 = arith.constant 782 : i32
      %eq3A = arith.constant 0 : i32
      %eq3A_107 = arith.cmpi eq, %jit3A_106, %eq3A : i32
      %jit3A_108 = arith.constant 1 : i32
      %select_n3A_109 = arith.select %eq3A_107, %jit3A_108, %jit3A_106 : i32
      %rem3A_110 = arith.remsi %add3A_98, %select_n3A_109 : i32
      %ne3A_111 = arith.constant 0 : i32
      %ne3A_112 = arith.cmpi ne, %rem3A_110, %ne3A_111 : i32
      %lt3A_113 = arith.constant 0 : i32
      %lt3A_114 = arith.cmpi slt, %rem3A_110, %lt3A_113 : i32
      %lt3A_115 = arith.constant 0 : i32
      %lt3A_116 = arith.cmpi slt, %select_n3A_109, %lt3A_115 : i32
      %ne3A_117 = arith.xori %lt3A_114, %lt3A_116 : i1
      %and3A_118 = arith.andi %ne3A_117, %ne3A_112 : i1
      %add3A_119 = arith.addi %rem3A_110, %select_n3A_109 : i32
      %select_n3A_120 = arith.select %and3A_118, %add3A_119, %rem3A_110 : i32
      %lt3A_121 = arith.constant 781 : i32
      %lt3A_122 = arith.cmpi slt, %select_n3A_120, %lt3A_121 : i32
      %and3A_123 = arith.andi %lt3A_105, %lt3A_122 : i1
      %convert_element_type3A_124 = arith.extui %and3A_123 : i1 to i32
      %cond3A_125 = arith.constant 0 : i32
      %cond3A_126 = arith.cmpi ne, %convert_element_type3A_124, %cond3A_125 : i32
      scf.if %cond3A_126 {
        %dma_wait3A_168 = arith.constant 0 : i32
        %dma_wait3A_169 = arith.constant 0 : i32
        %dma_wait3A_170 = arith.constant 0 : i32
        %dma_wait3A_171 = tpu.memref_slice %arg5[%dma_wait3A_169, %dma_wait3A_170] : memref<16x129xf32, #tpu.memory_space<vmem>> -> memref<16x128xf32, #tpu.memory_space<vmem>>
        %dma_wait3A_172 = arith.constant 0 : i32
        %dma_wait3A_173 = arith.constant 0 : i32
        %dma_wait3A_174 = tpu.memref_slice %arg2[%dma_wait3A_168, %dma_wait3A_172, %dma_wait3A_173] : memref<26x16x100000xf32, #tpu.memory_space<hbm>> -> memref<1x16x128xf32, #tpu.memory_space<hbm>>
        %dma_wait3A_175 = tpu.memref_squeeze %dma_wait3A_174 : memref<1x16x128xf32, #tpu.memory_space<hbm>> -> memref<16x128xf32, #tpu.memory_space<hbm>>
        %dma_wait3A_176 = arith.constant 0 : i32
        %dma_wait3A_177 = arith.constant 0 : i32
        %dma_wait3A_178 = tpu.memref_slice %arg5[%dma_wait3A_176, %dma_wait3A_177] : memref<16x129xf32, #tpu.memory_space<vmem>> -> memref<16x128xf32, #tpu.memory_space<vmem>>
        %dma_wait3A_179 = arith.constant 0 : i32
        %dma_wait3A_180 = arith.constant 0 : i32
        %dma_wait3A_181 = tpu.memref_slice %arg2[%dma_wait3A_168, %dma_wait3A_179, %dma_wait3A_180] : memref<26x16x100000xf32, #tpu.memory_space<hbm>> -> memref<1x16x128xf32, #tpu.memory_space<hbm>>
        %dma_wait3A_182 = tpu.memref_squeeze %dma_wait3A_181 : memref<1x16x128xf32, #tpu.memory_space<hbm>> -> memref<16x128xf32, #tpu.memory_space<hbm>>
        tpu.wait_dma2 semaphore(%arg9 : memref<!tpu.dma_semaphore, #tpu.memory_space<semaphore_mem>>) src(%dma_wait3A_182 : memref<16x128xf32, #tpu.memory_space<hbm>>) dst(%dma_wait3A_178 : memref<16x128xf32, #tpu.memory_space<vmem>>)
      } else {
      }
      %lt3A_127 = arith.cmpi slt, %add3A_98, %select_n3A_46 : i32
      %convert_element_type3A_128 = arith.extui %lt3A_127 : i1 to i32
      %cond3A_129 = arith.constant 0 : i32
      %cond3A_130 = arith.cmpi ne, %convert_element_type3A_128, %cond3A_129 : i32
      scf.if %cond3A_130 {
        %jit3A_168 = arith.constant 782 : i32
        %div3A_169 = arith.divsi %add3A_98, %jit3A_168 : i32
        %sign3A_170 = arith.constant 0 : i32
        %sign3A_171 = arith.cmpi sgt, %add3A_98, %sign3A_170 : i32
        %sign3A_172 = arith.extui %sign3A_171 : i1 to i32
        %sign3A_173 = arith.constant 0 : i32
        %sign3A_174 = arith.cmpi slt, %add3A_98, %sign3A_173 : i32
        %sign3A_175 = arith.extui %sign3A_174 : i1 to i32
        %sign3A_176 = arith.subi %sign3A_172, %sign3A_175 : i32
        %sign3A_177 = arith.constant 0 : i32
        %sign3A_178 = arith.cmpi sgt, %jit3A_168, %sign3A_177 : i32
        %sign3A_179 = arith.extui %sign3A_178 : i1 to i32
        %sign3A_180 = arith.constant 0 : i32
        %sign3A_181 = arith.cmpi slt, %jit3A_168, %sign3A_180 : i32
        %sign3A_182 = arith.extui %sign3A_181 : i1 to i32
        %sign3A_183 = arith.subi %sign3A_179, %sign3A_182 : i32
        %ne3A_184 = arith.cmpi ne, %sign3A_176, %sign3A_183 : i32
        %rem3A_185 = arith.remsi %add3A_98, %jit3A_168 : i32
        %ne3A_186 = arith.constant 0 : i32
        %ne3A_187 = arith.cmpi ne, %rem3A_185, %ne3A_186 : i32
        %and3A_188 = arith.andi %ne3A_184, %ne3A_187 : i1
        %sub3A_189 = arith.constant 1 : i32
        %sub3A_190 = arith.subi %div3A_169, %sub3A_189 : i32
        %select_n3A_191 = arith.select %and3A_188, %sub3A_190, %div3A_169 : i32
        %jit3A_192 = arith.constant 782 : i32
        %eq3A_193 = arith.constant 0 : i32
        %eq3A_194 = arith.cmpi eq, %jit3A_192, %eq3A_193 : i32
        %jit3A_195 = arith.constant 1 : i32
        %select_n3A_196 = arith.select %eq3A_194, %jit3A_195, %jit3A_192 : i32
        %rem3A_197 = arith.remsi %add3A_98, %select_n3A_196 : i32
        %ne3A_198 = arith.constant 0 : i32
        %ne3A_199 = arith.cmpi ne, %rem3A_197, %ne3A_198 : i32
        %lt3A_200 = arith.constant 0 : i32
        %lt3A_201 = arith.cmpi slt, %rem3A_197, %lt3A_200 : i32
        %lt3A_202 = arith.constant 0 : i32
        %lt3A_203 = arith.cmpi slt, %select_n3A_196, %lt3A_202 : i32
        %ne3A_204 = arith.xori %lt3A_201, %lt3A_203 : i1
        %and3A_205 = arith.andi %ne3A_204, %ne3A_199 : i1
        %add3A_206 = arith.addi %rem3A_197, %select_n3A_196 : i32
        %select_n3A_207 = arith.select %and3A_205, %add3A_206, %rem3A_197 : i32
        %add3A_208 = arith.constant 2 : i32
        %add3A_209 = arith.addi %select_n3A, %add3A_208 : i32
        %ge3A = arith.cmpi sge, %add3A_98, %add3A_209 : i32
        %convert_element_type3A_210 = arith.extui %ge3A : i1 to i32
        %cond3A_211 = arith.constant 0 : i32
        %cond3A_212 = arith.cmpi ne, %convert_element_type3A_210, %cond3A_211 : i32
        scf.if %cond3A_212 {
          %dma_wait3A_231 = arith.constant 0 : i32
          %dma_wait3A_232 = arith.constant 0 : i32
          %dma_wait3A_233 = tpu.memref_slice %arg4[%dma_wait3A_231, %dma_wait3A_232] : memref<325312x128xf32, #tpu.memory_space<hbm>> -> memref<16x128xf32, #tpu.memory_space<hbm>>
          %dma_wait3A_234 = arith.constant 0 : i32
          %dma_wait3A_235 = arith.constant 0 : i32
          %dma_wait3A_236 = tpu.memref_slice %arg4[%dma_wait3A_234, %dma_wait3A_235] : memref<325312x128xf32, #tpu.memory_space<hbm>> -> memref<16x128xf32, #tpu.memory_space<hbm>>
          tpu.wait_dma2 semaphore(%arg11 : memref<!tpu.dma_semaphore, #tpu.memory_space<semaphore_mem>>) src(%arg7 : memref<16x128xf32, #tpu.memory_space<vmem>>) dst(%dma_wait3A_236 : memref<16x128xf32, #tpu.memory_space<hbm>>)
        } else {
        }
        %lt3A_213 = arith.constant 781 : i32
        %lt3A_214 = arith.cmpi slt, %select_n3A_207, %lt3A_213 : i32
        %convert_element_type3A_215 = arith.extui %lt3A_214 : i1 to i32
        %cond3A_216 = arith.constant 0 : i32
        %cond3A_217 = arith.cmpi ne, %convert_element_type3A_215, %cond3A_216 : i32
        scf.if %cond3A_217 {
          %scan3A = arith.constant 0 : i32
          %scan3A_231 = arith.constant 0 : i32
          %scan3A_232 = arith.constant 8 : i32
          %scan3A_233 = arith.addi %scan3A_231, %scan3A_232 : i32
          %scan3A_234 = arith.constant 1 : i32
          scf.for %scan3A_236 = %scan3A_231 to %scan3A_233 step %scan3A_234  : i32 {
            %broadcast_in_dim3A = arith.constant 0 : i32
            %broadcast_in_dim3A_237 = vector.broadcast %broadcast_in_dim3A : i32 to vector<16xi32>
            %mul3A_238 = arith.constant 16 : i32
            %mul3A_239 = arith.muli %scan3A_236, %mul3A_238 : i32
            %add3A_240 = vector.broadcast %mul3A_239 : i32 to vector<16xi32>
            %add3A_241 = arith.addi %add3A_240, %broadcast_in_dim3A_237 : vector<16xi32>
            %gather3A = tpu.vector_load_idx %arg5[%iota3A, %add3A_241] : memref<16x129xf32, #tpu.memory_space<vmem>>[vector<16xi32>, vector<16xi32>], vector<16xf32>,
            %mul3A_242 = arith.constant 2 : i32
            %mul3A_243 = arith.muli %scan3A_236, %mul3A_242 : i32
            %add3A_244 = arith.constant 0 : i32
            %add3A_245 = arith.addi %mul3A_243, %add3A_244 : i32
            %swap3A = arith.index_cast %add3A_245 : i32 to index
            %swap3A_246 = arith.constant 0 : index
            %swap3A_247 = tpu.vector_load %arg7[%swap3A, %swap3A_246] {strides = array<i32>} : memref<16x128xf32, #tpu.memory_space<vmem>>, vector<16xf32>,
            tpu.vector_store %arg7[%swap3A, %swap3A_246], %gather3A {strides = array<i32>} : memref<16x128xf32, #tpu.memory_space<vmem>>, vector<16xf32>,
            %broadcast_in_dim3A_248 = arith.constant 1 : i32
            %broadcast_in_dim3A_249 = vector.broadcast %broadcast_in_dim3A_248 : i32 to vector<16xi32>
            %mul3A_250 = arith.constant 16 : i32
            %mul3A_251 = arith.muli %scan3A_236, %mul3A_250 : i32
            %add3A_252 = vector.broadcast %mul3A_251 : i32 to vector<16xi32>
            %add3A_253 = arith.addi %add3A_252, %broadcast_in_dim3A_249 : vector<16xi32>
            %gather3A_254 = tpu.vector_load_idx %arg5[%iota3A, %add3A_253] : memref<16x129xf32, #tpu.memory_space<vmem>>[vector<16xi32>, vector<16xi32>], vector<16xf32>,
            %mul3A_255 = arith.constant 2 : i32
            %mul3A_256 = arith.muli %scan3A_236, %mul3A_255 : i32
            %add3A_257 = arith.constant 0 : i32
            %add3A_258 = arith.addi %mul3A_256, %add3A_257 : i32
            %swap3A_259 = arith.index_cast %add3A_258 : i32 to index
            %swap3A_260 = arith.constant 16 : index
            %swap3A_261 = tpu.vector_load %arg7[%swap3A_259, %swap3A_260] {strides = array<i32>} : memref<16x128xf32, #tpu.memory_space<vmem>>, vector<16xf32>,
            tpu.vector_store %arg7[%swap3A_259, %swap3A_260], %gather3A_254 {strides = array<i32>} : memref<16x128xf32, #tpu.memory_space<vmem>>, vector<16xf32>,
            %broadcast_in_dim3A_262 = arith.constant 2 : i32
            %broadcast_in_dim3A_263 = vector.broadcast %broadcast_in_dim3A_262 : i32 to vector<16xi32>
            %mul3A_264 = arith.constant 16 : i32
            %mul3A_265 = arith.muli %scan3A_236, %mul3A_264 : i32
            %add3A_266 = vector.broadcast %mul3A_265 : i32 to vector<16xi32>
            %add3A_267 = arith.addi %add3A_266, %broadcast_in_dim3A_263 : vector<16xi32>
            %gather3A_268 = tpu.vector_load_idx %arg5[%iota3A, %add3A_267] : memref<16x129xf32, #tpu.memory_space<vmem>>[vector<16xi32>, vector<16xi32>], vector<16xf32>,
            %mul3A_269 = arith.constant 2 : i32
            %mul3A_270 = arith.muli %scan3A_236, %mul3A_269 : i32
            %add3A_271 = arith.constant 0 : i32
            %add3A_272 = arith.addi %mul3A_270, %add3A_271 : i32
            %swap3A_273 = arith.index_cast %add3A_272 : i32 to index
            %swap3A_274 = arith.constant 32 : index
            %swap3A_275 = tpu.vector_load %arg7[%swap3A_273, %swap3A_274] {strides = array<i32>} : memref<16x128xf32, #tpu.memory_space<vmem>>, vector<16xf32>,
            tpu.vector_store %arg7[%swap3A_273, %swap3A_274], %gather3A_268 {strides = array<i32>} : memref<16x128xf32, #tpu.memory_space<vmem>>, vector<16xf32>,
            %broadcast_in_dim3A_276 = arith.constant 3 : i32
            %broadcast_in_dim3A_277 = vector.broadcast %broadcast_in_dim3A_276 : i32 to vector<16xi32>
            %mul3A_278 = arith.constant 16 : i32
            %mul3A_279 = arith.muli %scan3A_236, %mul3A_278 : i32
            %add3A_280 = vector.broadcast %mul3A_279 : i32 to vector<16xi32>
            %add3A_281 = arith.addi %add3A_280, %broadcast_in_dim3A_277 : vector<16xi32>
            %gather3A_282 = tpu.vector_load_idx %arg5[%iota3A, %add3A_281] : memref<16x129xf32, #tpu.memory_space<vmem>>[vector<16xi32>, vector<16xi32>], vector<16xf32>,
            %mul3A_283 = arith.constant 2 : i32
            %mul3A_284 = arith.muli %scan3A_236, %mul3A_283 : i32
            %add3A_285 = arith.constant 0 : i32
            %add3A_286 = arith.addi %mul3A_284, %add3A_285 : i32
            %swap3A_287 = arith.index_cast %add3A_286 : i32 to index
            %swap3A_288 = arith.constant 48 : index
            %swap3A_289 = tpu.vector_load %arg7[%swap3A_287, %swap3A_288] {strides = array<i32>} : memref<16x128xf32, #tpu.memory_space<vmem>>, vector<16xf32>,
            tpu.vector_store %arg7[%swap3A_287, %swap3A_288], %gather3A_282 {strides = array<i32>} : memref<16x128xf32, #tpu.memory_space<vmem>>, vector<16xf32>,
            %broadcast_in_dim3A_290 = arith.constant 4 : i32
            %broadcast_in_dim3A_291 = vector.broadcast %broadcast_in_dim3A_290 : i32 to vector<16xi32>
            %mul3A_292 = arith.constant 16 : i32
            %mul3A_293 = arith.muli %scan3A_236, %mul3A_292 : i32
            %add3A_294 = vector.broadcast %mul3A_293 : i32 to vector<16xi32>
            %add3A_295 = arith.addi %add3A_294, %broadcast_in_dim3A_291 : vector<16xi32>
            %gather3A_296 = tpu.vector_load_idx %arg5[%iota3A, %add3A_295] : memref<16x129xf32, #tpu.memory_space<vmem>>[vector<16xi32>, vector<16xi32>], vector<16xf32>,
            %mul3A_297 = arith.constant 2 : i32
            %mul3A_298 = arith.muli %scan3A_236, %mul3A_297 : i32
            %add3A_299 = arith.constant 0 : i32
            %add3A_300 = arith.addi %mul3A_298, %add3A_299 : i32
            %swap3A_301 = arith.index_cast %add3A_300 : i32 to index
            %swap3A_302 = arith.constant 64 : index
            %swap3A_303 = tpu.vector_load %arg7[%swap3A_301, %swap3A_302] {strides = array<i32>} : memref<16x128xf32, #tpu.memory_space<vmem>>, vector<16xf32>,
            tpu.vector_store %arg7[%swap3A_301, %swap3A_302], %gather3A_296 {strides = array<i32>} : memref<16x128xf32, #tpu.memory_space<vmem>>, vector<16xf32>,
            %broadcast_in_dim3A_304 = arith.constant 5 : i32
            %broadcast_in_dim3A_305 = vector.broadcast %broadcast_in_dim3A_304 : i32 to vector<16xi32>
            %mul3A_306 = arith.constant 16 : i32
            %mul3A_307 = arith.muli %scan3A_236, %mul3A_306 : i32
            %add3A_308 = vector.broadcast %mul3A_307 : i32 to vector<16xi32>
            %add3A_309 = arith.addi %add3A_308, %broadcast_in_dim3A_305 : vector<16xi32>
            %gather3A_310 = tpu.vector_load_idx %arg5[%iota3A, %add3A_309] : memref<16x129xf32, #tpu.memory_space<vmem>>[vector<16xi32>, vector<16xi32>], vector<16xf32>,
            %mul3A_311 = arith.constant 2 : i32
            %mul3A_312 = arith.muli %scan3A_236, %mul3A_311 : i32
            %add3A_313 = arith.constant 0 : i32
            %add3A_314 = arith.addi %mul3A_312, %add3A_313 : i32
            %swap3A_315 = arith.index_cast %add3A_314 : i32 to index
            %swap3A_316 = arith.constant 80 : index
            %swap3A_317 = tpu.vector_load %arg7[%swap3A_315, %swap3A_316] {strides = array<i32>} : memref<16x128xf32, #tpu.memory_space<vmem>>, vector<16xf32>,
            tpu.vector_store %arg7[%swap3A_315, %swap3A_316], %gather3A_310 {strides = array<i32>} : memref<16x128xf32, #tpu.memory_space<vmem>>, vector<16xf32>,
            %broadcast_in_dim3A_318 = arith.constant 6 : i32
            %broadcast_in_dim3A_319 = vector.broadcast %broadcast_in_dim3A_318 : i32 to vector<16xi32>
            %mul3A_320 = arith.constant 16 : i32
            %mul3A_321 = arith.muli %scan3A_236, %mul3A_320 : i32
            %add3A_322 = vector.broadcast %mul3A_321 : i32 to vector<16xi32>
            %add3A_323 = arith.addi %add3A_322, %broadcast_in_dim3A_319 : vector<16xi32>
            %gather3A_324 = tpu.vector_load_idx %arg5[%iota3A, %add3A_323] : memref<16x129xf32, #tpu.memory_space<vmem>>[vector<16xi32>, vector<16xi32>], vector<16xf32>,
            %mul3A_325 = arith.constant 2 : i32
            %mul3A_326 = arith.muli %scan3A_236, %mul3A_325 : i32
            %add3A_327 = arith.constant 0 : i32
            %add3A_328 = arith.addi %mul3A_326, %add3A_327 : i32
            %swap3A_329 = arith.index_cast %add3A_328 : i32 to index
            %swap3A_330 = arith.constant 96 : index
            %swap3A_331 = tpu.vector_load %arg7[%swap3A_329, %swap3A_330] {strides = array<i32>} : memref<16x128xf32, #tpu.memory_space<vmem>>, vector<16xf32>,
            tpu.vector_store %arg7[%swap3A_329, %swap3A_330], %gather3A_324 {strides = array<i32>} : memref<16x128xf32, #tpu.memory_space<vmem>>, vector<16xf32>,
            %broadcast_in_dim3A_332 = arith.constant 7 : i32
            %broadcast_in_dim3A_333 = vector.broadcast %broadcast_in_dim3A_332 : i32 to vector<16xi32>
            %mul3A_334 = arith.constant 16 : i32
            %mul3A_335 = arith.muli %scan3A_236, %mul3A_334 : i32
            %add3A_336 = vector.broadcast %mul3A_335 : i32 to vector<16xi32>
            %add3A_337 = arith.addi %add3A_336, %broadcast_in_dim3A_333 : vector<16xi32>
            %gather3A_338 = tpu.vector_load_idx %arg5[%iota3A, %add3A_337] : memref<16x129xf32, #tpu.memory_space<vmem>>[vector<16xi32>, vector<16xi32>], vector<16xf32>,
            %mul3A_339 = arith.constant 2 : i32
            %mul3A_340 = arith.muli %scan3A_236, %mul3A_339 : i32
            %add3A_341 = arith.constant 0 : i32
            %add3A_342 = arith.addi %mul3A_340, %add3A_341 : i32
            %swap3A_343 = arith.index_cast %add3A_342 : i32 to index
            %swap3A_344 = arith.constant 112 : index
            %swap3A_345 = tpu.vector_load %arg7[%swap3A_343, %swap3A_344] {strides = array<i32>} : memref<16x128xf32, #tpu.memory_space<vmem>>, vector<16xf32>,
            tpu.vector_store %arg7[%swap3A_343, %swap3A_344], %gather3A_338 {strides = array<i32>} : memref<16x128xf32, #tpu.memory_space<vmem>>, vector<16xf32>,
            %broadcast_in_dim3A_346 = arith.constant 8 : i32
            %broadcast_in_dim3A_347 = vector.broadcast %broadcast_in_dim3A_346 : i32 to vector<16xi32>
            %mul3A_348 = arith.constant 16 : i32
            %mul3A_349 = arith.muli %scan3A_236, %mul3A_348 : i32
            %add3A_350 = vector.broadcast %mul3A_349 : i32 to vector<16xi32>
            %add3A_351 = arith.addi %add3A_350, %broadcast_in_dim3A_347 : vector<16xi32>
            %gather3A_352 = tpu.vector_load_idx %arg5[%iota3A, %add3A_351] : memref<16x129xf32, #tpu.memory_space<vmem>>[vector<16xi32>, vector<16xi32>], vector<16xf32>,
            %mul3A_353 = arith.constant 2 : i32
            %mul3A_354 = arith.muli %scan3A_236, %mul3A_353 : i32
            %add3A_355 = arith.constant 1 : i32
            %add3A_356 = arith.addi %mul3A_354, %add3A_355 : i32
            %swap3A_357 = arith.index_cast %add3A_356 : i32 to index
            %swap3A_358 = arith.constant 0 : index
            %swap3A_359 = tpu.vector_load %arg7[%swap3A_357, %swap3A_358] {strides = array<i32>} : memref<16x128xf32, #tpu.memory_space<vmem>>, vector<16xf32>,
            tpu.vector_store %arg7[%swap3A_357, %swap3A_358], %gather3A_352 {strides = array<i32>} : memref<16x128xf32, #tpu.memory_space<vmem>>, vector<16xf32>,
            %broadcast_in_dim3A_360 = arith.constant 9 : i32
            %broadcast_in_dim3A_361 = vector.broadcast %broadcast_in_dim3A_360 : i32 to vector<16xi32>
            %mul3A_362 = arith.constant 16 : i32
            %mul3A_363 = arith.muli %scan3A_236, %mul3A_362 : i32
            %add3A_364 = vector.broadcast %mul3A_363 : i32 to vector<16xi32>
            %add3A_365 = arith.addi %add3A_364, %broadcast_in_dim3A_361 : vector<16xi32>
            %gather3A_366 = tpu.vector_load_idx %arg5[%iota3A, %add3A_365] : memref<16x129xf32, #tpu.memory_space<vmem>>[vector<16xi32>, vector<16xi32>], vector<16xf32>,
            %mul3A_367 = arith.constant 2 : i32
            %mul3A_368 = arith.muli %scan3A_236, %mul3A_367 : i32
            %add3A_369 = arith.constant 1 : i32
            %add3A_370 = arith.addi %mul3A_368, %add3A_369 : i32
            %swap3A_371 = arith.index_cast %add3A_370 : i32 to index
            %swap3A_372 = arith.constant 16 : index
            %swap3A_373 = tpu.vector_load %arg7[%swap3A_371, %swap3A_372] {strides = array<i32>} : memref<16x128xf32, #tpu.memory_space<vmem>>, vector<16xf32>,
            tpu.vector_store %arg7[%swap3A_371, %swap3A_372], %gather3A_366 {strides = array<i32>} : memref<16x128xf32, #tpu.memory_space<vmem>>, vector<16xf32>,
            %broadcast_in_dim3A_374 = arith.constant 10 : i32
            %broadcast_in_dim3A_375 = vector.broadcast %broadcast_in_dim3A_374 : i32 to vector<16xi32>
            %mul3A_376 = arith.constant 16 : i32
            %mul3A_377 = arith.muli %scan3A_236, %mul3A_376 : i32
            %add3A_378 = vector.broadcast %mul3A_377 : i32 to vector<16xi32>
            %add3A_379 = arith.addi %add3A_378, %broadcast_in_dim3A_375 : vector<16xi32>
            %gather3A_380 = tpu.vector_load_idx %arg5[%iota3A, %add3A_379] : memref<16x129xf32, #tpu.memory_space<vmem>>[vector<16xi32>, vector<16xi32>], vector<16xf32>,
            %mul3A_381 = arith.constant 2 : i32
            %mul3A_382 = arith.muli %scan3A_236, %mul3A_381 : i32
            %add3A_383 = arith.constant 1 : i32
            %add3A_384 = arith.addi %mul3A_382, %add3A_383 : i32
            %swap3A_385 = arith.index_cast %add3A_384 : i32 to index
            %swap3A_386 = arith.constant 32 : index
            %swap3A_387 = tpu.vector_load %arg7[%swap3A_385, %swap3A_386] {strides = array<i32>} : memref<16x128xf32, #tpu.memory_space<vmem>>, vector<16xf32>,
            tpu.vector_store %arg7[%swap3A_385, %swap3A_386], %gather3A_380 {strides = array<i32>} : memref<16x128xf32, #tpu.memory_space<vmem>>, vector<16xf32>,
            %broadcast_in_dim3A_388 = arith.constant 11 : i32
            %broadcast_in_dim3A_389 = vector.broadcast %broadcast_in_dim3A_388 : i32 to vector<16xi32>
            %mul3A_390 = arith.constant 16 : i32
            %mul3A_391 = arith.muli %scan3A_236, %mul3A_390 : i32
            %add3A_392 = vector.broadcast %mul3A_391 : i32 to vector<16xi32>
            %add3A_393 = arith.addi %add3A_392, %broadcast_in_dim3A_389 : vector<16xi32>
            %gather3A_394 = tpu.vector_load_idx %arg5[%iota3A, %add3A_393] : memref<16x129xf32, #tpu.memory_space<vmem>>[vector<16xi32>, vector<16xi32>], vector<16xf32>,
            %mul3A_395 = arith.constant 2 : i32
            %mul3A_396 = arith.muli %scan3A_236, %mul3A_395 : i32
            %add3A_397 = arith.constant 1 : i32
            %add3A_398 = arith.addi %mul3A_396, %add3A_397 : i32
            %swap3A_399 = arith.index_cast %add3A_398 : i32 to index
            %swap3A_400 = arith.constant 48 : index
            %swap3A_401 = tpu.vector_load %arg7[%swap3A_399, %swap3A_400] {strides = array<i32>} : memref<16x128xf32, #tpu.memory_space<vmem>>, vector<16xf32>,
            tpu.vector_store %arg7[%swap3A_399, %swap3A_400], %gather3A_394 {strides = array<i32>} : memref<16x128xf32, #tpu.memory_space<vmem>>, vector<16xf32>,
            %broadcast_in_dim3A_402 = arith.constant 12 : i32
            %broadcast_in_dim3A_403 = vector.broadcast %broadcast_in_dim3A_402 : i32 to vector<16xi32>
            %mul3A_404 = arith.constant 16 : i32
            %mul3A_405 = arith.muli %scan3A_236, %mul3A_404 : i32
            %add3A_406 = vector.broadcast %mul3A_405 : i32 to vector<16xi32>
            %add3A_407 = arith.addi %add3A_406, %broadcast_in_dim3A_403 : vector<16xi32>
            %gather3A_408 = tpu.vector_load_idx %arg5[%iota3A, %add3A_407] : memref<16x129xf32, #tpu.memory_space<vmem>>[vector<16xi32>, vector<16xi32>], vector<16xf32>,
            %mul3A_409 = arith.constant 2 : i32
            %mul3A_410 = arith.muli %scan3A_236, %mul3A_409 : i32
            %add3A_411 = arith.constant 1 : i32
            %add3A_412 = arith.addi %mul3A_410, %add3A_411 : i32
            %swap3A_413 = arith.index_cast %add3A_412 : i32 to index
            %swap3A_414 = arith.constant 64 : index
            %swap3A_415 = tpu.vector_load %arg7[%swap3A_413, %swap3A_414] {strides = array<i32>} : memref<16x128xf32, #tpu.memory_space<vmem>>, vector<16xf32>,
            tpu.vector_store %arg7[%swap3A_413, %swap3A_414], %gather3A_408 {strides = array<i32>} : memref<16x128xf32, #tpu.memory_space<vmem>>, vector<16xf32>,
            %broadcast_in_dim3A_416 = arith.constant 13 : i32
            %broadcast_in_dim3A_417 = vector.broadcast %broadcast_in_dim3A_416 : i32 to vector<16xi32>
            %mul3A_418 = arith.constant 16 : i32
            %mul3A_419 = arith.muli %scan3A_236, %mul3A_418 : i32
            %add3A_420 = vector.broadcast %mul3A_419 : i32 to vector<16xi32>
            %add3A_421 = arith.addi %add3A_420, %broadcast_in_dim3A_417 : vector<16xi32>
            %gather3A_422 = tpu.vector_load_idx %arg5[%iota3A, %add3A_421] : memref<16x129xf32, #tpu.memory_space<vmem>>[vector<16xi32>, vector<16xi32>], vector<16xf32>,
            %mul3A_423 = arith.constant 2 : i32
            %mul3A_424 = arith.muli %scan3A_236, %mul3A_423 : i32
            %add3A_425 = arith.constant 1 : i32
            %add3A_426 = arith.addi %mul3A_424, %add3A_425 : i32
            %swap3A_427 = arith.index_cast %add3A_426 : i32 to index
            %swap3A_428 = arith.constant 80 : index
            %swap3A_429 = tpu.vector_load %arg7[%swap3A_427, %swap3A_428] {strides = array<i32>} : memref<16x128xf32, #tpu.memory_space<vmem>>, vector<16xf32>,
            tpu.vector_store %arg7[%swap3A_427, %swap3A_428], %gather3A_422 {strides = array<i32>} : memref<16x128xf32, #tpu.memory_space<vmem>>, vector<16xf32>,
            %broadcast_in_dim3A_430 = arith.constant 14 : i32
            %broadcast_in_dim3A_431 = vector.broadcast %broadcast_in_dim3A_430 : i32 to vector<16xi32>
            %mul3A_432 = arith.constant 16 : i32
            %mul3A_433 = arith.muli %scan3A_236, %mul3A_432 : i32
            %add3A_434 = vector.broadcast %mul3A_433 : i32 to vector<16xi32>
            %add3A_435 = arith.addi %add3A_434, %broadcast_in_dim3A_431 : vector<16xi32>
            %gather3A_436 = tpu.vector_load_idx %arg5[%iota3A, %add3A_435] : memref<16x129xf32, #tpu.memory_space<vmem>>[vector<16xi32>, vector<16xi32>], vector<16xf32>,
            %mul3A_437 = arith.constant 2 : i32
            %mul3A_438 = arith.muli %scan3A_236, %mul3A_437 : i32
            %add3A_439 = arith.constant 1 : i32
            %add3A_440 = arith.addi %mul3A_438, %add3A_439 : i32
            %swap3A_441 = arith.index_cast %add3A_440 : i32 to index
            %swap3A_442 = arith.constant 96 : index
            %swap3A_443 = tpu.vector_load %arg7[%swap3A_441, %swap3A_442] {strides = array<i32>} : memref<16x128xf32, #tpu.memory_space<vmem>>, vector<16xf32>,
            tpu.vector_store %arg7[%swap3A_441, %swap3A_442], %gather3A_436 {strides = array<i32>} : memref<16x128xf32, #tpu.memory_space<vmem>>, vector<16xf32>,
            %broadcast_in_dim3A_444 = arith.constant 15 : i32
            %broadcast_in_dim3A_445 = vector.broadcast %broadcast_in_dim3A_444 : i32 to vector<16xi32>
            %mul3A_446 = arith.constant 16 : i32
            %mul3A_447 = arith.muli %scan3A_236, %mul3A_446 : i32
            %add3A_448 = vector.broadcast %mul3A_447 : i32 to vector<16xi32>
            %add3A_449 = arith.addi %add3A_448, %broadcast_in_dim3A_445 : vector<16xi32>
            %gather3A_450 = tpu.vector_load_idx %arg5[%iota3A, %add3A_449] : memref<16x129xf32, #tpu.memory_space<vmem>>[vector<16xi32>, vector<16xi32>], vector<16xf32>,
            %mul3A_451 = arith.constant 2 : i32
            %mul3A_452 = arith.muli %scan3A_236, %mul3A_451 : i32
            %add3A_453 = arith.constant 1 : i32
            %add3A_454 = arith.addi %mul3A_452, %add3A_453 : i32
            %swap3A_455 = arith.index_cast %add3A_454 : i32 to index
            %swap3A_456 = arith.constant 112 : index
            %swap3A_457 = tpu.vector_load %arg7[%swap3A_455, %swap3A_456] {strides = array<i32>} : memref<16x128xf32, #tpu.memory_space<vmem>>, vector<16xf32>,
            tpu.vector_store %arg7[%swap3A_455, %swap3A_456], %gather3A_450 {strides = array<i32>} : memref<16x128xf32, #tpu.memory_space<vmem>>, vector<16xf32>,
          }
          %scan3A_235 = arith.constant 8 : i32
        } else {
        }
        %eq3A_218 = arith.constant 781 : i32
        %eq3A_219 = arith.cmpi eq, %select_n3A_207, %eq3A_218 : i32
        %convert_element_type3A_220 = arith.extui %eq3A_219 : i1 to i32
        %cond3A_221 = arith.constant 0 : i32
        %cond3A_222 = arith.cmpi ne, %convert_element_type3A_220, %cond3A_221 : i32
        scf.if %cond3A_222 {
          "tpu.region"() ({
            %run_scoped3A = tpu.sem_alloc : memref<!tpu.dma_semaphore, #tpu.memory_space<semaphore_mem>>
            %dma_start3A_231 = arith.constant 0 : i32
            %dma_start3A_232 = arith.constant 0 : i32
            %dma_start3A_233 = tpu.memref_slice %arg7[%dma_start3A_231, %dma_start3A_232] : memref<16x128xf32, #tpu.memory_space<vmem>> -> memref<8x128xf32, #tpu.memory_space<vmem>>
            %dma_start3A_234 = arith.constant 0 : i32
            %dma_start3A_235 = arith.constant 0 : i32
            %dma_start3A_236 = tpu.memref_slice %arg3[%select_n3A_191, %dma_start3A_234, %dma_start3A_235] : memref<26x8x128xf32, #tpu.memory_space<hbm>> -> memref<1x8x128xf32, #tpu.memory_space<hbm>>
            %dma_start3A_237 = tpu.memref_squeeze %dma_start3A_236 : memref<1x8x128xf32, #tpu.memory_space<hbm>> -> memref<8x128xf32, #tpu.memory_space<hbm>>
            %dma_start3A_238 = arith.constant 0 : i32
            %dma_start3A_239 = arith.constant 0 : i32
            %dma_start3A_240 = tpu.memref_slice %arg7[%dma_start3A_238, %dma_start3A_239] : memref<16x128xf32, #tpu.memory_space<vmem>> -> memref<8x128xf32, #tpu.memory_space<vmem>>
            %dma_start3A_241 = arith.constant 0 : i32
            %dma_start3A_242 = arith.constant 0 : i32
            %dma_start3A_243 = tpu.memref_slice %arg3[%select_n3A_191, %dma_start3A_241, %dma_start3A_242] : memref<26x8x128xf32, #tpu.memory_space<hbm>> -> memref<1x8x128xf32, #tpu.memory_space<hbm>>
            %dma_start3A_244 = tpu.memref_squeeze %dma_start3A_243 : memref<1x8x128xf32, #tpu.memory_space<hbm>> -> memref<8x128xf32, #tpu.memory_space<hbm>>
            tpu.enqueue_dma source(%dma_start3A_244 : memref<8x128xf32, #tpu.memory_space<hbm>>) target(%dma_start3A_240 : memref<8x128xf32, #tpu.memory_space<vmem>>) target_semaphore(%run_scoped3A : memref<!tpu.dma_semaphore, #tpu.memory_space<semaphore_mem>>)
            %dma_wait3A_245 = arith.constant 0 : i32
            %dma_wait3A_246 = arith.constant 0 : i32
            %dma_wait3A_247 = tpu.memref_slice %arg7[%dma_wait3A_245, %dma_wait3A_246] : memref<16x128xf32, #tpu.memory_space<vmem>> -> memref<8x128xf32, #tpu.memory_space<vmem>>
            %dma_wait3A_248 = arith.constant 0 : i32
            %dma_wait3A_249 = arith.constant 0 : i32
            %dma_wait3A_250 = tpu.memref_slice %arg3[%select_n3A_191, %dma_wait3A_248, %dma_wait3A_249] : memref<26x8x128xf32, #tpu.memory_space<hbm>> -> memref<1x8x128xf32, #tpu.memory_space<hbm>>
            %dma_wait3A_251 = tpu.memref_squeeze %dma_wait3A_250 : memref<1x8x128xf32, #tpu.memory_space<hbm>> -> memref<8x128xf32, #tpu.memory_space<hbm>>
            %dma_wait3A_252 = arith.constant 0 : i32
            %dma_wait3A_253 = arith.constant 0 : i32
            %dma_wait3A_254 = tpu.memref_slice %arg7[%dma_wait3A_252, %dma_wait3A_253] : memref<16x128xf32, #tpu.memory_space<vmem>> -> memref<8x128xf32, #tpu.memory_space<vmem>>
            %dma_wait3A_255 = arith.constant 0 : i32
            %dma_wait3A_256 = arith.constant 0 : i32
            %dma_wait3A_257 = tpu.memref_slice %arg3[%select_n3A_191, %dma_wait3A_255, %dma_wait3A_256] : memref<26x8x128xf32, #tpu.memory_space<hbm>> -> memref<1x8x128xf32, #tpu.memory_space<hbm>>
            %dma_wait3A_258 = tpu.memref_squeeze %dma_wait3A_257 : memref<1x8x128xf32, #tpu.memory_space<hbm>> -> memref<8x128xf32, #tpu.memory_space<hbm>>
            tpu.wait_dma2 semaphore(%run_scoped3A : memref<!tpu.dma_semaphore, #tpu.memory_space<semaphore_mem>>) src(%dma_wait3A_258 : memref<8x128xf32, #tpu.memory_space<hbm>>) dst(%dma_wait3A_254 : memref<8x128xf32, #tpu.memory_space<vmem>>)
            tpu.yield
          }) : () -> ()
        } else {
        }
        %mul3A_223 = arith.constant 12512 : i32
        %mul3A_224 = arith.muli %select_n3A_191, %mul3A_223 : i32
        %mul3A_225 = arith.constant 16 : i32
        %mul3A_226 = arith.muli %select_n3A_207, %mul3A_225 : i32
        %add3A_227 = arith.addi %mul3A_224, %mul3A_226 : i32
        %dma_start3A = arith.constant 0 : i32
        %dma_start3A_228 = tpu.memref_slice %arg4[%add3A_227, %dma_start3A] : memref<325312x128xf32, #tpu.memory_space<hbm>> -> memref<16x128xf32, #tpu.memory_space<hbm>>
        %dma_start3A_229 = arith.constant 0 : i32
        %dma_start3A_230 = tpu.memref_slice %arg4[%add3A_227, %dma_start3A_229] : memref<325312x128xf32, #tpu.memory_space<hbm>> -> memref<16x128xf32, #tpu.memory_space<hbm>>
        tpu.enqueue_dma source(%arg7 : memref<16x128xf32, #tpu.memory_space<vmem>>) target(%dma_start3A_230 : memref<16x128xf32, #tpu.memory_space<hbm>>) target_semaphore(%arg11 : memref<!tpu.dma_semaphore, #tpu.memory_space<semaphore_mem>>)
      } else {
      }
      %add3A_131 = arith.constant 2 : i32
      %add3A_132 = arith.addi %add3A_98, %add3A_131 : i32
      %lt3A_133 = arith.cmpi slt, %add3A_132, %select_n3A_46 : i32
      %convert_element_type3A_134 = arith.extui %lt3A_133 : i1 to i32
      %cond3A_135 = arith.constant 0 : i32
      %cond3A_136 = arith.cmpi ne, %convert_element_type3A_134, %cond3A_135 : i32
      scf.if %cond3A_136 {
        %jit3A_168 = arith.constant 782 : i32
        %div3A_169 = arith.divsi %add3A_132, %jit3A_168 : i32
        %sign3A_170 = arith.constant 0 : i32
        %sign3A_171 = arith.cmpi sgt, %add3A_132, %sign3A_170 : i32
        %sign3A_172 = arith.extui %sign3A_171 : i1 to i32
        %sign3A_173 = arith.constant 0 : i32
        %sign3A_174 = arith.cmpi slt, %add3A_132, %sign3A_173 : i32
        %sign3A_175 = arith.extui %sign3A_174 : i1 to i32
        %sign3A_176 = arith.subi %sign3A_172, %sign3A_175 : i32
        %sign3A_177 = arith.constant 0 : i32
        %sign3A_178 = arith.cmpi sgt, %jit3A_168, %sign3A_177 : i32
        %sign3A_179 = arith.extui %sign3A_178 : i1 to i32
        %sign3A_180 = arith.constant 0 : i32
        %sign3A_181 = arith.cmpi slt, %jit3A_168, %sign3A_180 : i32
        %sign3A_182 = arith.extui %sign3A_181 : i1 to i32
        %sign3A_183 = arith.subi %sign3A_179, %sign3A_182 : i32
        %ne3A_184 = arith.cmpi ne, %sign3A_176, %sign3A_183 : i32
        %rem3A_185 = arith.remsi %add3A_132, %jit3A_168 : i32
        %ne3A_186 = arith.constant 0 : i32
        %ne3A_187 = arith.cmpi ne, %rem3A_185, %ne3A_186 : i32
        %and3A_188 = arith.andi %ne3A_184, %ne3A_187 : i1
        %sub3A_189 = arith.constant 1 : i32
        %sub3A_190 = arith.subi %div3A_169, %sub3A_189 : i32
        %select_n3A_191 = arith.select %and3A_188, %sub3A_190, %div3A_169 : i32
        %jit3A_192 = arith.constant 782 : i32
        %eq3A_193 = arith.constant 0 : i32
        %eq3A_194 = arith.cmpi eq, %jit3A_192, %eq3A_193 : i32
        %jit3A_195 = arith.constant 1 : i32
        %select_n3A_196 = arith.select %eq3A_194, %jit3A_195, %jit3A_192 : i32
        %rem3A_197 = arith.remsi %add3A_132, %select_n3A_196 : i32
        %ne3A_198 = arith.constant 0 : i32
        %ne3A_199 = arith.cmpi ne, %rem3A_197, %ne3A_198 : i32
        %lt3A_200 = arith.constant 0 : i32
        %lt3A_201 = arith.cmpi slt, %rem3A_197, %lt3A_200 : i32
        %lt3A_202 = arith.constant 0 : i32
        %lt3A_203 = arith.cmpi slt, %select_n3A_196, %lt3A_202 : i32
        %ne3A_204 = arith.xori %lt3A_201, %lt3A_203 : i1
        %and3A_205 = arith.andi %ne3A_204, %ne3A_199 : i1
        %add3A_206 = arith.addi %rem3A_197, %select_n3A_196 : i32
        %select_n3A_207 = arith.select %and3A_205, %add3A_206, %rem3A_197 : i32
        %lt3A_208 = arith.constant 781 : i32
        %lt3A_209 = arith.cmpi slt, %select_n3A_207, %lt3A_208 : i32
        %convert_element_type3A_210 = arith.extui %lt3A_209 : i1 to i32
        %cond3A_211 = arith.constant 0 : i32
        %cond3A_212 = arith.cmpi ne, %convert_element_type3A_210, %cond3A_211 : i32
        scf.if %cond3A_212 {
          %mul3A_213 = arith.constant 128 : i32
          %mul3A_214 = arith.muli %select_n3A_207, %mul3A_213 : i32
          %dma_start3A = arith.constant 0 : i32
          %dma_start3A_215 = arith.constant 0 : i32
          %dma_start3A_216 = tpu.memref_slice %arg5[%dma_start3A, %dma_start3A_215] : memref<16x129xf32, #tpu.memory_space<vmem>> -> memref<16x128xf32, #tpu.memory_space<vmem>>
          %dma_start3A_217 = arith.constant 0 : i32
          %dma_start3A_218 = tpu.memref_slice %arg2[%select_n3A_191, %dma_start3A_217, %mul3A_214] : memref<26x16x100000xf32, #tpu.memory_space<hbm>> -> memref<1x16x128xf32, #tpu.memory_space<hbm>>
          %dma_start3A_219 = tpu.memref_squeeze %dma_start3A_218 : memref<1x16x128xf32, #tpu.memory_space<hbm>> -> memref<16x128xf32, #tpu.memory_space<hbm>>
          %dma_start3A_220 = arith.constant 0 : i32
          %dma_start3A_221 = arith.constant 0 : i32
          %dma_start3A_222 = tpu.memref_slice %arg5[%dma_start3A_220, %dma_start3A_221] : memref<16x129xf32, #tpu.memory_space<vmem>> -> memref<16x128xf32, #tpu.memory_space<vmem>>
          %dma_start3A_223 = arith.constant 0 : i32
          %dma_start3A_224 = tpu.memref_slice %arg2[%select_n3A_191, %dma_start3A_223, %mul3A_214] : memref<26x16x100000xf32, #tpu.memory_space<hbm>> -> memref<1x16x128xf32, #tpu.memory_space<hbm>>
          %dma_start3A_225 = tpu.memref_squeeze %dma_start3A_224 : memref<1x16x128xf32, #tpu.memory_space<hbm>> -> memref<16x128xf32, #tpu.memory_space<hbm>>
          tpu.enqueue_dma source(%dma_start3A_225 : memref<16x128xf32, #tpu.memory_space<hbm>>) target(%dma_start3A_222 : memref<16x128xf32, #tpu.memory_space<vmem>>) target_semaphore(%arg9 : memref<!tpu.dma_semaphore, #tpu.memory_space<semaphore_mem>>)
        } else {
        }
      } else {
      }
      %add3A_137 = arith.constant 1 : i32
      %add3A_138 = arith.addi %add3A_98, %add3A_137 : i32
      %lt3A_139 = arith.cmpi slt, %add3A_138, %select_n3A_46 : i32
      %jit3A_140 = arith.constant 782 : i32
      %eq3A_141 = arith.constant 0 : i32
      %eq3A_142 = arith.cmpi eq, %jit3A_140, %eq3A_141 : i32
      %jit3A_143 = arith.constant 1 : i32
      %select_n3A_144 = arith.select %eq3A_142, %jit3A_143, %jit3A_140 : i32
      %rem3A_145 = arith.remsi %add3A_138, %select_n3A_144 : i32
      %ne3A_146 = arith.constant 0 : i32
      %ne3A_147 = arith.cmpi ne, %rem3A_145, %ne3A_146 : i32
      %lt3A_148 = arith.constant 0 : i32
      %lt3A_149 = arith.cmpi slt, %rem3A_145, %lt3A_148 : i32
      %lt3A_150 = arith.constant 0 : i32
      %lt3A_151 = arith.cmpi slt, %select_n3A_144, %lt3A_150 : i32
      %ne3A_152 = arith.xori %lt3A_149, %lt3A_151 : i1
      %and3A_153 = arith.andi %ne3A_152, %ne3A_147 : i1
      %add3A_154 = arith.addi %rem3A_145, %select_n3A_144 : i32
      %select_n3A_155 = arith.select %and3A_153, %add3A_154, %rem3A_145 : i32
      %lt3A_156 = arith.constant 781 : i32
      %lt3A_157 = arith.cmpi slt, %select_n3A_155, %lt3A_156 : i32
      %and3A_158 = arith.andi %lt3A_139, %lt3A_157 : i1
      %convert_element_type3A_159 = arith.extui %and3A_158 : i1 to i32
      %cond3A_160 = arith.constant 0 : i32
      %cond3A_161 = arith.cmpi ne, %convert_element_type3A_159, %cond3A_160 : i32
      scf.if %cond3A_161 {
        %dma_wait3A_168 = arith.constant 0 : i32
        %dma_wait3A_169 = arith.constant 0 : i32
        %dma_wait3A_170 = arith.constant 0 : i32
        %dma_wait3A_171 = tpu.memref_slice %arg6[%dma_wait3A_169, %dma_wait3A_170] : memref<16x129xf32, #tpu.memory_space<vmem>> -> memref<16x128xf32, #tpu.memory_space<vmem>>
        %dma_wait3A_172 = arith.constant 0 : i32
        %dma_wait3A_173 = arith.constant 0 : i32
        %dma_wait3A_174 = tpu.memref_slice %arg2[%dma_wait3A_168, %dma_wait3A_172, %dma_wait3A_173] : memref<26x16x100000xf32, #tpu.memory_space<hbm>> -> memref<1x16x128xf32, #tpu.memory_space<hbm>>
        %dma_wait3A_175 = tpu.memref_squeeze %dma_wait3A_174 : memref<1x16x128xf32, #tpu.memory_space<hbm>> -> memref<16x128xf32, #tpu.memory_space<hbm>>
        %dma_wait3A_176 = arith.constant 0 : i32
        %dma_wait3A_177 = arith.constant 0 : i32
        %dma_wait3A_178 = tpu.memref_slice %arg6[%dma_wait3A_176, %dma_wait3A_177] : memref<16x129xf32, #tpu.memory_space<vmem>> -> memref<16x128xf32, #tpu.memory_space<vmem>>
        %dma_wait3A_179 = arith.constant 0 : i32
        %dma_wait3A_180 = arith.constant 0 : i32
        %dma_wait3A_181 = tpu.memref_slice %arg2[%dma_wait3A_168, %dma_wait3A_179, %dma_wait3A_180] : memref<26x16x100000xf32, #tpu.memory_space<hbm>> -> memref<1x16x128xf32, #tpu.memory_space<hbm>>
        %dma_wait3A_182 = tpu.memref_squeeze %dma_wait3A_181 : memref<1x16x128xf32, #tpu.memory_space<hbm>> -> memref<16x128xf32, #tpu.memory_space<hbm>>
        tpu.wait_dma2 semaphore(%arg10 : memref<!tpu.dma_semaphore, #tpu.memory_space<semaphore_mem>>) src(%dma_wait3A_182 : memref<16x128xf32, #tpu.memory_space<hbm>>) dst(%dma_wait3A_178 : memref<16x128xf32, #tpu.memory_space<vmem>>)
      } else {
      }
      %add3A_162 = arith.constant 1 : i32
      %add3A_163 = arith.addi %add3A_98, %add3A_162 : i32
      %lt3A_164 = arith.cmpi slt, %add3A_163, %select_n3A_46 : i32
      %convert_element_type3A_165 = arith.extui %lt3A_164 : i1 to i32
      %cond3A_166 = arith.constant 0 : i32
      %cond3A_167 = arith.cmpi ne, %convert_element_type3A_165, %cond3A_166 : i32
      scf.if %cond3A_167 {
        %jit3A_168 = arith.constant 782 : i32
        %div3A_169 = arith.divsi %add3A_163, %jit3A_168 : i32
        %sign3A_170 = arith.constant 0 : i32
        %sign3A_171 = arith.cmpi sgt, %add3A_163, %sign3A_170 : i32
        %sign3A_172 = arith.extui %sign3A_171 : i1 to i32
        %sign3A_173 = arith.constant 0 : i32
        %sign3A_174 = arith.cmpi slt, %add3A_163, %sign3A_173 : i32
        %sign3A_175 = arith.extui %sign3A_174 : i1 to i32
        %sign3A_176 = arith.subi %sign3A_172, %sign3A_175 : i32
        %sign3A_177 = arith.constant 0 : i32
        %sign3A_178 = arith.cmpi sgt, %jit3A_168, %sign3A_177 : i32
        %sign3A_179 = arith.extui %sign3A_178 : i1 to i32
        %sign3A_180 = arith.constant 0 : i32
        %sign3A_181 = arith.cmpi slt, %jit3A_168, %sign3A_180 : i32
        %sign3A_182 = arith.extui %sign3A_181 : i1 to i32
        %sign3A_183 = arith.subi %sign3A_179, %sign3A_182 : i32
        %ne3A_184 = arith.cmpi ne, %sign3A_176, %sign3A_183 : i32
        %rem3A_185 = arith.remsi %add3A_163, %jit3A_168 : i32
        %ne3A_186 = arith.constant 0 : i32
        %ne3A_187 = arith.cmpi ne, %rem3A_185, %ne3A_186 : i32
        %and3A_188 = arith.andi %ne3A_184, %ne3A_187 : i1
        %sub3A_189 = arith.constant 1 : i32
        %sub3A_190 = arith.subi %div3A_169, %sub3A_189 : i32
        %select_n3A_191 = arith.select %and3A_188, %sub3A_190, %div3A_169 : i32
        %jit3A_192 = arith.constant 782 : i32
        %eq3A_193 = arith.constant 0 : i32
        %eq3A_194 = arith.cmpi eq, %jit3A_192, %eq3A_193 : i32
        %jit3A_195 = arith.constant 1 : i32
        %select_n3A_196 = arith.select %eq3A_194, %jit3A_195, %jit3A_192 : i32
        %rem3A_197 = arith.remsi %add3A_163, %select_n3A_196 : i32
        %ne3A_198 = arith.constant 0 : i32
        %ne3A_199 = arith.cmpi ne, %rem3A_197, %ne3A_198 : i32
        %lt3A_200 = arith.constant 0 : i32
        %lt3A_201 = arith.cmpi slt, %rem3A_197, %lt3A_200 : i32
        %lt3A_202 = arith.constant 0 : i32
        %lt3A_203 = arith.cmpi slt, %select_n3A_196, %lt3A_202 : i32
        %ne3A_204 = arith.xori %lt3A_201, %lt3A_203 : i1
        %and3A_205 = arith.andi %ne3A_204, %ne3A_199 : i1
        %add3A_206 = arith.addi %rem3A_197, %select_n3A_196 : i32
        %select_n3A_207 = arith.select %and3A_205, %add3A_206, %rem3A_197 : i32
        %add3A_208 = arith.constant 2 : i32
        %add3A_209 = arith.addi %select_n3A, %add3A_208 : i32
        %ge3A = arith.cmpi sge, %add3A_163, %add3A_209 : i32
        %convert_element_type3A_210 = arith.extui %ge3A : i1 to i32
        %cond3A_211 = arith.constant 0 : i32
        %cond3A_212 = arith.cmpi ne, %convert_element_type3A_210, %cond3A_211 : i32
        scf.if %cond3A_212 {
          %dma_wait3A_231 = arith.constant 0 : i32
          %dma_wait3A_232 = arith.constant 0 : i32
          %dma_wait3A_233 = tpu.memref_slice %arg4[%dma_wait3A_231, %dma_wait3A_232] : memref<325312x128xf32, #tpu.memory_space<hbm>> -> memref<16x128xf32, #tpu.memory_space<hbm>>
          %dma_wait3A_234 = arith.constant 0 : i32
          %dma_wait3A_235 = arith.constant 0 : i32
          %dma_wait3A_236 = tpu.memref_slice %arg4[%dma_wait3A_234, %dma_wait3A_235] : memref<325312x128xf32, #tpu.memory_space<hbm>> -> memref<16x128xf32, #tpu.memory_space<hbm>>
          tpu.wait_dma2 semaphore(%arg12 : memref<!tpu.dma_semaphore, #tpu.memory_space<semaphore_mem>>) src(%arg8 : memref<16x128xf32, #tpu.memory_space<vmem>>) dst(%dma_wait3A_236 : memref<16x128xf32, #tpu.memory_space<hbm>>)
        } else {
        }
        %lt3A_213 = arith.constant 781 : i32
        %lt3A_214 = arith.cmpi slt, %select_n3A_207, %lt3A_213 : i32
        %convert_element_type3A_215 = arith.extui %lt3A_214 : i1 to i32
        %cond3A_216 = arith.constant 0 : i32
        %cond3A_217 = arith.cmpi ne, %convert_element_type3A_215, %cond3A_216 : i32
        scf.if %cond3A_217 {
          %scan3A = arith.constant 0 : i32
          %scan3A_231 = arith.constant 0 : i32
          %scan3A_232 = arith.constant 8 : i32
          %scan3A_233 = arith.addi %scan3A_231, %scan3A_232 : i32
          %scan3A_234 = arith.constant 1 : i32
          scf.for %scan3A_236 = %scan3A_231 to %scan3A_233 step %scan3A_234  : i32 {
            %broadcast_in_dim3A = arith.constant 0 : i32
            %broadcast_in_dim3A_237 = vector.broadcast %broadcast_in_dim3A : i32 to vector<16xi32>
            %mul3A_238 = arith.constant 16 : i32
            %mul3A_239 = arith.muli %scan3A_236, %mul3A_238 : i32
            %add3A_240 = vector.broadcast %mul3A_239 : i32 to vector<16xi32>
            %add3A_241 = arith.addi %add3A_240, %broadcast_in_dim3A_237 : vector<16xi32>
            %gather3A = tpu.vector_load_idx %arg6[%iota3A, %add3A_241] : memref<16x129xf32, #tpu.memory_space<vmem>>[vector<16xi32>, vector<16xi32>], vector<16xf32>,
            %mul3A_242 = arith.constant 2 : i32
            %mul3A_243 = arith.muli %scan3A_236, %mul3A_242 : i32
            %add3A_244 = arith.constant 0 : i32
            %add3A_245 = arith.addi %mul3A_243, %add3A_244 : i32
            %swap3A = arith.index_cast %add3A_245 : i32 to index
            %swap3A_246 = arith.constant 0 : index
            %swap3A_247 = tpu.vector_load %arg8[%swap3A, %swap3A_246] {strides = array<i32>} : memref<16x128xf32, #tpu.memory_space<vmem>>, vector<16xf32>,
            tpu.vector_store %arg8[%swap3A, %swap3A_246], %gather3A {strides = array<i32>} : memref<16x128xf32, #tpu.memory_space<vmem>>, vector<16xf32>,
            %broadcast_in_dim3A_248 = arith.constant 1 : i32
            %broadcast_in_dim3A_249 = vector.broadcast %broadcast_in_dim3A_248 : i32 to vector<16xi32>
            %mul3A_250 = arith.constant 16 : i32
            %mul3A_251 = arith.muli %scan3A_236, %mul3A_250 : i32
            %add3A_252 = vector.broadcast %mul3A_251 : i32 to vector<16xi32>
            %add3A_253 = arith.addi %add3A_252, %broadcast_in_dim3A_249 : vector<16xi32>
            %gather3A_254 = tpu.vector_load_idx %arg6[%iota3A, %add3A_253] : memref<16x129xf32, #tpu.memory_space<vmem>>[vector<16xi32>, vector<16xi32>], vector<16xf32>,
            %mul3A_255 = arith.constant 2 : i32
            %mul3A_256 = arith.muli %scan3A_236, %mul3A_255 : i32
            %add3A_257 = arith.constant 0 : i32
            %add3A_258 = arith.addi %mul3A_256, %add3A_257 : i32
            %swap3A_259 = arith.index_cast %add3A_258 : i32 to index
            %swap3A_260 = arith.constant 16 : index
            %swap3A_261 = tpu.vector_load %arg8[%swap3A_259, %swap3A_260] {strides = array<i32>} : memref<16x128xf32, #tpu.memory_space<vmem>>, vector<16xf32>,
            tpu.vector_store %arg8[%swap3A_259, %swap3A_260], %gather3A_254 {strides = array<i32>} : memref<16x128xf32, #tpu.memory_space<vmem>>, vector<16xf32>,
            %broadcast_in_dim3A_262 = arith.constant 2 : i32
            %broadcast_in_dim3A_263 = vector.broadcast %broadcast_in_dim3A_262 : i32 to vector<16xi32>
            %mul3A_264 = arith.constant 16 : i32
            %mul3A_265 = arith.muli %scan3A_236, %mul3A_264 : i32
            %add3A_266 = vector.broadcast %mul3A_265 : i32 to vector<16xi32>
            %add3A_267 = arith.addi %add3A_266, %broadcast_in_dim3A_263 : vector<16xi32>
            %gather3A_268 = tpu.vector_load_idx %arg6[%iota3A, %add3A_267] : memref<16x129xf32, #tpu.memory_space<vmem>>[vector<16xi32>, vector<16xi32>], vector<16xf32>,
            %mul3A_269 = arith.constant 2 : i32
            %mul3A_270 = arith.muli %scan3A_236, %mul3A_269 : i32
            %add3A_271 = arith.constant 0 : i32
            %add3A_272 = arith.addi %mul3A_270, %add3A_271 : i32
            %swap3A_273 = arith.index_cast %add3A_272 : i32 to index
            %swap3A_274 = arith.constant 32 : index
            %swap3A_275 = tpu.vector_load %arg8[%swap3A_273, %swap3A_274] {strides = array<i32>} : memref<16x128xf32, #tpu.memory_space<vmem>>, vector<16xf32>,
            tpu.vector_store %arg8[%swap3A_273, %swap3A_274], %gather3A_268 {strides = array<i32>} : memref<16x128xf32, #tpu.memory_space<vmem>>, vector<16xf32>,
            %broadcast_in_dim3A_276 = arith.constant 3 : i32
            %broadcast_in_dim3A_277 = vector.broadcast %broadcast_in_dim3A_276 : i32 to vector<16xi32>
            %mul3A_278 = arith.constant 16 : i32
            %mul3A_279 = arith.muli %scan3A_236, %mul3A_278 : i32
            %add3A_280 = vector.broadcast %mul3A_279 : i32 to vector<16xi32>
            %add3A_281 = arith.addi %add3A_280, %broadcast_in_dim3A_277 : vector<16xi32>
            %gather3A_282 = tpu.vector_load_idx %arg6[%iota3A, %add3A_281] : memref<16x129xf32, #tpu.memory_space<vmem>>[vector<16xi32>, vector<16xi32>], vector<16xf32>,
            %mul3A_283 = arith.constant 2 : i32
            %mul3A_284 = arith.muli %scan3A_236, %mul3A_283 : i32
            %add3A_285 = arith.constant 0 : i32
            %add3A_286 = arith.addi %mul3A_284, %add3A_285 : i32
            %swap3A_287 = arith.index_cast %add3A_286 : i32 to index
            %swap3A_288 = arith.constant 48 : index
            %swap3A_289 = tpu.vector_load %arg8[%swap3A_287, %swap3A_288] {strides = array<i32>} : memref<16x128xf32, #tpu.memory_space<vmem>>, vector<16xf32>,
            tpu.vector_store %arg8[%swap3A_287, %swap3A_288], %gather3A_282 {strides = array<i32>} : memref<16x128xf32, #tpu.memory_space<vmem>>, vector<16xf32>,
            %broadcast_in_dim3A_290 = arith.constant 4 : i32
            %broadcast_in_dim3A_291 = vector.broadcast %broadcast_in_dim3A_290 : i32 to vector<16xi32>
            %mul3A_292 = arith.constant 16 : i32
            %mul3A_293 = arith.muli %scan3A_236, %mul3A_292 : i32
            %add3A_294 = vector.broadcast %mul3A_293 : i32 to vector<16xi32>
            %add3A_295 = arith.addi %add3A_294, %broadcast_in_dim3A_291 : vector<16xi32>
            %gather3A_296 = tpu.vector_load_idx %arg6[%iota3A, %add3A_295] : memref<16x129xf32, #tpu.memory_space<vmem>>[vector<16xi32>, vector<16xi32>], vector<16xf32>,
            %mul3A_297 = arith.constant 2 : i32
            %mul3A_298 = arith.muli %scan3A_236, %mul3A_297 : i32
            %add3A_299 = arith.constant 0 : i32
            %add3A_300 = arith.addi %mul3A_298, %add3A_299 : i32
            %swap3A_301 = arith.index_cast %add3A_300 : i32 to index
            %swap3A_302 = arith.constant 64 : index
            %swap3A_303 = tpu.vector_load %arg8[%swap3A_301, %swap3A_302] {strides = array<i32>} : memref<16x128xf32, #tpu.memory_space<vmem>>, vector<16xf32>,
            tpu.vector_store %arg8[%swap3A_301, %swap3A_302], %gather3A_296 {strides = array<i32>} : memref<16x128xf32, #tpu.memory_space<vmem>>, vector<16xf32>,
            %broadcast_in_dim3A_304 = arith.constant 5 : i32
            %broadcast_in_dim3A_305 = vector.broadcast %broadcast_in_dim3A_304 : i32 to vector<16xi32>
            %mul3A_306 = arith.constant 16 : i32
            %mul3A_307 = arith.muli %scan3A_236, %mul3A_306 : i32
            %add3A_308 = vector.broadcast %mul3A_307 : i32 to vector<16xi32>
            %add3A_309 = arith.addi %add3A_308, %broadcast_in_dim3A_305 : vector<16xi32>
            %gather3A_310 = tpu.vector_load_idx %arg6[%iota3A, %add3A_309] : memref<16x129xf32, #tpu.memory_space<vmem>>[vector<16xi32>, vector<16xi32>], vector<16xf32>,
            %mul3A_311 = arith.constant 2 : i32
            %mul3A_312 = arith.muli %scan3A_236, %mul3A_311 : i32
            %add3A_313 = arith.constant 0 : i32
            %add3A_314 = arith.addi %mul3A_312, %add3A_313 : i32
            %swap3A_315 = arith.index_cast %add3A_314 : i32 to index
            %swap3A_316 = arith.constant 80 : index
            %swap3A_317 = tpu.vector_load %arg8[%swap3A_315, %swap3A_316] {strides = array<i32>} : memref<16x128xf32, #tpu.memory_space<vmem>>, vector<16xf32>,
            tpu.vector_store %arg8[%swap3A_315, %swap3A_316], %gather3A_310 {strides = array<i32>} : memref<16x128xf32, #tpu.memory_space<vmem>>, vector<16xf32>,
            %broadcast_in_dim3A_318 = arith.constant 6 : i32
            %broadcast_in_dim3A_319 = vector.broadcast %broadcast_in_dim3A_318 : i32 to vector<16xi32>
            %mul3A_320 = arith.constant 16 : i32
            %mul3A_321 = arith.muli %scan3A_236, %mul3A_320 : i32
            %add3A_322 = vector.broadcast %mul3A_321 : i32 to vector<16xi32>
            %add3A_323 = arith.addi %add3A_322, %broadcast_in_dim3A_319 : vector<16xi32>
            %gather3A_324 = tpu.vector_load_idx %arg6[%iota3A, %add3A_323] : memref<16x129xf32, #tpu.memory_space<vmem>>[vector<16xi32>, vector<16xi32>], vector<16xf32>,
            %mul3A_325 = arith.constant 2 : i32
            %mul3A_326 = arith.muli %scan3A_236, %mul3A_325 : i32
            %add3A_327 = arith.constant 0 : i32
            %add3A_328 = arith.addi %mul3A_326, %add3A_327 : i32
            %swap3A_329 = arith.index_cast %add3A_328 : i32 to index
            %swap3A_330 = arith.constant 96 : index
            %swap3A_331 = tpu.vector_load %arg8[%swap3A_329, %swap3A_330] {strides = array<i32>} : memref<16x128xf32, #tpu.memory_space<vmem>>, vector<16xf32>,
            tpu.vector_store %arg8[%swap3A_329, %swap3A_330], %gather3A_324 {strides = array<i32>} : memref<16x128xf32, #tpu.memory_space<vmem>>, vector<16xf32>,
            %broadcast_in_dim3A_332 = arith.constant 7 : i32
            %broadcast_in_dim3A_333 = vector.broadcast %broadcast_in_dim3A_332 : i32 to vector<16xi32>
            %mul3A_334 = arith.constant 16 : i32
            %mul3A_335 = arith.muli %scan3A_236, %mul3A_334 : i32
            %add3A_336 = vector.broadcast %mul3A_335 : i32 to vector<16xi32>
            %add3A_337 = arith.addi %add3A_336, %broadcast_in_dim3A_333 : vector<16xi32>
            %gather3A_338 = tpu.vector_load_idx %arg6[%iota3A, %add3A_337] : memref<16x129xf32, #tpu.memory_space<vmem>>[vector<16xi32>, vector<16xi32>], vector<16xf32>,
            %mul3A_339 = arith.constant 2 : i32
            %mul3A_340 = arith.muli %scan3A_236, %mul3A_339 : i32
            %add3A_341 = arith.constant 0 : i32
            %add3A_342 = arith.addi %mul3A_340, %add3A_341 : i32
            %swap3A_343 = arith.index_cast %add3A_342 : i32 to index
            %swap3A_344 = arith.constant 112 : index
            %swap3A_345 = tpu.vector_load %arg8[%swap3A_343, %swap3A_344] {strides = array<i32>} : memref<16x128xf32, #tpu.memory_space<vmem>>, vector<16xf32>,
            tpu.vector_store %arg8[%swap3A_343, %swap3A_344], %gather3A_338 {strides = array<i32>} : memref<16x128xf32, #tpu.memory_space<vmem>>, vector<16xf32>,
            %broadcast_in_dim3A_346 = arith.constant 8 : i32
            %broadcast_in_dim3A_347 = vector.broadcast %broadcast_in_dim3A_346 : i32 to vector<16xi32>
            %mul3A_348 = arith.constant 16 : i32
            %mul3A_349 = arith.muli %scan3A_236, %mul3A_348 : i32
            %add3A_350 = vector.broadcast %mul3A_349 : i32 to vector<16xi32>
            %add3A_351 = arith.addi %add3A_350, %broadcast_in_dim3A_347 : vector<16xi32>
            %gather3A_352 = tpu.vector_load_idx %arg6[%iota3A, %add3A_351] : memref<16x129xf32, #tpu.memory_space<vmem>>[vector<16xi32>, vector<16xi32>], vector<16xf32>,
            %mul3A_353 = arith.constant 2 : i32
            %mul3A_354 = arith.muli %scan3A_236, %mul3A_353 : i32
            %add3A_355 = arith.constant 1 : i32
            %add3A_356 = arith.addi %mul3A_354, %add3A_355 : i32
            %swap3A_357 = arith.index_cast %add3A_356 : i32 to index
            %swap3A_358 = arith.constant 0 : index
            %swap3A_359 = tpu.vector_load %arg8[%swap3A_357, %swap3A_358] {strides = array<i32>} : memref<16x128xf32, #tpu.memory_space<vmem>>, vector<16xf32>,
            tpu.vector_store %arg8[%swap3A_357, %swap3A_358], %gather3A_352 {strides = array<i32>} : memref<16x128xf32, #tpu.memory_space<vmem>>, vector<16xf32>,
            %broadcast_in_dim3A_360 = arith.constant 9 : i32
            %broadcast_in_dim3A_361 = vector.broadcast %broadcast_in_dim3A_360 : i32 to vector<16xi32>
            %mul3A_362 = arith.constant 16 : i32
            %mul3A_363 = arith.muli %scan3A_236, %mul3A_362 : i32
            %add3A_364 = vector.broadcast %mul3A_363 : i32 to vector<16xi32>
            %add3A_365 = arith.addi %add3A_364, %broadcast_in_dim3A_361 : vector<16xi32>
            %gather3A_366 = tpu.vector_load_idx %arg6[%iota3A, %add3A_365] : memref<16x129xf32, #tpu.memory_space<vmem>>[vector<16xi32>, vector<16xi32>], vector<16xf32>,
            %mul3A_367 = arith.constant 2 : i32
            %mul3A_368 = arith.muli %scan3A_236, %mul3A_367 : i32
            %add3A_369 = arith.constant 1 : i32
            %add3A_370 = arith.addi %mul3A_368, %add3A_369 : i32
            %swap3A_371 = arith.index_cast %add3A_370 : i32 to index
            %swap3A_372 = arith.constant 16 : index
            %swap3A_373 = tpu.vector_load %arg8[%swap3A_371, %swap3A_372] {strides = array<i32>} : memref<16x128xf32, #tpu.memory_space<vmem>>, vector<16xf32>,
            tpu.vector_store %arg8[%swap3A_371, %swap3A_372], %gather3A_366 {strides = array<i32>} : memref<16x128xf32, #tpu.memory_space<vmem>>, vector<16xf32>,
            %broadcast_in_dim3A_374 = arith.constant 10 : i32
            %broadcast_in_dim3A_375 = vector.broadcast %broadcast_in_dim3A_374 : i32 to vector<16xi32>
            %mul3A_376 = arith.constant 16 : i32
            %mul3A_377 = arith.muli %scan3A_236, %mul3A_376 : i32
            %add3A_378 = vector.broadcast %mul3A_377 : i32 to vector<16xi32>
            %add3A_379 = arith.addi %add3A_378, %broadcast_in_dim3A_375 : vector<16xi32>
            %gather3A_380 = tpu.vector_load_idx %arg6[%iota3A, %add3A_379] : memref<16x129xf32, #tpu.memory_space<vmem>>[vector<16xi32>, vector<16xi32>], vector<16xf32>,
            %mul3A_381 = arith.constant 2 : i32
            %mul3A_382 = arith.muli %scan3A_236, %mul3A_381 : i32
            %add3A_383 = arith.constant 1 : i32
            %add3A_384 = arith.addi %mul3A_382, %add3A_383 : i32
            %swap3A_385 = arith.index_cast %add3A_384 : i32 to index
            %swap3A_386 = arith.constant 32 : index
            %swap3A_387 = tpu.vector_load %arg8[%swap3A_385, %swap3A_386] {strides = array<i32>} : memref<16x128xf32, #tpu.memory_space<vmem>>, vector<16xf32>,
            tpu.vector_store %arg8[%swap3A_385, %swap3A_386], %gather3A_380 {strides = array<i32>} : memref<16x128xf32, #tpu.memory_space<vmem>>, vector<16xf32>,
            %broadcast_in_dim3A_388 = arith.constant 11 : i32
            %broadcast_in_dim3A_389 = vector.broadcast %broadcast_in_dim3A_388 : i32 to vector<16xi32>
            %mul3A_390 = arith.constant 16 : i32
            %mul3A_391 = arith.muli %scan3A_236, %mul3A_390 : i32
            %add3A_392 = vector.broadcast %mul3A_391 : i32 to vector<16xi32>
            %add3A_393 = arith.addi %add3A_392, %broadcast_in_dim3A_389 : vector<16xi32>
            %gather3A_394 = tpu.vector_load_idx %arg6[%iota3A, %add3A_393] : memref<16x129xf32, #tpu.memory_space<vmem>>[vector<16xi32>, vector<16xi32>], vector<16xf32>,
            %mul3A_395 = arith.constant 2 : i32
            %mul3A_396 = arith.muli %scan3A_236, %mul3A_395 : i32
            %add3A_397 = arith.constant 1 : i32
            %add3A_398 = arith.addi %mul3A_396, %add3A_397 : i32
            %swap3A_399 = arith.index_cast %add3A_398 : i32 to index
            %swap3A_400 = arith.constant 48 : index
            %swap3A_401 = tpu.vector_load %arg8[%swap3A_399, %swap3A_400] {strides = array<i32>} : memref<16x128xf32, #tpu.memory_space<vmem>>, vector<16xf32>,
            tpu.vector_store %arg8[%swap3A_399, %swap3A_400], %gather3A_394 {strides = array<i32>} : memref<16x128xf32, #tpu.memory_space<vmem>>, vector<16xf32>,
            %broadcast_in_dim3A_402 = arith.constant 12 : i32
            %broadcast_in_dim3A_403 = vector.broadcast %broadcast_in_dim3A_402 : i32 to vector<16xi32>
            %mul3A_404 = arith.constant 16 : i32
            %mul3A_405 = arith.muli %scan3A_236, %mul3A_404 : i32
            %add3A_406 = vector.broadcast %mul3A_405 : i32 to vector<16xi32>
            %add3A_407 = arith.addi %add3A_406, %broadcast_in_dim3A_403 : vector<16xi32>
            %gather3A_408 = tpu.vector_load_idx %arg6[%iota3A, %add3A_407] : memref<16x129xf32, #tpu.memory_space<vmem>>[vector<16xi32>, vector<16xi32>], vector<16xf32>,
            %mul3A_409 = arith.constant 2 : i32
            %mul3A_410 = arith.muli %scan3A_236, %mul3A_409 : i32
            %add3A_411 = arith.constant 1 : i32
            %add3A_412 = arith.addi %mul3A_410, %add3A_411 : i32
            %swap3A_413 = arith.index_cast %add3A_412 : i32 to index
            %swap3A_414 = arith.constant 64 : index
            %swap3A_415 = tpu.vector_load %arg8[%swap3A_413, %swap3A_414] {strides = array<i32>} : memref<16x128xf32, #tpu.memory_space<vmem>>, vector<16xf32>,
            tpu.vector_store %arg8[%swap3A_413, %swap3A_414], %gather3A_408 {strides = array<i32>} : memref<16x128xf32, #tpu.memory_space<vmem>>, vector<16xf32>,
            %broadcast_in_dim3A_416 = arith.constant 13 : i32
            %broadcast_in_dim3A_417 = vector.broadcast %broadcast_in_dim3A_416 : i32 to vector<16xi32>
            %mul3A_418 = arith.constant 16 : i32
            %mul3A_419 = arith.muli %scan3A_236, %mul3A_418 : i32
            %add3A_420 = vector.broadcast %mul3A_419 : i32 to vector<16xi32>
            %add3A_421 = arith.addi %add3A_420, %broadcast_in_dim3A_417 : vector<16xi32>
            %gather3A_422 = tpu.vector_load_idx %arg6[%iota3A, %add3A_421] : memref<16x129xf32, #tpu.memory_space<vmem>>[vector<16xi32>, vector<16xi32>], vector<16xf32>,
            %mul3A_423 = arith.constant 2 : i32
            %mul3A_424 = arith.muli %scan3A_236, %mul3A_423 : i32
            %add3A_425 = arith.constant 1 : i32
            %add3A_426 = arith.addi %mul3A_424, %add3A_425 : i32
            %swap3A_427 = arith.index_cast %add3A_426 : i32 to index
            %swap3A_428 = arith.constant 80 : index
            %swap3A_429 = tpu.vector_load %arg8[%swap3A_427, %swap3A_428] {strides = array<i32>} : memref<16x128xf32, #tpu.memory_space<vmem>>, vector<16xf32>,
            tpu.vector_store %arg8[%swap3A_427, %swap3A_428], %gather3A_422 {strides = array<i32>} : memref<16x128xf32, #tpu.memory_space<vmem>>, vector<16xf32>,
            %broadcast_in_dim3A_430 = arith.constant 14 : i32
            %broadcast_in_dim3A_431 = vector.broadcast %broadcast_in_dim3A_430 : i32 to vector<16xi32>
            %mul3A_432 = arith.constant 16 : i32
            %mul3A_433 = arith.muli %scan3A_236, %mul3A_432 : i32
            %add3A_434 = vector.broadcast %mul3A_433 : i32 to vector<16xi32>
            %add3A_435 = arith.addi %add3A_434, %broadcast_in_dim3A_431 : vector<16xi32>
            %gather3A_436 = tpu.vector_load_idx %arg6[%iota3A, %add3A_435] : memref<16x129xf32, #tpu.memory_space<vmem>>[vector<16xi32>, vector<16xi32>], vector<16xf32>,
            %mul3A_437 = arith.constant 2 : i32
            %mul3A_438 = arith.muli %scan3A_236, %mul3A_437 : i32
            %add3A_439 = arith.constant 1 : i32
            %add3A_440 = arith.addi %mul3A_438, %add3A_439 : i32
            %swap3A_441 = arith.index_cast %add3A_440 : i32 to index
            %swap3A_442 = arith.constant 96 : index
            %swap3A_443 = tpu.vector_load %arg8[%swap3A_441, %swap3A_442] {strides = array<i32>} : memref<16x128xf32, #tpu.memory_space<vmem>>, vector<16xf32>,
            tpu.vector_store %arg8[%swap3A_441, %swap3A_442], %gather3A_436 {strides = array<i32>} : memref<16x128xf32, #tpu.memory_space<vmem>>, vector<16xf32>,
            %broadcast_in_dim3A_444 = arith.constant 15 : i32
            %broadcast_in_dim3A_445 = vector.broadcast %broadcast_in_dim3A_444 : i32 to vector<16xi32>
            %mul3A_446 = arith.constant 16 : i32
            %mul3A_447 = arith.muli %scan3A_236, %mul3A_446 : i32
            %add3A_448 = vector.broadcast %mul3A_447 : i32 to vector<16xi32>
            %add3A_449 = arith.addi %add3A_448, %broadcast_in_dim3A_445 : vector<16xi32>
            %gather3A_450 = tpu.vector_load_idx %arg6[%iota3A, %add3A_449] : memref<16x129xf32, #tpu.memory_space<vmem>>[vector<16xi32>, vector<16xi32>], vector<16xf32>,
            %mul3A_451 = arith.constant 2 : i32
            %mul3A_452 = arith.muli %scan3A_236, %mul3A_451 : i32
            %add3A_453 = arith.constant 1 : i32
            %add3A_454 = arith.addi %mul3A_452, %add3A_453 : i32
            %swap3A_455 = arith.index_cast %add3A_454 : i32 to index
            %swap3A_456 = arith.constant 112 : index
            %swap3A_457 = tpu.vector_load %arg8[%swap3A_455, %swap3A_456] {strides = array<i32>} : memref<16x128xf32, #tpu.memory_space<vmem>>, vector<16xf32>,
            tpu.vector_store %arg8[%swap3A_455, %swap3A_456], %gather3A_450 {strides = array<i32>} : memref<16x128xf32, #tpu.memory_space<vmem>>, vector<16xf32>,
          }
          %scan3A_235 = arith.constant 8 : i32
        } else {
        }
        %eq3A_218 = arith.constant 781 : i32
        %eq3A_219 = arith.cmpi eq, %select_n3A_207, %eq3A_218 : i32
        %convert_element_type3A_220 = arith.extui %eq3A_219 : i1 to i32
        %cond3A_221 = arith.constant 0 : i32
        %cond3A_222 = arith.cmpi ne, %convert_element_type3A_220, %cond3A_221 : i32
        scf.if %cond3A_222 {
          "tpu.region"() ({
            %run_scoped3A = tpu.sem_alloc : memref<!tpu.dma_semaphore, #tpu.memory_space<semaphore_mem>>
            %dma_start3A_231 = arith.constant 0 : i32
            %dma_start3A_232 = arith.constant 0 : i32
            %dma_start3A_233 = tpu.memref_slice %arg8[%dma_start3A_231, %dma_start3A_232] : memref<16x128xf32, #tpu.memory_space<vmem>> -> memref<8x128xf32, #tpu.memory_space<vmem>>
            %dma_start3A_234 = arith.constant 0 : i32
            %dma_start3A_235 = arith.constant 0 : i32
            %dma_start3A_236 = tpu.memref_slice %arg3[%select_n3A_191, %dma_start3A_234, %dma_start3A_235] : memref<26x8x128xf32, #tpu.memory_space<hbm>> -> memref<1x8x128xf32, #tpu.memory_space<hbm>>
            %dma_start3A_237 = tpu.memref_squeeze %dma_start3A_236 : memref<1x8x128xf32, #tpu.memory_space<hbm>> -> memref<8x128xf32, #tpu.memory_space<hbm>>
            %dma_start3A_238 = arith.constant 0 : i32
            %dma_start3A_239 = arith.constant 0 : i32
            %dma_start3A_240 = tpu.memref_slice %arg8[%dma_start3A_238, %dma_start3A_239] : memref<16x128xf32, #tpu.memory_space<vmem>> -> memref<8x128xf32, #tpu.memory_space<vmem>>
            %dma_start3A_241 = arith.constant 0 : i32
            %dma_start3A_242 = arith.constant 0 : i32
            %dma_start3A_243 = tpu.memref_slice %arg3[%select_n3A_191, %dma_start3A_241, %dma_start3A_242] : memref<26x8x128xf32, #tpu.memory_space<hbm>> -> memref<1x8x128xf32, #tpu.memory_space<hbm>>
            %dma_start3A_244 = tpu.memref_squeeze %dma_start3A_243 : memref<1x8x128xf32, #tpu.memory_space<hbm>> -> memref<8x128xf32, #tpu.memory_space<hbm>>
            tpu.enqueue_dma source(%dma_start3A_244 : memref<8x128xf32, #tpu.memory_space<hbm>>) target(%dma_start3A_240 : memref<8x128xf32, #tpu.memory_space<vmem>>) target_semaphore(%run_scoped3A : memref<!tpu.dma_semaphore, #tpu.memory_space<semaphore_mem>>)
            %dma_wait3A_245 = arith.constant 0 : i32
            %dma_wait3A_246 = arith.constant 0 : i32
            %dma_wait3A_247 = tpu.memref_slice %arg8[%dma_wait3A_245, %dma_wait3A_246] : memref<16x128xf32, #tpu.memory_space<vmem>> -> memref<8x128xf32, #tpu.memory_space<vmem>>
            %dma_wait3A_248 = arith.constant 0 : i32
            %dma_wait3A_249 = arith.constant 0 : i32
            %dma_wait3A_250 = tpu.memref_slice %arg3[%select_n3A_191, %dma_wait3A_248, %dma_wait3A_249] : memref<26x8x128xf32, #tpu.memory_space<hbm>> -> memref<1x8x128xf32, #tpu.memory_space<hbm>>
            %dma_wait3A_251 = tpu.memref_squeeze %dma_wait3A_250 : memref<1x8x128xf32, #tpu.memory_space<hbm>> -> memref<8x128xf32, #tpu.memory_space<hbm>>
            %dma_wait3A_252 = arith.constant 0 : i32
            %dma_wait3A_253 = arith.constant 0 : i32
            %dma_wait3A_254 = tpu.memref_slice %arg8[%dma_wait3A_252, %dma_wait3A_253] : memref<16x128xf32, #tpu.memory_space<vmem>> -> memref<8x128xf32, #tpu.memory_space<vmem>>
            %dma_wait3A_255 = arith.constant 0 : i32
            %dma_wait3A_256 = arith.constant 0 : i32
            %dma_wait3A_257 = tpu.memref_slice %arg3[%select_n3A_191, %dma_wait3A_255, %dma_wait3A_256] : memref<26x8x128xf32, #tpu.memory_space<hbm>> -> memref<1x8x128xf32, #tpu.memory_space<hbm>>
            %dma_wait3A_258 = tpu.memref_squeeze %dma_wait3A_257 : memref<1x8x128xf32, #tpu.memory_space<hbm>> -> memref<8x128xf32, #tpu.memory_space<hbm>>
            tpu.wait_dma2 semaphore(%run_scoped3A : memref<!tpu.dma_semaphore, #tpu.memory_space<semaphore_mem>>) src(%dma_wait3A_258 : memref<8x128xf32, #tpu.memory_space<hbm>>) dst(%dma_wait3A_254 : memref<8x128xf32, #tpu.memory_space<vmem>>)
            tpu.yield
          }) : () -> ()
        } else {
        }
        %mul3A_223 = arith.constant 12512 : i32
        %mul3A_224 = arith.muli %select_n3A_191, %mul3A_223 : i32
        %mul3A_225 = arith.constant 16 : i32
        %mul3A_226 = arith.muli %select_n3A_207, %mul3A_225 : i32
        %add3A_227 = arith.addi %mul3A_224, %mul3A_226 : i32
        %dma_start3A = arith.constant 0 : i32
        %dma_start3A_228 = tpu.memref_slice %arg4[%add3A_227, %dma_start3A] : memref<325312x128xf32, #tpu.memory_space<hbm>> -> memref<16x128xf32, #tpu.memory_space<hbm>>
        %dma_start3A_229 = arith.constant 0 : i32
        %dma_start3A_230 = tpu.memref_slice %arg4[%add3A_227, %dma_start3A_229] : memref<325312x128xf32, #tpu.memory_space<hbm>> -> memref<16x128xf32, #tpu.memory_space<hbm>>
        tpu.enqueue_dma source(%arg8 : memref<16x128xf32, #tpu.memory_space<vmem>>) target(%dma_start3A_230 : memref<16x128xf32, #tpu.memory_space<hbm>>) target_semaphore(%arg12 : memref<!tpu.dma_semaphore, #tpu.memory_space<semaphore_mem>>)
      } else {
      }
    }
    %while3A_83 = arith.constant 1 : i32
    scf.for %while3A_95 = %while3A_81 to %while3A_77 step %while3A_83  : i32 {
      %mul3A_96 = arith.constant 2 : i32
      %mul3A_97 = arith.muli %mul3A_96, %while3A_95 : i32
      %add3A_98 = arith.addi %select_n3A, %mul3A_97 : i32
      %add3A_99 = arith.constant 1 : i32
      %add3A_100 = arith.addi %add3A_98, %add3A_99 : i32
      %lt3A_101 = arith.cmpi slt, %add3A_100, %select_n3A_46 : i32
      %convert_element_type3A_102 = arith.extui %lt3A_101 : i1 to i32
      %cond3A_103 = arith.constant 0 : i32
      %cond3A_104 = arith.cmpi ne, %convert_element_type3A_102, %cond3A_103 : i32
      scf.if %cond3A_104 {
        %jit3A_168 = arith.constant 782 : i32
        %div3A_169 = arith.divsi %add3A_100, %jit3A_168 : i32
        %sign3A_170 = arith.constant 0 : i32
        %sign3A_171 = arith.cmpi sgt, %add3A_100, %sign3A_170 : i32
        %sign3A_172 = arith.extui %sign3A_171 : i1 to i32
        %sign3A_173 = arith.constant 0 : i32
        %sign3A_174 = arith.cmpi slt, %add3A_100, %sign3A_173 : i32
        %sign3A_175 = arith.extui %sign3A_174 : i1 to i32
        %sign3A_176 = arith.subi %sign3A_172, %sign3A_175 : i32
        %sign3A_177 = arith.constant 0 : i32
        %sign3A_178 = arith.cmpi sgt, %jit3A_168, %sign3A_177 : i32
        %sign3A_179 = arith.extui %sign3A_178 : i1 to i32
        %sign3A_180 = arith.constant 0 : i32
        %sign3A_181 = arith.cmpi slt, %jit3A_168, %sign3A_180 : i32
        %sign3A_182 = arith.extui %sign3A_181 : i1 to i32
        %sign3A_183 = arith.subi %sign3A_179, %sign3A_182 : i32
        %ne3A_184 = arith.cmpi ne, %sign3A_176, %sign3A_183 : i32
        %rem3A_185 = arith.remsi %add3A_100, %jit3A_168 : i32
        %ne3A_186 = arith.constant 0 : i32
        %ne3A_187 = arith.cmpi ne, %rem3A_185, %ne3A_186 : i32
        %and3A_188 = arith.andi %ne3A_184, %ne3A_187 : i1
        %sub3A_189 = arith.constant 1 : i32
        %sub3A_190 = arith.subi %div3A_169, %sub3A_189 : i32
        %select_n3A_191 = arith.select %and3A_188, %sub3A_190, %div3A_169 : i32
        %jit3A_192 = arith.constant 782 : i32
        %eq3A_193 = arith.constant 0 : i32
        %eq3A_194 = arith.cmpi eq, %jit3A_192, %eq3A_193 : i32
        %jit3A_195 = arith.constant 1 : i32
        %select_n3A_196 = arith.select %eq3A_194, %jit3A_195, %jit3A_192 : i32
        %rem3A_197 = arith.remsi %add3A_100, %select_n3A_196 : i32
        %ne3A_198 = arith.constant 0 : i32
        %ne3A_199 = arith.cmpi ne, %rem3A_197, %ne3A_198 : i32
        %lt3A_200 = arith.constant 0 : i32
        %lt3A_201 = arith.cmpi slt, %rem3A_197, %lt3A_200 : i32
        %lt3A_202 = arith.constant 0 : i32
        %lt3A_203 = arith.cmpi slt, %select_n3A_196, %lt3A_202 : i32
        %ne3A_204 = arith.xori %lt3A_201, %lt3A_203 : i1
        %and3A_205 = arith.andi %ne3A_204, %ne3A_199 : i1
        %add3A_206 = arith.addi %rem3A_197, %select_n3A_196 : i32
        %select_n3A_207 = arith.select %and3A_205, %add3A_206, %rem3A_197 : i32
        %lt3A_208 = arith.constant 781 : i32
        %lt3A_209 = arith.cmpi slt, %select_n3A_207, %lt3A_208 : i32
        %convert_element_type3A_210 = arith.extui %lt3A_209 : i1 to i32
        %cond3A_211 = arith.constant 0 : i32
        %cond3A_212 = arith.cmpi ne, %convert_element_type3A_210, %cond3A_211 : i32
        scf.if %cond3A_212 {
          %mul3A_213 = arith.constant 128 : i32
          %mul3A_214 = arith.muli %select_n3A_207, %mul3A_213 : i32
          %dma_start3A = arith.constant 0 : i32
          %dma_start3A_215 = arith.constant 0 : i32
          %dma_start3A_216 = tpu.memref_slice %arg6[%dma_start3A, %dma_start3A_215] : memref<16x129xf32, #tpu.memory_space<vmem>> -> memref<16x128xf32, #tpu.memory_space<vmem>>
          %dma_start3A_217 = arith.constant 0 : i32
          %dma_start3A_218 = tpu.memref_slice %arg2[%select_n3A_191, %dma_start3A_217, %mul3A_214] : memref<26x16x100000xf32, #tpu.memory_space<hbm>> -> memref<1x16x128xf32, #tpu.memory_space<hbm>>
          %dma_start3A_219 = tpu.memref_squeeze %dma_start3A_218 : memref<1x16x128xf32, #tpu.memory_space<hbm>> -> memref<16x128xf32, #tpu.memory_space<hbm>>
          %dma_start3A_220 = arith.constant 0 : i32
          %dma_start3A_221 = arith.constant 0 : i32
          %dma_start3A_222 = tpu.memref_slice %arg6[%dma_start3A_220, %dma_start3A_221] : memref<16x129xf32, #tpu.memory_space<vmem>> -> memref<16x128xf32, #tpu.memory_space<vmem>>
          %dma_start3A_223 = arith.constant 0 : i32
          %dma_start3A_224 = tpu.memref_slice %arg2[%select_n3A_191, %dma_start3A_223, %mul3A_214] : memref<26x16x100000xf32, #tpu.memory_space<hbm>> -> memref<1x16x128xf32, #tpu.memory_space<hbm>>
          %dma_start3A_225 = tpu.memref_squeeze %dma_start3A_224 : memref<1x16x128xf32, #tpu.memory_space<hbm>> -> memref<16x128xf32, #tpu.memory_space<hbm>>
          tpu.enqueue_dma source(%dma_start3A_225 : memref<16x128xf32, #tpu.memory_space<hbm>>) target(%dma_start3A_222 : memref<16x128xf32, #tpu.memory_space<vmem>>) target_semaphore(%arg10 : memref<!tpu.dma_semaphore, #tpu.memory_space<semaphore_mem>>)
        } else {
        }
      } else {
      }
      %lt3A_105 = arith.cmpi slt, %add3A_98, %select_n3A_46 : i32
      %jit3A_106 = arith.constant 782 : i32
      %eq3A = arith.constant 0 : i32
      %eq3A_107 = arith.cmpi eq, %jit3A_106, %eq3A : i32
      %jit3A_108 = arith.constant 1 : i32
      %select_n3A_109 = arith.select %eq3A_107, %jit3A_108, %jit3A_106 : i32
      %rem3A_110 = arith.remsi %add3A_98, %select_n3A_109 : i32
      %ne3A_111 = arith.constant 0 : i32
      %ne3A_112 = arith.cmpi ne, %rem3A_110, %ne3A_111 : i32
      %lt3A_113 = arith.constant 0 : i32
      %lt3A_114 = arith.cmpi slt, %rem3A_110, %lt3A_113 : i32
      %lt3A_115 = arith.constant 0 : i32
      %lt3A_116 = arith.cmpi slt, %select_n3A_109, %lt3A_115 : i32
      %ne3A_117 = arith.xori %lt3A_114, %lt3A_116 : i1
      %and3A_118 = arith.andi %ne3A_117, %ne3A_112 : i1
      %add3A_119 = arith.addi %rem3A_110, %select_n3A_109 : i32
      %select_n3A_120 = arith.select %and3A_118, %add3A_119, %rem3A_110 : i32
      %lt3A_121 = arith.constant 781 : i32
      %lt3A_122 = arith.cmpi slt, %select_n3A_120, %lt3A_121 : i32
      %and3A_123 = arith.andi %lt3A_105, %lt3A_122 : i1
      %convert_element_type3A_124 = arith.extui %and3A_123 : i1 to i32
      %cond3A_125 = arith.constant 0 : i32
      %cond3A_126 = arith.cmpi ne, %convert_element_type3A_124, %cond3A_125 : i32
      scf.if %cond3A_126 {
        %dma_wait3A_168 = arith.constant 0 : i32
        %dma_wait3A_169 = arith.constant 0 : i32
        %dma_wait3A_170 = arith.constant 0 : i32
        %dma_wait3A_171 = tpu.memref_slice %arg5[%dma_wait3A_169, %dma_wait3A_170] : memref<16x129xf32, #tpu.memory_space<vmem>> -> memref<16x128xf32, #tpu.memory_space<vmem>>
        %dma_wait3A_172 = arith.constant 0 : i32
        %dma_wait3A_173 = arith.constant 0 : i32
        %dma_wait3A_174 = tpu.memref_slice %arg2[%dma_wait3A_168, %dma_wait3A_172, %dma_wait3A_173] : memref<26x16x100000xf32, #tpu.memory_space<hbm>> -> memref<1x16x128xf32, #tpu.memory_space<hbm>>
        %dma_wait3A_175 = tpu.memref_squeeze %dma_wait3A_174 : memref<1x16x128xf32, #tpu.memory_space<hbm>> -> memref<16x128xf32, #tpu.memory_space<hbm>>
        %dma_wait3A_176 = arith.constant 0 : i32
        %dma_wait3A_177 = arith.constant 0 : i32
        %dma_wait3A_178 = tpu.memref_slice %arg5[%dma_wait3A_176, %dma_wait3A_177] : memref<16x129xf32, #tpu.memory_space<vmem>> -> memref<16x128xf32, #tpu.memory_space<vmem>>
        %dma_wait3A_179 = arith.constant 0 : i32
        %dma_wait3A_180 = arith.constant 0 : i32
        %dma_wait3A_181 = tpu.memref_slice %arg2[%dma_wait3A_168, %dma_wait3A_179, %dma_wait3A_180] : memref<26x16x100000xf32, #tpu.memory_space<hbm>> -> memref<1x16x128xf32, #tpu.memory_space<hbm>>
        %dma_wait3A_182 = tpu.memref_squeeze %dma_wait3A_181 : memref<1x16x128xf32, #tpu.memory_space<hbm>> -> memref<16x128xf32, #tpu.memory_space<hbm>>
        tpu.wait_dma2 semaphore(%arg9 : memref<!tpu.dma_semaphore, #tpu.memory_space<semaphore_mem>>) src(%dma_wait3A_182 : memref<16x128xf32, #tpu.memory_space<hbm>>) dst(%dma_wait3A_178 : memref<16x128xf32, #tpu.memory_space<vmem>>)
      } else {
      }
      %lt3A_127 = arith.cmpi slt, %add3A_98, %select_n3A_46 : i32
      %convert_element_type3A_128 = arith.extui %lt3A_127 : i1 to i32
      %cond3A_129 = arith.constant 0 : i32
      %cond3A_130 = arith.cmpi ne, %convert_element_type3A_128, %cond3A_129 : i32
      scf.if %cond3A_130 {
        %jit3A_168 = arith.constant 782 : i32
        %div3A_169 = arith.divsi %add3A_98, %jit3A_168 : i32
        %sign3A_170 = arith.constant 0 : i32
        %sign3A_171 = arith.cmpi sgt, %add3A_98, %sign3A_170 : i32
        %sign3A_172 = arith.extui %sign3A_171 : i1 to i32
        %sign3A_173 = arith.constant 0 : i32
        %sign3A_174 = arith.cmpi slt, %add3A_98, %sign3A_173 : i32
        %sign3A_175 = arith.extui %sign3A_174 : i1 to i32
        %sign3A_176 = arith.subi %sign3A_172, %sign3A_175 : i32
        %sign3A_177 = arith.constant 0 : i32
        %sign3A_178 = arith.cmpi sgt, %jit3A_168, %sign3A_177 : i32
        %sign3A_179 = arith.extui %sign3A_178 : i1 to i32
        %sign3A_180 = arith.constant 0 : i32
        %sign3A_181 = arith.cmpi slt, %jit3A_168, %sign3A_180 : i32
        %sign3A_182 = arith.extui %sign3A_181 : i1 to i32
        %sign3A_183 = arith.subi %sign3A_179, %sign3A_182 : i32
        %ne3A_184 = arith.cmpi ne, %sign3A_176, %sign3A_183 : i32
        %rem3A_185 = arith.remsi %add3A_98, %jit3A_168 : i32
        %ne3A_186 = arith.constant 0 : i32
        %ne3A_187 = arith.cmpi ne, %rem3A_185, %ne3A_186 : i32
        %and3A_188 = arith.andi %ne3A_184, %ne3A_187 : i1
        %sub3A_189 = arith.constant 1 : i32
        %sub3A_190 = arith.subi %div3A_169, %sub3A_189 : i32
        %select_n3A_191 = arith.select %and3A_188, %sub3A_190, %div3A_169 : i32
        %jit3A_192 = arith.constant 782 : i32
        %eq3A_193 = arith.constant 0 : i32
        %eq3A_194 = arith.cmpi eq, %jit3A_192, %eq3A_193 : i32
        %jit3A_195 = arith.constant 1 : i32
        %select_n3A_196 = arith.select %eq3A_194, %jit3A_195, %jit3A_192 : i32
        %rem3A_197 = arith.remsi %add3A_98, %select_n3A_196 : i32
        %ne3A_198 = arith.constant 0 : i32
        %ne3A_199 = arith.cmpi ne, %rem3A_197, %ne3A_198 : i32
        %lt3A_200 = arith.constant 0 : i32
        %lt3A_201 = arith.cmpi slt, %rem3A_197, %lt3A_200 : i32
        %lt3A_202 = arith.constant 0 : i32
        %lt3A_203 = arith.cmpi slt, %select_n3A_196, %lt3A_202 : i32
        %ne3A_204 = arith.xori %lt3A_201, %lt3A_203 : i1
        %and3A_205 = arith.andi %ne3A_204, %ne3A_199 : i1
        %add3A_206 = arith.addi %rem3A_197, %select_n3A_196 : i32
        %select_n3A_207 = arith.select %and3A_205, %add3A_206, %rem3A_197 : i32
        %add3A_208 = arith.constant 2 : i32
        %add3A_209 = arith.addi %select_n3A, %add3A_208 : i32
        %ge3A = arith.cmpi sge, %add3A_98, %add3A_209 : i32
        %convert_element_type3A_210 = arith.extui %ge3A : i1 to i32
        %cond3A_211 = arith.constant 0 : i32
        %cond3A_212 = arith.cmpi ne, %convert_element_type3A_210, %cond3A_211 : i32
        scf.if %cond3A_212 {
          %dma_wait3A_231 = arith.constant 0 : i32
          %dma_wait3A_232 = arith.constant 0 : i32
          %dma_wait3A_233 = tpu.memref_slice %arg4[%dma_wait3A_231, %dma_wait3A_232] : memref<325312x128xf32, #tpu.memory_space<hbm>> -> memref<16x128xf32, #tpu.memory_space<hbm>>
          %dma_wait3A_234 = arith.constant 0 : i32
          %dma_wait3A_235 = arith.constant 0 : i32
          %dma_wait3A_236 = tpu.memref_slice %arg4[%dma_wait3A_234, %dma_wait3A_235] : memref<325312x128xf32, #tpu.memory_space<hbm>> -> memref<16x128xf32, #tpu.memory_space<hbm>>
          tpu.wait_dma2 semaphore(%arg11 : memref<!tpu.dma_semaphore, #tpu.memory_space<semaphore_mem>>) src(%arg7 : memref<16x128xf32, #tpu.memory_space<vmem>>) dst(%dma_wait3A_236 : memref<16x128xf32, #tpu.memory_space<hbm>>)
        } else {
        }
        %lt3A_213 = arith.constant 781 : i32
        %lt3A_214 = arith.cmpi slt, %select_n3A_207, %lt3A_213 : i32
        %convert_element_type3A_215 = arith.extui %lt3A_214 : i1 to i32
        %cond3A_216 = arith.constant 0 : i32
        %cond3A_217 = arith.cmpi ne, %convert_element_type3A_215, %cond3A_216 : i32
        scf.if %cond3A_217 {
          %scan3A = arith.constant 0 : i32
          %scan3A_231 = arith.constant 0 : i32
          %scan3A_232 = arith.constant 8 : i32
          %scan3A_233 = arith.addi %scan3A_231, %scan3A_232 : i32
          %scan3A_234 = arith.constant 1 : i32
          scf.for %scan3A_236 = %scan3A_231 to %scan3A_233 step %scan3A_234  : i32 {
            %broadcast_in_dim3A = arith.constant 0 : i32
            %broadcast_in_dim3A_237 = vector.broadcast %broadcast_in_dim3A : i32 to vector<16xi32>
            %mul3A_238 = arith.constant 16 : i32
            %mul3A_239 = arith.muli %scan3A_236, %mul3A_238 : i32
            %add3A_240 = vector.broadcast %mul3A_239 : i32 to vector<16xi32>
            %add3A_241 = arith.addi %add3A_240, %broadcast_in_dim3A_237 : vector<16xi32>
            %gather3A = tpu.vector_load_idx %arg5[%iota3A, %add3A_241] : memref<16x129xf32, #tpu.memory_space<vmem>>[vector<16xi32>, vector<16xi32>], vector<16xf32>,
            %mul3A_242 = arith.constant 2 : i32
            %mul3A_243 = arith.muli %scan3A_236, %mul3A_242 : i32
            %add3A_244 = arith.constant 0 : i32
            %add3A_245 = arith.addi %mul3A_243, %add3A_244 : i32
            %swap3A = arith.index_cast %add3A_245 : i32 to index
            %swap3A_246 = arith.constant 0 : index
            %swap3A_247 = tpu.vector_load %arg7[%swap3A, %swap3A_246] {strides = array<i32>} : memref<16x128xf32, #tpu.memory_space<vmem>>, vector<16xf32>,
            tpu.vector_store %arg7[%swap3A, %swap3A_246], %gather3A {strides = array<i32>} : memref<16x128xf32, #tpu.memory_space<vmem>>, vector<16xf32>,
            %broadcast_in_dim3A_248 = arith.constant 1 : i32
            %broadcast_in_dim3A_249 = vector.broadcast %broadcast_in_dim3A_248 : i32 to vector<16xi32>
            %mul3A_250 = arith.constant 16 : i32
            %mul3A_251 = arith.muli %scan3A_236, %mul3A_250 : i32
            %add3A_252 = vector.broadcast %mul3A_251 : i32 to vector<16xi32>
            %add3A_253 = arith.addi %add3A_252, %broadcast_in_dim3A_249 : vector<16xi32>
            %gather3A_254 = tpu.vector_load_idx %arg5[%iota3A, %add3A_253] : memref<16x129xf32, #tpu.memory_space<vmem>>[vector<16xi32>, vector<16xi32>], vector<16xf32>,
            %mul3A_255 = arith.constant 2 : i32
            %mul3A_256 = arith.muli %scan3A_236, %mul3A_255 : i32
            %add3A_257 = arith.constant 0 : i32
            %add3A_258 = arith.addi %mul3A_256, %add3A_257 : i32
            %swap3A_259 = arith.index_cast %add3A_258 : i32 to index
            %swap3A_260 = arith.constant 16 : index
            %swap3A_261 = tpu.vector_load %arg7[%swap3A_259, %swap3A_260] {strides = array<i32>} : memref<16x128xf32, #tpu.memory_space<vmem>>, vector<16xf32>,
            tpu.vector_store %arg7[%swap3A_259, %swap3A_260], %gather3A_254 {strides = array<i32>} : memref<16x128xf32, #tpu.memory_space<vmem>>, vector<16xf32>,
            %broadcast_in_dim3A_262 = arith.constant 2 : i32
            %broadcast_in_dim3A_263 = vector.broadcast %broadcast_in_dim3A_262 : i32 to vector<16xi32>
            %mul3A_264 = arith.constant 16 : i32
            %mul3A_265 = arith.muli %scan3A_236, %mul3A_264 : i32
            %add3A_266 = vector.broadcast %mul3A_265 : i32 to vector<16xi32>
            %add3A_267 = arith.addi %add3A_266, %broadcast_in_dim3A_263 : vector<16xi32>
            %gather3A_268 = tpu.vector_load_idx %arg5[%iota3A, %add3A_267] : memref<16x129xf32, #tpu.memory_space<vmem>>[vector<16xi32>, vector<16xi32>], vector<16xf32>,
            %mul3A_269 = arith.constant 2 : i32
            %mul3A_270 = arith.muli %scan3A_236, %mul3A_269 : i32
            %add3A_271 = arith.constant 0 : i32
            %add3A_272 = arith.addi %mul3A_270, %add3A_271 : i32
            %swap3A_273 = arith.index_cast %add3A_272 : i32 to index
            %swap3A_274 = arith.constant 32 : index
            %swap3A_275 = tpu.vector_load %arg7[%swap3A_273, %swap3A_274] {strides = array<i32>} : memref<16x128xf32, #tpu.memory_space<vmem>>, vector<16xf32>,
            tpu.vector_store %arg7[%swap3A_273, %swap3A_274], %gather3A_268 {strides = array<i32>} : memref<16x128xf32, #tpu.memory_space<vmem>>, vector<16xf32>,
            %broadcast_in_dim3A_276 = arith.constant 3 : i32
            %broadcast_in_dim3A_277 = vector.broadcast %broadcast_in_dim3A_276 : i32 to vector<16xi32>
            %mul3A_278 = arith.constant 16 : i32
            %mul3A_279 = arith.muli %scan3A_236, %mul3A_278 : i32
            %add3A_280 = vector.broadcast %mul3A_279 : i32 to vector<16xi32>
            %add3A_281 = arith.addi %add3A_280, %broadcast_in_dim3A_277 : vector<16xi32>
            %gather3A_282 = tpu.vector_load_idx %arg5[%iota3A, %add3A_281] : memref<16x129xf32, #tpu.memory_space<vmem>>[vector<16xi32>, vector<16xi32>], vector<16xf32>,
            %mul3A_283 = arith.constant 2 : i32
            %mul3A_284 = arith.muli %scan3A_236, %mul3A_283 : i32
            %add3A_285 = arith.constant 0 : i32
            %add3A_286 = arith.addi %mul3A_284, %add3A_285 : i32
            %swap3A_287 = arith.index_cast %add3A_286 : i32 to index
            %swap3A_288 = arith.constant 48 : index
            %swap3A_289 = tpu.vector_load %arg7[%swap3A_287, %swap3A_288] {strides = array<i32>} : memref<16x128xf32, #tpu.memory_space<vmem>>, vector<16xf32>,
            tpu.vector_store %arg7[%swap3A_287, %swap3A_288], %gather3A_282 {strides = array<i32>} : memref<16x128xf32, #tpu.memory_space<vmem>>, vector<16xf32>,
            %broadcast_in_dim3A_290 = arith.constant 4 : i32
            %broadcast_in_dim3A_291 = vector.broadcast %broadcast_in_dim3A_290 : i32 to vector<16xi32>
            %mul3A_292 = arith.constant 16 : i32
            %mul3A_293 = arith.muli %scan3A_236, %mul3A_292 : i32
            %add3A_294 = vector.broadcast %mul3A_293 : i32 to vector<16xi32>
            %add3A_295 = arith.addi %add3A_294, %broadcast_in_dim3A_291 : vector<16xi32>
            %gather3A_296 = tpu.vector_load_idx %arg5[%iota3A, %add3A_295] : memref<16x129xf32, #tpu.memory_space<vmem>>[vector<16xi32>, vector<16xi32>], vector<16xf32>,
            %mul3A_297 = arith.constant 2 : i32
            %mul3A_298 = arith.muli %scan3A_236, %mul3A_297 : i32
            %add3A_299 = arith.constant 0 : i32
            %add3A_300 = arith.addi %mul3A_298, %add3A_299 : i32
            %swap3A_301 = arith.index_cast %add3A_300 : i32 to index
            %swap3A_302 = arith.constant 64 : index
            %swap3A_303 = tpu.vector_load %arg7[%swap3A_301, %swap3A_302] {strides = array<i32>} : memref<16x128xf32, #tpu.memory_space<vmem>>, vector<16xf32>,
            tpu.vector_store %arg7[%swap3A_301, %swap3A_302], %gather3A_296 {strides = array<i32>} : memref<16x128xf32, #tpu.memory_space<vmem>>, vector<16xf32>,
            %broadcast_in_dim3A_304 = arith.constant 5 : i32
            %broadcast_in_dim3A_305 = vector.broadcast %broadcast_in_dim3A_304 : i32 to vector<16xi32>
            %mul3A_306 = arith.constant 16 : i32
            %mul3A_307 = arith.muli %scan3A_236, %mul3A_306 : i32
            %add3A_308 = vector.broadcast %mul3A_307 : i32 to vector<16xi32>
            %add3A_309 = arith.addi %add3A_308, %broadcast_in_dim3A_305 : vector<16xi32>
            %gather3A_310 = tpu.vector_load_idx %arg5[%iota3A, %add3A_309] : memref<16x129xf32, #tpu.memory_space<vmem>>[vector<16xi32>, vector<16xi32>], vector<16xf32>,
            %mul3A_311 = arith.constant 2 : i32
            %mul3A_312 = arith.muli %scan3A_236, %mul3A_311 : i32
            %add3A_313 = arith.constant 0 : i32
            %add3A_314 = arith.addi %mul3A_312, %add3A_313 : i32
            %swap3A_315 = arith.index_cast %add3A_314 : i32 to index
            %swap3A_316 = arith.constant 80 : index
            %swap3A_317 = tpu.vector_load %arg7[%swap3A_315, %swap3A_316] {strides = array<i32>} : memref<16x128xf32, #tpu.memory_space<vmem>>, vector<16xf32>,
            tpu.vector_store %arg7[%swap3A_315, %swap3A_316], %gather3A_310 {strides = array<i32>} : memref<16x128xf32, #tpu.memory_space<vmem>>, vector<16xf32>,
            %broadcast_in_dim3A_318 = arith.constant 6 : i32
            %broadcast_in_dim3A_319 = vector.broadcast %broadcast_in_dim3A_318 : i32 to vector<16xi32>
            %mul3A_320 = arith.constant 16 : i32
            %mul3A_321 = arith.muli %scan3A_236, %mul3A_320 : i32
            %add3A_322 = vector.broadcast %mul3A_321 : i32 to vector<16xi32>
            %add3A_323 = arith.addi %add3A_322, %broadcast_in_dim3A_319 : vector<16xi32>
            %gather3A_324 = tpu.vector_load_idx %arg5[%iota3A, %add3A_323] : memref<16x129xf32, #tpu.memory_space<vmem>>[vector<16xi32>, vector<16xi32>], vector<16xf32>,
            %mul3A_325 = arith.constant 2 : i32
            %mul3A_326 = arith.muli %scan3A_236, %mul3A_325 : i32
            %add3A_327 = arith.constant 0 : i32
            %add3A_328 = arith.addi %mul3A_326, %add3A_327 : i32
            %swap3A_329 = arith.index_cast %add3A_328 : i32 to index
            %swap3A_330 = arith.constant 96 : index
            %swap3A_331 = tpu.vector_load %arg7[%swap3A_329, %swap3A_330] {strides = array<i32>} : memref<16x128xf32, #tpu.memory_space<vmem>>, vector<16xf32>,
            tpu.vector_store %arg7[%swap3A_329, %swap3A_330], %gather3A_324 {strides = array<i32>} : memref<16x128xf32, #tpu.memory_space<vmem>>, vector<16xf32>,
            %broadcast_in_dim3A_332 = arith.constant 7 : i32
            %broadcast_in_dim3A_333 = vector.broadcast %broadcast_in_dim3A_332 : i32 to vector<16xi32>
            %mul3A_334 = arith.constant 16 : i32
            %mul3A_335 = arith.muli %scan3A_236, %mul3A_334 : i32
            %add3A_336 = vector.broadcast %mul3A_335 : i32 to vector<16xi32>
            %add3A_337 = arith.addi %add3A_336, %broadcast_in_dim3A_333 : vector<16xi32>
            %gather3A_338 = tpu.vector_load_idx %arg5[%iota3A, %add3A_337] : memref<16x129xf32, #tpu.memory_space<vmem>>[vector<16xi32>, vector<16xi32>], vector<16xf32>,
            %mul3A_339 = arith.constant 2 : i32
            %mul3A_340 = arith.muli %scan3A_236, %mul3A_339 : i32
            %add3A_341 = arith.constant 0 : i32
            %add3A_342 = arith.addi %mul3A_340, %add3A_341 : i32
            %swap3A_343 = arith.index_cast %add3A_342 : i32 to index
            %swap3A_344 = arith.constant 112 : index
            %swap3A_345 = tpu.vector_load %arg7[%swap3A_343, %swap3A_344] {strides = array<i32>} : memref<16x128xf32, #tpu.memory_space<vmem>>, vector<16xf32>,
            tpu.vector_store %arg7[%swap3A_343, %swap3A_344], %gather3A_338 {strides = array<i32>} : memref<16x128xf32, #tpu.memory_space<vmem>>, vector<16xf32>,
            %broadcast_in_dim3A_346 = arith.constant 8 : i32
            %broadcast_in_dim3A_347 = vector.broadcast %broadcast_in_dim3A_346 : i32 to vector<16xi32>
            %mul3A_348 = arith.constant 16 : i32
            %mul3A_349 = arith.muli %scan3A_236, %mul3A_348 : i32
            %add3A_350 = vector.broadcast %mul3A_349 : i32 to vector<16xi32>
            %add3A_351 = arith.addi %add3A_350, %broadcast_in_dim3A_347 : vector<16xi32>
            %gather3A_352 = tpu.vector_load_idx %arg5[%iota3A, %add3A_351] : memref<16x129xf32, #tpu.memory_space<vmem>>[vector<16xi32>, vector<16xi32>], vector<16xf32>,
            %mul3A_353 = arith.constant 2 : i32
            %mul3A_354 = arith.muli %scan3A_236, %mul3A_353 : i32
            %add3A_355 = arith.constant 1 : i32
            %add3A_356 = arith.addi %mul3A_354, %add3A_355 : i32
            %swap3A_357 = arith.index_cast %add3A_356 : i32 to index
            %swap3A_358 = arith.constant 0 : index
            %swap3A_359 = tpu.vector_load %arg7[%swap3A_357, %swap3A_358] {strides = array<i32>} : memref<16x128xf32, #tpu.memory_space<vmem>>, vector<16xf32>,
            tpu.vector_store %arg7[%swap3A_357, %swap3A_358], %gather3A_352 {strides = array<i32>} : memref<16x128xf32, #tpu.memory_space<vmem>>, vector<16xf32>,
            %broadcast_in_dim3A_360 = arith.constant 9 : i32
            %broadcast_in_dim3A_361 = vector.broadcast %broadcast_in_dim3A_360 : i32 to vector<16xi32>
            %mul3A_362 = arith.constant 16 : i32
            %mul3A_363 = arith.muli %scan3A_236, %mul3A_362 : i32
            %add3A_364 = vector.broadcast %mul3A_363 : i32 to vector<16xi32>
            %add3A_365 = arith.addi %add3A_364, %broadcast_in_dim3A_361 : vector<16xi32>
            %gather3A_366 = tpu.vector_load_idx %arg5[%iota3A, %add3A_365] : memref<16x129xf32, #tpu.memory_space<vmem>>[vector<16xi32>, vector<16xi32>], vector<16xf32>,
            %mul3A_367 = arith.constant 2 : i32
            %mul3A_368 = arith.muli %scan3A_236, %mul3A_367 : i32
            %add3A_369 = arith.constant 1 : i32
            %add3A_370 = arith.addi %mul3A_368, %add3A_369 : i32
            %swap3A_371 = arith.index_cast %add3A_370 : i32 to index
            %swap3A_372 = arith.constant 16 : index
            %swap3A_373 = tpu.vector_load %arg7[%swap3A_371, %swap3A_372] {strides = array<i32>} : memref<16x128xf32, #tpu.memory_space<vmem>>, vector<16xf32>,
            tpu.vector_store %arg7[%swap3A_371, %swap3A_372], %gather3A_366 {strides = array<i32>} : memref<16x128xf32, #tpu.memory_space<vmem>>, vector<16xf32>,
            %broadcast_in_dim3A_374 = arith.constant 10 : i32
            %broadcast_in_dim3A_375 = vector.broadcast %broadcast_in_dim3A_374 : i32 to vector<16xi32>
            %mul3A_376 = arith.constant 16 : i32
            %mul3A_377 = arith.muli %scan3A_236, %mul3A_376 : i32
            %add3A_378 = vector.broadcast %mul3A_377 : i32 to vector<16xi32>
            %add3A_379 = arith.addi %add3A_378, %broadcast_in_dim3A_375 : vector<16xi32>
            %gather3A_380 = tpu.vector_load_idx %arg5[%iota3A, %add3A_379] : memref<16x129xf32, #tpu.memory_space<vmem>>[vector<16xi32>, vector<16xi32>], vector<16xf32>,
            %mul3A_381 = arith.constant 2 : i32
            %mul3A_382 = arith.muli %scan3A_236, %mul3A_381 : i32
            %add3A_383 = arith.constant 1 : i32
            %add3A_384 = arith.addi %mul3A_382, %add3A_383 : i32
            %swap3A_385 = arith.index_cast %add3A_384 : i32 to index
            %swap3A_386 = arith.constant 32 : index
            %swap3A_387 = tpu.vector_load %arg7[%swap3A_385, %swap3A_386] {strides = array<i32>} : memref<16x128xf32, #tpu.memory_space<vmem>>, vector<16xf32>,
            tpu.vector_store %arg7[%swap3A_385, %swap3A_386], %gather3A_380 {strides = array<i32>} : memref<16x128xf32, #tpu.memory_space<vmem>>, vector<16xf32>,
            %broadcast_in_dim3A_388 = arith.constant 11 : i32
            %broadcast_in_dim3A_389 = vector.broadcast %broadcast_in_dim3A_388 : i32 to vector<16xi32>
            %mul3A_390 = arith.constant 16 : i32
            %mul3A_391 = arith.muli %scan3A_236, %mul3A_390 : i32
            %add3A_392 = vector.broadcast %mul3A_391 : i32 to vector<16xi32>
            %add3A_393 = arith.addi %add3A_392, %broadcast_in_dim3A_389 : vector<16xi32>
            %gather3A_394 = tpu.vector_load_idx %arg5[%iota3A, %add3A_393] : memref<16x129xf32, #tpu.memory_space<vmem>>[vector<16xi32>, vector<16xi32>], vector<16xf32>,
            %mul3A_395 = arith.constant 2 : i32
            %mul3A_396 = arith.muli %scan3A_236, %mul3A_395 : i32
            %add3A_397 = arith.constant 1 : i32
            %add3A_398 = arith.addi %mul3A_396, %add3A_397 : i32
            %swap3A_399 = arith.index_cast %add3A_398 : i32 to index
            %swap3A_400 = arith.constant 48 : index
            %swap3A_401 = tpu.vector_load %arg7[%swap3A_399, %swap3A_400] {strides = array<i32>} : memref<16x128xf32, #tpu.memory_space<vmem>>, vector<16xf32>,
            tpu.vector_store %arg7[%swap3A_399, %swap3A_400], %gather3A_394 {strides = array<i32>} : memref<16x128xf32, #tpu.memory_space<vmem>>, vector<16xf32>,
            %broadcast_in_dim3A_402 = arith.constant 12 : i32
            %broadcast_in_dim3A_403 = vector.broadcast %broadcast_in_dim3A_402 : i32 to vector<16xi32>
            %mul3A_404 = arith.constant 16 : i32
            %mul3A_405 = arith.muli %scan3A_236, %mul3A_404 : i32
            %add3A_406 = vector.broadcast %mul3A_405 : i32 to vector<16xi32>
            %add3A_407 = arith.addi %add3A_406, %broadcast_in_dim3A_403 : vector<16xi32>
            %gather3A_408 = tpu.vector_load_idx %arg5[%iota3A, %add3A_407] : memref<16x129xf32, #tpu.memory_space<vmem>>[vector<16xi32>, vector<16xi32>], vector<16xf32>,
            %mul3A_409 = arith.constant 2 : i32
            %mul3A_410 = arith.muli %scan3A_236, %mul3A_409 : i32
            %add3A_411 = arith.constant 1 : i32
            %add3A_412 = arith.addi %mul3A_410, %add3A_411 : i32
            %swap3A_413 = arith.index_cast %add3A_412 : i32 to index
            %swap3A_414 = arith.constant 64 : index
            %swap3A_415 = tpu.vector_load %arg7[%swap3A_413, %swap3A_414] {strides = array<i32>} : memref<16x128xf32, #tpu.memory_space<vmem>>, vector<16xf32>,
            tpu.vector_store %arg7[%swap3A_413, %swap3A_414], %gather3A_408 {strides = array<i32>} : memref<16x128xf32, #tpu.memory_space<vmem>>, vector<16xf32>,
            %broadcast_in_dim3A_416 = arith.constant 13 : i32
            %broadcast_in_dim3A_417 = vector.broadcast %broadcast_in_dim3A_416 : i32 to vector<16xi32>
            %mul3A_418 = arith.constant 16 : i32
            %mul3A_419 = arith.muli %scan3A_236, %mul3A_418 : i32
            %add3A_420 = vector.broadcast %mul3A_419 : i32 to vector<16xi32>
            %add3A_421 = arith.addi %add3A_420, %broadcast_in_dim3A_417 : vector<16xi32>
            %gather3A_422 = tpu.vector_load_idx %arg5[%iota3A, %add3A_421] : memref<16x129xf32, #tpu.memory_space<vmem>>[vector<16xi32>, vector<16xi32>], vector<16xf32>,
            %mul3A_423 = arith.constant 2 : i32
            %mul3A_424 = arith.muli %scan3A_236, %mul3A_423 : i32
            %add3A_425 = arith.constant 1 : i32
            %add3A_426 = arith.addi %mul3A_424, %add3A_425 : i32
            %swap3A_427 = arith.index_cast %add3A_426 : i32 to index
            %swap3A_428 = arith.constant 80 : index
            %swap3A_429 = tpu.vector_load %arg7[%swap3A_427, %swap3A_428] {strides = array<i32>} : memref<16x128xf32, #tpu.memory_space<vmem>>, vector<16xf32>,
            tpu.vector_store %arg7[%swap3A_427, %swap3A_428], %gather3A_422 {strides = array<i32>} : memref<16x128xf32, #tpu.memory_space<vmem>>, vector<16xf32>,
            %broadcast_in_dim3A_430 = arith.constant 14 : i32
            %broadcast_in_dim3A_431 = vector.broadcast %broadcast_in_dim3A_430 : i32 to vector<16xi32>
            %mul3A_432 = arith.constant 16 : i32
            %mul3A_433 = arith.muli %scan3A_236, %mul3A_432 : i32
            %add3A_434 = vector.broadcast %mul3A_433 : i32 to vector<16xi32>
            %add3A_435 = arith.addi %add3A_434, %broadcast_in_dim3A_431 : vector<16xi32>
            %gather3A_436 = tpu.vector_load_idx %arg5[%iota3A, %add3A_435] : memref<16x129xf32, #tpu.memory_space<vmem>>[vector<16xi32>, vector<16xi32>], vector<16xf32>,
            %mul3A_437 = arith.constant 2 : i32
            %mul3A_438 = arith.muli %scan3A_236, %mul3A_437 : i32
            %add3A_439 = arith.constant 1 : i32
            %add3A_440 = arith.addi %mul3A_438, %add3A_439 : i32
            %swap3A_441 = arith.index_cast %add3A_440 : i32 to index
            %swap3A_442 = arith.constant 96 : index
            %swap3A_443 = tpu.vector_load %arg7[%swap3A_441, %swap3A_442] {strides = array<i32>} : memref<16x128xf32, #tpu.memory_space<vmem>>, vector<16xf32>,
            tpu.vector_store %arg7[%swap3A_441, %swap3A_442], %gather3A_436 {strides = array<i32>} : memref<16x128xf32, #tpu.memory_space<vmem>>, vector<16xf32>,
            %broadcast_in_dim3A_444 = arith.constant 15 : i32
            %broadcast_in_dim3A_445 = vector.broadcast %broadcast_in_dim3A_444 : i32 to vector<16xi32>
            %mul3A_446 = arith.constant 16 : i32
            %mul3A_447 = arith.muli %scan3A_236, %mul3A_446 : i32
            %add3A_448 = vector.broadcast %mul3A_447 : i32 to vector<16xi32>
            %add3A_449 = arith.addi %add3A_448, %broadcast_in_dim3A_445 : vector<16xi32>
            %gather3A_450 = tpu.vector_load_idx %arg5[%iota3A, %add3A_449] : memref<16x129xf32, #tpu.memory_space<vmem>>[vector<16xi32>, vector<16xi32>], vector<16xf32>,
            %mul3A_451 = arith.constant 2 : i32
            %mul3A_452 = arith.muli %scan3A_236, %mul3A_451 : i32
            %add3A_453 = arith.constant 1 : i32
            %add3A_454 = arith.addi %mul3A_452, %add3A_453 : i32
            %swap3A_455 = arith.index_cast %add3A_454 : i32 to index
            %swap3A_456 = arith.constant 112 : index
            %swap3A_457 = tpu.vector_load %arg7[%swap3A_455, %swap3A_456] {strides = array<i32>} : memref<16x128xf32, #tpu.memory_space<vmem>>, vector<16xf32>,
            tpu.vector_store %arg7[%swap3A_455, %swap3A_456], %gather3A_450 {strides = array<i32>} : memref<16x128xf32, #tpu.memory_space<vmem>>, vector<16xf32>,
          }
          %scan3A_235 = arith.constant 8 : i32
        } else {
        }
        %eq3A_218 = arith.constant 781 : i32
        %eq3A_219 = arith.cmpi eq, %select_n3A_207, %eq3A_218 : i32
        %convert_element_type3A_220 = arith.extui %eq3A_219 : i1 to i32
        %cond3A_221 = arith.constant 0 : i32
        %cond3A_222 = arith.cmpi ne, %convert_element_type3A_220, %cond3A_221 : i32
        scf.if %cond3A_222 {
          "tpu.region"() ({
            %run_scoped3A = tpu.sem_alloc : memref<!tpu.dma_semaphore, #tpu.memory_space<semaphore_mem>>
            %dma_start3A_231 = arith.constant 0 : i32
            %dma_start3A_232 = arith.constant 0 : i32
            %dma_start3A_233 = tpu.memref_slice %arg7[%dma_start3A_231, %dma_start3A_232] : memref<16x128xf32, #tpu.memory_space<vmem>> -> memref<8x128xf32, #tpu.memory_space<vmem>>
            %dma_start3A_234 = arith.constant 0 : i32
            %dma_start3A_235 = arith.constant 0 : i32
            %dma_start3A_236 = tpu.memref_slice %arg3[%select_n3A_191, %dma_start3A_234, %dma_start3A_235] : memref<26x8x128xf32, #tpu.memory_space<hbm>> -> memref<1x8x128xf32, #tpu.memory_space<hbm>>
            %dma_start3A_237 = tpu.memref_squeeze %dma_start3A_236 : memref<1x8x128xf32, #tpu.memory_space<hbm>> -> memref<8x128xf32, #tpu.memory_space<hbm>>
            %dma_start3A_238 = arith.constant 0 : i32
            %dma_start3A_239 = arith.constant 0 : i32
            %dma_start3A_240 = tpu.memref_slice %arg7[%dma_start3A_238, %dma_start3A_239] : memref<16x128xf32, #tpu.memory_space<vmem>> -> memref<8x128xf32, #tpu.memory_space<vmem>>
            %dma_start3A_241 = arith.constant 0 : i32
            %dma_start3A_242 = arith.constant 0 : i32
            %dma_start3A_243 = tpu.memref_slice %arg3[%select_n3A_191, %dma_start3A_241, %dma_start3A_242] : memref<26x8x128xf32, #tpu.memory_space<hbm>> -> memref<1x8x128xf32, #tpu.memory_space<hbm>>
            %dma_start3A_244 = tpu.memref_squeeze %dma_start3A_243 : memref<1x8x128xf32, #tpu.memory_space<hbm>> -> memref<8x128xf32, #tpu.memory_space<hbm>>
            tpu.enqueue_dma source(%dma_start3A_244 : memref<8x128xf32, #tpu.memory_space<hbm>>) target(%dma_start3A_240 : memref<8x128xf32, #tpu.memory_space<vmem>>) target_semaphore(%run_scoped3A : memref<!tpu.dma_semaphore, #tpu.memory_space<semaphore_mem>>)
            %dma_wait3A_245 = arith.constant 0 : i32
            %dma_wait3A_246 = arith.constant 0 : i32
            %dma_wait3A_247 = tpu.memref_slice %arg7[%dma_wait3A_245, %dma_wait3A_246] : memref<16x128xf32, #tpu.memory_space<vmem>> -> memref<8x128xf32, #tpu.memory_space<vmem>>
            %dma_wait3A_248 = arith.constant 0 : i32
            %dma_wait3A_249 = arith.constant 0 : i32
            %dma_wait3A_250 = tpu.memref_slice %arg3[%select_n3A_191, %dma_wait3A_248, %dma_wait3A_249] : memref<26x8x128xf32, #tpu.memory_space<hbm>> -> memref<1x8x128xf32, #tpu.memory_space<hbm>>
            %dma_wait3A_251 = tpu.memref_squeeze %dma_wait3A_250 : memref<1x8x128xf32, #tpu.memory_space<hbm>> -> memref<8x128xf32, #tpu.memory_space<hbm>>
            %dma_wait3A_252 = arith.constant 0 : i32
            %dma_wait3A_253 = arith.constant 0 : i32
            %dma_wait3A_254 = tpu.memref_slice %arg7[%dma_wait3A_252, %dma_wait3A_253] : memref<16x128xf32, #tpu.memory_space<vmem>> -> memref<8x128xf32, #tpu.memory_space<vmem>>
            %dma_wait3A_255 = arith.constant 0 : i32
            %dma_wait3A_256 = arith.constant 0 : i32
            %dma_wait3A_257 = tpu.memref_slice %arg3[%select_n3A_191, %dma_wait3A_255, %dma_wait3A_256] : memref<26x8x128xf32, #tpu.memory_space<hbm>> -> memref<1x8x128xf32, #tpu.memory_space<hbm>>
            %dma_wait3A_258 = tpu.memref_squeeze %dma_wait3A_257 : memref<1x8x128xf32, #tpu.memory_space<hbm>> -> memref<8x128xf32, #tpu.memory_space<hbm>>
            tpu.wait_dma2 semaphore(%run_scoped3A : memref<!tpu.dma_semaphore, #tpu.memory_space<semaphore_mem>>) src(%dma_wait3A_258 : memref<8x128xf32, #tpu.memory_space<hbm>>) dst(%dma_wait3A_254 : memref<8x128xf32, #tpu.memory_space<vmem>>)
            tpu.yield
          }) : () -> ()
        } else {
        }
        %mul3A_223 = arith.constant 12512 : i32
        %mul3A_224 = arith.muli %select_n3A_191, %mul3A_223 : i32
        %mul3A_225 = arith.constant 16 : i32
        %mul3A_226 = arith.muli %select_n3A_207, %mul3A_225 : i32
        %add3A_227 = arith.addi %mul3A_224, %mul3A_226 : i32
        %dma_start3A = arith.constant 0 : i32
        %dma_start3A_228 = tpu.memref_slice %arg4[%add3A_227, %dma_start3A] : memref<325312x128xf32, #tpu.memory_space<hbm>> -> memref<16x128xf32, #tpu.memory_space<hbm>>
        %dma_start3A_229 = arith.constant 0 : i32
        %dma_start3A_230 = tpu.memref_slice %arg4[%add3A_227, %dma_start3A_229] : memref<325312x128xf32, #tpu.memory_space<hbm>> -> memref<16x128xf32, #tpu.memory_space<hbm>>
        tpu.enqueue_dma source(%arg7 : memref<16x128xf32, #tpu.memory_space<vmem>>) target(%dma_start3A_230 : memref<16x128xf32, #tpu.memory_space<hbm>>) target_semaphore(%arg11 : memref<!tpu.dma_semaphore, #tpu.memory_space<semaphore_mem>>)
      } else {
      }
      %add3A_131 = arith.constant 2 : i32
      %add3A_132 = arith.addi %add3A_98, %add3A_131 : i32
      %lt3A_133 = arith.cmpi slt, %add3A_132, %select_n3A_46 : i32
      %convert_element_type3A_134 = arith.extui %lt3A_133 : i1 to i32
      %cond3A_135 = arith.constant 0 : i32
      %cond3A_136 = arith.cmpi ne, %convert_element_type3A_134, %cond3A_135 : i32
      scf.if %cond3A_136 {
        %jit3A_168 = arith.constant 782 : i32
        %div3A_169 = arith.divsi %add3A_132, %jit3A_168 : i32
        %sign3A_170 = arith.constant 0 : i32
        %sign3A_171 = arith.cmpi sgt, %add3A_132, %sign3A_170 : i32
        %sign3A_172 = arith.extui %sign3A_171 : i1 to i32
        %sign3A_173 = arith.constant 0 : i32
        %sign3A_174 = arith.cmpi slt, %add3A_132, %sign3A_173 : i32
        %sign3A_175 = arith.extui %sign3A_174 : i1 to i32
        %sign3A_176 = arith.subi %sign3A_172, %sign3A_175 : i32
        %sign3A_177 = arith.constant 0 : i32
        %sign3A_178 = arith.cmpi sgt, %jit3A_168, %sign3A_177 : i32
        %sign3A_179 = arith.extui %sign3A_178 : i1 to i32
        %sign3A_180 = arith.constant 0 : i32
        %sign3A_181 = arith.cmpi slt, %jit3A_168, %sign3A_180 : i32
        %sign3A_182 = arith.extui %sign3A_181 : i1 to i32
        %sign3A_183 = arith.subi %sign3A_179, %sign3A_182 : i32
        %ne3A_184 = arith.cmpi ne, %sign3A_176, %sign3A_183 : i32
        %rem3A_185 = arith.remsi %add3A_132, %jit3A_168 : i32
        %ne3A_186 = arith.constant 0 : i32
        %ne3A_187 = arith.cmpi ne, %rem3A_185, %ne3A_186 : i32
        %and3A_188 = arith.andi %ne3A_184, %ne3A_187 : i1
        %sub3A_189 = arith.constant 1 : i32
        %sub3A_190 = arith.subi %div3A_169, %sub3A_189 : i32
        %select_n3A_191 = arith.select %and3A_188, %sub3A_190, %div3A_169 : i32
        %jit3A_192 = arith.constant 782 : i32
        %eq3A_193 = arith.constant 0 : i32
        %eq3A_194 = arith.cmpi eq, %jit3A_192, %eq3A_193 : i32
        %jit3A_195 = arith.constant 1 : i32
        %select_n3A_196 = arith.select %eq3A_194, %jit3A_195, %jit3A_192 : i32
        %rem3A_197 = arith.remsi %add3A_132, %select_n3A_196 : i32
        %ne3A_198 = arith.constant 0 : i32
        %ne3A_199 = arith.cmpi ne, %rem3A_197, %ne3A_198 : i32
        %lt3A_200 = arith.constant 0 : i32
        %lt3A_201 = arith.cmpi slt, %rem3A_197, %lt3A_200 : i32
        %lt3A_202 = arith.constant 0 : i32
        %lt3A_203 = arith.cmpi slt, %select_n3A_196, %lt3A_202 : i32
        %ne3A_204 = arith.xori %lt3A_201, %lt3A_203 : i1
        %and3A_205 = arith.andi %ne3A_204, %ne3A_199 : i1
        %add3A_206 = arith.addi %rem3A_197, %select_n3A_196 : i32
        %select_n3A_207 = arith.select %and3A_205, %add3A_206, %rem3A_197 : i32
        %lt3A_208 = arith.constant 781 : i32
        %lt3A_209 = arith.cmpi slt, %select_n3A_207, %lt3A_208 : i32
        %convert_element_type3A_210 = arith.extui %lt3A_209 : i1 to i32
        %cond3A_211 = arith.constant 0 : i32
        %cond3A_212 = arith.cmpi ne, %convert_element_type3A_210, %cond3A_211 : i32
        scf.if %cond3A_212 {
          %mul3A_213 = arith.constant 128 : i32
          %mul3A_214 = arith.muli %select_n3A_207, %mul3A_213 : i32
          %dma_start3A = arith.constant 0 : i32
          %dma_start3A_215 = arith.constant 0 : i32
          %dma_start3A_216 = tpu.memref_slice %arg5[%dma_start3A, %dma_start3A_215] : memref<16x129xf32, #tpu.memory_space<vmem>> -> memref<16x128xf32, #tpu.memory_space<vmem>>
          %dma_start3A_217 = arith.constant 0 : i32
          %dma_start3A_218 = tpu.memref_slice %arg2[%select_n3A_191, %dma_start3A_217, %mul3A_214] : memref<26x16x100000xf32, #tpu.memory_space<hbm>> -> memref<1x16x128xf32, #tpu.memory_space<hbm>>
          %dma_start3A_219 = tpu.memref_squeeze %dma_start3A_218 : memref<1x16x128xf32, #tpu.memory_space<hbm>> -> memref<16x128xf32, #tpu.memory_space<hbm>>
          %dma_start3A_220 = arith.constant 0 : i32
          %dma_start3A_221 = arith.constant 0 : i32
          %dma_start3A_222 = tpu.memref_slice %arg5[%dma_start3A_220, %dma_start3A_221] : memref<16x129xf32, #tpu.memory_space<vmem>> -> memref<16x128xf32, #tpu.memory_space<vmem>>
          %dma_start3A_223 = arith.constant 0 : i32
          %dma_start3A_224 = tpu.memref_slice %arg2[%select_n3A_191, %dma_start3A_223, %mul3A_214] : memref<26x16x100000xf32, #tpu.memory_space<hbm>> -> memref<1x16x128xf32, #tpu.memory_space<hbm>>
          %dma_start3A_225 = tpu.memref_squeeze %dma_start3A_224 : memref<1x16x128xf32, #tpu.memory_space<hbm>> -> memref<16x128xf32, #tpu.memory_space<hbm>>
          tpu.enqueue_dma source(%dma_start3A_225 : memref<16x128xf32, #tpu.memory_space<hbm>>) target(%dma_start3A_222 : memref<16x128xf32, #tpu.memory_space<vmem>>) target_semaphore(%arg9 : memref<!tpu.dma_semaphore, #tpu.memory_space<semaphore_mem>>)
        } else {
        }
      } else {
      }
      %add3A_137 = arith.constant 1 : i32
      %add3A_138 = arith.addi %add3A_98, %add3A_137 : i32
      %lt3A_139 = arith.cmpi slt, %add3A_138, %select_n3A_46 : i32
      %jit3A_140 = arith.constant 782 : i32
      %eq3A_141 = arith.constant 0 : i32
      %eq3A_142 = arith.cmpi eq, %jit3A_140, %eq3A_141 : i32
      %jit3A_143 = arith.constant 1 : i32
      %select_n3A_144 = arith.select %eq3A_142, %jit3A_143, %jit3A_140 : i32
      %rem3A_145 = arith.remsi %add3A_138, %select_n3A_144 : i32
      %ne3A_146 = arith.constant 0 : i32
      %ne3A_147 = arith.cmpi ne, %rem3A_145, %ne3A_146 : i32
      %lt3A_148 = arith.constant 0 : i32
      %lt3A_149 = arith.cmpi slt, %rem3A_145, %lt3A_148 : i32
      %lt3A_150 = arith.constant 0 : i32
      %lt3A_151 = arith.cmpi slt, %select_n3A_144, %lt3A_150 : i32
      %ne3A_152 = arith.xori %lt3A_149, %lt3A_151 : i1
      %and3A_153 = arith.andi %ne3A_152, %ne3A_147 : i1
      %add3A_154 = arith.addi %rem3A_145, %select_n3A_144 : i32
      %select_n3A_155 = arith.select %and3A_153, %add3A_154, %rem3A_145 : i32
      %lt3A_156 = arith.constant 781 : i32
      %lt3A_157 = arith.cmpi slt, %select_n3A_155, %lt3A_156 : i32
      %and3A_158 = arith.andi %lt3A_139, %lt3A_157 : i1
      %convert_element_type3A_159 = arith.extui %and3A_158 : i1 to i32
      %cond3A_160 = arith.constant 0 : i32
      %cond3A_161 = arith.cmpi ne, %convert_element_type3A_159, %cond3A_160 : i32
      scf.if %cond3A_161 {
        %dma_wait3A_168 = arith.constant 0 : i32
        %dma_wait3A_169 = arith.constant 0 : i32
        %dma_wait3A_170 = arith.constant 0 : i32
        %dma_wait3A_171 = tpu.memref_slice %arg6[%dma_wait3A_169, %dma_wait3A_170] : memref<16x129xf32, #tpu.memory_space<vmem>> -> memref<16x128xf32, #tpu.memory_space<vmem>>
        %dma_wait3A_172 = arith.constant 0 : i32
        %dma_wait3A_173 = arith.constant 0 : i32
        %dma_wait3A_174 = tpu.memref_slice %arg2[%dma_wait3A_168, %dma_wait3A_172, %dma_wait3A_173] : memref<26x16x100000xf32, #tpu.memory_space<hbm>> -> memref<1x16x128xf32, #tpu.memory_space<hbm>>
        %dma_wait3A_175 = tpu.memref_squeeze %dma_wait3A_174 : memref<1x16x128xf32, #tpu.memory_space<hbm>> -> memref<16x128xf32, #tpu.memory_space<hbm>>
        %dma_wait3A_176 = arith.constant 0 : i32
        %dma_wait3A_177 = arith.constant 0 : i32
        %dma_wait3A_178 = tpu.memref_slice %arg6[%dma_wait3A_176, %dma_wait3A_177] : memref<16x129xf32, #tpu.memory_space<vmem>> -> memref<16x128xf32, #tpu.memory_space<vmem>>
        %dma_wait3A_179 = arith.constant 0 : i32
        %dma_wait3A_180 = arith.constant 0 : i32
        %dma_wait3A_181 = tpu.memref_slice %arg2[%dma_wait3A_168, %dma_wait3A_179, %dma_wait3A_180] : memref<26x16x100000xf32, #tpu.memory_space<hbm>> -> memref<1x16x128xf32, #tpu.memory_space<hbm>>
        %dma_wait3A_182 = tpu.memref_squeeze %dma_wait3A_181 : memref<1x16x128xf32, #tpu.memory_space<hbm>> -> memref<16x128xf32, #tpu.memory_space<hbm>>
        tpu.wait_dma2 semaphore(%arg10 : memref<!tpu.dma_semaphore, #tpu.memory_space<semaphore_mem>>) src(%dma_wait3A_182 : memref<16x128xf32, #tpu.memory_space<hbm>>) dst(%dma_wait3A_178 : memref<16x128xf32, #tpu.memory_space<vmem>>)
      } else {
      }
      %add3A_162 = arith.constant 1 : i32
      %add3A_163 = arith.addi %add3A_98, %add3A_162 : i32
      %lt3A_164 = arith.cmpi slt, %add3A_163, %select_n3A_46 : i32
      %convert_element_type3A_165 = arith.extui %lt3A_164 : i1 to i32
      %cond3A_166 = arith.constant 0 : i32
      %cond3A_167 = arith.cmpi ne, %convert_element_type3A_165, %cond3A_166 : i32
      scf.if %cond3A_167 {
        %jit3A_168 = arith.constant 782 : i32
        %div3A_169 = arith.divsi %add3A_163, %jit3A_168 : i32
        %sign3A_170 = arith.constant 0 : i32
        %sign3A_171 = arith.cmpi sgt, %add3A_163, %sign3A_170 : i32
        %sign3A_172 = arith.extui %sign3A_171 : i1 to i32
        %sign3A_173 = arith.constant 0 : i32
        %sign3A_174 = arith.cmpi slt, %add3A_163, %sign3A_173 : i32
        %sign3A_175 = arith.extui %sign3A_174 : i1 to i32
        %sign3A_176 = arith.subi %sign3A_172, %sign3A_175 : i32
        %sign3A_177 = arith.constant 0 : i32
        %sign3A_178 = arith.cmpi sgt, %jit3A_168, %sign3A_177 : i32
        %sign3A_179 = arith.extui %sign3A_178 : i1 to i32
        %sign3A_180 = arith.constant 0 : i32
        %sign3A_181 = arith.cmpi slt, %jit3A_168, %sign3A_180 : i32
        %sign3A_182 = arith.extui %sign3A_181 : i1 to i32
        %sign3A_183 = arith.subi %sign3A_179, %sign3A_182 : i32
        %ne3A_184 = arith.cmpi ne, %sign3A_176, %sign3A_183 : i32
        %rem3A_185 = arith.remsi %add3A_163, %jit3A_168 : i32
        %ne3A_186 = arith.constant 0 : i32
        %ne3A_187 = arith.cmpi ne, %rem3A_185, %ne3A_186 : i32
        %and3A_188 = arith.andi %ne3A_184, %ne3A_187 : i1
        %sub3A_189 = arith.constant 1 : i32
        %sub3A_190 = arith.subi %div3A_169, %sub3A_189 : i32
        %select_n3A_191 = arith.select %and3A_188, %sub3A_190, %div3A_169 : i32
        %jit3A_192 = arith.constant 782 : i32
        %eq3A_193 = arith.constant 0 : i32
        %eq3A_194 = arith.cmpi eq, %jit3A_192, %eq3A_193 : i32
        %jit3A_195 = arith.constant 1 : i32
        %select_n3A_196 = arith.select %eq3A_194, %jit3A_195, %jit3A_192 : i32
        %rem3A_197 = arith.remsi %add3A_163, %select_n3A_196 : i32
        %ne3A_198 = arith.constant 0 : i32
        %ne3A_199 = arith.cmpi ne, %rem3A_197, %ne3A_198 : i32
        %lt3A_200 = arith.constant 0 : i32
        %lt3A_201 = arith.cmpi slt, %rem3A_197, %lt3A_200 : i32
        %lt3A_202 = arith.constant 0 : i32
        %lt3A_203 = arith.cmpi slt, %select_n3A_196, %lt3A_202 : i32
        %ne3A_204 = arith.xori %lt3A_201, %lt3A_203 : i1
        %and3A_205 = arith.andi %ne3A_204, %ne3A_199 : i1
        %add3A_206 = arith.addi %rem3A_197, %select_n3A_196 : i32
        %select_n3A_207 = arith.select %and3A_205, %add3A_206, %rem3A_197 : i32
        %add3A_208 = arith.constant 2 : i32
        %add3A_209 = arith.addi %select_n3A, %add3A_208 : i32
        %ge3A = arith.cmpi sge, %add3A_163, %add3A_209 : i32
        %convert_element_type3A_210 = arith.extui %ge3A : i1 to i32
        %cond3A_211 = arith.constant 0 : i32
        %cond3A_212 = arith.cmpi ne, %convert_element_type3A_210, %cond3A_211 : i32
        scf.if %cond3A_212 {
          %dma_wait3A_231 = arith.constant 0 : i32
          %dma_wait3A_232 = arith.constant 0 : i32
          %dma_wait3A_233 = tpu.memref_slice %arg4[%dma_wait3A_231, %dma_wait3A_232] : memref<325312x128xf32, #tpu.memory_space<hbm>> -> memref<16x128xf32, #tpu.memory_space<hbm>>
          %dma_wait3A_234 = arith.constant 0 : i32
          %dma_wait3A_235 = arith.constant 0 : i32
          %dma_wait3A_236 = tpu.memref_slice %arg4[%dma_wait3A_234, %dma_wait3A_235] : memref<325312x128xf32, #tpu.memory_space<hbm>> -> memref<16x128xf32, #tpu.memory_space<hbm>>
          tpu.wait_dma2 semaphore(%arg12 : memref<!tpu.dma_semaphore, #tpu.memory_space<semaphore_mem>>) src(%arg8 : memref<16x128xf32, #tpu.memory_space<vmem>>) dst(%dma_wait3A_236 : memref<16x128xf32, #tpu.memory_space<hbm>>)
        } else {
        }
        %lt3A_213 = arith.constant 781 : i32
        %lt3A_214 = arith.cmpi slt, %select_n3A_207, %lt3A_213 : i32
        %convert_element_type3A_215 = arith.extui %lt3A_214 : i1 to i32
        %cond3A_216 = arith.constant 0 : i32
        %cond3A_217 = arith.cmpi ne, %convert_element_type3A_215, %cond3A_216 : i32
        scf.if %cond3A_217 {
          %scan3A = arith.constant 0 : i32
          %scan3A_231 = arith.constant 0 : i32
          %scan3A_232 = arith.constant 8 : i32
          %scan3A_233 = arith.addi %scan3A_231, %scan3A_232 : i32
          %scan3A_234 = arith.constant 1 : i32
          scf.for %scan3A_236 = %scan3A_231 to %scan3A_233 step %scan3A_234  : i32 {
            %broadcast_in_dim3A = arith.constant 0 : i32
            %broadcast_in_dim3A_237 = vector.broadcast %broadcast_in_dim3A : i32 to vector<16xi32>
            %mul3A_238 = arith.constant 16 : i32
            %mul3A_239 = arith.muli %scan3A_236, %mul3A_238 : i32
            %add3A_240 = vector.broadcast %mul3A_239 : i32 to vector<16xi32>
            %add3A_241 = arith.addi %add3A_240, %broadcast_in_dim3A_237 : vector<16xi32>
            %gather3A = tpu.vector_load_idx %arg6[%iota3A, %add3A_241] : memref<16x129xf32, #tpu.memory_space<vmem>>[vector<16xi32>, vector<16xi32>], vector<16xf32>,
            %mul3A_242 = arith.constant 2 : i32
            %mul3A_243 = arith.muli %scan3A_236, %mul3A_242 : i32
            %add3A_244 = arith.constant 0 : i32
            %add3A_245 = arith.addi %mul3A_243, %add3A_244 : i32
            %swap3A = arith.index_cast %add3A_245 : i32 to index
            %swap3A_246 = arith.constant 0 : index
            %swap3A_247 = tpu.vector_load %arg8[%swap3A, %swap3A_246] {strides = array<i32>} : memref<16x128xf32, #tpu.memory_space<vmem>>, vector<16xf32>,
            tpu.vector_store %arg8[%swap3A, %swap3A_246], %gather3A {strides = array<i32>} : memref<16x128xf32, #tpu.memory_space<vmem>>, vector<16xf32>,
            %broadcast_in_dim3A_248 = arith.constant 1 : i32
            %broadcast_in_dim3A_249 = vector.broadcast %broadcast_in_dim3A_248 : i32 to vector<16xi32>
            %mul3A_250 = arith.constant 16 : i32
            %mul3A_251 = arith.muli %scan3A_236, %mul3A_250 : i32
            %add3A_252 = vector.broadcast %mul3A_251 : i32 to vector<16xi32>
            %add3A_253 = arith.addi %add3A_252, %broadcast_in_dim3A_249 : vector<16xi32>
            %gather3A_254 = tpu.vector_load_idx %arg6[%iota3A, %add3A_253] : memref<16x129xf32, #tpu.memory_space<vmem>>[vector<16xi32>, vector<16xi32>], vector<16xf32>,
            %mul3A_255 = arith.constant 2 : i32
            %mul3A_256 = arith.muli %scan3A_236, %mul3A_255 : i32
            %add3A_257 = arith.constant 0 : i32
            %add3A_258 = arith.addi %mul3A_256, %add3A_257 : i32
            %swap3A_259 = arith.index_cast %add3A_258 : i32 to index
            %swap3A_260 = arith.constant 16 : index
            %swap3A_261 = tpu.vector_load %arg8[%swap3A_259, %swap3A_260] {strides = array<i32>} : memref<16x128xf32, #tpu.memory_space<vmem>>, vector<16xf32>,
            tpu.vector_store %arg8[%swap3A_259, %swap3A_260], %gather3A_254 {strides = array<i32>} : memref<16x128xf32, #tpu.memory_space<vmem>>, vector<16xf32>,
            %broadcast_in_dim3A_262 = arith.constant 2 : i32
            %broadcast_in_dim3A_263 = vector.broadcast %broadcast_in_dim3A_262 : i32 to vector<16xi32>
            %mul3A_264 = arith.constant 16 : i32
            %mul3A_265 = arith.muli %scan3A_236, %mul3A_264 : i32
            %add3A_266 = vector.broadcast %mul3A_265 : i32 to vector<16xi32>
            %add3A_267 = arith.addi %add3A_266, %broadcast_in_dim3A_263 : vector<16xi32>
            %gather3A_268 = tpu.vector_load_idx %arg6[%iota3A, %add3A_267] : memref<16x129xf32, #tpu.memory_space<vmem>>[vector<16xi32>, vector<16xi32>], vector<16xf32>,
            %mul3A_269 = arith.constant 2 : i32
            %mul3A_270 = arith.muli %scan3A_236, %mul3A_269 : i32
            %add3A_271 = arith.constant 0 : i32
            %add3A_272 = arith.addi %mul3A_270, %add3A_271 : i32
            %swap3A_273 = arith.index_cast %add3A_272 : i32 to index
            %swap3A_274 = arith.constant 32 : index
            %swap3A_275 = tpu.vector_load %arg8[%swap3A_273, %swap3A_274] {strides = array<i32>} : memref<16x128xf32, #tpu.memory_space<vmem>>, vector<16xf32>,
            tpu.vector_store %arg8[%swap3A_273, %swap3A_274], %gather3A_268 {strides = array<i32>} : memref<16x128xf32, #tpu.memory_space<vmem>>, vector<16xf32>,
            %broadcast_in_dim3A_276 = arith.constant 3 : i32
            %broadcast_in_dim3A_277 = vector.broadcast %broadcast_in_dim3A_276 : i32 to vector<16xi32>
            %mul3A_278 = arith.constant 16 : i32
            %mul3A_279 = arith.muli %scan3A_236, %mul3A_278 : i32
            %add3A_280 = vector.broadcast %mul3A_279 : i32 to vector<16xi32>
            %add3A_281 = arith.addi %add3A_280, %broadcast_in_dim3A_277 : vector<16xi32>
            %gather3A_282 = tpu.vector_load_idx %arg6[%iota3A, %add3A_281] : memref<16x129xf32, #tpu.memory_space<vmem>>[vector<16xi32>, vector<16xi32>], vector<16xf32>,
            %mul3A_283 = arith.constant 2 : i32
            %mul3A_284 = arith.muli %scan3A_236, %mul3A_283 : i32
            %add3A_285 = arith.constant 0 : i32
            %add3A_286 = arith.addi %mul3A_284, %add3A_285 : i32
            %swap3A_287 = arith.index_cast %add3A_286 : i32 to index
            %swap3A_288 = arith.constant 48 : index
            %swap3A_289 = tpu.vector_load %arg8[%swap3A_287, %swap3A_288] {strides = array<i32>} : memref<16x128xf32, #tpu.memory_space<vmem>>, vector<16xf32>,
            tpu.vector_store %arg8[%swap3A_287, %swap3A_288], %gather3A_282 {strides = array<i32>} : memref<16x128xf32, #tpu.memory_space<vmem>>, vector<16xf32>,
            %broadcast_in_dim3A_290 = arith.constant 4 : i32
            %broadcast_in_dim3A_291 = vector.broadcast %broadcast_in_dim3A_290 : i32 to vector<16xi32>
            %mul3A_292 = arith.constant 16 : i32
            %mul3A_293 = arith.muli %scan3A_236, %mul3A_292 : i32
            %add3A_294 = vector.broadcast %mul3A_293 : i32 to vector<16xi32>
            %add3A_295 = arith.addi %add3A_294, %broadcast_in_dim3A_291 : vector<16xi32>
            %gather3A_296 = tpu.vector_load_idx %arg6[%iota3A, %add3A_295] : memref<16x129xf32, #tpu.memory_space<vmem>>[vector<16xi32>, vector<16xi32>], vector<16xf32>,
            %mul3A_297 = arith.constant 2 : i32
            %mul3A_298 = arith.muli %scan3A_236, %mul3A_297 : i32
            %add3A_299 = arith.constant 0 : i32
            %add3A_300 = arith.addi %mul3A_298, %add3A_299 : i32
            %swap3A_301 = arith.index_cast %add3A_300 : i32 to index
            %swap3A_302 = arith.constant 64 : index
            %swap3A_303 = tpu.vector_load %arg8[%swap3A_301, %swap3A_302] {strides = array<i32>} : memref<16x128xf32, #tpu.memory_space<vmem>>, vector<16xf32>,
            tpu.vector_store %arg8[%swap3A_301, %swap3A_302], %gather3A_296 {strides = array<i32>} : memref<16x128xf32, #tpu.memory_space<vmem>>, vector<16xf32>,
            %broadcast_in_dim3A_304 = arith.constant 5 : i32
            %broadcast_in_dim3A_305 = vector.broadcast %broadcast_in_dim3A_304 : i32 to vector<16xi32>
            %mul3A_306 = arith.constant 16 : i32
            %mul3A_307 = arith.muli %scan3A_236, %mul3A_306 : i32
            %add3A_308 = vector.broadcast %mul3A_307 : i32 to vector<16xi32>
            %add3A_309 = arith.addi %add3A_308, %broadcast_in_dim3A_305 : vector<16xi32>
            %gather3A_310 = tpu.vector_load_idx %arg6[%iota3A, %add3A_309] : memref<16x129xf32, #tpu.memory_space<vmem>>[vector<16xi32>, vector<16xi32>], vector<16xf32>,
            %mul3A_311 = arith.constant 2 : i32
            %mul3A_312 = arith.muli %scan3A_236, %mul3A_311 : i32
            %add3A_313 = arith.constant 0 : i32
            %add3A_314 = arith.addi %mul3A_312, %add3A_313 : i32
            %swap3A_315 = arith.index_cast %add3A_314 : i32 to index
            %swap3A_316 = arith.constant 80 : index
            %swap3A_317 = tpu.vector_load %arg8[%swap3A_315, %swap3A_316] {strides = array<i32>} : memref<16x128xf32, #tpu.memory_space<vmem>>, vector<16xf32>,
            tpu.vector_store %arg8[%swap3A_315, %swap3A_316], %gather3A_310 {strides = array<i32>} : memref<16x128xf32, #tpu.memory_space<vmem>>, vector<16xf32>,
            %broadcast_in_dim3A_318 = arith.constant 6 : i32
            %broadcast_in_dim3A_319 = vector.broadcast %broadcast_in_dim3A_318 : i32 to vector<16xi32>
            %mul3A_320 = arith.constant 16 : i32
            %mul3A_321 = arith.muli %scan3A_236, %mul3A_320 : i32
            %add3A_322 = vector.broadcast %mul3A_321 : i32 to vector<16xi32>
            %add3A_323 = arith.addi %add3A_322, %broadcast_in_dim3A_319 : vector<16xi32>
            %gather3A_324 = tpu.vector_load_idx %arg6[%iota3A, %add3A_323] : memref<16x129xf32, #tpu.memory_space<vmem>>[vector<16xi32>, vector<16xi32>], vector<16xf32>,
            %mul3A_325 = arith.constant 2 : i32
            %mul3A_326 = arith.muli %scan3A_236, %mul3A_325 : i32
            %add3A_327 = arith.constant 0 : i32
            %add3A_328 = arith.addi %mul3A_326, %add3A_327 : i32
            %swap3A_329 = arith.index_cast %add3A_328 : i32 to index
            %swap3A_330 = arith.constant 96 : index
            %swap3A_331 = tpu.vector_load %arg8[%swap3A_329, %swap3A_330] {strides = array<i32>} : memref<16x128xf32, #tpu.memory_space<vmem>>, vector<16xf32>,
            tpu.vector_store %arg8[%swap3A_329, %swap3A_330], %gather3A_324 {strides = array<i32>} : memref<16x128xf32, #tpu.memory_space<vmem>>, vector<16xf32>,
            %broadcast_in_dim3A_332 = arith.constant 7 : i32
            %broadcast_in_dim3A_333 = vector.broadcast %broadcast_in_dim3A_332 : i32 to vector<16xi32>
            %mul3A_334 = arith.constant 16 : i32
            %mul3A_335 = arith.muli %scan3A_236, %mul3A_334 : i32
            %add3A_336 = vector.broadcast %mul3A_335 : i32 to vector<16xi32>
            %add3A_337 = arith.addi %add3A_336, %broadcast_in_dim3A_333 : vector<16xi32>
            %gather3A_338 = tpu.vector_load_idx %arg6[%iota3A, %add3A_337] : memref<16x129xf32, #tpu.memory_space<vmem>>[vector<16xi32>, vector<16xi32>], vector<16xf32>,
            %mul3A_339 = arith.constant 2 : i32
            %mul3A_340 = arith.muli %scan3A_236, %mul3A_339 : i32
            %add3A_341 = arith.constant 0 : i32
            %add3A_342 = arith.addi %mul3A_340, %add3A_341 : i32
            %swap3A_343 = arith.index_cast %add3A_342 : i32 to index
            %swap3A_344 = arith.constant 112 : index
            %swap3A_345 = tpu.vector_load %arg8[%swap3A_343, %swap3A_344] {strides = array<i32>} : memref<16x128xf32, #tpu.memory_space<vmem>>, vector<16xf32>,
            tpu.vector_store %arg8[%swap3A_343, %swap3A_344], %gather3A_338 {strides = array<i32>} : memref<16x128xf32, #tpu.memory_space<vmem>>, vector<16xf32>,
            %broadcast_in_dim3A_346 = arith.constant 8 : i32
            %broadcast_in_dim3A_347 = vector.broadcast %broadcast_in_dim3A_346 : i32 to vector<16xi32>
            %mul3A_348 = arith.constant 16 : i32
            %mul3A_349 = arith.muli %scan3A_236, %mul3A_348 : i32
            %add3A_350 = vector.broadcast %mul3A_349 : i32 to vector<16xi32>
            %add3A_351 = arith.addi %add3A_350, %broadcast_in_dim3A_347 : vector<16xi32>
            %gather3A_352 = tpu.vector_load_idx %arg6[%iota3A, %add3A_351] : memref<16x129xf32, #tpu.memory_space<vmem>>[vector<16xi32>, vector<16xi32>], vector<16xf32>,
            %mul3A_353 = arith.constant 2 : i32
            %mul3A_354 = arith.muli %scan3A_236, %mul3A_353 : i32
            %add3A_355 = arith.constant 1 : i32
            %add3A_356 = arith.addi %mul3A_354, %add3A_355 : i32
            %swap3A_357 = arith.index_cast %add3A_356 : i32 to index
            %swap3A_358 = arith.constant 0 : index
            %swap3A_359 = tpu.vector_load %arg8[%swap3A_357, %swap3A_358] {strides = array<i32>} : memref<16x128xf32, #tpu.memory_space<vmem>>, vector<16xf32>,
            tpu.vector_store %arg8[%swap3A_357, %swap3A_358], %gather3A_352 {strides = array<i32>} : memref<16x128xf32, #tpu.memory_space<vmem>>, vector<16xf32>,
            %broadcast_in_dim3A_360 = arith.constant 9 : i32
            %broadcast_in_dim3A_361 = vector.broadcast %broadcast_in_dim3A_360 : i32 to vector<16xi32>
            %mul3A_362 = arith.constant 16 : i32
            %mul3A_363 = arith.muli %scan3A_236, %mul3A_362 : i32
            %add3A_364 = vector.broadcast %mul3A_363 : i32 to vector<16xi32>
            %add3A_365 = arith.addi %add3A_364, %broadcast_in_dim3A_361 : vector<16xi32>
            %gather3A_366 = tpu.vector_load_idx %arg6[%iota3A, %add3A_365] : memref<16x129xf32, #tpu.memory_space<vmem>>[vector<16xi32>, vector<16xi32>], vector<16xf32>,
            %mul3A_367 = arith.constant 2 : i32
            %mul3A_368 = arith.muli %scan3A_236, %mul3A_367 : i32
            %add3A_369 = arith.constant 1 : i32
            %add3A_370 = arith.addi %mul3A_368, %add3A_369 : i32
            %swap3A_371 = arith.index_cast %add3A_370 : i32 to index
            %swap3A_372 = arith.constant 16 : index
            %swap3A_373 = tpu.vector_load %arg8[%swap3A_371, %swap3A_372] {strides = array<i32>} : memref<16x128xf32, #tpu.memory_space<vmem>>, vector<16xf32>,
            tpu.vector_store %arg8[%swap3A_371, %swap3A_372], %gather3A_366 {strides = array<i32>} : memref<16x128xf32, #tpu.memory_space<vmem>>, vector<16xf32>,
            %broadcast_in_dim3A_374 = arith.constant 10 : i32
            %broadcast_in_dim3A_375 = vector.broadcast %broadcast_in_dim3A_374 : i32 to vector<16xi32>
            %mul3A_376 = arith.constant 16 : i32
            %mul3A_377 = arith.muli %scan3A_236, %mul3A_376 : i32
            %add3A_378 = vector.broadcast %mul3A_377 : i32 to vector<16xi32>
            %add3A_379 = arith.addi %add3A_378, %broadcast_in_dim3A_375 : vector<16xi32>
            %gather3A_380 = tpu.vector_load_idx %arg6[%iota3A, %add3A_379] : memref<16x129xf32, #tpu.memory_space<vmem>>[vector<16xi32>, vector<16xi32>], vector<16xf32>,
            %mul3A_381 = arith.constant 2 : i32
            %mul3A_382 = arith.muli %scan3A_236, %mul3A_381 : i32
            %add3A_383 = arith.constant 1 : i32
            %add3A_384 = arith.addi %mul3A_382, %add3A_383 : i32
            %swap3A_385 = arith.index_cast %add3A_384 : i32 to index
            %swap3A_386 = arith.constant 32 : index
            %swap3A_387 = tpu.vector_load %arg8[%swap3A_385, %swap3A_386] {strides = array<i32>} : memref<16x128xf32, #tpu.memory_space<vmem>>, vector<16xf32>,
            tpu.vector_store %arg8[%swap3A_385, %swap3A_386], %gather3A_380 {strides = array<i32>} : memref<16x128xf32, #tpu.memory_space<vmem>>, vector<16xf32>,
            %broadcast_in_dim3A_388 = arith.constant 11 : i32
            %broadcast_in_dim3A_389 = vector.broadcast %broadcast_in_dim3A_388 : i32 to vector<16xi32>
            %mul3A_390 = arith.constant 16 : i32
            %mul3A_391 = arith.muli %scan3A_236, %mul3A_390 : i32
            %add3A_392 = vector.broadcast %mul3A_391 : i32 to vector<16xi32>
            %add3A_393 = arith.addi %add3A_392, %broadcast_in_dim3A_389 : vector<16xi32>
            %gather3A_394 = tpu.vector_load_idx %arg6[%iota3A, %add3A_393] : memref<16x129xf32, #tpu.memory_space<vmem>>[vector<16xi32>, vector<16xi32>], vector<16xf32>,
            %mul3A_395 = arith.constant 2 : i32
            %mul3A_396 = arith.muli %scan3A_236, %mul3A_395 : i32
            %add3A_397 = arith.constant 1 : i32
            %add3A_398 = arith.addi %mul3A_396, %add3A_397 : i32
            %swap3A_399 = arith.index_cast %add3A_398 : i32 to index
            %swap3A_400 = arith.constant 48 : index
            %swap3A_401 = tpu.vector_load %arg8[%swap3A_399, %swap3A_400] {strides = array<i32>} : memref<16x128xf32, #tpu.memory_space<vmem>>, vector<16xf32>,
            tpu.vector_store %arg8[%swap3A_399, %swap3A_400], %gather3A_394 {strides = array<i32>} : memref<16x128xf32, #tpu.memory_space<vmem>>, vector<16xf32>,
            %broadcast_in_dim3A_402 = arith.constant 12 : i32
            %broadcast_in_dim3A_403 = vector.broadcast %broadcast_in_dim3A_402 : i32 to vector<16xi32>
            %mul3A_404 = arith.constant 16 : i32
            %mul3A_405 = arith.muli %scan3A_236, %mul3A_404 : i32
            %add3A_406 = vector.broadcast %mul3A_405 : i32 to vector<16xi32>
            %add3A_407 = arith.addi %add3A_406, %broadcast_in_dim3A_403 : vector<16xi32>
            %gather3A_408 = tpu.vector_load_idx %arg6[%iota3A, %add3A_407] : memref<16x129xf32, #tpu.memory_space<vmem>>[vector<16xi32>, vector<16xi32>], vector<16xf32>,
            %mul3A_409 = arith.constant 2 : i32
            %mul3A_410 = arith.muli %scan3A_236, %mul3A_409 : i32
            %add3A_411 = arith.constant 1 : i32
            %add3A_412 = arith.addi %mul3A_410, %add3A_411 : i32
            %swap3A_413 = arith.index_cast %add3A_412 : i32 to index
            %swap3A_414 = arith.constant 64 : index
            %swap3A_415 = tpu.vector_load %arg8[%swap3A_413, %swap3A_414] {strides = array<i32>} : memref<16x128xf32, #tpu.memory_space<vmem>>, vector<16xf32>,
            tpu.vector_store %arg8[%swap3A_413, %swap3A_414], %gather3A_408 {strides = array<i32>} : memref<16x128xf32, #tpu.memory_space<vmem>>, vector<16xf32>,
            %broadcast_in_dim3A_416 = arith.constant 13 : i32
            %broadcast_in_dim3A_417 = vector.broadcast %broadcast_in_dim3A_416 : i32 to vector<16xi32>
            %mul3A_418 = arith.constant 16 : i32
            %mul3A_419 = arith.muli %scan3A_236, %mul3A_418 : i32
            %add3A_420 = vector.broadcast %mul3A_419 : i32 to vector<16xi32>
            %add3A_421 = arith.addi %add3A_420, %broadcast_in_dim3A_417 : vector<16xi32>
            %gather3A_422 = tpu.vector_load_idx %arg6[%iota3A, %add3A_421] : memref<16x129xf32, #tpu.memory_space<vmem>>[vector<16xi32>, vector<16xi32>], vector<16xf32>,
            %mul3A_423 = arith.constant 2 : i32
            %mul3A_424 = arith.muli %scan3A_236, %mul3A_423 : i32
            %add3A_425 = arith.constant 1 : i32
            %add3A_426 = arith.addi %mul3A_424, %add3A_425 : i32
            %swap3A_427 = arith.index_cast %add3A_426 : i32 to index
            %swap3A_428 = arith.constant 80 : index
            %swap3A_429 = tpu.vector_load %arg8[%swap3A_427, %swap3A_428] {strides = array<i32>} : memref<16x128xf32, #tpu.memory_space<vmem>>, vector<16xf32>,
            tpu.vector_store %arg8[%swap3A_427, %swap3A_428], %gather3A_422 {strides = array<i32>} : memref<16x128xf32, #tpu.memory_space<vmem>>, vector<16xf32>,
            %broadcast_in_dim3A_430 = arith.constant 14 : i32
            %broadcast_in_dim3A_431 = vector.broadcast %broadcast_in_dim3A_430 : i32 to vector<16xi32>
            %mul3A_432 = arith.constant 16 : i32
            %mul3A_433 = arith.muli %scan3A_236, %mul3A_432 : i32
            %add3A_434 = vector.broadcast %mul3A_433 : i32 to vector<16xi32>
            %add3A_435 = arith.addi %add3A_434, %broadcast_in_dim3A_431 : vector<16xi32>
            %gather3A_436 = tpu.vector_load_idx %arg6[%iota3A, %add3A_435] : memref<16x129xf32, #tpu.memory_space<vmem>>[vector<16xi32>, vector<16xi32>], vector<16xf32>,
            %mul3A_437 = arith.constant 2 : i32
            %mul3A_438 = arith.muli %scan3A_236, %mul3A_437 : i32
            %add3A_439 = arith.constant 1 : i32
            %add3A_440 = arith.addi %mul3A_438, %add3A_439 : i32
            %swap3A_441 = arith.index_cast %add3A_440 : i32 to index
            %swap3A_442 = arith.constant 96 : index
            %swap3A_443 = tpu.vector_load %arg8[%swap3A_441, %swap3A_442] {strides = array<i32>} : memref<16x128xf32, #tpu.memory_space<vmem>>, vector<16xf32>,
            tpu.vector_store %arg8[%swap3A_441, %swap3A_442], %gather3A_436 {strides = array<i32>} : memref<16x128xf32, #tpu.memory_space<vmem>>, vector<16xf32>,
            %broadcast_in_dim3A_444 = arith.constant 15 : i32
            %broadcast_in_dim3A_445 = vector.broadcast %broadcast_in_dim3A_444 : i32 to vector<16xi32>
            %mul3A_446 = arith.constant 16 : i32
            %mul3A_447 = arith.muli %scan3A_236, %mul3A_446 : i32
            %add3A_448 = vector.broadcast %mul3A_447 : i32 to vector<16xi32>
            %add3A_449 = arith.addi %add3A_448, %broadcast_in_dim3A_445 : vector<16xi32>
            %gather3A_450 = tpu.vector_load_idx %arg6[%iota3A, %add3A_449] : memref<16x129xf32, #tpu.memory_space<vmem>>[vector<16xi32>, vector<16xi32>], vector<16xf32>,
            %mul3A_451 = arith.constant 2 : i32
            %mul3A_452 = arith.muli %scan3A_236, %mul3A_451 : i32
            %add3A_453 = arith.constant 1 : i32
            %add3A_454 = arith.addi %mul3A_452, %add3A_453 : i32
            %swap3A_455 = arith.index_cast %add3A_454 : i32 to index
            %swap3A_456 = arith.constant 112 : index
            %swap3A_457 = tpu.vector_load %arg8[%swap3A_455, %swap3A_456] {strides = array<i32>} : memref<16x128xf32, #tpu.memory_space<vmem>>, vector<16xf32>,
            tpu.vector_store %arg8[%swap3A_455, %swap3A_456], %gather3A_450 {strides = array<i32>} : memref<16x128xf32, #tpu.memory_space<vmem>>, vector<16xf32>,
          }
          %scan3A_235 = arith.constant 8 : i32
        } else {
        }
        %eq3A_218 = arith.constant 781 : i32
        %eq3A_219 = arith.cmpi eq, %select_n3A_207, %eq3A_218 : i32
        %convert_element_type3A_220 = arith.extui %eq3A_219 : i1 to i32
        %cond3A_221 = arith.constant 0 : i32
        %cond3A_222 = arith.cmpi ne, %convert_element_type3A_220, %cond3A_221 : i32
        scf.if %cond3A_222 {
          "tpu.region"() ({
            %run_scoped3A = tpu.sem_alloc : memref<!tpu.dma_semaphore, #tpu.memory_space<semaphore_mem>>
            %dma_start3A_231 = arith.constant 0 : i32
            %dma_start3A_232 = arith.constant 0 : i32
            %dma_start3A_233 = tpu.memref_slice %arg8[%dma_start3A_231, %dma_start3A_232] : memref<16x128xf32, #tpu.memory_space<vmem>> -> memref<8x128xf32, #tpu.memory_space<vmem>>
            %dma_start3A_234 = arith.constant 0 : i32
            %dma_start3A_235 = arith.constant 0 : i32
            %dma_start3A_236 = tpu.memref_slice %arg3[%select_n3A_191, %dma_start3A_234, %dma_start3A_235] : memref<26x8x128xf32, #tpu.memory_space<hbm>> -> memref<1x8x128xf32, #tpu.memory_space<hbm>>
            %dma_start3A_237 = tpu.memref_squeeze %dma_start3A_236 : memref<1x8x128xf32, #tpu.memory_space<hbm>> -> memref<8x128xf32, #tpu.memory_space<hbm>>
            %dma_start3A_238 = arith.constant 0 : i32
            %dma_start3A_239 = arith.constant 0 : i32
            %dma_start3A_240 = tpu.memref_slice %arg8[%dma_start3A_238, %dma_start3A_239] : memref<16x128xf32, #tpu.memory_space<vmem>> -> memref<8x128xf32, #tpu.memory_space<vmem>>
            %dma_start3A_241 = arith.constant 0 : i32
            %dma_start3A_242 = arith.constant 0 : i32
            %dma_start3A_243 = tpu.memref_slice %arg3[%select_n3A_191, %dma_start3A_241, %dma_start3A_242] : memref<26x8x128xf32, #tpu.memory_space<hbm>> -> memref<1x8x128xf32, #tpu.memory_space<hbm>>
            %dma_start3A_244 = tpu.memref_squeeze %dma_start3A_243 : memref<1x8x128xf32, #tpu.memory_space<hbm>> -> memref<8x128xf32, #tpu.memory_space<hbm>>
            tpu.enqueue_dma source(%dma_start3A_244 : memref<8x128xf32, #tpu.memory_space<hbm>>) target(%dma_start3A_240 : memref<8x128xf32, #tpu.memory_space<vmem>>) target_semaphore(%run_scoped3A : memref<!tpu.dma_semaphore, #tpu.memory_space<semaphore_mem>>)
            %dma_wait3A_245 = arith.constant 0 : i32
            %dma_wait3A_246 = arith.constant 0 : i32
            %dma_wait3A_247 = tpu.memref_slice %arg8[%dma_wait3A_245, %dma_wait3A_246] : memref<16x128xf32, #tpu.memory_space<vmem>> -> memref<8x128xf32, #tpu.memory_space<vmem>>
            %dma_wait3A_248 = arith.constant 0 : i32
            %dma_wait3A_249 = arith.constant 0 : i32
            %dma_wait3A_250 = tpu.memref_slice %arg3[%select_n3A_191, %dma_wait3A_248, %dma_wait3A_249] : memref<26x8x128xf32, #tpu.memory_space<hbm>> -> memref<1x8x128xf32, #tpu.memory_space<hbm>>
            %dma_wait3A_251 = tpu.memref_squeeze %dma_wait3A_250 : memref<1x8x128xf32, #tpu.memory_space<hbm>> -> memref<8x128xf32, #tpu.memory_space<hbm>>
            %dma_wait3A_252 = arith.constant 0 : i32
            %dma_wait3A_253 = arith.constant 0 : i32
            %dma_wait3A_254 = tpu.memref_slice %arg8[%dma_wait3A_252, %dma_wait3A_253] : memref<16x128xf32, #tpu.memory_space<vmem>> -> memref<8x128xf32, #tpu.memory_space<vmem>>
            %dma_wait3A_255 = arith.constant 0 : i32
            %dma_wait3A_256 = arith.constant 0 : i32
            %dma_wait3A_257 = tpu.memref_slice %arg3[%select_n3A_191, %dma_wait3A_255, %dma_wait3A_256] : memref<26x8x128xf32, #tpu.memory_space<hbm>> -> memref<1x8x128xf32, #tpu.memory_space<hbm>>
            %dma_wait3A_258 = tpu.memref_squeeze %dma_wait3A_257 : memref<1x8x128xf32, #tpu.memory_space<hbm>> -> memref<8x128xf32, #tpu.memory_space<hbm>>
            tpu.wait_dma2 semaphore(%run_scoped3A : memref<!tpu.dma_semaphore, #tpu.memory_space<semaphore_mem>>) src(%dma_wait3A_258 : memref<8x128xf32, #tpu.memory_space<hbm>>) dst(%dma_wait3A_254 : memref<8x128xf32, #tpu.memory_space<vmem>>)
            tpu.yield
          }) : () -> ()
        } else {
        }
        %mul3A_223 = arith.constant 12512 : i32
        %mul3A_224 = arith.muli %select_n3A_191, %mul3A_223 : i32
        %mul3A_225 = arith.constant 16 : i32
        %mul3A_226 = arith.muli %select_n3A_207, %mul3A_225 : i32
        %add3A_227 = arith.addi %mul3A_224, %mul3A_226 : i32
        %dma_start3A = arith.constant 0 : i32
        %dma_start3A_228 = tpu.memref_slice %arg4[%add3A_227, %dma_start3A] : memref<325312x128xf32, #tpu.memory_space<hbm>> -> memref<16x128xf32, #tpu.memory_space<hbm>>
        %dma_start3A_229 = arith.constant 0 : i32
        %dma_start3A_230 = tpu.memref_slice %arg4[%add3A_227, %dma_start3A_229] : memref<325312x128xf32, #tpu.memory_space<hbm>> -> memref<16x128xf32, #tpu.memory_space<hbm>>
        tpu.enqueue_dma source(%arg8 : memref<16x128xf32, #tpu.memory_space<vmem>>) target(%dma_start3A_230 : memref<16x128xf32, #tpu.memory_space<hbm>>) target_semaphore(%arg12 : memref<!tpu.dma_semaphore, #tpu.memory_space<semaphore_mem>>)
      } else {
      }
    }
    %dma_wait3A = arith.constant 0 : i32
    %dma_wait3A_84 = arith.constant 0 : i32
    %dma_wait3A_85 = tpu.memref_slice %arg4[%dma_wait3A, %dma_wait3A_84] : memref<325312x128xf32, #tpu.memory_space<hbm>> -> memref<16x128xf32, #tpu.memory_space<hbm>>
    %dma_wait3A_86 = arith.constant 0 : i32
    %dma_wait3A_87 = arith.constant 0 : i32
    %dma_wait3A_88 = tpu.memref_slice %arg4[%dma_wait3A_86, %dma_wait3A_87] : memref<325312x128xf32, #tpu.memory_space<hbm>> -> memref<16x128xf32, #tpu.memory_space<hbm>>
    tpu.wait_dma2 semaphore(%arg11 : memref<!tpu.dma_semaphore, #tpu.memory_space<semaphore_mem>>) src(%arg7 : memref<16x128xf32, #tpu.memory_space<vmem>>) dst(%dma_wait3A_88 : memref<16x128xf32, #tpu.memory_space<hbm>>)
    %dma_wait3A_89 = arith.constant 0 : i32
    %dma_wait3A_90 = arith.constant 0 : i32
    %dma_wait3A_91 = tpu.memref_slice %arg4[%dma_wait3A_89, %dma_wait3A_90] : memref<325312x128xf32, #tpu.memory_space<hbm>> -> memref<16x128xf32, #tpu.memory_space<hbm>>
    %dma_wait3A_92 = arith.constant 0 : i32
    %dma_wait3A_93 = arith.constant 0 : i32
    %dma_wait3A_94 = tpu.memref_slice %arg4[%dma_wait3A_92, %dma_wait3A_93] : memref<325312x128xf32, #tpu.memory_space<hbm>> -> memref<16x128xf32, #tpu.memory_space<hbm>>
    tpu.wait_dma2 semaphore(%arg12 : memref<!tpu.dma_semaphore, #tpu.memory_space<semaphore_mem>>) src(%arg8 : memref<16x128xf32, #tpu.memory_space<vmem>>) dst(%dma_wait3A_94 : memref<16x128xf32, #tpu.memory_space<hbm>>)
    return
  }
}

</mosaic_0001>

<sc_bundles>
// kernel: kernel.4.cloned.1.call-start
scs
__scs_entry_jumppad:
0x0: {  	(pc) =	sbr.rel $0x88, $3  }
0x1: {  	(tag) =	ssettag $0x0;
	lr =	simm.s32 $0x1  }
0x2: {  	[smem:$0x3F9F] =	sst lr;
	_ =	strace $0xD0000000  }
0x3: {  	_ = 	snop  }
0x4: {  	_ = 	snop  }
0x5: {  	_ = 	snop  }
0x6: {  	_ = 	snop  }
0x7: {  	_ = 	snop  }
__scs_overlays_trampoline_lowered:
0x8: {  	[smem:$0x3FAE] =	sst s0  }
0x9: {  	[smem:$0x3FAF] =	sst s1  }
0xa: {  	[smem:$0x3FB0] =	sst s2  }
0xb: {  	[smem:$0x3FB1] =	sst s3  }
0xc: {  	[smem:$0x3FB2] =	sst s4  }
0xd: {  	[smem:$0x3FB3] =	sst s5  }
0xe: {  	[smem:$0x3FB4] =	sst s6  }
0xf: {  	[smem:$0x3FB5] =	sst s7  }
0x10: {  	[smem:$0x3FB6] =	sst s8  }
0x11: {  	[smem:$0x3FB7] =	sst s9;
	s0 =	simm.s32 @!p0 $0x0  }
0x12: {  	s1 =	sld [smem:$0x3F9D];
	s0 =	simm.s32 @p0 $0x1  }
0x13: {  	[smem:$0x3FB8] =	sst s0;
	s0 =	simm.s32 @!p1 $0x0  }
0x14: {  	s2 =	sld [smem:$0x3F9C];
	s0 =	simm.s32 @p1 $0x1  }
0x15: {  	[smem:$0x3FB9] =	sst s0;
	s0 =	simm.s32 @!p2 $0x0  }
0x16: {  	s3 =	sld [smem:$0x3FDB];
	s0 =	simm.s32 @p2 $0x1  }
0x17: {  	s4 =	simm.s32 $0x1BF5;
	[smem:$0x3FBB] =	sst s0  }
0x18: {  	s0 =	sld [smem:$0x3F9E];
	_ =	swait.ge [sflag:s4], $0x0  }
0x19: {  	s7 =	sld [smem:$0x3F9F]  }
0x1a: {  	s8 =	sadd.s32 $0xFFFFE003, lr  }
0x1b: {  	s9 =	sadd.s32 $0xFFFFFEF7, lr;
	s5 =	simm.s32 $0xFFFFFFFF;
	p2 =	slt.u32 s8, $0xFFFFF086  }
0x1c: {  	p1 =	slt.u32 s9, $0xF7A;
	s5 =	simm.s32 @!p2 $0x0  }
0x1d: {  	s5 =	simm.s32 @p1 $0x1;
	p0 =	seq.s32 s7, s2  }
0x1e: {  	s7 =	smul.u32 @!p0 $0xF7A, s2;
	p2 =	seq.s32 @!p0 s5, $0x0  }
0x1f: {  	s9 =	smul.u32 $0xF7A, s1;
	s8 =	simm.s32 @!p0 $0x1BF5;
	p2 =	por !p2, p0  }
0x20: {  	[sflag:s8] =	ssyncset.s32 @!p0 $0xFFFFF086;
	s6 =	sadd.s32 @!p0 s3, s7;
	s7 =	simm.s32 @!p0 $0x108  }
0x21: {  	s3 =	sadd.s32 s3, s9;
	s6 =	sadd.s32 @!p0 $0x88, s6;
	s7 =	simm.s32 @p2 $0x1082  }
0x22: {  	[simem:s7], [sflag:s8] =	dma.local @!p0 [hbm:s6], $0xF7A  }
0x23: {  	s9 =	sor.u32 $0xD0000000, s2;
	s6 =	simm.s32 $0x108;
	_ =	swait.ge @!p0 [sflag:s8], $0x0  }
0x24: {  	s3 =	sadd.s32 $0x88, s3;
	s6 =	simm.s32 @!p1 $0x1082;
	[sflag:s4] =	ssyncset.s32 $0xFFFFF086  }
0x25: {  	[simem:s6], [sflag:s4] =	dma.local [hbm:s3], $0xF7A  }
0x26: {  	[smem:$0x3F9F] =	sst s1;
	(tag) =	ssettag s2;
	_ =	strace s9  }
0x27: {  	s1 =	sld [smem:$0x3FAF]  }
0x28: {  	s2 =	sld [smem:$0x3FB0]  }
0x29: {  	s4 =	sld [smem:$0x3FB2]  }
0x2a: {  	p0 =	seq.s32 s5, $0x0;
	s5 =	sld [smem:$0x3FB3]  }
0x2b: {  	s6 =	sld [smem:$0x3FB4]  }
0x2c: {  	s7 =	sld [smem:$0x3FB5]  }
0x2d: {  	s3 =	simm.s32 $0x108;
	s8 =	sld [smem:$0x3FB6]  }
0x2e: {  	s3 =	simm.s32 @!p0 $0x1082;
	s9 =	sld [smem:$0x3FB7]  }
0x2f: {  	lr =	sadd.s32 s0, s3;
	s0 =	sld [smem:$0x3FAE]  }
0x30: {  	s3 =	sld [smem:$0x3FB1]  }
0x31: {  	[smem:$0x3FBA] =	sst s10  }
0x32: {  	s10 =	sld [smem:$0x3FB8];
	_ =	sdelay $0x3  }
0x33: {  	p0 =	seq.s32 s10, $0x1;
	s10 =	sld [smem:$0x3FBA];
	_ =	sdelay $0x3  }
0x34: {  	[smem:$0x3FBA] =	sst s10  }
0x35: {  	s10 =	sld [smem:$0x3FB9];
	_ =	sdelay $0x3  }
0x36: {  	p1 =	seq.s32 s10, $0x1;
	s10 =	sld [smem:$0x3FBA];
	_ =	sdelay $0x3  }
0x37: {  	[smem:$0x3FBA] =	sst s10  }
0x38: {  	s10 =	sld [smem:$0x3FBB]  }
0x39: {  	_ = 	snop;
	(pc) =	sbr.ind lr, $3  }
0x3a: {  	_ = 	snop  }
0x3b: {  	_ = 	snop  }
0x3c: {  	p2 =	seq.s32 s10, $0x1;
	s10 =	sld [smem:$0x3FBA]  }
0x3d: {  	_ =	shalt  }
0x3e: {  	_ =	shalt  }
0x3f: {  	_ =	shalt  }
0x40: {  	_ =	shalt  }
0x41: {  	_ =	shalt  }
0x42: {  	_ =	shalt  }
0x43: {  	_ =	shalt  }
0x44: {  	_ =	shalt  }
0x45: {  	_ =	shalt  }
0x46: {  	_ =	shalt  }
0x47: {  	_ =	shalt  }
0x48: {  	_ =	shalt  }
0x49: {  	_ =	shalt  }
0x4a: {  	_ =	shalt  }
0x4b: {  	_ =	shalt  }
0x4c: {  	_ =	shalt  }
0x4d: {  	_ =	shalt  }
0x4e: {  	_ =	shalt  }
0x4f: {  	_ =	shalt  }
0x50: {  	_ =	shalt  }
0x51: {  	_ =	shalt  }
0x52: {  	_ =	shalt  }
0x53: {  	_ =	shalt  }
0x54: {  	_ =	shalt  }
0x55: {  	_ =	shalt  }
0x56: {  	_ =	shalt  }
0x57: {  	_ =	shalt  }
0x58: {  	_ =	shalt  }
0x59: {  	_ =	shalt  }
0x5a: {  	_ =	shalt  }
0x5b: {  	_ =	shalt  }
0x5c: {  	_ =	shalt  }
0x5d: {  	_ =	shalt  }
0x5e: {  	_ =	shalt  }
0x5f: {  	_ =	shalt  }
0x60: {  	_ =	shalt  }
0x61: {  	_ =	shalt  }
0x62: {  	_ =	shalt  }
0x63: {  	_ =	shalt  }
0x64: {  	_ =	shalt  }
0x65: {  	_ =	shalt  }
0x66: {  	_ =	shalt  }
0x67: {  	_ =	shalt  }
0x68: {  	_ =	shalt  }
0x69: {  	_ =	shalt  }
0x6a: {  	_ =	shalt  }
0x6b: {  	_ =	shalt  }
0x6c: {  	_ =	shalt  }
0x6d: {  	_ =	shalt  }
0x6e: {  	_ =	shalt  }
0x6f: {  	_ =	shalt  }
0x70: {  	_ =	shalt  }
0x71: {  	_ =	shalt  }
0x72: {  	_ =	shalt  }
0x73: {  	_ =	shalt  }
0x74: {  	_ =	shalt  }
0x75: {  	_ =	shalt  }
0x76: {  	_ =	shalt  }
0x77: {  	_ =	shalt  }
0x78: {  	_ =	shalt  }
0x79: {  	_ =	shalt  }
0x7a: {  	_ =	shalt  }
0x7b: {  	_ =	shalt  }
0x7c: {  	_ =	shalt  }
0x7d: {  	_ =	shalt  }
0x7e: {  	_ =	shalt  }
0x7f: {  	_ =	shalt  }
0x80: {  	_ =	shalt  }
0x81: {  	_ =	shalt  }
0x82: {  	_ =	shalt  }
0x83: {  	_ =	shalt  }
0x84: {  	_ =	shalt  }
0x85: {  	_ =	shalt  }
0x86: {  	_ =	shalt  }
0x87: {  	_ =	shalt  }
.Lfunc_end0:
.L_simem_size_0:
called_computation_lowered:
.L_overlay_start_0:
0x88: {  	s2 =	sld [smem:$0x3FD9]  }
0x89: {  	s3 =	sld [smem:$0x3FFE];
	_ =	sdelay $0x1  }
0x8a: {  	s1 =	srdreg.scid  }
0x8b: {  	s0 =	sand.u32 $0x1, s1  }
0x8c: {  	s17 =	sshll.u32 s0, $0xA;
	s2 =	sadd.s32 s3, s2  }
0x8d: {  	s2 =	sadd.s32 s2, s17  }
0x8e: {  	[smem:$0x3FC6] =	sst s2  }
0x8f: {  	_ = 	snop  }
0x90: {  	s2 =	sld [smem:$0x3FC8];
	(tm) =	ssettm $0x1  }
0x91: {  	s18 =	sld [smem:$0x3FFB];
	_ =	sdelay $0x3  }
0x92: {  	_ =	strace s18  }
0x93: {  	s3 =	sld [smem:$0x3FFC];
	_ =	sdelay $0x3  }
0x94: {  	_ =	strace s3  }
0x95: {  	s3 =	sld [smem:$0x3FFD];
	_ =	sdelay $0x3  }
0x96: {  	_ =	strace s3  }
0x97: {  	_ =	strace $0x8FFFFFFF  }
0x98: {  	s19 =	sld [smem:$0x3FDB];
	_ =	sdelay $0x1  }
0x99: {  	s4 =	simm.s32 $_scs_section_size  }
0x9a: {  	s5 =	simm.s32 $_size__tile_overlayer_lowered;
	s6 =	simm.s32 $_tile_overlayer_lowered  }
0x9b: {  	s22 =	simm.s32 $0x1BFF;
	s21 =	sshll.u32 s6, $0x1;
	s3 =	sadd.s32 s4, s19  }
0x9c: {  	s7 =	simm.s32 $0x0;
	s20 =	sshll.u32 s5, $0x1;
	s5 =	sadd.s32 s21, s3  }
0x9d: {  	[timem:s7], [sflag:s22] =	dma.local [hbm:s5], s20  }
0x9e: {  	_ =	swait.ge [sflag:s22], s20  }
0x9f: {  	s4 =	ssub.s32 $0x0, s20;
	[sflag:s22] =	ssyncset.done $0x0  }
0xa0: {  	[sflag:s22] =	ssyncadd.s32 s4;
	_ =	sdelay $0x1  }
0xa1: {  	s23 =	simm.s32 $0x1B8B  }
0xa2: {  	_ =	swait.ge [sflag:s23], $0x1  }
0xa3: {  	[sflag:s23] =	ssyncset.done $0x0  }
0xa4: {  	s25 =	simm.s32 $0x1B8E;
	s24 =	sld [smem:$0x3FFE];
	[sflag:s23] =	ssyncadd.s32 $0xFFFFFFFF  }
0xa5: {  	s26 =	simm.s32 $execute0_lowered;
	[smem:$0x3FD2] =	sst s25  }
0xa6: {  	s5 =	sshll.u32 s26, $0x1;
	_ =	strace $0x80000046;
	[dreg:$0x1] =	wrdreg $0xFFFFFFFF  }
0xa7: {  	s28 =	simm.s32 $_size_execute0_lowered;
	s3 =	sadd.s32 s3, s5;
	[dreg:$0x0] =	wrdreg $0x0  }
0xa8: {  	s5 =	sshll.u32 s28, $0x1;
	[dreg:$0x2] =	wrdreg s3  }
0xa9: {  	[dreg:$0x3] =	wrdreg s5  }
0xaa: {  	[dreg:$0x4] =	wrdreg $0xC0  }
0xab: {  	_ =	task [dreg:s7], $0x5FFFF  }
0xac: {  	[dreg:$0x1] =	wrdreg $0xFFFFFFFF  }
0xad: {  	[dreg:$0x0] =	wrdreg $0x60  }
0xae: {  	[dreg:$0x2] =	wrdreg s2  }
0xaf: {  	[dreg:$0x3] =	wrdreg s24  }
0xb0: {  	[dreg:$0x4] =	wrdreg $0x9  }
0xb1: {  	_ =	task.clear_ibuf [dreg:s7], $0x5FFFF;
	_ =	strace $0x90000046  }
0xb2: {  	s29 =	simm.s32 $0x9;
	_ =	strace $0x80000048  }
0xb3: {  	_ =	swait.ge [sflag:s29], $0x1  }
0xb4: {  	[sflag:s29] =	ssyncadd.s32 $0xFFFFFFFF  }
0xb5: {  	_ =	strace $0x90000048  }
0xb6: {  	_ =	sfence  }
0xb7: {  	s30 =	sld [smem:$0x0];
	_ =	sdelay $0x2  }
0xb8: {  	s31 =	sshll.u32 s1, $0xD;
	s1 =	sshrl.u32 s1, $0x2  }
0xb9: {  	s3 =	sand.u32 $0x4000, s31;
	s1 =	sadd.s32 s1, s30  }
0xba: {  	s0 =	sor.u32 s3, s0;
	s1 =	sshll.u32 s1, $0x11  }
0xbb: {  	s0 =	sor.u32 s1, s0  }
0xbc: {  	s0 =	sadd.s32 $0x8F2B, s0  }
0xbd: {  	[sflag:s0] =	ssyncadd.remote.s32 $0x1  }
0xbe: {  	_ =	sfence.sel $0xFFFF  }
0xbf: {  	[dreg:$0x0] =	wrdreg $0xFFFFFFFF;
	(pc) =	sbr.abs _section_cstart, $3  }
0xc0: {  	[dreg:$0x1] =	wrdreg $0xFFFFFFFF  }
0xc1: {  	_ =	task.clear_ibuf [dreg:s7], $0x2FFFF;
	_ =	strace $0x9FFFFFFF  }
0xc2: {  	(tm) =	ssettm $0x7FFFFFFF  }
0xc3: {  	_ =	shalt  }
tec
execute0_lowered:
.L_overlay_start_1:
0x0: {  	(tag) =	ssettag $0x1  }
0x1: {  	v0 =	vimm.s32 $0xB80  }
0x2: {  	vm14 =	vcmask $0x300;
	vm13 =	vcmask $0x704;
	vm12 =	vcmask $0xB08  }
0x3: {  	vm11 =	vcmask $0xF0C;
	vm10 =	vcmask $0x1310;
	vm9 =	vcmask $0x1714  }
0x4: {  	vm8 =	vcmask $0x1B18;
	vm7 =	vcmask $0x1F1C;
	vm6 =	vcmask $0x2320  }
0x5: {  	vm5 =	vcmask $0x2724;
	vm4 =	vcmask $0x2B28;
	vm3 =	vcmask $0x2F2C  }
0x6: {  	vm2 =	vcmask $0x3330;
	vm1 =	vcmask $0x3734;
	vm0 =	vcmask $0x3B38  }
0x7: {  	v1 =	vimm.s32 $0xB81;
	v2 =	vimm.s32 $0xB82;
	v3 =	vimm.s32 $0xB83  }
0x8: {  	v4 =	vimm.s32 $0xB84;
	v5 =	vimm.s32 $0xB85;
	v6 =	vimm.s32 $0xB86  }
0x9: {  	v7 =	vimm.s32 $0xB87;
	v8 =	vimm.s32 $0xB88;
	v9 =	vimm.s32 $0xB89  }
0xa: {  	v10 =	vimm.s32 $0xB8A;
	v11 =	vimm.s32 $0xB8B;
	v12 =	vimm.s32 $0xB8C  }
0xb: {  	v13 =	vimm.s32 $0xB8D;
	v14 =	vimm.s32 $0xB8E;
	v15 =	vimm.s32 $0xB8F  }
0xc: {  	v0 =	vsel vm14, $0x0, v0;
	v1 =	vsel vm14, $0x1, v1;
	v2 =	vsel vm14, $0x2, v2  }
0xd: {  	v3 =	vsel vm14, $0x3, v3;
	v4 =	vsel vm14, $0x4, v4;
	v5 =	vsel vm14, $0x5, v5  }
0xe: {  	v6 =	vsel vm14, $0x6, v6;
	v7 =	vsel vm14, $0x7, v7;
	v8 =	vsel vm14, $0x8, v8  }
0xf: {  	v9 =	vsel vm14, $0x9, v9;
	v10 =	vsel vm14, $0xA, v10;
	v11 =	vsel vm14, $0xB, v11  }
0x10: {  	v12 =	vsel vm14, $0xC, v12;
	v13 =	vsel vm14, $0xD, v13;
	v14 =	vsel vm14, $0xE, v14  }
0x11: {  	v15 =	vsel vm14, $0xF, v15;
	v0 =	vsel vm13, $0x80, v0;
	v1 =	vsel vm13, $0x81, v1  }
0x12: {  	v2 =	vsel vm13, $0x82, v2;
	v3 =	vsel vm13, $0x83, v3;
	v4 =	vsel vm13, $0x84, v4  }
0x13: {  	v5 =	vsel vm13, $0x85, v5;
	v6 =	vsel vm13, $0x86, v6;
	v7 =	vsel vm13, $0x87, v7  }
0x14: {  	v8 =	vsel vm13, $0x88, v8;
	v9 =	vsel vm13, $0x89, v9;
	v10 =	vsel vm13, $0x8A, v10  }
0x15: {  	v11 =	vsel vm13, $0x8B, v11;
	v12 =	vsel vm13, $0x8C, v12;
	v13 =	vsel vm13, $0x8D, v13  }
0x16: {  	v14 =	vsel vm13, $0x8E, v14;
	v15 =	vsel vm13, $0x8F, v15;
	v0 =	vsel vm12, $0x100, v0  }
0x17: {  	v1 =	vsel vm12, $0x101, v1;
	v2 =	vsel vm12, $0x102, v2;
	v3 =	vsel vm12, $0x103, v3  }
0x18: {  	v4 =	vsel vm12, $0x104, v4;
	v5 =	vsel vm12, $0x105, v5;
	v6 =	vsel vm12, $0x106, v6  }
0x19: {  	v7 =	vsel vm12, $0x107, v7;
	v8 =	vsel vm12, $0x108, v8;
	v9 =	vsel vm12, $0x109, v9  }
0x1a: {  	v10 =	vsel vm12, $0x10A, v10;
	v11 =	vsel vm12, $0x10B, v11;
	v12 =	vsel vm12, $0x10C, v12  }
0x1b: {  	v13 =	vsel vm12, $0x10D, v13;
	v14 =	vsel vm12, $0x10E, v14;
	v15 =	vsel vm12, $0x10F, v15  }
0x1c: {  	v0 =	vsel vm11, $0x180, v0;
	v1 =	vsel vm11, $0x181, v1;
	v2 =	vsel vm11, $0x182, v2  }
0x1d: {  	v3 =	vsel vm11, $0x183, v3;
	v4 =	vsel vm11, $0x184, v4;
	v5 =	vsel vm11, $0x185, v5  }
0x1e: {  	v6 =	vsel vm11, $0x186, v6;
	v7 =	vsel vm11, $0x187, v7;
	v8 =	vsel vm11, $0x188, v8  }
0x1f: {  	v9 =	vsel vm11, $0x189, v9;
	v10 =	vsel vm11, $0x18A, v10;
	v11 =	vsel vm11, $0x18B, v11  }
0x20: {  	v12 =	vsel vm11, $0x18C, v12;
	v13 =	vsel vm11, $0x18D, v13;
	v14 =	vsel vm11, $0x18E, v14  }
0x21: {  	v15 =	vsel vm11, $0x18F, v15;
	v0 =	vsel vm10, $0x200, v0;
	v1 =	vsel vm10, $0x201, v1  }
0x22: {  	v2 =	vsel vm10, $0x202, v2;
	v3 =	vsel vm10, $0x203, v3;
	v4 =	vsel vm10, $0x204, v4  }
0x23: {  	v5 =	vsel vm10, $0x205, v5;
	v6 =	vsel vm10, $0x206, v6;
	v7 =	vsel vm10, $0x207, v7  }
0x24: {  	v8 =	vsel vm10, $0x208, v8;
	v9 =	vsel vm10, $0x209, v9;
	v10 =	vsel vm10, $0x20A, v10  }
0x25: {  	v11 =	vsel vm10, $0x20B, v11;
	v12 =	vsel vm10, $0x20C, v12;
	v13 =	vsel vm10, $0x20D, v13  }
0x26: {  	v14 =	vsel vm10, $0x20E, v14;
	v15 =	vsel vm10, $0x20F, v15;
	v0 =	vsel vm9, $0x280, v0  }
0x27: {  	v1 =	vsel vm9, $0x281, v1;
	v2 =	vsel vm9, $0x282, v2;
	v3 =	vsel vm9, $0x283, v3  }
0x28: {  	v4 =	vsel vm9, $0x284, v4;
	v5 =	vsel vm9, $0x285, v5;
	v6 =	vsel vm9, $0x286, v6  }
0x29: {  	v7 =	vsel vm9, $0x287, v7;
	v8 =	vsel vm9, $0x288, v8;
	v9 =	vsel vm9, $0x289, v9  }
0x2a: {  	v10 =	vsel vm9, $0x28A, v10;
	v11 =	vsel vm9, $0x28B, v11;
	v12 =	vsel vm9, $0x28C, v12  }
0x2b: {  	v13 =	vsel vm9, $0x28D, v13;
	v14 =	vsel vm9, $0x28E, v14;
	v15 =	vsel vm9, $0x28F, v15  }
0x2c: {  	v0 =	vsel vm8, $0x300, v0;
	v1 =	vsel vm8, $0x301, v1;
	v2 =	vsel vm8, $0x302, v2  }
0x2d: {  	v3 =	vsel vm8, $0x303, v3;
	v4 =	vsel vm8, $0x304, v4;
	v5 =	vsel vm8, $0x305, v5  }
0x2e: {  	v6 =	vsel vm8, $0x306, v6;
	v7 =	vsel vm8, $0x307, v7;
	v8 =	vsel vm8, $0x308, v8  }
0x2f: {  	v9 =	vsel vm8, $0x309, v9;
	v10 =	vsel vm8, $0x30A, v10;
	v11 =	vsel vm8, $0x30B, v11  }
0x30: {  	v12 =	vsel vm8, $0x30C, v12;
	v13 =	vsel vm8, $0x30D, v13;
	v14 =	vsel vm8, $0x30E, v14  }
0x31: {  	v15 =	vsel vm8, $0x30F, v15;
	v0 =	vsel vm7, $0x380, v0;
	v1 =	vsel vm7, $0x381, v1  }
0x32: {  	v2 =	vsel vm7, $0x382, v2;
	v3 =	vsel vm7, $0x383, v3;
	v4 =	vsel vm7, $0x384, v4  }
0x33: {  	v5 =	vsel vm7, $0x385, v5;
	v6 =	vsel vm7, $0x386, v6;
	v7 =	vsel vm7, $0x387, v7  }
0x34: {  	v8 =	vsel vm7, $0x388, v8;
	v9 =	vsel vm7, $0x389, v9;
	v10 =	vsel vm7, $0x38A, v10  }
0x35: {  	v11 =	vsel vm7, $0x38B, v11;
	v12 =	vsel vm7, $0x38C, v12;
	v13 =	vsel vm7, $0x38D, v13  }
0x36: {  	v14 =	vsel vm7, $0x38E, v14;
	v15 =	vsel vm7, $0x38F, v15;
	v0 =	vsel vm6, $0x800, v0  }
0x37: {  	v1 =	vsel vm6, $0x801, v1;
	v2 =	vsel vm6, $0x802, v2;
	v3 =	vsel vm6, $0x803, v3  }
0x38: {  	v4 =	vsel vm6, $0x804, v4;
	v5 =	vsel vm6, $0x805, v5;
	v6 =	vsel vm6, $0x806, v6  }
0x39: {  	v7 =	vsel vm6, $0x807, v7;
	v8 =	vsel vm6, $0x808, v8;
	v9 =	vsel vm6, $0x809, v9  }
0x3a: {  	v10 =	vsel vm6, $0x80A, v10;
	v11 =	vsel vm6, $0x80B, v11;
	v12 =	vsel vm6, $0x80C, v12  }
0x3b: {  	v13 =	vsel vm6, $0x80D, v13;
	v14 =	vsel vm6, $0x80E, v14;
	v15 =	vsel vm6, $0x80F, v15  }
0x3c: {  	v0 =	vsel vm5, $0x880, v0;
	v1 =	vsel vm5, $0x881, v1;
	v2 =	vsel vm5, $0x882, v2  }
0x3d: {  	v3 =	vsel vm5, $0x883, v3;
	v4 =	vsel vm5, $0x884, v4;
	v5 =	vsel vm5, $0x885, v5  }
0x3e: {  	v6 =	vsel vm5, $0x886, v6;
	v7 =	vsel vm5, $0x887, v7;
	v8 =	vsel vm5, $0x888, v8  }
0x3f: {  	v9 =	vsel vm5, $0x889, v9;
	v10 =	vsel vm5, $0x88A, v10;
	v11 =	vsel vm5, $0x88B, v11  }
0x40: {  	v12 =	vsel vm5, $0x88C, v12;
	v13 =	vsel vm5, $0x88D, v13;
	v14 =	vsel vm5, $0x88E, v14  }
0x41: {  	v15 =	vsel vm5, $0x88F, v15;
	v0 =	vsel vm4, $0x900, v0;
	v1 =	vsel vm4, $0x901, v1  }
0x42: {  	v2 =	vsel vm4, $0x902, v2;
	v3 =	vsel vm4, $0x903, v3;
	v4 =	vsel vm4, $0x904, v4  }
0x43: {  	v5 =	vsel vm4, $0x905, v5;
	v6 =	vsel vm4, $0x906, v6;
	v7 =	vsel vm4, $0x907, v7  }
0x44: {  	v8 =	vsel vm4, $0x908, v8;
	v9 =	vsel vm4, $0x909, v9;
	v10 =	vsel vm4, $0x90A, v10  }
0x45: {  	v11 =	vsel vm4, $0x90B, v11;
	v12 =	vsel vm4, $0x90C, v12;
	v13 =	vsel vm4, $0x90D, v13  }
0x46: {  	v14 =	vsel vm4, $0x90E, v14;
	v15 =	vsel vm4, $0x90F, v15;
	v0 =	vsel vm3, $0x980, v0  }
0x47: {  	s1 =	srdreg.scid;
	v1 =	vsel vm3, $0x981, v1;
	v2 =	vsel vm3, $0x982, v2;
	v3 =	vsel vm3, $0x983, v3  }
0x48: {  	s0 =	stileid.u32;
	s6 =	rddreg [dreg:$0x1];
	s3 =	simm.s32 $0x0;
	v4 =	vsel vm3, $0x984, v4;
	v5 =	vsel vm3, $0x985, v5;
	v6 =	vsel vm3, $0x986, v6  }
0x49: {  	s16 =	simm.s32 $0x2800;
	s17 =	simm.s32 $0x3;
	s18 =	simm.s32 $0x4;
	v7 =	vsel vm3, $0x987, v7;
	v8 =	vsel vm3, $0x988, v8;
	v9 =	vsel vm3, $0x989, v9  }
0x4a: {  	s7 =	sand.u32 $0x1, s1;
	s28 =	sshll.u32 s0, $0x1;
	s1 =	rddreg [dreg:$0x0];
	v10 =	vsel vm3, $0x98A, v10;
	v11 =	vsel vm3, $0x98B, v11;
	v12 =	vsel vm3, $0x98C, v12  }
0x4b: {  	s19 =	simm.s32 $0x0;
	[smem:$0x7FF] =	sst s3;
	s2 =	sor.u32 s7, s28;
	v13 =	vsel vm3, $0x98D, v13;
	v14 =	vsel vm3, $0x98E, v14;
	v15 =	vsel vm3, $0x98F, v15  }
0x4c: {  	s5 =	sadd.s32 $0xA00, s6;
	s7 =	ssub.s32 $0x2, s7;
	s8 =	smul.u32 $0x4F6C, s2;
	v0 =	vsel vm2, $0xA00, v0;
	v1 =	vsel vm2, $0xA01, v1;
	v2 =	vsel vm2, $0xA02, v2  }
0x4d: {  	s6 =	sadd.s32 $0x1800, s6;
	s2 =	rddreg [dreg:$0x2];
	s10 =	sshrl.u32 s7, $0x1;
	v3 =	vsel vm2, $0xA03, v3;
	v4 =	vsel vm2, $0xA04, v4;
	v5 =	vsel vm2, $0xA05, v5  }
0x4e: {  	s4 =	sshrl.u32 s8, $0x5;
	s11 =	sadd.s32 $0x4F6C, s8;
	s8 =	smulhi.u32 $0x29E72, s8;
	v6 =	vsel vm2, $0xA06, v6;
	v7 =	vsel vm2, $0xA07, v7;
	v8 =	vsel vm2, $0xA08, v8  }
0x4f: {  	s12 =	ssub.s32 s7, s10;
	s9 =	smul.u32 $0xA79D, s4;
	s7 =	sshrl.u32 s11, $0x5;
	v9 =	vsel vm2, $0xA09, v9;
	v10 =	vsel vm2, $0xA0A, v10;
	v11 =	vsel vm2, $0xA0B, v11  }
0x50: {  	_ =	strace $0x80000047;
	s11 =	simm.s32 $0x1;
	s29 =	ssub.s32 s7, s4;
	v12 =	vsel vm2, $0xA0C, v12;
	v13 =	vsel vm2, $0xA0D, v13;
	v14 =	vsel vm2, $0xA0E, v14  }
0x51: {  	s8 =	smul.u32 $0x187000, s8;
	s9 =	sshrl.u32 s9, $0x19;
	s30 =	sadd.s32 $0x1, s29;
	v15 =	vsel vm2, $0xA0F, v15;
	v0 =	vsel vm1, $0xA80, v0;
	v1 =	vsel vm1, $0xA81, v1  }
0x52: {  	p0 =	sle.u32 s7, s4;
	s9 =	smul.u32 $0x30E, s9;
	s14 =	sand.u32 $0x8000, s30;
	v2 =	vsel vm1, $0xA82, v2;
	v3 =	vsel vm1, $0xA83, v3;
	v4 =	vsel vm1, $0xA84, v4  }
0x53: {  	p1 =	slt.s32 s29, $0x0;
	s15 =	sand.u32 $0x1, s30;
	s14 =	sshrl.u32 s14, $0xF;
	v5 =	vsel vm1, $0xA85, v5;
	v6 =	vsel vm1, $0xA86, v6;
	v7 =	vsel vm1, $0xA87, v7  }
0x54: {  	p2 =	seq.s32 s15, $0x1;
	s15 =	simm.s32 $0x1000;
	s9 =	ssub.s32 s4, s9;
	v8 =	vsel vm1, $0xA88, v8;
	v9 =	vsel vm1, $0xA89, v9;
	v10 =	vsel vm1, $0xA8A, v10  }
0x55: {  	s31 =	sadd.s32 s14, s30;
	p1 =	por !p1, !p2;
	s14 =	simm.s32 $0x5;
	v11 =	vsel vm1, $0xA8B, v11;
	v12 =	vsel vm1, $0xA8C, v12;
	v13 =	vsel vm1, $0xA8D, v13  }
0x56: {  	s9 =	sand.u32 $0xFFFF, s9;
	s10 =	sshll.u32 s31, $0x10;
	p1 =	por !p1, !p1;
	v14 =	vsel vm1, $0xA8E, v14;
	v15 =	vsel vm1, $0xA8F, v15;
	v0 =	vsel vm0, $0xB00, v0  }
.Ltmp0:
0x57: {  	s13 =	sshll.u32 s9, $0xA;
	s10 =	sshra.s32 s10, $0x11;
	v1 =	vsel vm0, $0xB01, v1;
	v2 =	vsel vm0, $0xB02, v2;
	v3 =	vsel vm0, $0xB03, v3;
	(pc) =	sbr.rel .LBB2_1-.Ltmp0, $4  }
0x58: {  	s11 =	simm.s32 @!p1 $0x0;
	p6 =	sgt.u32 s9, $0x30C;
	s8 =	sadd.s32 s8, s13;
	v4 =	vsel vm0, $0xB04, v4;
	v5 =	vsel vm0, $0xB05, v5;
	v6 =	vsel vm0, $0xB06, v6  }
0x59: {  	s9 =	ssub.s32 s10, s11;
	s10 =	sadd.s32 $0x2, s4;
	v7 =	vsel vm0, $0xB07, v7;
	v8 =	vsel vm0, $0xB08, v8;
	v9 =	vsel vm0, $0xB09, v9;
	s8 =	sshrl.u32 s8, $0x3  }
0x5a: {  	s11 =	smax.u32 s12, $0x1;
	p0 =	por p0, p6;
	v10 =	vsel vm0, $0xB0A, v10;
	v11 =	vsel vm0, $0xB0B, v11;
	v12 =	vsel vm0, $0xB0C, v12;
	s8 =	sadd.s32 s1, s8  }
0x5b: {  	s13 =	simm.s32 $0x2000;
	p1 =	slt.s32 s9, $0x1;
	v13 =	vsel vm0, $0xB0D, v13;
	v14 =	vsel vm0, $0xB0E, v14;
	v15 =	vsel vm0, $0xB0F, v15;
	s12 =	sadd.s32 @!p0 $0x18700, s8  }
.LBB2_17:
0x5c: {  	s19 =	sadd.s32 $0x1, s19  }
0x5d: {  	_ =	swait.ge [sflag:s17], $0x800;
	p2 =	sne.s32 s19, s11  }
.Ltmp1:
0x5e: {  	[sflag:s17] =	ssyncset.done $0x0;
	(pc) =	sbr.rel @!p2 .LBB2_18-.Ltmp1, $4  }
0x5f: {  	[sflag:s17] =	ssyncadd.s32 $0xFFFFF800  }
0x60: {  	_ =	swait.ge [sflag:s18], $0x800  }
0x61: {  	[sflag:s18] =	ssyncset.done $0x0  }
0x62: {  	[sflag:s18] =	ssyncadd.s32 $0xFFFFF800  }
.LBB2_1:
0x63: {  	s20 =	simm.s32 @!p0 $0x0  }
0x64: {  	[tilespmem:s20], [sflag:$0x1] =	stream.linear.gather @!p0 [hbm4b:s8+s20], $0x400, $0x38;
	[tilespmem:$0x3000] =	vst v63  }
.Ltmp2:
0x65: {  	_ = 	snop;
	(pc) =	sbr.rel @!p1 .LBB2_2-.Ltmp2, $4  }
.Ltmp3:
0x66: {  	_ = 	snop;
	(pc) =	sbr.rel @p1 .LBB2_17-.Ltmp3, $4  }
0x67: {  	s21 =	simm.s32 @!p0 $0x800  }
0x68: {  	[tilespmem:s21], [sflag:$0x1] =	stream.linear.gather @!p0 [hbm4b:s12+s20], $0x400, $0x38;
	[tilespmem:$0x3000] =	vst v63  }
0x69: {  	s20 =	simm.s32 $0x0  }
0x6a: {  	_ = 	snop  }
.LBB2_14:
0x6b: {  	s21 =	sshll.u32 s22, $0x7  }
0x6c: {  	s21 =	sand.u32 $0x1FFFFF80, s21  }
0x6d: {  	s21 =	sadd.s32 s5, s21  }
0x6e: {  	[tilespmem:s16], [sflag:$0x5] =	stream.linear.gather [hbm4b:s21+s3], $0x400, $0x38;
	[tilespmem:$0x3000] =	vst v63  }
0x6f: {  	_ =	swait.ge [sflag:s14], $0x400  }
0x70: {  	[sflag:s14] =	ssyncset.done $0x0  }
0x71: {  	[sflag:s14] =	ssyncadd.s32 $0xFFFFFC00  }
.LBB2_15:
0x72: {  	s21 =	smul.u32 $0x187000, s22  }
0x73: {  	s31 =	sshll.u32 s23, $0xB  }
0x74: {  	s21 =	sadd.s32 s31, s21  }
0x75: {  	s21 =	sshrl.u32 s21, $0x3  }
0x76: {  	s21 =	sadd.s32 s6, s21  }
0x77: {  	[hbm4b:s21+s3] =	stream.linear.scatter [tilespmem:s16], [sflag:$0x4], $0x800, $0x38;
	[tilespmem:$0x3000] =	vst v63  }
.LBB2_16:
0x78: {  	s20 =	sadd.s32 $0x1, s20  }
0x79: {  	p2 =	sne.s32 s20, s9  }
.Ltmp4:
0x7a: {  	_ = 	snop;
	(pc) =	sbr.rel @!p2 .LBB2_17-.Ltmp4, $1  }
0x7b: {  	_ =	sdelay $0x3  }
.LBB2_2:
0x7c: {  	s21 =	sshll.u32 s20, $0x1  }
0x7d: {  	s22 =	sadd.s32 s4, s21  }
0x7e: {  	s21 =	sadd.s32 $0x1, s22  }
0x7f: {  	p2 =	sge.u32 s21, s7  }
0x80: {  	s23 =	smulhi.u32 @!p2 $0xA79C7B17, s21;
	_ =	sdelay $0x1  }
0x81: {  	s23 =	sshrl.u32 @!p2 s23, $0x9  }
0x82: {  	s23 =	smul.u32 @!p2 $0x30E, s23;
	_ =	sdelay $0x1  }
0x83: {  	s23 =	ssub.s32 @!p2 s21, s23  }
0x84: {  	p3 =	sgt.u32 @!p2 s23, $0x30C  }
0x85: {  	p3 =	por p3, p2  }
0x86: {  	s24 =	smulhi.u32 @!p3 $0xA79C7B17, s21;
	_ =	sdelay $0x1  }
0x87: {  	s24 =	sshrl.u32 @!p3 s24, $0x9  }
0x88: {  	s24 =	smul.u32 @!p3 $0x187000, s24  }
0x89: {  	s23 =	sshll.u32 @!p3 s23, $0xA  }
0x8a: {  	s23 =	sadd.s32 @!p3 s23, s24  }
0x8b: {  	s26 =	smulhi.u32 $0xA79C7B17, s22;
	s23 =	sshrl.u32 @!p3 s23, $0x3  }
0x8c: {  	s25 =	simm.s32 @!p3 $0x0;
	s24 =	sadd.s32 @!p3 s1, s23;
	s23 =	simm.s32 @!p3 $0x1000  }
0x8d: {  	[tilespmem:s23], [sflag:$0x2] =	stream.linear.gather @!p3 [hbm4b:s24+s25], $0x400, $0x38;
	[tilespmem:$0x3000] =	vst v63  }
0x8e: {  	s23 =	sshrl.u32 s26, $0x9  }
0x8f: {  	s24 =	sadd.s32 @!p3 $0x18700, s24;
	s26 =	simm.s32 @!p3 $0x1800;
	s28 =	smul.u32 $0x30E, s23  }
0x90: {  	[tilespmem:s26], [sflag:$0x2] =	stream.linear.gather @!p3 [hbm4b:s24+s25], $0x400, $0x38;
	[tilespmem:$0x3000] =	vst v63  }
0x91: {  	p3 =	sge.u32 s22, s7;
	s24 =	ssub.s32 s22, s28  }
0x92: {  	p4 =	sgt.u32 @!p3 s24, $0x30C  }
.Ltmp5:
0x93: {  	p4 =	por p4, p3;
	(pc) =	sbr.rel @p3 .LBB2_9-.Ltmp5, $4  }
0x94: {  	s25 =	simm.s32 @!p4 $0x1  }
0x95: {  	_ =	swait.ge @!p4 [sflag:s25], $0x800  }
0x96: {  	[sflag:s25] =	ssyncset.done @!p4 $0x0  }
0x97: {  	[sflag:s25] =	ssyncadd.s32 @!p4 $0xFFFFF800  }
0x98: {  	p4 =	sgt.u32 s24, $0x30C  }
.Ltmp6:
0x99: {  	p3 =	seq.s32 s20, $0x0;
	(pc) =	sbr.rel @p4 .LBB2_7-.Ltmp6, $4  }
0x9a: {  	s25 =	simm.s32 @!p3 $0x3  }
0x9b: {  	_ =	swait.ge @!p3 [sflag:s25], $0x800  }
0x9c: {  	[sflag:s25] =	ssyncset.done @!p3 $0x0  }
0x9d: {  	[sflag:s25] =	ssyncadd.s32 @!p3 $0xFFFFF800  }
0x9e: {  	s26 =	simm.s32 $0x0  }
0x9f: {  	v16 =	vor.u32 s26, v0;
	_ =	sdelay $0x4  }
0xa0: {  	v16 =	vld.idx.msk [tilespmem:v16+s3+$0x0], $0xffff  }
0xa1: {  	v17 =	vor.u32 s26, v1;
	_ =	sdelay $0x2  }
0xa2: {  	s25 =	simm.s32 $0x2080  }
0xa3: {  	[tilespmem:s25+$0xFFFFFF80] =	vst v16  }
0xa4: {  	v16 =	vld.idx.msk [tilespmem:v17+s3+$0x0], $0xffff  }
0xa5: {  	v17 =	vor.u32 s26, v2;
	_ =	sdelay $0x3  }
0xa6: {  	[tilespmem:s25+$0xFFFFFF90] =	vst v16  }
0xa7: {  	v16 =	vld.idx.msk [tilespmem:v17+s3+$0x0], $0xffff  }
0xa8: {  	v17 =	vor.u32 s26, v3;
	_ =	sdelay $0x3  }
0xa9: {  	[tilespmem:s25+$0xFFFFFFA0] =	vst v16  }
0xaa: {  	v16 =	vld.idx.msk [tilespmem:v17+s3+$0x0], $0xffff  }
0xab: {  	v17 =	vor.u32 s26, v4;
	_ =	sdelay $0x3  }
0xac: {  	[tilespmem:s25+$0xFFFFFFB0] =	vst v16  }
0xad: {  	v16 =	vld.idx.msk [tilespmem:v17+s3+$0x0], $0xffff  }
0xae: {  	v17 =	vor.u32 s26, v5;
	_ =	sdelay $0x3  }
0xaf: {  	[tilespmem:s25+$0xFFFFFFC0] =	vst v16  }
0xb0: {  	v16 =	vld.idx.msk [tilespmem:v17+s3+$0x0], $0xffff  }
0xb1: {  	v17 =	vor.u32 s26, v6;
	_ =	sdelay $0x3  }
0xb2: {  	[tilespmem:s25+$0xFFFFFFD0] =	vst v16  }
0xb3: {  	v16 =	vld.idx.msk [tilespmem:v17+s3+$0x0], $0xffff  }
0xb4: {  	v17 =	vor.u32 s26, v7;
	_ =	sdelay $0x3  }
0xb5: {  	[tilespmem:s25+$0xFFFFFFE0] =	vst v16  }
0xb6: {  	v16 =	vld.idx.msk [tilespmem:v17+s3+$0x0], $0xffff  }
0xb7: {  	v17 =	vor.u32 s26, v8;
	_ =	sdelay $0x3  }
0xb8: {  	[tilespmem:s25+$0xFFFFFFF0] =	vst v16  }
0xb9: {  	v16 =	vld.idx.msk [tilespmem:v17+s3+$0x0], $0xffff  }
0xba: {  	v17 =	vor.u32 s26, v9;
	_ =	sdelay $0x3  }
0xbb: {  	[tilespmem:s25+$0x0] =	vst v16  }
0xbc: {  	v16 =	vld.idx.msk [tilespmem:v17+s3+$0x0], $0xffff  }
0xbd: {  	v17 =	vor.u32 s26, v10;
	_ =	sdelay $0x3  }
0xbe: {  	[tilespmem:s25+$0x10] =	vst v16  }
0xbf: {  	v16 =	vld.idx.msk [tilespmem:v17+s3+$0x0], $0xffff  }
0xc0: {  	v17 =	vor.u32 s26, v11;
	_ =	sdelay $0x3  }
0xc1: {  	[tilespmem:s25+$0x20] =	vst v16  }
0xc2: {  	v16 =	vld.idx.msk [tilespmem:v17+s3+$0x0], $0xffff  }
0xc3: {  	v17 =	vor.u32 s26, v12;
	_ =	sdelay $0x3  }
0xc4: {  	[tilespmem:s25+$0x30] =	vst v16  }
0xc5: {  	v16 =	vld.idx.msk [tilespmem:v17+s3+$0x0], $0xffff  }
0xc6: {  	v17 =	vor.u32 s26, v13;
	_ =	sdelay $0x3  }
0xc7: {  	[tilespmem:s25+$0x40] =	vst v16  }
0xc8: {  	v16 =	vld.idx.msk [tilespmem:v17+s3+$0x0], $0xffff  }
0xc9: {  	v17 =	vor.u32 s26, v14;
	_ =	sdelay $0x3  }
0xca: {  	[tilespmem:s25+$0x50] =	vst v16  }
0xcb: {  	v16 =	vld.idx.msk [tilespmem:v17+s3+$0x0], $0xffff  }
0xcc: {  	v17 =	vor.u32 s26, v15;
	_ =	sdelay $0x3  }
0xcd: {  	[tilespmem:s25+$0x60] =	vst v16  }
0xce: {  	s26 =	simm.s32 $0x10;
	v16 =	vld.idx.msk [tilespmem:v17+s3+$0x0], $0xffff  }
0xcf: {  	s28 =	simm.s32 $0x20;
	v17 =	vor.u32 s26, v0  }
.LBB2_5:
0xd0: {  	p3 =	seq.s32 s28, $0x70;
	_ =	sdelay $0x2  }
0xd1: {  	[tilespmem:s25+$0x70] =	vst v16  }
0xd2: {  	v16 =	vld.idx.msk [tilespmem:v17+s3+$0x0], $0xffff;
	_ =	sdelay $0x1  }
0xd3: {  	v17 =	vor.u32 s26, v1;
	_ =	sdelay $0x2  }
0xd4: {  	s25 =	sadd.s32 $0x100, s25  }
0xd5: {  	[tilespmem:s25+$0xFFFFFF80] =	vst v16  }
0xd6: {  	v16 =	vld.idx.msk [tilespmem:v17+s3+$0x0], $0xffff;
	_ =	sdelay $0x1  }
0xd7: {  	v17 =	vor.u32 s26, v2;
	_ =	sdelay $0x3  }
0xd8: {  	[tilespmem:s25+$0xFFFFFF90] =	vst v16  }
0xd9: {  	v16 =	vld.idx.msk [tilespmem:v17+s3+$0x0], $0xffff;
	_ =	sdelay $0x1  }
0xda: {  	v17 =	vor.u32 s26, v3;
	_ =	sdelay $0x3  }
0xdb: {  	[tilespmem:s25+$0xFFFFFFA0] =	vst v16  }
0xdc: {  	v16 =	vld.idx.msk [tilespmem:v17+s3+$0x0], $0xffff;
	_ =	sdelay $0x1  }
0xdd: {  	v17 =	vor.u32 s26, v4;
	_ =	sdelay $0x3  }
0xde: {  	[tilespmem:s25+$0xFFFFFFB0] =	vst v16  }
0xdf: {  	v16 =	vld.idx.msk [tilespmem:v17+s3+$0x0], $0xffff;
	_ =	sdelay $0x1  }
0xe0: {  	v17 =	vor.u32 s26, v5;
	_ =	sdelay $0x3  }
0xe1: {  	[tilespmem:s25+$0xFFFFFFC0] =	vst v16  }
0xe2: {  	v16 =	vld.idx.msk [tilespmem:v17+s3+$0x0], $0xffff;
	_ =	sdelay $0x1  }
0xe3: {  	v17 =	vor.u32 s26, v6;
	_ =	sdelay $0x3  }
0xe4: {  	[tilespmem:s25+$0xFFFFFFD0] =	vst v16  }
0xe5: {  	v16 =	vld.idx.msk [tilespmem:v17+s3+$0x0], $0xffff;
	_ =	sdelay $0x1  }
0xe6: {  	v17 =	vor.u32 s26, v7;
	_ =	sdelay $0x3  }
0xe7: {  	[tilespmem:s25+$0xFFFFFFE0] =	vst v16  }
0xe8: {  	v16 =	vld.idx.msk [tilespmem:v17+s3+$0x0], $0xffff;
	_ =	sdelay $0x1  }
0xe9: {  	v17 =	vor.u32 s26, v8;
	_ =	sdelay $0x3  }
0xea: {  	[tilespmem:s25+$0xFFFFFFF0] =	vst v16  }
0xeb: {  	v16 =	vld.idx.msk [tilespmem:v17+s3+$0x0], $0xffff;
	_ =	sdelay $0x1  }
0xec: {  	v17 =	vor.u32 s26, v9;
	_ =	sdelay $0x3  }
0xed: {  	[tilespmem:s25+$0x0] =	vst v16  }
0xee: {  	v16 =	vld.idx.msk [tilespmem:v17+s3+$0x0], $0xffff;
	_ =	sdelay $0x1  }
0xef: {  	v17 =	vor.u32 s26, v10;
	_ =	sdelay $0x3  }
0xf0: {  	[tilespmem:s25+$0x10] =	vst v16  }
0xf1: {  	v16 =	vld.idx.msk [tilespmem:v17+s3+$0x0], $0xffff;
	_ =	sdelay $0x1  }
0xf2: {  	v17 =	vor.u32 s26, v11;
	_ =	sdelay $0x3  }
0xf3: {  	[tilespmem:s25+$0x20] =	vst v16  }
0xf4: {  	v16 =	vld.idx.msk [tilespmem:v17+s3+$0x0], $0xffff;
	_ =	sdelay $0x1  }
0xf5: {  	v17 =	vor.u32 s26, v12;
	_ =	sdelay $0x3  }
0xf6: {  	[tilespmem:s25+$0x30] =	vst v16  }
0xf7: {  	v16 =	vld.idx.msk [tilespmem:v17+s3+$0x0], $0xffff;
	_ =	sdelay $0x1  }
0xf8: {  	v17 =	vor.u32 s26, v13;
	_ =	sdelay $0x3  }
0xf9: {  	[tilespmem:s25+$0x40] =	vst v16  }
0xfa: {  	v16 =	vld.idx.msk [tilespmem:v17+s3+$0x0], $0xffff;
	_ =	sdelay $0x1  }
0xfb: {  	v17 =	vor.u32 s26, v14;
	_ =	sdelay $0x3  }
0xfc: {  	[tilespmem:s25+$0x50] =	vst v16  }
0xfd: {  	v16 =	vld.idx.msk [tilespmem:v17+s3+$0x0], $0xffff;
	_ =	sdelay $0x1  }
0xfe: {  	v17 =	vor.u32 s26, v15;
	s26 =	smov.u32 s28;
	_ =	sdelay $0x2  }
.Ltmp7:
0xff: {  	(pc) =	sbr.rel @!p3 .LBB2_5-.Ltmp7, $3  }
0x100: {  	[tilespmem:s25+$0x60] =	vst v16  }
0x101: {  	v16 =	vld.idx.msk [tilespmem:v17+s3+$0x0], $0xffff;
	_ =	sdelay $0x1  }
0x102: {  	s28 =	sadd.s32 $0x10, s28;
	v17 =	vor.u32 s26, v0  }
0x103: {  	_ =	sdelay $0x2  }
0x104: {  	[tilespmem:s25+$0x70] =	vst v16  }
0x105: {  	v16 =	vld.idx.msk [tilespmem:v17+s3+$0x0], $0xffff  }
0x106: {  	v17 =	vor.u32 s26, v1;
	_ =	sdelay $0x2  }
0x107: {  	s31 =	sadd.s32 $0x100, s25  }
0x108: {  	[tilespmem:s31+$0xFFFFFF80] =	vst v16  }
0x109: {  	v16 =	vld.idx.msk [tilespmem:v17+s3+$0x0], $0xffff  }
0x10a: {  	v17 =	vor.u32 s26, v2;
	_ =	sdelay $0x3  }
0x10b: {  	[tilespmem:s31+$0xFFFFFF90] =	vst v16  }
0x10c: {  	v16 =	vld.idx.msk [tilespmem:v17+s3+$0x0], $0xffff  }
0x10d: {  	v17 =	vor.u32 s26, v3;
	_ =	sdelay $0x3  }
0x10e: {  	[tilespmem:s31+$0xFFFFFFA0] =	vst v16  }
0x10f: {  	v16 =	vld.idx.msk [tilespmem:v17+s3+$0x0], $0xffff  }
0x110: {  	v17 =	vor.u32 s26, v4;
	_ =	sdelay $0x3  }
0x111: {  	[tilespmem:s31+$0xFFFFFFB0] =	vst v16  }
0x112: {  	v16 =	vld.idx.msk [tilespmem:v17+s3+$0x0], $0xffff  }
0x113: {  	v17 =	vor.u32 s26, v5;
	_ =	sdelay $0x3  }
0x114: {  	[tilespmem:s31+$0xFFFFFFC0] =	vst v16  }
0x115: {  	v16 =	vld.idx.msk [tilespmem:v17+s3+$0x0], $0xffff  }
0x116: {  	v17 =	vor.u32 s26, v6;
	_ =	sdelay $0x3  }
0x117: {  	[tilespmem:s31+$0xFFFFFFD0] =	vst v16  }
0x118: {  	v16 =	vld.idx.msk [tilespmem:v17+s3+$0x0], $0xffff  }
0x119: {  	v17 =	vor.u32 s26, v7;
	_ =	sdelay $0x3  }
0x11a: {  	[tilespmem:s31+$0xFFFFFFE0] =	vst v16  }
0x11b: {  	v16 =	vld.idx.msk [tilespmem:v17+s3+$0x0], $0xffff  }
0x11c: {  	v17 =	vor.u32 s26, v8;
	_ =	sdelay $0x3  }
0x11d: {  	[tilespmem:s31+$0xFFFFFFF0] =	vst v16  }
0x11e: {  	v16 =	vld.idx.msk [tilespmem:v17+s3+$0x0], $0xffff  }
0x11f: {  	v17 =	vor.u32 s26, v9;
	_ =	sdelay $0x3  }
0x120: {  	[tilespmem:s31+$0x0] =	vst v16  }
0x121: {  	v16 =	vld.idx.msk [tilespmem:v17+s3+$0x0], $0xffff  }
0x122: {  	v17 =	vor.u32 s26, v10;
	_ =	sdelay $0x3  }
0x123: {  	[tilespmem:s31+$0x10] =	vst v16  }
0x124: {  	v16 =	vld.idx.msk [tilespmem:v17+s3+$0x0], $0xffff  }
0x125: {  	v17 =	vor.u32 s26, v11;
	_ =	sdelay $0x3  }
0x126: {  	[tilespmem:s31+$0x20] =	vst v16  }
0x127: {  	v16 =	vld.idx.msk [tilespmem:v17+s3+$0x0], $0xffff  }
0x128: {  	v17 =	vor.u32 s26, v12;
	_ =	sdelay $0x3  }
0x129: {  	[tilespmem:s31+$0x30] =	vst v16  }
0x12a: {  	v16 =	vld.idx.msk [tilespmem:v17+s3+$0x0], $0xffff  }
0x12b: {  	v17 =	vor.u32 s26, v13;
	_ =	sdelay $0x3  }
0x12c: {  	[tilespmem:s31+$0x40] =	vst v16  }
0x12d: {  	v16 =	vld.idx.msk [tilespmem:v17+s3+$0x0], $0xffff  }
0x12e: {  	v17 =	vor.u32 s26, v14;
	_ =	sdelay $0x3  }
0x12f: {  	[tilespmem:s31+$0x50] =	vst v16  }
0x130: {  	v16 =	vld.idx.msk [tilespmem:v17+s3+$0x0], $0xffff  }
0x131: {  	v17 =	vor.u32 s26, v15;
	_ =	sdelay $0x3  }
0x132: {  	[tilespmem:s31+$0x60] =	vst v16  }
0x133: {  	v16 =	vld.idx.msk [tilespmem:v17+s3+$0x0], $0xffff  }
.Ltmp8:
0x134: {  	_ = 	snop;
	(pc) =	sbr.rel .LBB2_8-.Ltmp8, $2  }
0x135: {  	_ =	sdelay $0x2  }
0x136: {  	[tilespmem:s31+$0x70] =	vst v16  }
.LBB2_7:
0x137: {  	s25 =	sshll.u32 s23, $0x7  }
0x138: {  	s25 =	sand.u32 $0x1FFFFF80, s25  }
0x139: {  	s25 =	sadd.s32 s5, s25  }
0x13a: {  	[tilespmem:s13], [sflag:$0x5] =	stream.linear.gather [hbm4b:s25+s3], $0x400, $0x38;
	[tilespmem:$0x3000] =	vst v63  }
0x13b: {  	_ =	swait.ge [sflag:s14], $0x400  }
0x13c: {  	[sflag:s14] =	ssyncset.done $0x0  }
0x13d: {  	[sflag:s14] =	ssyncadd.s32 $0xFFFFFC00  }
.LBB2_8:
0x13e: {  	s23 =	smul.u32 $0x187000, s23  }
0x13f: {  	s24 =	sshll.u32 s24, $0xB  }
0x140: {  	s23 =	sadd.s32 s24, s23  }
0x141: {  	s23 =	sshrl.u32 s23, $0x3  }
0x142: {  	s23 =	sadd.s32 s6, s23  }
0x143: {  	[hbm4b:s23+s3] =	stream.linear.scatter [tilespmem:s13], [sflag:$0x3], $0x800, $0x38;
	[tilespmem:$0x3000] =	vst v63  }
.LBB2_9:
0x144: {  	s22 =	sadd.s32 $0x2, s22  }
0x145: {  	p3 =	sge.u32 s22, s7  }
0x146: {  	s23 =	smulhi.u32 @!p3 $0xA79C7B17, s22;
	_ =	sdelay $0x1  }
0x147: {  	s23 =	sshrl.u32 @!p3 s23, $0x9  }
0x148: {  	s23 =	smul.u32 @!p3 $0x30E, s23;
	_ =	sdelay $0x1  }
0x149: {  	s23 =	ssub.s32 @!p3 s22, s23  }
0x14a: {  	p4 =	sgt.u32 @!p3 s23, $0x30C  }
0x14b: {  	p3 =	por p4, p3  }
0x14c: {  	s22 =	smulhi.u32 @!p3 $0xA79C7B17, s22;
	_ =	sdelay $0x1  }
0x14d: {  	s22 =	sshrl.u32 @!p3 s22, $0x9  }
0x14e: {  	s22 =	smul.u32 @!p3 $0x187000, s22  }
0x14f: {  	s23 =	sshll.u32 @!p3 s23, $0xA  }
0x150: {  	s31 =	smulhi.u32 $0xA79C7B17, s21;
	s22 =	sadd.s32 @!p3 s23, s22  }
0x151: {  	s22 =	sshrl.u32 @!p3 s22, $0x3  }
0x152: {  	s24 =	simm.s32 @!p3 $0x0;
	s23 =	sadd.s32 @!p3 s1, s22;
	s22 =	sshrl.u32 s31, $0x9  }
0x153: {  	[tilespmem:s24], [sflag:$0x1] =	stream.linear.gather @!p3 [hbm4b:s23+s24], $0x400, $0x38;
	[tilespmem:$0x3000] =	vst v63  }
0x154: {  	s25 =	simm.s32 @!p3 $0x800;
	s23 =	sadd.s32 @!p3 $0x18700, s23;
	s26 =	smul.u32 $0x30E, s22  }
0x155: {  	[tilespmem:s25], [sflag:$0x1] =	stream.linear.gather @!p3 [hbm4b:s23+s24], $0x400, $0x38;
	[tilespmem:$0x3000] =	vst v63  }
0x156: {  	s23 =	ssub.s32 s21, s26  }
0x157: {  	p3 =	sgt.u32 @!p2 s23, $0x30C  }
.Ltmp9:
0x158: {  	p3 =	por p3, p2;
	(pc) =	sbr.rel @p2 .LBB2_16-.Ltmp9, $4  }
0x159: {  	s24 =	simm.s32 @!p3 $0x2  }
0x15a: {  	_ =	swait.ge @!p3 [sflag:s24], $0x800  }
0x15b: {  	[sflag:s24] =	ssyncset.done @!p3 $0x0  }
0x15c: {  	[sflag:s24] =	ssyncadd.s32 @!p3 $0xFFFFF800  }
0x15d: {  	p3 =	sgt.u32 s23, $0x30C  }
.Ltmp10:
0x15e: {  	p2 =	slt.u32 s21, s10;
	(pc) =	sbr.rel @p3 .LBB2_14-.Ltmp10, $4  }
0x15f: {  	s21 =	simm.s32 @!p2 $0x4  }
0x160: {  	_ =	swait.ge @!p2 [sflag:s21], $0x800  }
0x161: {  	[sflag:s21] =	ssyncset.done @!p2 $0x0  }
0x162: {  	[sflag:s21] =	ssyncadd.s32 @!p2 $0xFFFFF800  }
0x163: {  	s24 =	simm.s32 $0x0  }
0x164: {  	v16 =	vor.u32 s24, v0;
	_ =	sdelay $0x4  }
0x165: {  	v16 =	vld.idx.msk [tilespmem:v16+s15+$0x0], $0xffff  }
0x166: {  	v17 =	vor.u32 s24, v1;
	_ =	sdelay $0x2  }
0x167: {  	s21 =	simm.s32 $0x2880  }
0x168: {  	[tilespmem:s21+$0xFFFFFF80] =	vst v16  }
0x169: {  	v16 =	vld.idx.msk [tilespmem:v17+s15+$0x0], $0xffff  }
0x16a: {  	v17 =	vor.u32 s24, v2;
	_ =	sdelay $0x3  }
0x16b: {  	[tilespmem:s21+$0xFFFFFF90] =	vst v16  }
0x16c: {  	v16 =	vld.idx.msk [tilespmem:v17+s15+$0x0], $0xffff  }
0x16d: {  	v17 =	vor.u32 s24, v3;
	_ =	sdelay $0x3  }
0x16e: {  	[tilespmem:s21+$0xFFFFFFA0] =	vst v16  }
0x16f: {  	v16 =	vld.idx.msk [tilespmem:v17+s15+$0x0], $0xffff  }
0x170: {  	v17 =	vor.u32 s24, v4;
	_ =	sdelay $0x3  }
0x171: {  	[tilespmem:s21+$0xFFFFFFB0] =	vst v16  }
0x172: {  	v16 =	vld.idx.msk [tilespmem:v17+s15+$0x0], $0xffff  }
0x173: {  	v17 =	vor.u32 s24, v5;
	_ =	sdelay $0x3  }
0x174: {  	[tilespmem:s21+$0xFFFFFFC0] =	vst v16  }
0x175: {  	v16 =	vld.idx.msk [tilespmem:v17+s15+$0x0], $0xffff  }
0x176: {  	v17 =	vor.u32 s24, v6;
	_ =	sdelay $0x3  }
0x177: {  	[tilespmem:s21+$0xFFFFFFD0] =	vst v16  }
0x178: {  	v16 =	vld.idx.msk [tilespmem:v17+s15+$0x0], $0xffff  }
0x179: {  	v17 =	vor.u32 s24, v7;
	_ =	sdelay $0x3  }
0x17a: {  	[tilespmem:s21+$0xFFFFFFE0] =	vst v16  }
0x17b: {  	v16 =	vld.idx.msk [tilespmem:v17+s15+$0x0], $0xffff  }
0x17c: {  	v17 =	vor.u32 s24, v8;
	_ =	sdelay $0x3  }
0x17d: {  	[tilespmem:s21+$0xFFFFFFF0] =	vst v16  }
0x17e: {  	v16 =	vld.idx.msk [tilespmem:v17+s15+$0x0], $0xffff  }
0x17f: {  	v17 =	vor.u32 s24, v9;
	_ =	sdelay $0x3  }
0x180: {  	[tilespmem:s21+$0x0] =	vst v16  }
0x181: {  	v16 =	vld.idx.msk [tilespmem:v17+s15+$0x0], $0xffff  }
0x182: {  	v17 =	vor.u32 s24, v10;
	_ =	sdelay $0x3  }
0x183: {  	[tilespmem:s21+$0x10] =	vst v16  }
0x184: {  	v16 =	vld.idx.msk [tilespmem:v17+s15+$0x0], $0xffff  }
0x185: {  	v17 =	vor.u32 s24, v11;
	_ =	sdelay $0x3  }
0x186: {  	[tilespmem:s21+$0x20] =	vst v16  }
0x187: {  	v16 =	vld.idx.msk [tilespmem:v17+s15+$0x0], $0xffff  }
0x188: {  	v17 =	vor.u32 s24, v12;
	_ =	sdelay $0x3  }
0x189: {  	[tilespmem:s21+$0x30] =	vst v16  }
0x18a: {  	v16 =	vld.idx.msk [tilespmem:v17+s15+$0x0], $0xffff  }
0x18b: {  	v17 =	vor.u32 s24, v13;
	_ =	sdelay $0x3  }
0x18c: {  	[tilespmem:s21+$0x40] =	vst v16  }
0x18d: {  	v16 =	vld.idx.msk [tilespmem:v17+s15+$0x0], $0xffff  }
0x18e: {  	v17 =	vor.u32 s24, v14;
	_ =	sdelay $0x3  }
0x18f: {  	[tilespmem:s21+$0x50] =	vst v16  }
0x190: {  	v16 =	vld.idx.msk [tilespmem:v17+s15+$0x0], $0xffff  }
0x191: {  	v17 =	vor.u32 s24, v15;
	_ =	sdelay $0x3  }
0x192: {  	[tilespmem:s21+$0x60] =	vst v16  }
0x193: {  	s24 =	simm.s32 $0x10;
	v16 =	vld.idx.msk [tilespmem:v17+s15+$0x0], $0xffff  }
0x194: {  	s25 =	simm.s32 $0x20;
	v17 =	vor.u32 s24, v0  }
.LBB2_12:
0x195: {  	p2 =	seq.s32 s25, $0x70;
	_ =	sdelay $0x2  }
0x196: {  	[tilespmem:s21+$0x70] =	vst v16  }
0x197: {  	v16 =	vld.idx.msk [tilespmem:v17+s15+$0x0], $0xffff;
	_ =	sdelay $0x1  }
0x198: {  	v17 =	vor.u32 s24, v1;
	_ =	sdelay $0x2  }
0x199: {  	s21 =	sadd.s32 $0x100, s21  }
0x19a: {  	[tilespmem:s21+$0xFFFFFF80] =	vst v16  }
0x19b: {  	v16 =	vld.idx.msk [tilespmem:v17+s15+$0x0], $0xffff;
	_ =	sdelay $0x1  }
0x19c: {  	v17 =	vor.u32 s24, v2;
	_ =	sdelay $0x3  }
0x19d: {  	[tilespmem:s21+$0xFFFFFF90] =	vst v16  }
0x19e: {  	v16 =	vld.idx.msk [tilespmem:v17+s15+$0x0], $0xffff;
	_ =	sdelay $0x1  }
0x19f: {  	v17 =	vor.u32 s24, v3;
	_ =	sdelay $0x3  }
0x1a0: {  	[tilespmem:s21+$0xFFFFFFA0] =	vst v16  }
0x1a1: {  	v16 =	vld.idx.msk [tilespmem:v17+s15+$0x0], $0xffff;
	_ =	sdelay $0x1  }
0x1a2: {  	v17 =	vor.u32 s24, v4;
	_ =	sdelay $0x3  }
0x1a3: {  	[tilespmem:s21+$0xFFFFFFB0] =	vst v16  }
0x1a4: {  	v16 =	vld.idx.msk [tilespmem:v17+s15+$0x0], $0xffff;
	_ =	sdelay $0x1  }
0x1a5: {  	v17 =	vor.u32 s24, v5;
	_ =	sdelay $0x3  }
0x1a6: {  	[tilespmem:s21+$0xFFFFFFC0] =	vst v16  }
0x1a7: {  	v16 =	vld.idx.msk [tilespmem:v17+s15+$0x0], $0xffff;
	_ =	sdelay $0x1  }
0x1a8: {  	v17 =	vor.u32 s24, v6;
	_ =	sdelay $0x3  }
0x1a9: {  	[tilespmem:s21+$0xFFFFFFD0] =	vst v16  }
0x1aa: {  	v16 =	vld.idx.msk [tilespmem:v17+s15+$0x0], $0xffff;
	_ =	sdelay $0x1  }
0x1ab: {  	v17 =	vor.u32 s24, v7;
	_ =	sdelay $0x3  }
0x1ac: {  	[tilespmem:s21+$0xFFFFFFE0] =	vst v16  }
0x1ad: {  	v16 =	vld.idx.msk [tilespmem:v17+s15+$0x0], $0xffff;
	_ =	sdelay $0x1  }
0x1ae: {  	v17 =	vor.u32 s24, v8;
	_ =	sdelay $0x3  }
0x1af: {  	[tilespmem:s21+$0xFFFFFFF0] =	vst v16  }
0x1b0: {  	v16 =	vld.idx.msk [tilespmem:v17+s15+$0x0], $0xffff;
	_ =	sdelay $0x1  }
0x1b1: {  	v17 =	vor.u32 s24, v9;
	_ =	sdelay $0x3  }
0x1b2: {  	[tilespmem:s21+$0x0] =	vst v16  }
0x1b3: {  	v16 =	vld.idx.msk [tilespmem:v17+s15+$0x0], $0xffff;
	_ =	sdelay $0x1  }
0x1b4: {  	v17 =	vor.u32 s24, v10;
	_ =	sdelay $0x3  }
0x1b5: {  	[tilespmem:s21+$0x10] =	vst v16  }
0x1b6: {  	v16 =	vld.idx.msk [tilespmem:v17+s15+$0x0], $0xffff;
	_ =	sdelay $0x1  }
0x1b7: {  	v17 =	vor.u32 s24, v11;
	_ =	sdelay $0x3  }
0x1b8: {  	[tilespmem:s21+$0x20] =	vst v16  }
0x1b9: {  	v16 =	vld.idx.msk [tilespmem:v17+s15+$0x0], $0xffff;
	_ =	sdelay $0x1  }
0x1ba: {  	v17 =	vor.u32 s24, v12;
	_ =	sdelay $0x3  }
0x1bb: {  	[tilespmem:s21+$0x30] =	vst v16  }
0x1bc: {  	v16 =	vld.idx.msk [tilespmem:v17+s15+$0x0], $0xffff;
	_ =	sdelay $0x1  }
0x1bd: {  	v17 =	vor.u32 s24, v13;
	_ =	sdelay $0x3  }
0x1be: {  	[tilespmem:s21+$0x40] =	vst v16  }
0x1bf: {  	v16 =	vld.idx.msk [tilespmem:v17+s15+$0x0], $0xffff;
	_ =	sdelay $0x1  }
0x1c0: {  	v17 =	vor.u32 s24, v14;
	_ =	sdelay $0x3  }
0x1c1: {  	[tilespmem:s21+$0x50] =	vst v16  }
0x1c2: {  	v16 =	vld.idx.msk [tilespmem:v17+s15+$0x0], $0xffff;
	_ =	sdelay $0x1  }
0x1c3: {  	v17 =	vor.u32 s24, v15;
	s24 =	smov.u32 s25;
	_ =	sdelay $0x2  }
.Ltmp11:
0x1c4: {  	(pc) =	sbr.rel @!p2 .LBB2_12-.Ltmp11, $3  }
0x1c5: {  	[tilespmem:s21+$0x60] =	vst v16  }
0x1c6: {  	v16 =	vld.idx.msk [tilespmem:v17+s15+$0x0], $0xffff;
	_ =	sdelay $0x1  }
0x1c7: {  	s25 =	sadd.s32 $0x10, s25;
	v17 =	vor.u32 s24, v0  }
0x1c8: {  	_ =	sdelay $0x2  }
0x1c9: {  	[tilespmem:s21+$0x70] =	vst v16  }
0x1ca: {  	v16 =	vld.idx.msk [tilespmem:v17+s15+$0x0], $0xffff  }
0x1cb: {  	v17 =	vor.u32 s24, v1;
	_ =	sdelay $0x2  }
0x1cc: {  	s31 =	sadd.s32 $0x100, s21  }
0x1cd: {  	[tilespmem:s31+$0xFFFFFF80] =	vst v16  }
0x1ce: {  	v16 =	vld.idx.msk [tilespmem:v17+s15+$0x0], $0xffff  }
0x1cf: {  	v17 =	vor.u32 s24, v2;
	_ =	sdelay $0x3  }
0x1d0: {  	[tilespmem:s31+$0xFFFFFF90] =	vst v16  }
0x1d1: {  	v16 =	vld.idx.msk [tilespmem:v17+s15+$0x0], $0xffff  }
0x1d2: {  	v17 =	vor.u32 s24, v3;
	_ =	sdelay $0x3  }
0x1d3: {  	[tilespmem:s31+$0xFFFFFFA0] =	vst v16  }
0x1d4: {  	v16 =	vld.idx.msk [tilespmem:v17+s15+$0x0], $0xffff  }
0x1d5: {  	v17 =	vor.u32 s24, v4;
	_ =	sdelay $0x3  }
0x1d6: {  	[tilespmem:s31+$0xFFFFFFB0] =	vst v16  }
0x1d7: {  	v16 =	vld.idx.msk [tilespmem:v17+s15+$0x0], $0xffff  }
0x1d8: {  	v17 =	vor.u32 s24, v5;
	_ =	sdelay $0x3  }
0x1d9: {  	[tilespmem:s31+$0xFFFFFFC0] =	vst v16  }
0x1da: {  	v16 =	vld.idx.msk [tilespmem:v17+s15+$0x0], $0xffff  }
0x1db: {  	v17 =	vor.u32 s24, v6;
	_ =	sdelay $0x3  }
0x1dc: {  	[tilespmem:s31+$0xFFFFFFD0] =	vst v16  }
0x1dd: {  	v16 =	vld.idx.msk [tilespmem:v17+s15+$0x0], $0xffff  }
0x1de: {  	v17 =	vor.u32 s24, v7;
	_ =	sdelay $0x3  }
0x1df: {  	[tilespmem:s31+$0xFFFFFFE0] =	vst v16  }
0x1e0: {  	v16 =	vld.idx.msk [tilespmem:v17+s15+$0x0], $0xffff  }
0x1e1: {  	v17 =	vor.u32 s24, v8;
	_ =	sdelay $0x3  }
0x1e2: {  	[tilespmem:s31+$0xFFFFFFF0] =	vst v16  }
0x1e3: {  	v16 =	vld.idx.msk [tilespmem:v17+s15+$0x0], $0xffff  }
0x1e4: {  	v17 =	vor.u32 s24, v9;
	_ =	sdelay $0x3  }
0x1e5: {  	[tilespmem:s31+$0x0] =	vst v16  }
0x1e6: {  	v16 =	vld.idx.msk [tilespmem:v17+s15+$0x0], $0xffff  }
0x1e7: {  	v17 =	vor.u32 s24, v10;
	_ =	sdelay $0x3  }
0x1e8: {  	[tilespmem:s31+$0x10] =	vst v16  }
0x1e9: {  	v16 =	vld.idx.msk [tilespmem:v17+s15+$0x0], $0xffff  }
0x1ea: {  	v17 =	vor.u32 s24, v11;
	_ =	sdelay $0x3  }
0x1eb: {  	[tilespmem:s31+$0x20] =	vst v16  }
0x1ec: {  	v16 =	vld.idx.msk [tilespmem:v17+s15+$0x0], $0xffff  }
0x1ed: {  	v17 =	vor.u32 s24, v12;
	_ =	sdelay $0x3  }
0x1ee: {  	[tilespmem:s31+$0x30] =	vst v16  }
0x1ef: {  	v16 =	vld.idx.msk [tilespmem:v17+s15+$0x0], $0xffff  }
0x1f0: {  	v17 =	vor.u32 s24, v13;
	_ =	sdelay $0x3  }
0x1f1: {  	[tilespmem:s31+$0x40] =	vst v16  }
0x1f2: {  	v16 =	vld.idx.msk [tilespmem:v17+s15+$0x0], $0xffff  }
0x1f3: {  	v17 =	vor.u32 s24, v14;
	_ =	sdelay $0x3  }
0x1f4: {  	[tilespmem:s31+$0x50] =	vst v16  }
0x1f5: {  	v16 =	vld.idx.msk [tilespmem:v17+s15+$0x0], $0xffff  }
0x1f6: {  	v17 =	vor.u32 s24, v15;
	_ =	sdelay $0x3  }
0x1f7: {  	[tilespmem:s31+$0x60] =	vst v16  }
0x1f8: {  	v16 =	vld.idx.msk [tilespmem:v17+s15+$0x0], $0xffff  }
.Ltmp12:
0x1f9: {  	_ = 	snop;
	(pc) =	sbr.rel .LBB2_15-.Ltmp12, $2  }
0x1fa: {  	_ =	sdelay $0x2  }
0x1fb: {  	[tilespmem:s31+$0x70] =	vst v16  }
.LBB2_18:
0x1fc: {  	_ =	sfence.sel $0x180000  }
0x1fd: {  	[bflag:$0x0] =	sbarrier.arrive $0xFFFF  }
0x1fe: {  	p0 =	sne.s32 s0, $0x0;
	_ =	strace $0x90000047  }
0x1ff: {  	s0 =	sadd.s32 @!p0 $0x100000, s2;
	[bflag:$0x2] =	sbarrier.arrive $0xFFFF  }
0x200: {  	[sflag:s0] =	ssyncadd.tile.s32 @!p0 $0x1;
	_ =	shalt  }
.Lfunc_end2:
_tile_overlayer_lowered:
.L_overlay_start_2:
0x201: {  	(tag) =	ssettag $0x2  }
0x202: {  	s0 =	rddreg [dreg:$0x0];
	s2 =	stileid.u32  }
0x203: {  	s1 =	rddreg [dreg:$0x1];
	p0 =	sne.s32 s2, $0x0  }
0x204: {  	s3 =	rddreg [dreg:$0x2];
	[bflag:$0x3] =	sbarrier.arrive $0xFFFF;
	s2 =	simm.s32 @!p0 $0x1C05  }
0x205: {  	[timem:s3], [sflag:s2] =	dma.local @!p0 [hbm:s0], s1  }
0x206: {  	s0 =	simm.s32 @!p0 $0x5  }
0x207: {  	_ =	swait.ge @!p0 [sflag:s0], s1  }
0x208: {  	s1 =	ssub.s32 @!p0 $0x0, s1;
	[sflag:s0] =	ssyncset.done @!p0 $0x0  }
0x209: {  	[sflag:s0] =	ssyncadd.s32 @!p0 s1  }
0x20a: {  	[bflag:$0x3] =	sbarrier.arrive $0xFFFF  }
0x20b: {  	_ =	shalt  }

// kernel: kernel.7.cloned.1.call-start
scs
__scs_entry_jumppad:
0x0: {  	(pc) =	sbr.rel $0x88, $3  }
0x1: {  	(tag) =	ssettag $0x0;
	lr =	simm.s32 $0x1  }
0x2: {  	[smem:$0x3F9F] =	sst lr;
	_ =	strace $0xD0000000  }
0x3: {  	_ = 	snop  }
0x4: {  	_ = 	snop  }
0x5: {  	_ = 	snop  }
0x6: {  	_ = 	snop  }
0x7: {  	_ = 	snop  }
__scs_overlays_trampoline_lowered:
0x8: {  	[smem:$0x3FAE] =	sst s0  }
0x9: {  	[smem:$0x3FAF] =	sst s1  }
0xa: {  	[smem:$0x3FB0] =	sst s2  }
0xb: {  	[smem:$0x3FB1] =	sst s3  }
0xc: {  	[smem:$0x3FB2] =	sst s4  }
0xd: {  	[smem:$0x3FB3] =	sst s5  }
0xe: {  	[smem:$0x3FB4] =	sst s6  }
0xf: {  	[smem:$0x3FB5] =	sst s7  }
0x10: {  	[smem:$0x3FB6] =	sst s8  }
0x11: {  	[smem:$0x3FB7] =	sst s9;
	s0 =	simm.s32 @!p0 $0x0  }
0x12: {  	s1 =	sld [smem:$0x3F9D];
	s0 =	simm.s32 @p0 $0x1  }
0x13: {  	[smem:$0x3FB8] =	sst s0;
	s0 =	simm.s32 @!p1 $0x0  }
0x14: {  	s2 =	sld [smem:$0x3F9C];
	s0 =	simm.s32 @p1 $0x1  }
0x15: {  	[smem:$0x3FB9] =	sst s0;
	s0 =	simm.s32 @!p2 $0x0  }
0x16: {  	s3 =	sld [smem:$0x3FDB];
	s0 =	simm.s32 @p2 $0x1  }
0x17: {  	s4 =	simm.s32 $0x1BF5;
	[smem:$0x3FBB] =	sst s0  }
0x18: {  	s0 =	sld [smem:$0x3F9E];
	_ =	swait.ge [sflag:s4], $0x0  }
0x19: {  	s7 =	sld [smem:$0x3F9F]  }
0x1a: {  	s8 =	sadd.s32 $0xFFFFE003, lr  }
0x1b: {  	s9 =	sadd.s32 $0xFFFFFEF7, lr;
	s5 =	simm.s32 $0xFFFFFFFF;
	p2 =	slt.u32 s8, $0xFFFFF086  }
0x1c: {  	p1 =	slt.u32 s9, $0xF7A;
	s5 =	simm.s32 @!p2 $0x0  }
0x1d: {  	s5 =	simm.s32 @p1 $0x1;
	p0 =	seq.s32 s7, s2  }
0x1e: {  	s7 =	smul.u32 @!p0 $0xF7A, s2;
	p2 =	seq.s32 @!p0 s5, $0x0  }
0x1f: {  	s9 =	smul.u32 $0xF7A, s1;
	s8 =	simm.s32 @!p0 $0x1BF5;
	p2 =	por !p2, p0  }
0x20: {  	[sflag:s8] =	ssyncset.s32 @!p0 $0xFFFFF086;
	s6 =	sadd.s32 @!p0 s3, s7;
	s7 =	simm.s32 @!p0 $0x108  }
0x21: {  	s3 =	sadd.s32 s3, s9;
	s6 =	sadd.s32 @!p0 $0x88, s6;
	s7 =	simm.s32 @p2 $0x1082  }
0x22: {  	[simem:s7], [sflag:s8] =	dma.local @!p0 [hbm:s6], $0xF7A  }
0x23: {  	s9 =	sor.u32 $0xD0000000, s2;
	s6 =	simm.s32 $0x108;
	_ =	swait.ge @!p0 [sflag:s8], $0x0  }
0x24: {  	s3 =	sadd.s32 $0x88, s3;
	s6 =	simm.s32 @!p1 $0x1082;
	[sflag:s4] =	ssyncset.s32 $0xFFFFF086  }
0x25: {  	[simem:s6], [sflag:s4] =	dma.local [hbm:s3], $0xF7A  }
0x26: {  	[smem:$0x3F9F] =	sst s1;
	(tag) =	ssettag s2;
	_ =	strace s9  }
0x27: {  	s1 =	sld [smem:$0x3FAF]  }
0x28: {  	s2 =	sld [smem:$0x3FB0]  }
0x29: {  	s4 =	sld [smem:$0x3FB2]  }
0x2a: {  	p0 =	seq.s32 s5, $0x0;
	s5 =	sld [smem:$0x3FB3]  }
0x2b: {  	s6 =	sld [smem:$0x3FB4]  }
0x2c: {  	s7 =	sld [smem:$0x3FB5]  }
0x2d: {  	s3 =	simm.s32 $0x108;
	s8 =	sld [smem:$0x3FB6]  }
0x2e: {  	s3 =	simm.s32 @!p0 $0x1082;
	s9 =	sld [smem:$0x3FB7]  }
0x2f: {  	lr =	sadd.s32 s0, s3;
	s0 =	sld [smem:$0x3FAE]  }
0x30: {  	s3 =	sld [smem:$0x3FB1]  }
0x31: {  	[smem:$0x3FBA] =	sst s10  }
0x32: {  	s10 =	sld [smem:$0x3FB8];
	_ =	sdelay $0x3  }
0x33: {  	p0 =	seq.s32 s10, $0x1;
	s10 =	sld [smem:$0x3FBA];
	_ =	sdelay $0x3  }
0x34: {  	[smem:$0x3FBA] =	sst s10  }
0x35: {  	s10 =	sld [smem:$0x3FB9];
	_ =	sdelay $0x3  }
0x36: {  	p1 =	seq.s32 s10, $0x1;
	s10 =	sld [smem:$0x3FBA];
	_ =	sdelay $0x3  }
0x37: {  	[smem:$0x3FBA] =	sst s10  }
0x38: {  	s10 =	sld [smem:$0x3FBB]  }
0x39: {  	_ = 	snop;
	(pc) =	sbr.ind lr, $3  }
0x3a: {  	_ = 	snop  }
0x3b: {  	_ = 	snop  }
0x3c: {  	p2 =	seq.s32 s10, $0x1;
	s10 =	sld [smem:$0x3FBA]  }
0x3d: {  	_ =	shalt  }
0x3e: {  	_ =	shalt  }
0x3f: {  	_ =	shalt  }
0x40: {  	_ =	shalt  }
0x41: {  	_ =	shalt  }
0x42: {  	_ =	shalt  }
0x43: {  	_ =	shalt  }
0x44: {  	_ =	shalt  }
0x45: {  	_ =	shalt  }
0x46: {  	_ =	shalt  }
0x47: {  	_ =	shalt  }
0x48: {  	_ =	shalt  }
0x49: {  	_ =	shalt  }
0x4a: {  	_ =	shalt  }
0x4b: {  	_ =	shalt  }
0x4c: {  	_ =	shalt  }
0x4d: {  	_ =	shalt  }
0x4e: {  	_ =	shalt  }
0x4f: {  	_ =	shalt  }
0x50: {  	_ =	shalt  }
0x51: {  	_ =	shalt  }
0x52: {  	_ =	shalt  }
0x53: {  	_ =	shalt  }
0x54: {  	_ =	shalt  }
0x55: {  	_ =	shalt  }
0x56: {  	_ =	shalt  }
0x57: {  	_ =	shalt  }
0x58: {  	_ =	shalt  }
0x59: {  	_ =	shalt  }
0x5a: {  	_ =	shalt  }
0x5b: {  	_ =	shalt  }
0x5c: {  	_ =	shalt  }
0x5d: {  	_ =	shalt  }
0x5e: {  	_ =	shalt  }
0x5f: {  	_ =	shalt  }
0x60: {  	_ =	shalt  }
0x61: {  	_ =	shalt  }
0x62: {  	_ =	shalt  }
0x63: {  	_ =	shalt  }
0x64: {  	_ =	shalt  }
0x65: {  	_ =	shalt  }
0x66: {  	_ =	shalt  }
0x67: {  	_ =	shalt  }
0x68: {  	_ =	shalt  }
0x69: {  	_ =	shalt  }
0x6a: {  	_ =	shalt  }
0x6b: {  	_ =	shalt  }
0x6c: {  	_ =	shalt  }
0x6d: {  	_ =	shalt  }
0x6e: {  	_ =	shalt  }
0x6f: {  	_ =	shalt  }
0x70: {  	_ =	shalt  }
0x71: {  	_ =	shalt  }
0x72: {  	_ =	shalt  }
0x73: {  	_ =	shalt  }
0x74: {  	_ =	shalt  }
0x75: {  	_ =	shalt  }
0x76: {  	_ =	shalt  }
0x77: {  	_ =	shalt  }
0x78: {  	_ =	shalt  }
0x79: {  	_ =	shalt  }
0x7a: {  	_ =	shalt  }
0x7b: {  	_ =	shalt  }
0x7c: {  	_ =	shalt  }
0x7d: {  	_ =	shalt  }
0x7e: {  	_ =	shalt  }
0x7f: {  	_ =	shalt  }
0x80: {  	_ =	shalt  }
0x81: {  	_ =	shalt  }
0x82: {  	_ =	shalt  }
0x83: {  	_ =	shalt  }
0x84: {  	_ =	shalt  }
0x85: {  	_ =	shalt  }
0x86: {  	_ =	shalt  }
0x87: {  	_ =	shalt  }
.Lfunc_end0:
.L_simem_size_0:
called_computation.1_lowered:
.L_overlay_start_0:
0x88: {  	s2 =	sld [smem:$0x3FD9]  }
0x89: {  	s3 =	sld [smem:$0x3FFE];
	_ =	sdelay $0x1  }
0x8a: {  	s1 =	srdreg.scid  }
0x8b: {  	s0 =	sand.u32 $0x1, s1  }
0x8c: {  	s17 =	sshll.u32 s0, $0xA;
	s2 =	sadd.s32 s3, s2  }
0x8d: {  	s2 =	sadd.s32 s2, s17  }
0x8e: {  	[smem:$0x3FC6] =	sst s2  }
0x8f: {  	_ = 	snop  }
0x90: {  	s2 =	sld [smem:$0x3FD0];
	(tm) =	ssettm $0x1  }
0x91: {  	s18 =	sld [smem:$0x3FFB];
	_ =	sdelay $0x3  }
0x92: {  	_ =	strace s18  }
0x93: {  	s3 =	sld [smem:$0x3FFC];
	_ =	sdelay $0x3  }
0x94: {  	_ =	strace s3  }
0x95: {  	s3 =	sld [smem:$0x3FFD];
	_ =	sdelay $0x3  }
0x96: {  	_ =	strace s3  }
0x97: {  	_ =	strace $0x8FFFFFFF  }
0x98: {  	s19 =	sld [smem:$0x3FDB];
	_ =	sdelay $0x1  }
0x99: {  	s4 =	simm.s32 $_scs_section_size  }
0x9a: {  	s5 =	simm.s32 $_size__tile_overlayer_lowered;
	s6 =	simm.s32 $_tile_overlayer_lowered  }
0x9b: {  	s22 =	simm.s32 $0x1BFF;
	s21 =	sshll.u32 s6, $0x1;
	s3 =	sadd.s32 s4, s19  }
0x9c: {  	s7 =	simm.s32 $0x0;
	s20 =	sshll.u32 s5, $0x1;
	s5 =	sadd.s32 s21, s3  }
0x9d: {  	[timem:s7], [sflag:s22] =	dma.local [hbm:s5], s20  }
0x9e: {  	_ =	swait.ge [sflag:s22], s20  }
0x9f: {  	s4 =	ssub.s32 $0x0, s20;
	[sflag:s22] =	ssyncset.done $0x0  }
0xa0: {  	[sflag:s22] =	ssyncadd.s32 s4;
	_ =	sdelay $0x1  }
0xa1: {  	s23 =	simm.s32 $0x1B8B  }
0xa2: {  	_ =	swait.ge [sflag:s23], $0x1  }
0xa3: {  	[sflag:s23] =	ssyncset.done $0x0  }
0xa4: {  	s25 =	simm.s32 $0x1B8E;
	s24 =	sld [smem:$0x3FFE];
	[sflag:s23] =	ssyncadd.s32 $0xFFFFFFFF  }
0xa5: {  	s26 =	simm.s32 $execute0_lowered;
	[smem:$0x3FD2] =	sst s25  }
0xa6: {  	s5 =	sshll.u32 s26, $0x1;
	_ =	strace $0x80000049;
	[dreg:$0x1] =	wrdreg $0xFFFFFFFF  }
0xa7: {  	s28 =	simm.s32 $_size_execute0_lowered;
	s3 =	sadd.s32 s3, s5;
	[dreg:$0x0] =	wrdreg $0x0  }
0xa8: {  	s5 =	sshll.u32 s28, $0x1;
	[dreg:$0x2] =	wrdreg s3  }
0xa9: {  	[dreg:$0x3] =	wrdreg s5  }
0xaa: {  	[dreg:$0x4] =	wrdreg $0xC0  }
0xab: {  	_ =	task [dreg:s7], $0x5FFFF  }
0xac: {  	[dreg:$0x1] =	wrdreg $0xFFFFFFFF  }
0xad: {  	[dreg:$0x0] =	wrdreg $0x60  }
0xae: {  	[dreg:$0x2] =	wrdreg s24  }
0xaf: {  	[dreg:$0x3] =	wrdreg s2  }
0xb0: {  	[dreg:$0x4] =	wrdreg $0x9  }
0xb1: {  	_ =	task.clear_ibuf [dreg:s7], $0x5FFFF;
	_ =	strace $0x90000049  }
0xb2: {  	s29 =	simm.s32 $0x9;
	_ =	strace $0x8000004B  }
0xb3: {  	_ =	swait.ge [sflag:s29], $0x1  }
0xb4: {  	[sflag:s29] =	ssyncadd.s32 $0xFFFFFFFF  }
0xb5: {  	_ =	strace $0x9000004B  }
0xb6: {  	_ =	sfence  }
0xb7: {  	s30 =	sld [smem:$0x0];
	_ =	sdelay $0x2  }
0xb8: {  	s31 =	sshll.u32 s1, $0xD;
	s1 =	sshrl.u32 s1, $0x2  }
0xb9: {  	s3 =	sand.u32 $0x4000, s31;
	s1 =	sadd.s32 s1, s30  }
0xba: {  	s0 =	sor.u32 s3, s0;
	s1 =	sshll.u32 s1, $0x11  }
0xbb: {  	s0 =	sor.u32 s1, s0  }
0xbc: {  	s0 =	sadd.s32 $0x8F2B, s0  }
0xbd: {  	[sflag:s0] =	ssyncadd.remote.s32 $0x1  }
0xbe: {  	_ =	sfence.sel $0xFFFF  }
0xbf: {  	[dreg:$0x0] =	wrdreg $0xFFFFFFFF;
	(pc) =	sbr.abs _section_cstart, $3  }
0xc0: {  	[dreg:$0x1] =	wrdreg $0xFFFFFFFF  }
0xc1: {  	_ =	task.clear_ibuf [dreg:s7], $0x2FFFF;
	_ =	strace $0x9FFFFFFF  }
0xc2: {  	(tm) =	ssettm $0x7FFFFFFF  }
0xc3: {  	_ =	shalt  }
tec
execute0_lowered:
.L_overlay_start_1:
0x0: {  	(tag) =	ssettag $0x1  }
0x1: {  	s0 =	rddreg [dreg:$0x0];
	s1 =	srdreg.scid  }
0x2: {  	s2 =	stileid.u32;
	s6 =	rddreg [dreg:$0x1]  }
0x3: {  	s8 =	simm.s32 $0x3;
	s9 =	simm.s32 $0xD00;
	s10 =	simm.s32 $0x68  }
0x4: {  	s11 =	simm.s32 $0x1A00;
	s13 =	simm.s32 $0x4E00;
	s15 =	simm.s32 $0x8200  }
0x5: {  	s17 =	simm.s32 $0xB600;
	s18 =	simm.s32 $0xEA00;
	s19 =	simm.s32 $0x11E00  }
0x6: {  	s20 =	simm.s32 $0x15200;
	s21 =	simm.s32 $0x18600;
	s22 =	simm.s32 $0x1  }
0x7: {  	s23 =	simm.s32 $0x2;
	s24 =	simm.s32 $0x1860;
	s25 =	simm.s32 $0x18C8  }
0x8: {  	s26 =	simm.s32 $0x1930;
	s28 =	simm.s32 $0x1998;
	s29 =	simm.s32 $0x1BA00  }
0x9: {  	s1 =	sand.u32 $0x1, s1;
	s3 =	sshll.u32 s2, $0x1;
	s2 =	simm.s32 $0x0  }
0xa: {  	s30 =	simm.s32 $0x0;
	s7 =	sor.u32 s1, s3;
	[smem:$0x7FF] =	sst s2  }
0xb: {  	v2 =	vlaneseq.u32;
	s1 =	ssub.s32 $0x2, s1;
	s3 =	sadd.s32 $0x1800, s0;
	s4 =	smul.u32 $0x1A0, s7  }
0xc: {  	v0 =	vmul.u32 $0x1A, v2;
	_ =	strace $0x8000004A;
	s5 =	sshrl.u32 s1, $0x1;
	s31 =	sshll.u32 s7, $0x4  }
0xd: {  	s1 =	ssub.s32 s1, s5;
	s6 =	sadd.s32 s6, s31;
	s0 =	sadd.s32 s4, s0  }
0xe: {  	v2 =	vmul.u32 $0xD00, v2;
	v1 =	vor.u32 $0x1, v0;
	s7 =	smax.u32 s1, $0x1;
	s4 =	sadd.s32 $0x4FB800, s0;
	s5 =	sadd.s32 $0x4F8400, s0  }
.LBB2_1:
0xf: {  	[tilespmem:s2], [sflag:$0x3] =	stream.linear.gather [hbm4b:s4+s2], $0xD00, $0x38;
	[tilespmem:$0x1BA80] =	vst v63  }
0x10: {  	_ =	swait.ge [sflag:s8], $0xD00  }
0x11: {  	[sflag:s8] =	ssyncset.done $0x0  }
0x12: {  	[sflag:s8] =	ssyncadd.s32 $0xFFFFF300  }
0x13: {  	[tilespmem:s9], [sflag:$0x3] =	stream.linear.gather [hbm4b:s5+s2], $0xD00, $0x38;
	[tilespmem:$0x1BA80] =	vst v63  }
0x14: {  	_ =	swait.ge [sflag:s8], $0xD00  }
0x15: {  	[sflag:s8] =	ssyncset.done $0x0  }
0x16: {  	[sflag:s8] =	ssyncadd.s32 $0xFFFFF300  }
0x17: {  	[tilespmem:s11], [sflag:$0x1] =	stream.indirect.gather [hbm4b:s3+s10], $0x80, s9, s10, $0xb8;
	[tilespmem:$0x1BA80] =	vst v63  }
0x18: {  	s0 =	simm.s32 $0xD68  }
0x19: {  	[tilespmem:s13], [sflag:$0x1] =	stream.indirect.gather [hbm4b:s3+s10], $0x80, s0, s10, $0xb8;
	[tilespmem:$0x1BA80] =	vst v63  }
0x1a: {  	s14 =	simm.s32 $0xDD0  }
0x1b: {  	[tilespmem:s15], [sflag:$0x1] =	stream.indirect.gather [hbm4b:s3+s10], $0x80, s14, s10, $0xb8;
	[tilespmem:$0x1BA80] =	vst v63  }
0x1c: {  	s16 =	simm.s32 $0xE38;
	s31 =	simm.s32 $0x0  }
0x1d: {  	[tilespmem:s17], [sflag:$0x1] =	stream.indirect.gather [hbm4b:s3+s10], $0x80, s16, s10, $0xb8;
	[tilespmem:$0x1BA80] =	vst v63  }
.LBB2_2:
0x1e: {  	s1 =	sshllo.u32 s31, $0x1  }
0x1f: {  	s0 =	smul.u32 $0x1A0, s1;
	_ =	sdelay $0x1  }
0x20: {  	s12 =	sadd.s32 $0xD00, s0  }
0x21: {  	[tilespmem:s18], [sflag:$0x2] =	stream.indirect.gather [hbm4b:s3+s10], $0x80, s12, s10, $0xb8;
	[tilespmem:$0x1BA80] =	vst v63  }
0x22: {  	s14 =	sadd.s32 $0xD68, s0  }
0x23: {  	[tilespmem:s19], [sflag:$0x2] =	stream.indirect.gather [hbm4b:s3+s10], $0x80, s14, s10, $0xb8;
	[tilespmem:$0x1BA80] =	vst v63  }
0x24: {  	s12 =	smul.u32 $0x340, s31;
	s14 =	sadd.s32 $0xDD0, s0  }
0x25: {  	[tilespmem:s20], [sflag:$0x2] =	stream.indirect.gather [hbm4b:s3+s10], $0x80, s14, s10, $0xb8;
	[tilespmem:$0x1BA80] =	vst v63  }
0x26: {  	s16 =	sadd.s32 $0xE38, s0;
	v3 =	vadd.s32 s12, v0  }
0x27: {  	[tilespmem:s21], [sflag:$0x2] =	stream.indirect.gather [hbm4b:s3+s10], $0x80, s16, s10, $0xb8;
	[tilespmem:$0x1BA80] =	vst v63  }
0x28: {  	_ =	swait.ge [sflag:s22], $0xD000  }
0x29: {  	[sflag:s22] =	ssyncset.done $0x0  }
0x2a: {  	[sflag:s22] =	ssyncadd.s32 $0xFFFF3000  }
0x2b: {  	v3 =	vld.idx.msk [tilespmem:v3+s2+$0x0], $0xffff;
	_ =	sdelay $0x2  }
0x2c: {  	s16 =	simm.s32 $0x0  }
0x2d: {  	v4 =	vmov s16  }
0x2e: {  	v4 =	vshll.u32 v4, $0x7;
	v5 =	vshll.u32 v3, $0x4  }
0x2f: {  	v4 =	vadd.s32 v2, v4;
	v5 =	vand.u32 $0x70, v5  }
0x30: {  	v18 =	vor.u32 v4, v5;
	_ =	sdelay $0x1  }
0x31: {  	v4 =	vor.u32 $0x1, v18;
	_ =	sdelay $0x1  }
0x32: {  	v5 =	vor.u32 $0x2, v18  }
0x33: {  	v6 =	vld.idx.msk [tilespmem:v18+s11+$0x0], $0xffff  }
0x34: {  	v7 =	vor.u32 $0x3, v18  }
0x35: {  	v4 =	vld.idx.msk [tilespmem:v4+s11+$0x0], $0xffff  }
0x36: {  	v8 =	vor.u32 $0x4, v18  }
0x37: {  	v5 =	vld.idx.msk [tilespmem:v5+s11+$0x0], $0xffff  }
0x38: {  	v9 =	vor.u32 $0x5, v18;
	v10 =	vmul.f32 v6, v6  }
0x39: {  	v12 =	vimm.f32 $0.0e+00;
	v14 =	vimm.s32 $0x0;
	v20 =	vimm.f32 $0.0e+00;
	v7 =	vld.idx.msk [tilespmem:v7+s11+$0x0], $0xffff  }
0x3a: {  	v11 =	vor.u32 $0x6, v18;
	v13 =	vmul.f32 v4, v4;
	v10 =	vadd.f32 v10, v12  }
0x3b: {  	v21 =	vimm.f32 $0.0e+00;
	v19 =	vimm.f32 $0.0e+00;
	v8 =	vld.idx.msk [tilespmem:v8+s11+$0x0], $0xffff;
	v15 =	vadd.f32 v4, v12  }
0x3c: {  	v4 =	vor.u32 $0x7, v18;
	v10 =	vadd.f32 v13, v10;
	v13 =	vmul.f32 v5, v5  }
0x3d: {  	v22 =	vadd.s32 s12, v1;
	v3 =	vadd.s32 v14, v3;
	v16 =	vor.u32 $0x8, v18;
	v9 =	vld.idx.msk [tilespmem:v9+s11+$0x0], $0xffff  }
0x3e: {  	v14 =	vadd.f32 v6, v12;
	v6 =	vadd.f32 v13, v10;
	v10 =	vmul.f32 v7, v7  }
0x3f: {  	v13 =	vadd.f32 v5, v12;
	v5 =	vld.idx.msk [tilespmem:v11+s11+$0x0], $0xffff;
	v11 =	vadd.f32 v7, v12;
	v7 =	vor.u32 $0x9, v18  }
0x40: {  	v31 =	vadd.s32 s16, v22;
	v17 =	vmul.f32 v8, v8;
	v6 =	vadd.f32 v10, v6  }
0x41: {  	v28 =	vor.u32 $0xA, v18;
	v26 =	vor.u32 $0xB, v18;
	v27 =	vor.u32 $0xC, v18;
	v24 =	vld.idx.msk [tilespmem:v4+s11+$0x0], $0xffff  }
0x42: {  	v10 =	vadd.f32 v8, v12;
	v8 =	vmul.f32 v9, v9;
	v6 =	vadd.f32 v17, v6  }
0x43: {  	v25 =	vld.idx.msk [tilespmem:v16+s11+$0x0], $0xffff;
	v4 =	vimm.f32 $0.0e+00;
	v9 =	vadd.f32 v9, v12;
	v17 =	vimm.f32 $0.0e+00  }
0x44: {  	v30 =	vmul.f32 v5, v5;
	v23 =	vld.idx.msk [tilespmem:v7+s11+$0x0], $0xffff;
	v7 =	vimm.f32 $0.0e+00;
	v29 =	vadd.f32 v8, v6  }
0x45: {  	s14 =	simm.s32 $0x1;
	s16 =	simm.s32 $0x2;
	v16 =	vld.idx.msk [tilespmem:v31+s2+$0x0], $0xffff;
	v8 =	vadd.f32 v5, v12;
	v6 =	vimm.f32 $0.0e+00;
	v5 =	vimm.f32 $0.0e+00  }
.LBB2_3:
0x46: {  	p0 =	sne.s32 s16, $0x19;
	v29 =	vadd.f32 v30, v29;
	v30 =	vmul.f32 v24, v24;
	v12 =	vadd.f32 v24, v12;
	v24 =	vld.idx.msk [tilespmem:v28+s11+$0x0], $0xffff  }
0x47: {  	v28 =	vor.u32 $0xD, v18  }
0x48: {  	v20 =	vadd.f32 v25, v20;
	v29 =	vadd.f32 v30, v29;
	v30 =	vmul.f32 v25, v25;
	v25 =	vld.idx.msk [tilespmem:v26+s11+$0x0], $0xffff  }
0x49: {  	v31 =	vor.u32 $0xE, v18;
	v26 =	vmov s14  }
0x4a: {  	v26 =	vshll.u32 v26, $0x7;
	v29 =	vadd.f32 v30, v29;
	v30 =	vmul.f32 v23, v23;
	v27 =	vld.idx.msk [tilespmem:v27+s11+$0x0], $0xffff  }
0x4b: {  	v33 =	vor.u32 $0xF, v18;
	v32 =	vshll.u32 v16, $0x4;
	v26 =	vadd.s32 v2, v26  }
0x4c: {  	v18 =	vand.u32 $0x70, v32;
	v29 =	vadd.f32 v30, v29;
	v30 =	vmul.f32 v24, v24;
	v28 =	vld.idx.msk [tilespmem:v28+s11+$0x0], $0xffff  }
0x4d: {  	v21 =	vadd.f32 v23, v21;
	v19 =	vadd.f32 v24, v19;
	v18 =	vor.u32 v26, v18  }
0x4e: {  	v24 =	vmul.f32 v25, v25;
	v17 =	vadd.f32 v25, v17;
	v23 =	vadd.f32 v30, v29;
	v25 =	vld.idx.msk [tilespmem:v31+s11+$0x0], $0xffff  }
0x4f: {  	v3 =	vadd.s32 v3, v16;
	v16 =	vor.u32 $0x1, v18  }
0x50: {  	v7 =	vadd.f32 v27, v7;
	v23 =	vadd.f32 v24, v23;
	v24 =	vmul.f32 v27, v27;
	v26 =	vld.idx.msk [tilespmem:v33+s11+$0x0], $0xffff  }
0x51: {  	v27 =	vor.u32 $0x2, v18  }
0x52: {  	v6 =	vadd.f32 v28, v6;
	v29 =	vld.idx.msk [tilespmem:v18+s11+$0x0], $0xffff;
	v23 =	vadd.f32 v24, v23;
	v24 =	vmul.f32 v28, v28  }
0x53: {  	v28 =	vor.u32 $0x3, v18  }
0x54: {  	v5 =	vadd.f32 v25, v5;
	v16 =	vld.idx.msk [tilespmem:v16+s11+$0x0], $0xffff;
	v23 =	vadd.f32 v24, v23;
	v24 =	vmul.f32 v25, v25  }
0x55: {  	v25 =	vor.u32 $0x4, v18  }
0x56: {  	v4 =	vadd.f32 v26, v4;
	v27 =	vld.idx.msk [tilespmem:v27+s11+$0x0], $0xffff;
	v23 =	vadd.f32 v24, v23;
	v24 =	vmul.f32 v26, v26  }
0x57: {  	v26 =	vor.u32 $0x5, v18  }
0x58: {  	v30 =	vmul.f32 v29, v29;
	v14 =	vadd.f32 v29, v14;
	v28 =	vld.idx.msk [tilespmem:v28+s11+$0x0], $0xffff;
	v23 =	vadd.f32 v24, v23  }
0x59: {  	v24 =	vor.u32 $0x6, v18  }
0x5a: {  	v29 =	vmul.f32 v16, v16;
	v15 =	vadd.f32 v16, v15;
	v23 =	vadd.f32 v30, v23;
	v16 =	vld.idx.msk [tilespmem:v25+s11+$0x0], $0xffff  }
0x5b: {  	v25 =	vor.u32 $0x7, v18  }
0x5c: {  	v13 =	vadd.f32 v27, v13;
	v23 =	vadd.f32 v29, v23;
	v29 =	vmul.f32 v27, v27;
	v26 =	vld.idx.msk [tilespmem:v26+s11+$0x0], $0xffff  }
0x5d: {  	v27 =	vor.u32 $0x8, v18  }
0x5e: {  	v11 =	vadd.f32 v28, v11;
	v23 =	vadd.f32 v29, v23;
	v29 =	vmul.f32 v28, v28;
	v31 =	vld.idx.msk [tilespmem:v24+s11+$0x0], $0xffff  }
0x5f: {  	v32 =	vor.u32 $0x9, v18  }
0x60: {  	v33 =	vadd.s32 s14, v22;
	s14 =	smov.u32 s16;
	v23 =	vadd.f32 v29, v23;
	v29 =	vmul.f32 v16, v16;
	v24 =	vld.idx.msk [tilespmem:v25+s11+$0x0], $0xffff  }
.Ltmp0:
0x61: {  	v28 =	vor.u32 $0xA, v18;
	v10 =	vadd.f32 v16, v10;
	(pc) =	sbr.rel @p0 .LBB2_3-.Ltmp0, $4  }
0x62: {  	v9 =	vadd.f32 v26, v9;
	v16 =	vadd.f32 v29, v23;
	v23 =	vmul.f32 v26, v26;
	v25 =	vld.idx.msk [tilespmem:v27+s11+$0x0], $0xffff  }
0x63: {  	v26 =	vor.u32 $0xB, v18  }
0x64: {  	v30 =	vmul.f32 v31, v31;
	v8 =	vadd.f32 v31, v8;
	v29 =	vadd.f32 v23, v16;
	v23 =	vld.idx.msk [tilespmem:v32+s11+$0x0], $0xffff  }
0x65: {  	s16 =	sadd.s32 $0x1, s16;
	v27 =	vor.u32 $0xC, v18;
	v16 =	vld.idx.msk [tilespmem:v33+s2+$0x0], $0xffff  }
0x66: {  	_ =	sdelay $0x2  }
0x67: {  	v22 =	vadd.f32 v30, v29;
	v29 =	vmul.f32 v24, v24  }
0x68: {  	v28 =	vld.idx.msk [tilespmem:v28+s11+$0x0], $0xffff  }
0x69: {  	v30 =	vor.u32 $0xD, v18;
	v22 =	vadd.f32 v29, v22;
	v29 =	vmul.f32 v25, v25  }
0x6a: {  	v26 =	vld.idx.msk [tilespmem:v26+s11+$0x0], $0xffff;
	v31 =	vmov s14;
	v32 =	vor.u32 $0xE, v18  }
0x6b: {  	v31 =	vshll.u32 v31, $0x7;
	v22 =	vadd.f32 v29, v22;
	v29 =	vmul.f32 v23, v23  }
0x6c: {  	v27 =	vld.idx.msk [tilespmem:v27+s11+$0x0], $0xffff;
	v18 =	vor.u32 $0xF, v18;
	v31 =	vadd.s32 v2, v31;
	v33 =	vshll.u32 v16, $0x4  }
0x6d: {  	v33 =	vand.u32 $0x70, v33;
	v22 =	vadd.f32 v29, v22;
	v29 =	vmul.f32 v28, v28  }
0x6e: {  	v30 =	vld.idx.msk [tilespmem:v30+s11+$0x0], $0xffff;
	v31 =	vor.u32 v31, v33  }
0x6f: {  	v33 =	vor.u32 $0x1, v31;
	v22 =	vadd.f32 v29, v22;
	v29 =	vmul.f32 v26, v26  }
0x70: {  	v32 =	vld.idx.msk [tilespmem:v32+s11+$0x0], $0xffff;
	v34 =	vor.u32 $0x2, v31  }
0x71: {  	v22 =	vadd.f32 v29, v22;
	v29 =	vmul.f32 v27, v27  }
0x72: {  	v18 =	vld.idx.msk [tilespmem:v18+s11+$0x0], $0xffff  }
0x73: {  	v35 =	vld.idx.msk [tilespmem:v31+s11+$0x0], $0xffff;
	v22 =	vadd.f32 v29, v22;
	v29 =	vmul.f32 v30, v30  }
0x74: {  	v33 =	vld.idx.msk [tilespmem:v33+s11+$0x0], $0xffff  }
0x75: {  	v36 =	vor.u32 $0x3, v31;
	v34 =	vld.idx.msk [tilespmem:v34+s11+$0x0], $0xffff;
	v22 =	vadd.f32 v29, v22;
	v29 =	vmul.f32 v32, v32  }
0x76: {  	v12 =	vadd.f32 v24, v12;
	v20 =	vadd.f32 v25, v20  }
0x77: {  	v24 =	vor.u32 $0x4, v31;
	v22 =	vadd.f32 v29, v22;
	v29 =	vmul.f32 v18, v18  }
0x78: {  	v21 =	vadd.f32 v23, v21;
	v23 =	vor.u32 $0x5, v31;
	v14 =	vadd.f32 v35, v14  }
0x79: {  	v25 =	vmul.f32 v35, v35;
	v15 =	vadd.f32 v33, v15;
	v22 =	vadd.f32 v29, v22  }
0x7a: {  	v13 =	vadd.f32 v34, v13;
	v29 =	vld.idx.msk [tilespmem:v36+s11+$0x0], $0xffff;
	v14 =	vmul.f32 v14, v14  }
0x7b: {  	v15 =	vmul.f32 v15, v15;
	v22 =	vadd.f32 v25, v22;
	v25 =	vor.u32 $0x6, v31  }
0x7c: {  	v19 =	vadd.f32 v28, v19;
	v24 =	vld.idx.msk [tilespmem:v24+s11+$0x0], $0xffff;
	v33 =	vmul.f32 v33, v33  }
0x7d: {  	v28 =	vor.u32 $0x7, v31;
	v23 =	vld.idx.msk [tilespmem:v23+s11+$0x0], $0xffff;
	v13 =	vmul.f32 v13, v13;
	v14 =	vadd.f32 v15, v14  }
0x7e: {  	v17 =	vadd.f32 v26, v17;
	v15 =	vmul.f32 v34, v34;
	v22 =	vadd.f32 v33, v22  }
0x7f: {  	v26 =	vor.u32 $0x8, v31;
	v11 =	vadd.f32 v29, v11;
	v13 =	vadd.f32 v13, v14  }
0x80: {  	v14 =	vor.u32 $0x9, v31;
	v15 =	vadd.f32 v15, v22;
	v22 =	vmul.f32 v29, v29;
	v25 =	vld.idx.msk [tilespmem:v25+s11+$0x0], $0xffff  }
0x81: {  	v10 =	vadd.f32 v24, v10;
	v11 =	vmul.f32 v11, v11  }
0x82: {  	v9 =	vadd.f32 v23, v9;
	v15 =	vadd.f32 v22, v15;
	v22 =	vmul.f32 v24, v24;
	v24 =	vld.idx.msk [tilespmem:v28+s11+$0x0], $0xffff  }
0x83: {  	v10 =	vmul.f32 v10, v10;
	v28 =	vor.u32 $0xA, v31;
	v11 =	vadd.f32 v11, v13  }
0x84: {  	v9 =	vmul.f32 v9, v9;
	v13 =	vadd.f32 v22, v15;
	v15 =	vmul.f32 v23, v23;
	v22 =	vld.idx.msk [tilespmem:v26+s11+$0x0], $0xffff  }
0x85: {  	v23 =	vor.u32 $0xB, v31;
	v14 =	vld.idx.msk [tilespmem:v14+s11+$0x0], $0xffff;
	v10 =	vadd.f32 v10, v11;
	v8 =	vadd.f32 v25, v8  }
0x86: {  	v11 =	vadd.f32 v15, v13;
	v13 =	vmul.f32 v25, v25;
	v15 =	vor.u32 $0xC, v31  }
0x87: {  	v12 =	vadd.f32 v24, v12;
	v9 =	vadd.f32 v9, v10;
	v8 =	vmul.f32 v8, v8  }
0x88: {  	v10 =	vadd.f32 v13, v11;
	v11 =	vmul.f32 v24, v24;
	v13 =	vld.idx.msk [tilespmem:v28+s11+$0x0], $0xffff;
	v24 =	vor.u32 $0xD, v31  }
0x89: {  	v20 =	vadd.f32 v22, v20;
	v8 =	vadd.f32 v8, v9;
	v9 =	vmul.f32 v12, v12  }
0x8a: {  	v21 =	vadd.f32 v14, v21;
	v10 =	vadd.f32 v11, v10;
	v11 =	vmul.f32 v22, v22;
	v12 =	vld.idx.msk [tilespmem:v23+s11+$0x0], $0xffff  }
0x8b: {  	v22 =	vor.u32 $0xE, v31;
	v8 =	vadd.f32 v9, v8;
	v9 =	vmul.f32 v20, v20  }
0x8c: {  	v10 =	vadd.f32 v11, v10;
	v11 =	vmul.f32 v14, v14;
	v14 =	vld.idx.msk [tilespmem:v15+s11+$0x0], $0xffff;
	v15 =	vor.u32 $0xF, v31  }
0x8d: {  	v19 =	vadd.f32 v13, v19;
	v8 =	vadd.f32 v9, v8;
	v9 =	vmul.f32 v21, v21  }
0x8e: {  	v7 =	vadd.f32 v27, v7;
	v10 =	vadd.f32 v11, v10;
	v11 =	vmul.f32 v13, v13;
	v13 =	vld.idx.msk [tilespmem:v24+s11+$0x0], $0xffff  }
0x8f: {  	v17 =	vadd.f32 v12, v17;
	v8 =	vadd.f32 v9, v8;
	v9 =	vmul.f32 v19, v19  }
0x90: {  	v6 =	vadd.f32 v30, v6;
	v10 =	vadd.f32 v11, v10;
	v11 =	vmul.f32 v12, v12;
	v12 =	vld.idx.msk [tilespmem:v22+s11+$0x0], $0xffff  }
0x91: {  	v7 =	vadd.f32 v14, v7;
	v8 =	vadd.f32 v9, v8;
	v9 =	vmul.f32 v17, v17  }
0x92: {  	v5 =	vadd.f32 v32, v5;
	v10 =	vadd.f32 v11, v10;
	v11 =	vmul.f32 v14, v14;
	v14 =	vld.idx.msk [tilespmem:v15+s11+$0x0], $0xffff  }
0x93: {  	v6 =	vadd.f32 v13, v6;
	v7 =	vmul.f32 v7, v7;
	v8 =	vadd.f32 v9, v8  }
0x94: {  	v4 =	vadd.f32 v18, v4;
	v9 =	vadd.f32 v11, v10;
	v10 =	vmul.f32 v13, v13  }
0x95: {  	v5 =	vadd.f32 v12, v5;
	v6 =	vmul.f32 v6, v6;
	v7 =	vadd.f32 v7, v8  }
0x96: {  	v8 =	vadd.f32 v10, v9;
	v9 =	vmul.f32 v12, v12  }
0x97: {  	v4 =	vadd.f32 v14, v4;
	v5 =	vmul.f32 v5, v5;
	v6 =	vadd.f32 v6, v7  }
0x98: {  	v7 =	vadd.f32 v9, v8  }
0x99: {  	v8 =	vmul.f32 v14, v14;
	v4 =	vmul.f32 v4, v4;
	v5 =	vadd.f32 v5, v6;
	_ =	sdelay $0x1  }
0x9a: {  	v6 =	vadd.f32 v8, v7;
	v4 =	vadd.f32 v4, v5;
	_ =	sdelay $0x1  }
0x9b: {  	v4 =	vsub.f32 v4, v6  }
0x9c: {  	v3 =	vadd.s32 v3, v16  }
0x9d: {  	v3 =	vcvt.s32.f32 v3;
	v4 =	vmul.f32 $5.000000000e-01, v4;
	_ =	sdelay $0x1  }
0x9e: {  	s16 =	sshll.u32 s31, $0x5;
	v3 =	vadd.f32 v3, v4  }
0x9f: {  	s14 =	sand.u32 $0x3FFFFFE0, s16  }
0xa0: {  	s16 =	sadd.s32 $0x1040, s12;
	[tilespmem:s14+$0x1BA00] =	vst v3  }
0xa1: {  	[tilespmem:s11], [sflag:$0x1] =	stream.indirect.gather [hbm4b:s3+s10], $0x80, s16, s10, $0xb8;
	[tilespmem:$0x1BA80] =	vst v63  }
0xa2: {  	s16 =	sadd.s32 $0x10A8, s12  }
0xa3: {  	[tilespmem:s13], [sflag:$0x1] =	stream.indirect.gather [hbm4b:s3+s10], $0x80, s16, s10, $0xb8;
	[tilespmem:$0x1BA80] =	vst v63  }
0xa4: {  	s16 =	sadd.s32 $0x1110, s12  }
0xa5: {  	[tilespmem:s15], [sflag:$0x1] =	stream.indirect.gather [hbm4b:s3+s10], $0x80, s16, s10, $0xb8;
	[tilespmem:$0x1BA80] =	vst v63  }
0xa6: {  	s14 =	sadd.s32 $0x1178, s12;
	v3 =	vadd.s32 s0, v0  }
0xa7: {  	[tilespmem:s17], [sflag:$0x1] =	stream.indirect.gather [hbm4b:s3+s10], $0x80, s14, s10, $0xb8;
	[tilespmem:$0x1BA80] =	vst v63  }
0xa8: {  	_ =	swait.ge [sflag:s23], $0xD000  }
0xa9: {  	[sflag:s23] =	ssyncset.done $0x0  }
0xaa: {  	[sflag:s23] =	ssyncadd.s32 $0xFFFF3000  }
0xab: {  	v3 =	vld.idx.msk [tilespmem:v3+s2+$0x0], $0xffff;
	_ =	sdelay $0x2  }
0xac: {  	s16 =	simm.s32 $0x0  }
0xad: {  	v4 =	vmov s16  }
0xae: {  	v4 =	vshll.u32 v4, $0x7;
	v5 =	vshll.u32 v3, $0x4  }
0xaf: {  	v4 =	vadd.s32 v2, v4;
	v5 =	vand.u32 $0x70, v5  }
0xb0: {  	v18 =	vor.u32 v4, v5;
	_ =	sdelay $0x1  }
0xb1: {  	v4 =	vor.u32 $0x1, v18;
	_ =	sdelay $0x1  }
0xb2: {  	v5 =	vor.u32 $0x2, v18  }
0xb3: {  	v6 =	vld.idx.msk [tilespmem:v18+s18+$0x0], $0xffff  }
0xb4: {  	v7 =	vor.u32 $0x3, v18  }
0xb5: {  	v4 =	vld.idx.msk [tilespmem:v4+s18+$0x0], $0xffff  }
0xb6: {  	v8 =	vor.u32 $0x4, v18  }
0xb7: {  	v5 =	vld.idx.msk [tilespmem:v5+s18+$0x0], $0xffff  }
0xb8: {  	v9 =	vor.u32 $0x5, v18;
	v10 =	vmul.f32 v6, v6  }
0xb9: {  	v20 =	vimm.f32 $0.0e+00;
	v21 =	vimm.f32 $0.0e+00;
	v12 =	vimm.f32 $0.0e+00;
	v7 =	vld.idx.msk [tilespmem:v7+s18+$0x0], $0xffff  }
0xba: {  	v11 =	vor.u32 $0x6, v18;
	v13 =	vmul.f32 v4, v4;
	v10 =	vadd.f32 v10, v12  }
0xbb: {  	v22 =	vadd.s32 s0, v1;
	v14 =	vimm.s32 $0x0;
	v8 =	vld.idx.msk [tilespmem:v8+s18+$0x0], $0xffff;
	v15 =	vadd.f32 v4, v12  }
0xbc: {  	v4 =	vor.u32 $0x7, v18;
	v10 =	vadd.f32 v13, v10;
	v13 =	vmul.f32 v5, v5  }
0xbd: {  	v19 =	vimm.f32 $0.0e+00;
	v3 =	vadd.s32 v14, v3;
	v16 =	vor.u32 $0x8, v18;
	v9 =	vld.idx.msk [tilespmem:v9+s18+$0x0], $0xffff  }
0xbe: {  	v14 =	vadd.f32 v6, v12;
	v6 =	vadd.f32 v13, v10;
	v10 =	vmul.f32 v7, v7  }
0xbf: {  	v13 =	vadd.f32 v5, v12;
	v5 =	vld.idx.msk [tilespmem:v11+s18+$0x0], $0xffff;
	v11 =	vadd.f32 v7, v12;
	v7 =	vor.u32 $0x9, v18  }
0xc0: {  	v31 =	vadd.s32 s16, v22;
	v17 =	vmul.f32 v8, v8;
	v6 =	vadd.f32 v10, v6  }
0xc1: {  	v28 =	vor.u32 $0xA, v18;
	v26 =	vor.u32 $0xB, v18;
	v27 =	vor.u32 $0xC, v18;
	v24 =	vld.idx.msk [tilespmem:v4+s18+$0x0], $0xffff  }
0xc2: {  	v10 =	vadd.f32 v8, v12;
	v8 =	vmul.f32 v9, v9;
	v6 =	vadd.f32 v17, v6  }
0xc3: {  	v25 =	vld.idx.msk [tilespmem:v16+s18+$0x0], $0xffff;
	v4 =	vimm.f32 $0.0e+00;
	v9 =	vadd.f32 v9, v12;
	v17 =	vimm.f32 $0.0e+00  }
0xc4: {  	v30 =	vmul.f32 v5, v5;
	v23 =	vld.idx.msk [tilespmem:v7+s18+$0x0], $0xffff;
	v7 =	vimm.f32 $0.0e+00;
	v29 =	vadd.f32 v8, v6  }
0xc5: {  	s0 =	simm.s32 $0x1;
	s12 =	simm.s32 $0x2;
	v16 =	vld.idx.msk [tilespmem:v31+s2+$0x0], $0xffff;
	v8 =	vadd.f32 v5, v12;
	v6 =	vimm.f32 $0.0e+00;
	v5 =	vimm.f32 $0.0e+00  }
.LBB2_5:
0xc6: {  	p0 =	sne.s32 s12, $0x19;
	v29 =	vadd.f32 v30, v29;
	v30 =	vmul.f32 v24, v24;
	v12 =	vadd.f32 v24, v12;
	v24 =	vld.idx.msk [tilespmem:v28+s18+$0x0], $0xffff  }
0xc7: {  	v28 =	vor.u32 $0xD, v18  }
0xc8: {  	v20 =	vadd.f32 v25, v20;
	v29 =	vadd.f32 v30, v29;
	v30 =	vmul.f32 v25, v25;
	v25 =	vld.idx.msk [tilespmem:v26+s18+$0x0], $0xffff  }
0xc9: {  	v31 =	vor.u32 $0xE, v18;
	v26 =	vmov s0  }
0xca: {  	v26 =	vshll.u32 v26, $0x7;
	v29 =	vadd.f32 v30, v29;
	v30 =	vmul.f32 v23, v23;
	v27 =	vld.idx.msk [tilespmem:v27+s18+$0x0], $0xffff  }
0xcb: {  	v33 =	vor.u32 $0xF, v18;
	v32 =	vshll.u32 v16, $0x4;
	v26 =	vadd.s32 v2, v26  }
0xcc: {  	v18 =	vand.u32 $0x70, v32;
	v29 =	vadd.f32 v30, v29;
	v30 =	vmul.f32 v24, v24;
	v28 =	vld.idx.msk [tilespmem:v28+s18+$0x0], $0xffff  }
0xcd: {  	v21 =	vadd.f32 v23, v21;
	v19 =	vadd.f32 v24, v19;
	v18 =	vor.u32 v26, v18  }
0xce: {  	v24 =	vmul.f32 v25, v25;
	v17 =	vadd.f32 v25, v17;
	v23 =	vadd.f32 v30, v29;
	v25 =	vld.idx.msk [tilespmem:v31+s18+$0x0], $0xffff  }
0xcf: {  	v3 =	vadd.s32 v3, v16;
	v16 =	vor.u32 $0x1, v18  }
0xd0: {  	v7 =	vadd.f32 v27, v7;
	v23 =	vadd.f32 v24, v23;
	v24 =	vmul.f32 v27, v27;
	v26 =	vld.idx.msk [tilespmem:v33+s18+$0x0], $0xffff  }
0xd1: {  	v27 =	vor.u32 $0x2, v18  }
0xd2: {  	v6 =	vadd.f32 v28, v6;
	v29 =	vld.idx.msk [tilespmem:v18+s18+$0x0], $0xffff;
	v23 =	vadd.f32 v24, v23;
	v24 =	vmul.f32 v28, v28  }
0xd3: {  	v28 =	vor.u32 $0x3, v18  }
0xd4: {  	v5 =	vadd.f32 v25, v5;
	v16 =	vld.idx.msk [tilespmem:v16+s18+$0x0], $0xffff;
	v23 =	vadd.f32 v24, v23;
	v24 =	vmul.f32 v25, v25  }
0xd5: {  	v25 =	vor.u32 $0x4, v18  }
0xd6: {  	v4 =	vadd.f32 v26, v4;
	v27 =	vld.idx.msk [tilespmem:v27+s18+$0x0], $0xffff;
	v23 =	vadd.f32 v24, v23;
	v24 =	vmul.f32 v26, v26  }
0xd7: {  	v26 =	vor.u32 $0x5, v18  }
0xd8: {  	v30 =	vmul.f32 v29, v29;
	v14 =	vadd.f32 v29, v14;
	v28 =	vld.idx.msk [tilespmem:v28+s18+$0x0], $0xffff;
	v23 =	vadd.f32 v24, v23  }
0xd9: {  	v24 =	vor.u32 $0x6, v18  }
0xda: {  	v29 =	vmul.f32 v16, v16;
	v15 =	vadd.f32 v16, v15;
	v23 =	vadd.f32 v30, v23;
	v16 =	vld.idx.msk [tilespmem:v25+s18+$0x0], $0xffff  }
0xdb: {  	v25 =	vor.u32 $0x7, v18  }
0xdc: {  	v13 =	vadd.f32 v27, v13;
	v23 =	vadd.f32 v29, v23;
	v29 =	vmul.f32 v27, v27;
	v26 =	vld.idx.msk [tilespmem:v26+s18+$0x0], $0xffff  }
0xdd: {  	v27 =	vor.u32 $0x8, v18  }
0xde: {  	v11 =	vadd.f32 v28, v11;
	v23 =	vadd.f32 v29, v23;
	v29 =	vmul.f32 v28, v28;
	v31 =	vld.idx.msk [tilespmem:v24+s18+$0x0], $0xffff  }
0xdf: {  	v32 =	vor.u32 $0x9, v18  }
0xe0: {  	v33 =	vadd.s32 s0, v22;
	s0 =	smov.u32 s12;
	v23 =	vadd.f32 v29, v23;
	v29 =	vmul.f32 v16, v16;
	v24 =	vld.idx.msk [tilespmem:v25+s18+$0x0], $0xffff  }
.Ltmp1:
0xe1: {  	v28 =	vor.u32 $0xA, v18;
	v10 =	vadd.f32 v16, v10;
	(pc) =	sbr.rel @p0 .LBB2_5-.Ltmp1, $4  }
0xe2: {  	v9 =	vadd.f32 v26, v9;
	v16 =	vadd.f32 v29, v23;
	v23 =	vmul.f32 v26, v26;
	v25 =	vld.idx.msk [tilespmem:v27+s18+$0x0], $0xffff  }
0xe3: {  	v26 =	vor.u32 $0xB, v18  }
0xe4: {  	v30 =	vmul.f32 v31, v31;
	v8 =	vadd.f32 v31, v8;
	v29 =	vadd.f32 v23, v16;
	v23 =	vld.idx.msk [tilespmem:v32+s18+$0x0], $0xffff  }
0xe5: {  	s12 =	sadd.s32 $0x1, s12;
	v27 =	vor.u32 $0xC, v18;
	v16 =	vld.idx.msk [tilespmem:v33+s2+$0x0], $0xffff  }
0xe6: {  	_ =	sdelay $0x2  }
0xe7: {  	v22 =	vadd.f32 v30, v29;
	v37 =	vmul.f32 v24, v24  }
0xe8: {  	v28 =	vld.idx.msk [tilespmem:v28+s18+$0x0], $0xffff  }
0xe9: {  	v38 =	vor.u32 $0xD, v18;
	v39 =	vmul.f32 v25, v25;
	v22 =	vadd.f32 v37, v22  }
0xea: {  	v26 =	vld.idx.msk [tilespmem:v26+s18+$0x0], $0xffff;
	v31 =	vmov s0;
	v32 =	vor.u32 $0xE, v18  }
0xeb: {  	v31 =	vshll.u32 v31, $0x7;
	v40 =	vmul.f32 v23, v23;
	v22 =	vadd.f32 v39, v22  }
0xec: {  	v27 =	vld.idx.msk [tilespmem:v27+s18+$0x0], $0xffff;
	v41 =	vor.u32 $0xF, v18;
	v31 =	vadd.s32 v2, v31;
	v33 =	vshll.u32 v16, $0x4  }
0xed: {  	v42 =	vmul.f32 v28, v28;
	v33 =	vand.u32 $0x70, v33;
	v22 =	vadd.f32 v40, v22  }
0xee: {  	v30 =	vld.idx.msk [tilespmem:v38+s18+$0x0], $0xffff;
	v31 =	vor.u32 v31, v33  }
0xef: {  	v43 =	vmul.f32 v26, v26;
	v33 =	vor.u32 $0x1, v31;
	v22 =	vadd.f32 v42, v22  }
0xf0: {  	v32 =	vld.idx.msk [tilespmem:v32+s18+$0x0], $0xffff;
	v34 =	vor.u32 $0x2, v31  }
0xf1: {  	v44 =	vmul.f32 v27, v27;
	v22 =	vadd.f32 v43, v22  }
0xf2: {  	v18 =	vld.idx.msk [tilespmem:v41+s18+$0x0], $0xffff;
	v36 =	vor.u32 $0x3, v31  }
0xf3: {  	v45 =	vmul.f32 v30, v30;
	v35 =	vld.idx.msk [tilespmem:v31+s18+$0x0], $0xffff;
	v22 =	vadd.f32 v44, v22  }
0xf4: {  	v47 =	vor.u32 $0x4, v31;
	v33 =	vld.idx.msk [tilespmem:v33+s18+$0x0], $0xffff  }
0xf5: {  	v12 =	vadd.f32 v24, v12;
	v46 =	vmul.f32 v32, v32;
	v34 =	vld.idx.msk [tilespmem:v34+s18+$0x0], $0xffff;
	v22 =	vadd.f32 v45, v22  }
0xf6: {  	v20 =	vadd.f32 v25, v20;
	v21 =	vadd.f32 v23, v21;
	v49 =	vor.u32 $0x5, v31  }
0xf7: {  	v19 =	vadd.f32 v28, v19;
	v48 =	vmul.f32 v18, v18;
	v51 =	vld.idx.msk [tilespmem:v36+s18+$0x0], $0xffff;
	v22 =	vadd.f32 v46, v22  }
0xf8: {  	v17 =	vadd.f32 v26, v17;
	v52 =	vor.u32 $0x6, v31;
	v14 =	vadd.f32 v35, v14  }
0xf9: {  	v24 =	vld.idx.msk [tilespmem:v47+s18+$0x0], $0xffff;
	v50 =	vmul.f32 v35, v35;
	v15 =	vadd.f32 v33, v15;
	v22 =	vadd.f32 v48, v22  }
0xfa: {  	v53 =	vor.u32 $0x7, v31;
	v33 =	vmul.f32 v33, v33;
	v13 =	vadd.f32 v34, v13  }
0xfb: {  	v23 =	vld.idx.msk [tilespmem:v49+s18+$0x0], $0xffff;
	v14 =	vmul.f32 v14, v14;
	v15 =	vmul.f32 v15, v15;
	v22 =	vadd.f32 v50, v22  }
0xfc: {  	v55 =	vor.u32 $0x8, v31;
	v54 =	vmul.f32 v34, v34;
	v11 =	vadd.f32 v51, v11  }
0xfd: {  	v25 =	vld.idx.msk [tilespmem:v52+s18+$0x0], $0xffff;
	v13 =	vmul.f32 v13, v13;
	v14 =	vadd.f32 v15, v14;
	v22 =	vadd.f32 v33, v22  }
0xfe: {  	v57 =	vor.u32 $0x9, v31;
	v56 =	vmul.f32 v51, v51;
	v10 =	vadd.f32 v24, v10  }
0xff: {  	v59 =	vld.idx.msk [tilespmem:v53+s18+$0x0], $0xffff;
	v11 =	vmul.f32 v11, v11;
	v13 =	vadd.f32 v13, v14;
	v15 =	vadd.f32 v54, v22  }
0x100: {  	v60 =	vor.u32 $0xA, v31;
	v58 =	vmul.f32 v24, v24;
	v9 =	vadd.f32 v23, v9  }
0x101: {  	v63 =	vld.idx.msk [tilespmem:v55+s18+$0x0], $0xffff;
	v10 =	vmul.f32 v10, v10;
	v11 =	vadd.f32 v11, v13;
	v15 =	vadd.f32 v56, v15  }
0x102: {  	v29 =	vor.u32 $0xB, v31;
	v62 =	vmul.f32 v23, v23;
	v8 =	vadd.f32 v25, v8  }
0x103: {  	v9 =	vmul.f32 v9, v9;
	v14 =	vld.idx.msk [tilespmem:v57+s18+$0x0], $0xffff;
	v10 =	vadd.f32 v10, v11;
	v61 =	vadd.f32 v58, v15  }
0x104: {  	v35 =	vor.u32 $0xC, v31;
	v34 =	vmul.f32 v25, v25;
	v12 =	vadd.f32 v59, v12  }
0x105: {  	v38 =	vld.idx.msk [tilespmem:v60+s18+$0x0], $0xffff;
	v8 =	vmul.f32 v8, v8;
	v9 =	vadd.f32 v9, v10;
	v33 =	vadd.f32 v62, v61  }
0x106: {  	v39 =	vor.u32 $0xD, v31;
	v37 =	vmul.f32 v59, v59;
	v20 =	vadd.f32 v63, v20  }
0x107: {  	v42 =	vld.idx.msk [tilespmem:v29+s18+$0x0], $0xffff;
	v40 =	vmul.f32 v12, v12;
	v8 =	vadd.f32 v8, v9;
	v36 =	vadd.f32 v34, v33  }
0x108: {  	v43 =	vor.u32 $0xE, v31;
	v41 =	vmul.f32 v63, v63;
	v21 =	vadd.f32 v14, v21  }
0x109: {  	v44 =	vmul.f32 v20, v20;
	v46 =	vld.idx.msk [tilespmem:v35+s18+$0x0], $0xffff;
	v8 =	vadd.f32 v40, v8;
	v10 =	vadd.f32 v37, v36  }
0x10a: {  	v47 =	vor.u32 $0xF, v31;
	v19 =	vadd.f32 v38, v19;
	v45 =	vmul.f32 v14, v14  }
0x10b: {  	v50 =	vld.idx.msk [tilespmem:v39+s18+$0x0], $0xffff;
	v48 =	vmul.f32 v21, v21;
	v8 =	vadd.f32 v44, v8;
	v10 =	vadd.f32 v41, v10  }
0x10c: {  	v7 =	vadd.f32 v27, v7;
	v49 =	vmul.f32 v38, v38;
	v17 =	vadd.f32 v42, v17  }
0x10d: {  	v53 =	vld.idx.msk [tilespmem:v43+s18+$0x0], $0xffff;
	v51 =	vmul.f32 v19, v19;
	v8 =	vadd.f32 v48, v8;
	v10 =	vadd.f32 v45, v10  }
0x10e: {  	v6 =	vadd.f32 v30, v6;
	v52 =	vmul.f32 v42, v42;
	v7 =	vadd.f32 v46, v7  }
0x10f: {  	v54 =	vmul.f32 v17, v17;
	v56 =	vld.idx.msk [tilespmem:v47+s18+$0x0], $0xffff;
	v8 =	vadd.f32 v51, v8;
	v10 =	vadd.f32 v49, v10  }
0x110: {  	v5 =	vadd.f32 v32, v5;
	v6 =	vadd.f32 v50, v6;
	v55 =	vmul.f32 v46, v46  }
0x111: {  	v7 =	vmul.f32 v7, v7;
	v8 =	vadd.f32 v54, v8;
	v10 =	vadd.f32 v52, v10  }
0x112: {  	v4 =	vadd.f32 v18, v4;
	v5 =	vadd.f32 v53, v5;
	v6 =	vmul.f32 v6, v6  }
0x113: {  	v58 =	vmul.f32 v50, v50;
	v7 =	vadd.f32 v7, v8;
	v57 =	vadd.f32 v55, v10  }
0x114: {  	v60 =	vmul.f32 v53, v53;
	v4 =	vadd.f32 v56, v4  }
0x115: {  	v5 =	vmul.f32 v5, v5;
	v6 =	vadd.f32 v6, v7;
	v59 =	vadd.f32 v58, v57  }
0x116: {  	v62 =	vmul.f32 v56, v56  }
0x117: {  	v4 =	vmul.f32 v4, v4;
	v5 =	vadd.f32 v5, v6;
	v61 =	vadd.f32 v60, v59;
	_ =	sdelay $0x1  }
0x118: {  	v4 =	vadd.f32 v4, v5;
	v63 =	vadd.f32 v62, v61;
	_ =	sdelay $0x1  }
0x119: {  	s31 =	sadd.s32 $0x1, s31;
	v4 =	vsub.f32 v4, v63  }
0x11a: {  	p0 =	sne.s32 s31, $0x3;
	v3 =	vadd.s32 v3, v16  }
.Ltmp2:
0x11b: {  	v3 =	vcvt.s32.f32 v3;
	v4 =	vmul.f32 $5.000000000e-01, v4;
	(pc) =	sbr.rel @p0 .LBB2_2-.Ltmp2, $4  }
0x11c: {  	_ = 	snop  }
0x11d: {  	s16 =	sshll.u32 s1, $0x4;
	v3 =	vadd.f32 v3, v4  }
0x11e: {  	s0 =	sand.u32 $0x3FFFFFF0, s16  }
0x11f: {  	[tilespmem:s0+$0x1BA00] =	vst v3  }
0x120: {  	[tilespmem:s18], [sflag:$0x2] =	stream.indirect.gather [hbm4b:s3+s10], $0x80, s24, s10, $0xb8;
	[tilespmem:$0x1BA80] =	vst v63  }
0x121: {  	_ = 	snop  }
0x122: {  	[tilespmem:s19], [sflag:$0x2] =	stream.indirect.gather [hbm4b:s3+s10], $0x80, s25, s10, $0xb8;
	[tilespmem:$0x1BA80] =	vst v63  }
0x123: {  	s0 =	simm.s32 $0x0  }
0x124: {  	v21 =	vadd.s32 $0x9C0, v0;
	[tilespmem:s20], [sflag:$0x2] =	stream.indirect.gather [hbm4b:s3+s10], $0x80, s26, s10, $0xb8;
	[tilespmem:$0x1BA80] =	vst v63  }
0x125: {  	v3 =	vadd.s32 s0, v21  }
0x126: {  	[tilespmem:s21], [sflag:$0x2] =	stream.indirect.gather [hbm4b:s3+s10], $0x80, s28, s10, $0xb8;
	[tilespmem:$0x1BA80] =	vst v63  }
0x127: {  	_ =	swait.ge [sflag:s22], $0xD000  }
0x128: {  	[sflag:s22] =	ssyncset.done $0x0  }
0x129: {  	[sflag:s22] =	ssyncadd.s32 $0xFFFF3000  }
0x12a: {  	v3 =	vld.idx.msk [tilespmem:v3+s2+$0x0], $0xffff;
	_ =	sdelay $0x3  }
0x12b: {  	v4 =	vmov s0  }
0x12c: {  	v4 =	vshll.u32 v4, $0x7;
	v5 =	vshll.u32 v3, $0x4  }
0x12d: {  	v4 =	vadd.s32 v2, v4;
	v5 =	vand.u32 $0x70, v5  }
0x12e: {  	v19 =	vor.u32 v4, v5;
	_ =	sdelay $0x1  }
0x12f: {  	v4 =	vor.u32 $0x1, v19;
	_ =	sdelay $0x1  }
0x130: {  	v5 =	vor.u32 $0x2, v19  }
0x131: {  	v7 =	vor.u32 $0x3, v19;
	v6 =	vld.idx.msk [tilespmem:v19+s11+$0x0], $0xffff;
	_ =	sdelay $0x1  }
0x132: {  	v12 =	vor.u32 $0x4, v19;
	v4 =	vld.idx.msk [tilespmem:v4+s11+$0x0], $0xffff  }
0x133: {  	v8 =	vimm.s32 $0x0;
	v14 =	vimm.f32 $0.0e+00;
	v13 =	vor.u32 $0x5, v19  }
0x134: {  	v20 =	vimm.f32 $0.0e+00;
	v17 =	vimm.f32 $0.0e+00;
	v18 =	vimm.f32 $0.0e+00;
	v5 =	vld.idx.msk [tilespmem:v5+s11+$0x0], $0xffff  }
0x135: {  	v15 =	vimm.f32 $0.0e+00;
	v16 =	vimm.f32 $0.0e+00;
	v7 =	vld.idx.msk [tilespmem:v7+s11+$0x0], $0xffff;
	v9 =	vmul.f32 v6, v6  }
0x136: {  	v3 =	vadd.s32 v8, v3;
	v10 =	vadd.f32 v6, v14;
	v6 =	vor.u32 $0x6, v19  }
0x137: {  	v27 =	vor.u32 $0x7, v19;
	v22 =	vld.idx.msk [tilespmem:v12+s11+$0x0], $0xffff;
	v8 =	vadd.f32 v9, v14;
	v9 =	vmul.f32 v4, v4  }
0x138: {  	v25 =	vor.u32 $0x8, v19;
	v26 =	vor.u32 $0x9, v19;
	v24 =	vld.idx.msk [tilespmem:v13+s11+$0x0], $0xffff;
	v13 =	vimm.f32 $0.0e+00  }
0x139: {  	v11 =	vadd.f32 v4, v14;
	v4 =	vadd.f32 v9, v8;
	v8 =	vmul.f32 v5, v5  }
0x13a: {  	v12 =	vimm.f32 $0.0e+00;
	v29 =	vmul.f32 v7, v7;
	v9 =	vadd.f32 v5, v14  }
0x13b: {  	v5 =	vimm.f32 $0.0e+00;
	v23 =	vld.idx.msk [tilespmem:v6+s11+$0x0], $0xffff;
	v6 =	vimm.f32 $0.0e+00;
	v28 =	vadd.f32 v8, v4  }
0x13c: {  	s1 =	simm.s32 $0x2;
	s0 =	simm.s32 $0x1;
	v8 =	vadd.f32 v7, v14;
	v7 =	vimm.f32 $0.0e+00;
	v4 =	vimm.f32 $0.0e+00  }
.LBB2_8:
0x13d: {  	p0 =	sne.s32 s1, $0x19;
	v30 =	vadd.s32 s0, v21;
	v28 =	vadd.f32 v29, v28;
	v29 =	vmul.f32 v22, v22;
	v27 =	vld.idx.msk [tilespmem:v27+s11+$0x0], $0xffff  }
0x13e: {  	v14 =	vadd.f32 v22, v14;
	v22 =	vor.u32 $0xA, v19  }
0x13f: {  	v20 =	vadd.f32 v24, v20;
	v28 =	vadd.f32 v29, v28;
	v29 =	vmul.f32 v24, v24;
	v24 =	vld.idx.msk [tilespmem:v25+s11+$0x0], $0xffff  }
0x140: {  	v25 =	vor.u32 $0xB, v19  }
0x141: {  	v17 =	vadd.f32 v23, v17;
	v28 =	vadd.f32 v29, v28;
	v29 =	vmul.f32 v23, v23;
	v23 =	vld.idx.msk [tilespmem:v26+s11+$0x0], $0xffff  }
0x142: {  	v26 =	vld.idx.msk [tilespmem:v30+s2+$0x0], $0xffff;
	v30 =	vor.u32 $0xC, v19  }
0x143: {  	v18 =	vadd.f32 v27, v18;
	v28 =	vadd.f32 v29, v28;
	v29 =	vmul.f32 v27, v27;
	v22 =	vld.idx.msk [tilespmem:v22+s11+$0x0], $0xffff  }
0x144: {  	v27 =	vor.u32 $0xD, v19  }
0x145: {  	v15 =	vadd.f32 v24, v15;
	v28 =	vadd.f32 v29, v28;
	v29 =	vmul.f32 v24, v24;
	v24 =	vld.idx.msk [tilespmem:v25+s11+$0x0], $0xffff  }
0x146: {  	v31 =	vor.u32 $0xE, v19;
	v25 =	vmov s0;
	s0 =	smov.u32 s1  }
0x147: {  	v25 =	vshll.u32 v25, $0x7;
	v28 =	vadd.f32 v29, v28;
	v29 =	vmul.f32 v23, v23;
	v30 =	vld.idx.msk [tilespmem:v30+s11+$0x0], $0xffff  }
0x148: {  	v33 =	vor.u32 $0xF, v19;
	v32 =	vshll.u32 v26, $0x4;
	v25 =	vadd.s32 v2, v25  }
0x149: {  	v19 =	vand.u32 $0x70, v32;
	v28 =	vadd.f32 v29, v28;
	v29 =	vmul.f32 v22, v22;
	v27 =	vld.idx.msk [tilespmem:v27+s11+$0x0], $0xffff  }
0x14a: {  	v16 =	vadd.f32 v23, v16;
	v13 =	vadd.f32 v22, v13;
	v19 =	vor.u32 v25, v19  }
0x14b: {  	v23 =	vmul.f32 v24, v24;
	v12 =	vadd.f32 v24, v12;
	v22 =	vadd.f32 v29, v28;
	v24 =	vld.idx.msk [tilespmem:v31+s11+$0x0], $0xffff  }
0x14c: {  	v3 =	vadd.s32 v3, v26;
	v25 =	vor.u32 $0x1, v19  }
0x14d: {  	v7 =	vadd.f32 v30, v7;
	v22 =	vadd.f32 v23, v22;
	v23 =	vmul.f32 v30, v30;
	v26 =	vld.idx.msk [tilespmem:v33+s11+$0x0], $0xffff  }
0x14e: {  	v28 =	vor.u32 $0x2, v19  }
0x14f: {  	v6 =	vadd.f32 v27, v6;
	v29 =	vld.idx.msk [tilespmem:v19+s11+$0x0], $0xffff;
	v22 =	vadd.f32 v23, v22;
	v23 =	vmul.f32 v27, v27  }
0x150: {  	v27 =	vor.u32 $0x3, v19  }
0x151: {  	v5 =	vadd.f32 v24, v5;
	v25 =	vld.idx.msk [tilespmem:v25+s11+$0x0], $0xffff;
	v22 =	vadd.f32 v23, v22;
	v23 =	vmul.f32 v24, v24  }
0x152: {  	v24 =	vor.u32 $0x4, v19  }
0x153: {  	v4 =	vadd.f32 v26, v4;
	v28 =	vld.idx.msk [tilespmem:v28+s11+$0x0], $0xffff;
	v22 =	vadd.f32 v23, v22;
	v23 =	vmul.f32 v26, v26  }
0x154: {  	v26 =	vor.u32 $0x5, v19  }
0x155: {  	v30 =	vmul.f32 v29, v29;
	v10 =	vadd.f32 v29, v10;
	v31 =	vld.idx.msk [tilespmem:v27+s11+$0x0], $0xffff;
	v22 =	vadd.f32 v23, v22  }
0x156: {  	v23 =	vor.u32 $0x6, v19  }
0x157: {  	v11 =	vadd.f32 v25, v11;
	v29 =	vadd.f32 v30, v22;
	v30 =	vmul.f32 v25, v25;
	v22 =	vld.idx.msk [tilespmem:v24+s11+$0x0], $0xffff  }
.Ltmp3:
0x158: {  	v27 =	vor.u32 $0x7, v19;
	(pc) =	sbr.rel @p0 .LBB2_8-.Ltmp3, $4  }
0x159: {  	v9 =	vadd.f32 v28, v9;
	v29 =	vadd.f32 v30, v29;
	v30 =	vmul.f32 v28, v28;
	v24 =	vld.idx.msk [tilespmem:v26+s11+$0x0], $0xffff  }
0x15a: {  	v25 =	vor.u32 $0x8, v19  }
0x15b: {  	v8 =	vadd.f32 v31, v8;
	v28 =	vadd.f32 v30, v29;
	v29 =	vmul.f32 v31, v31;
	v23 =	vld.idx.msk [tilespmem:v23+s11+$0x0], $0xffff  }
0x15c: {  	s1 =	sadd.s32 $0x1, s1;
	v26 =	vor.u32 $0x9, v19  }
0x15d: {  	_ =	sdelay $0x2  }
0x15e: {  	v28 =	vadd.f32 v29, v28;
	v29 =	vmul.f32 v22, v22  }
0x15f: {  	v21 =	vadd.s32 s0, v21;
	v27 =	vld.idx.msk [tilespmem:v27+s11+$0x0], $0xffff  }
0x160: {  	v30 =	vor.u32 $0xA, v19;
	v28 =	vadd.f32 v29, v28;
	v29 =	vmul.f32 v24, v24  }
0x161: {  	v25 =	vld.idx.msk [tilespmem:v25+s11+$0x0], $0xffff  }
0x162: {  	v31 =	vor.u32 $0xB, v19;
	v28 =	vadd.f32 v29, v28;
	v29 =	vmul.f32 v23, v23  }
0x163: {  	v26 =	vld.idx.msk [tilespmem:v26+s11+$0x0], $0xffff  }
0x164: {  	v32 =	vor.u32 $0xC, v19;
	v21 =	vld.idx.msk [tilespmem:v21+s2+$0x0], $0xffff;
	v28 =	vadd.f32 v29, v28;
	v29 =	vmul.f32 v27, v27  }
0x165: {  	v30 =	vld.idx.msk [tilespmem:v30+s11+$0x0], $0xffff  }
0x166: {  	v33 =	vor.u32 $0xD, v19;
	v28 =	vadd.f32 v29, v28;
	v29 =	vmul.f32 v25, v25  }
0x167: {  	v34 =	vmov s0;
	v31 =	vld.idx.msk [tilespmem:v31+s11+$0x0], $0xffff  }
0x168: {  	v35 =	vor.u32 $0xE, v19;
	v28 =	vadd.f32 v29, v28;
	v29 =	vmul.f32 v26, v26  }
0x169: {  	v19 =	vor.u32 $0xF, v19;
	v34 =	vshll.u32 v34, $0x7;
	v32 =	vld.idx.msk [tilespmem:v32+s11+$0x0], $0xffff  }
0x16a: {  	v36 =	vshll.u32 v21, $0x4;
	v28 =	vadd.f32 v29, v28;
	v29 =	vmul.f32 v30, v30  }
0x16b: {  	v34 =	vadd.s32 v2, v34;
	v33 =	vld.idx.msk [tilespmem:v33+s11+$0x0], $0xffff;
	v36 =	vand.u32 $0x70, v36  }
0x16c: {  	v34 =	vor.u32 v34, v36;
	v28 =	vadd.f32 v29, v28;
	v29 =	vmul.f32 v31, v31  }
0x16d: {  	v35 =	vld.idx.msk [tilespmem:v35+s11+$0x0], $0xffff;
	v36 =	vor.u32 $0x1, v34  }
0x16e: {  	v28 =	vadd.f32 v29, v28;
	v29 =	vmul.f32 v32, v32  }
0x16f: {  	v19 =	vld.idx.msk [tilespmem:v19+s11+$0x0], $0xffff;
	v37 =	vor.u32 $0x2, v34  }
0x170: {  	v28 =	vadd.f32 v29, v28;
	v29 =	vmul.f32 v33, v33  }
0x171: {  	v14 =	vadd.f32 v22, v14;
	v20 =	vadd.f32 v24, v20;
	v22 =	vld.idx.msk [tilespmem:v34+s11+$0x0], $0xffff  }
0x172: {  	v24 =	vor.u32 $0x3, v34;
	v36 =	vld.idx.msk [tilespmem:v36+s11+$0x0], $0xffff;
	v28 =	vadd.f32 v29, v28;
	v29 =	vmul.f32 v35, v35  }
0x173: {  	v17 =	vadd.f32 v23, v17;
	v18 =	vadd.f32 v27, v18  }
0x174: {  	v23 =	vor.u32 $0x4, v34;
	v27 =	vld.idx.msk [tilespmem:v37+s11+$0x0], $0xffff;
	v28 =	vadd.f32 v29, v28;
	v29 =	vmul.f32 v19, v19  }
0x175: {  	v15 =	vadd.f32 v25, v15;
	v25 =	vor.u32 $0x5, v34  }
0x176: {  	v16 =	vadd.f32 v26, v16;
	v26 =	vadd.f32 v29, v28;
	v28 =	vmul.f32 v22, v22  }
0x177: {  	v10 =	vadd.f32 v22, v10;
	v11 =	vadd.f32 v36, v11;
	v22 =	vld.idx.msk [tilespmem:v24+s11+$0x0], $0xffff  }
0x178: {  	v24 =	vadd.f32 v28, v26;
	v26 =	vor.u32 $0x6, v34;
	v28 =	vmul.f32 v36, v36  }
0x179: {  	v23 =	vld.idx.msk [tilespmem:v23+s11+$0x0], $0xffff;
	v9 =	vadd.f32 v27, v9;
	v10 =	vmul.f32 v10, v10;
	v11 =	vmul.f32 v11, v11  }
0x17a: {  	v13 =	vadd.f32 v30, v13;
	v25 =	vld.idx.msk [tilespmem:v25+s11+$0x0], $0xffff;
	v24 =	vadd.f32 v28, v24;
	v28 =	vor.u32 $0x7, v34  }
0x17b: {  	v9 =	vmul.f32 v9, v9;
	v10 =	vadd.f32 v11, v10;
	v11 =	vmul.f32 v27, v27  }
0x17c: {  	v27 =	vor.u32 $0x8, v34;
	v8 =	vadd.f32 v22, v8;
	v22 =	vmul.f32 v22, v22  }
0x17d: {  	v9 =	vadd.f32 v9, v10;
	v10 =	vor.u32 $0x9, v34;
	v11 =	vadd.f32 v11, v24;
	v24 =	vld.idx.msk [tilespmem:v26+s11+$0x0], $0xffff  }
0x17e: {  	v12 =	vadd.f32 v31, v12;
	v14 =	vadd.f32 v23, v14;
	v8 =	vmul.f32 v8, v8  }
0x17f: {  	v20 =	vadd.f32 v25, v20;
	v11 =	vadd.f32 v22, v11;
	v22 =	vmul.f32 v23, v23;
	v23 =	vld.idx.msk [tilespmem:v28+s11+$0x0], $0xffff  }
0x180: {  	v26 =	vor.u32 $0xA, v34;
	v8 =	vadd.f32 v8, v9;
	v9 =	vmul.f32 v14, v14  }
0x181: {  	v14 =	vmul.f32 v25, v25;
	v25 =	vor.u32 $0xB, v34;
	v11 =	vadd.f32 v22, v11;
	v22 =	vld.idx.msk [tilespmem:v27+s11+$0x0], $0xffff  }
0x182: {  	v10 =	vld.idx.msk [tilespmem:v10+s11+$0x0], $0xffff;
	v8 =	vadd.f32 v9, v8;
	v9 =	vmul.f32 v20, v20;
	v17 =	vadd.f32 v24, v17  }
0x183: {  	v20 =	vor.u32 $0xC, v34;
	v11 =	vadd.f32 v14, v11;
	v14 =	vmul.f32 v24, v24  }
0x184: {  	v8 =	vadd.f32 v9, v8;
	v18 =	vadd.f32 v23, v18;
	v9 =	vmul.f32 v17, v17  }
0x185: {  	v11 =	vadd.f32 v14, v11;
	v14 =	vmul.f32 v23, v23;
	v17 =	vld.idx.msk [tilespmem:v26+s11+$0x0], $0xffff;
	v23 =	vor.u32 $0xD, v34  }
0x186: {  	v15 =	vadd.f32 v22, v15;
	v8 =	vadd.f32 v9, v8;
	v9 =	vmul.f32 v18, v18  }
0x187: {  	v16 =	vadd.f32 v10, v16;
	v11 =	vadd.f32 v14, v11;
	v14 =	vmul.f32 v22, v22;
	v18 =	vld.idx.msk [tilespmem:v25+s11+$0x0], $0xffff  }
0x188: {  	v22 =	vor.u32 $0xE, v34;
	v8 =	vadd.f32 v9, v8;
	v9 =	vmul.f32 v15, v15  }
0x189: {  	v10 =	vmul.f32 v10, v10;
	v11 =	vadd.f32 v14, v11;
	v14 =	vld.idx.msk [tilespmem:v20+s11+$0x0], $0xffff;
	v15 =	vor.u32 $0xF, v34  }
0x18a: {  	v13 =	vadd.f32 v17, v13;
	v8 =	vadd.f32 v9, v8;
	v9 =	vmul.f32 v16, v16  }
0x18b: {  	v7 =	vadd.f32 v32, v7;
	v10 =	vadd.f32 v10, v11;
	v11 =	vmul.f32 v17, v17;
	v16 =	vld.idx.msk [tilespmem:v23+s11+$0x0], $0xffff  }
0x18c: {  	v12 =	vadd.f32 v18, v12;
	v8 =	vadd.f32 v9, v8;
	v9 =	vmul.f32 v13, v13  }
0x18d: {  	v6 =	vadd.f32 v33, v6;
	v10 =	vadd.f32 v11, v10;
	v11 =	vmul.f32 v18, v18;
	v13 =	vld.idx.msk [tilespmem:v22+s11+$0x0], $0xffff  }
0x18e: {  	v7 =	vadd.f32 v14, v7;
	v8 =	vadd.f32 v9, v8;
	v9 =	vmul.f32 v12, v12  }
0x18f: {  	v5 =	vadd.f32 v35, v5;
	v10 =	vadd.f32 v11, v10;
	v11 =	vmul.f32 v14, v14;
	v12 =	vld.idx.msk [tilespmem:v15+s11+$0x0], $0xffff  }
0x190: {  	v6 =	vadd.f32 v16, v6;
	v7 =	vmul.f32 v7, v7;
	v8 =	vadd.f32 v9, v8  }
0x191: {  	v4 =	vadd.f32 v19, v4;
	v9 =	vadd.f32 v11, v10;
	v10 =	vmul.f32 v16, v16  }
0x192: {  	v5 =	vadd.f32 v13, v5;
	v6 =	vmul.f32 v6, v6;
	v7 =	vadd.f32 v7, v8  }
0x193: {  	v8 =	vadd.f32 v10, v9;
	v9 =	vmul.f32 v13, v13  }
0x194: {  	v4 =	vadd.f32 v12, v4;
	v5 =	vmul.f32 v5, v5;
	v6 =	vadd.f32 v6, v7  }
0x195: {  	v7 =	vadd.f32 v9, v8  }
0x196: {  	v8 =	vmul.f32 v12, v12;
	v4 =	vmul.f32 v4, v4;
	v5 =	vadd.f32 v5, v6;
	_ =	sdelay $0x1  }
0x197: {  	v6 =	vadd.f32 v8, v7;
	v4 =	vadd.f32 v4, v5;
	_ =	sdelay $0x1  }
0x198: {  	v4 =	vsub.f32 v4, v6  }
0x199: {  	v3 =	vadd.s32 v3, v21  }
0x19a: {  	v3 =	vcvt.s32.f32 v3;
	v4 =	vmul.f32 $5.000000000e-01, v4;
	_ =	sdelay $0x1  }
0x19b: {  	s31 =	simm.s32 $0x0;
	v21 =	vadd.s32 $0xB60, v0;
	v3 =	vadd.f32 v3, v4  }
0x19c: {  	v4 =	vadd.s32 s31, v21  }
0x19d: {  	[tilespmem:$0x1BA60] =	vst v3  }
0x19e: {  	_ =	swait.ge [sflag:s23], $0xD000  }
0x19f: {  	[sflag:s23] =	ssyncset.done $0x0  }
0x1a0: {  	[sflag:s23] =	ssyncadd.s32 $0xFFFF3000  }
0x1a1: {  	v3 =	vld.idx.msk [tilespmem:v4+s2+$0x0], $0xffff;
	_ =	sdelay $0x3  }
0x1a2: {  	v4 =	vmov s31  }
0x1a3: {  	v4 =	vshll.u32 v4, $0x7;
	v5 =	vshll.u32 v3, $0x4  }
0x1a4: {  	v4 =	vadd.s32 v2, v4;
	v5 =	vand.u32 $0x70, v5  }
0x1a5: {  	v19 =	vor.u32 v4, v5;
	_ =	sdelay $0x1  }
0x1a6: {  	v4 =	vor.u32 $0x1, v19;
	_ =	sdelay $0x1  }
0x1a7: {  	v5 =	vor.u32 $0x2, v19  }
0x1a8: {  	v7 =	vor.u32 $0x3, v19;
	v6 =	vld.idx.msk [tilespmem:v19+s18+$0x0], $0xffff;
	_ =	sdelay $0x1  }
0x1a9: {  	v12 =	vor.u32 $0x4, v19;
	v4 =	vld.idx.msk [tilespmem:v4+s18+$0x0], $0xffff  }
0x1aa: {  	v20 =	vimm.f32 $0.0e+00;
	v17 =	vimm.f32 $0.0e+00;
	v13 =	vor.u32 $0x5, v19  }
0x1ab: {  	v18 =	vimm.f32 $0.0e+00;
	v14 =	vimm.f32 $0.0e+00;
	v15 =	vimm.f32 $0.0e+00;
	v5 =	vld.idx.msk [tilespmem:v5+s18+$0x0], $0xffff  }
0x1ac: {  	v16 =	vimm.f32 $0.0e+00;
	v8 =	vimm.s32 $0x0;
	v7 =	vld.idx.msk [tilespmem:v7+s18+$0x0], $0xffff;
	v9 =	vmul.f32 v6, v6  }
0x1ad: {  	v3 =	vadd.s32 v8, v3;
	v10 =	vadd.f32 v6, v14;
	v6 =	vor.u32 $0x6, v19  }
0x1ae: {  	v27 =	vor.u32 $0x7, v19;
	v22 =	vld.idx.msk [tilespmem:v12+s18+$0x0], $0xffff;
	v8 =	vadd.f32 v9, v14;
	v9 =	vmul.f32 v4, v4  }
0x1af: {  	v25 =	vor.u32 $0x8, v19;
	v26 =	vor.u32 $0x9, v19;
	v24 =	vld.idx.msk [tilespmem:v13+s18+$0x0], $0xffff;
	v13 =	vimm.f32 $0.0e+00  }
0x1b0: {  	v11 =	vadd.f32 v4, v14;
	v4 =	vadd.f32 v9, v8;
	v8 =	vmul.f32 v5, v5  }
0x1b1: {  	v12 =	vimm.f32 $0.0e+00;
	v29 =	vmul.f32 v7, v7;
	v9 =	vadd.f32 v5, v14  }
0x1b2: {  	v5 =	vimm.f32 $0.0e+00;
	v23 =	vld.idx.msk [tilespmem:v6+s18+$0x0], $0xffff;
	v6 =	vimm.f32 $0.0e+00;
	v28 =	vadd.f32 v8, v4  }
0x1b3: {  	s0 =	simm.s32 $0x1;
	s1 =	simm.s32 $0x2;
	v8 =	vadd.f32 v7, v14;
	v7 =	vimm.f32 $0.0e+00;
	v4 =	vimm.f32 $0.0e+00  }
.LBB2_10:
0x1b4: {  	p0 =	sne.s32 s1, $0x19;
	v30 =	vadd.s32 s0, v21;
	v28 =	vadd.f32 v29, v28;
	v29 =	vmul.f32 v22, v22;
	v27 =	vld.idx.msk [tilespmem:v27+s18+$0x0], $0xffff  }
0x1b5: {  	v14 =	vadd.f32 v22, v14;
	v22 =	vor.u32 $0xA, v19  }
0x1b6: {  	v20 =	vadd.f32 v24, v20;
	v28 =	vadd.f32 v29, v28;
	v29 =	vmul.f32 v24, v24;
	v24 =	vld.idx.msk [tilespmem:v25+s18+$0x0], $0xffff  }
0x1b7: {  	v25 =	vor.u32 $0xB, v19  }
0x1b8: {  	v17 =	vadd.f32 v23, v17;
	v28 =	vadd.f32 v29, v28;
	v29 =	vmul.f32 v23, v23;
	v23 =	vld.idx.msk [tilespmem:v26+s18+$0x0], $0xffff  }
0x1b9: {  	v26 =	vld.idx.msk [tilespmem:v30+s2+$0x0], $0xffff;
	v30 =	vor.u32 $0xC, v19  }
0x1ba: {  	v18 =	vadd.f32 v27, v18;
	v28 =	vadd.f32 v29, v28;
	v29 =	vmul.f32 v27, v27;
	v22 =	vld.idx.msk [tilespmem:v22+s18+$0x0], $0xffff  }
0x1bb: {  	v27 =	vor.u32 $0xD, v19  }
0x1bc: {  	v15 =	vadd.f32 v24, v15;
	v28 =	vadd.f32 v29, v28;
	v29 =	vmul.f32 v24, v24;
	v24 =	vld.idx.msk [tilespmem:v25+s18+$0x0], $0xffff  }
0x1bd: {  	v31 =	vor.u32 $0xE, v19;
	v25 =	vmov s0;
	s0 =	smov.u32 s1  }
0x1be: {  	v25 =	vshll.u32 v25, $0x7;
	v28 =	vadd.f32 v29, v28;
	v29 =	vmul.f32 v23, v23;
	v30 =	vld.idx.msk [tilespmem:v30+s18+$0x0], $0xffff  }
0x1bf: {  	v33 =	vor.u32 $0xF, v19;
	v32 =	vshll.u32 v26, $0x4;
	v25 =	vadd.s32 v2, v25  }
0x1c0: {  	v19 =	vand.u32 $0x70, v32;
	v28 =	vadd.f32 v29, v28;
	v29 =	vmul.f32 v22, v22;
	v27 =	vld.idx.msk [tilespmem:v27+s18+$0x0], $0xffff  }
0x1c1: {  	v16 =	vadd.f32 v23, v16;
	v13 =	vadd.f32 v22, v13;
	v19 =	vor.u32 v25, v19  }
0x1c2: {  	v23 =	vmul.f32 v24, v24;
	v12 =	vadd.f32 v24, v12;
	v22 =	vadd.f32 v29, v28;
	v24 =	vld.idx.msk [tilespmem:v31+s18+$0x0], $0xffff  }
0x1c3: {  	v3 =	vadd.s32 v3, v26;
	v25 =	vor.u32 $0x1, v19  }
0x1c4: {  	v7 =	vadd.f32 v30, v7;
	v22 =	vadd.f32 v23, v22;
	v23 =	vmul.f32 v30, v30;
	v26 =	vld.idx.msk [tilespmem:v33+s18+$0x0], $0xffff  }
0x1c5: {  	v28 =	vor.u32 $0x2, v19  }
0x1c6: {  	v6 =	vadd.f32 v27, v6;
	v29 =	vld.idx.msk [tilespmem:v19+s18+$0x0], $0xffff;
	v22 =	vadd.f32 v23, v22;
	v23 =	vmul.f32 v27, v27  }
0x1c7: {  	v27 =	vor.u32 $0x3, v19  }
0x1c8: {  	v5 =	vadd.f32 v24, v5;
	v25 =	vld.idx.msk [tilespmem:v25+s18+$0x0], $0xffff;
	v22 =	vadd.f32 v23, v22;
	v23 =	vmul.f32 v24, v24  }
0x1c9: {  	v24 =	vor.u32 $0x4, v19  }
0x1ca: {  	v4 =	vadd.f32 v26, v4;
	v28 =	vld.idx.msk [tilespmem:v28+s18+$0x0], $0xffff;
	v22 =	vadd.f32 v23, v22;
	v23 =	vmul.f32 v26, v26  }
0x1cb: {  	v26 =	vor.u32 $0x5, v19  }
0x1cc: {  	v30 =	vmul.f32 v29, v29;
	v10 =	vadd.f32 v29, v10;
	v31 =	vld.idx.msk [tilespmem:v27+s18+$0x0], $0xffff;
	v22 =	vadd.f32 v23, v22  }
0x1cd: {  	v23 =	vor.u32 $0x6, v19  }
0x1ce: {  	v11 =	vadd.f32 v25, v11;
	v29 =	vadd.f32 v30, v22;
	v30 =	vmul.f32 v25, v25;
	v22 =	vld.idx.msk [tilespmem:v24+s18+$0x0], $0xffff  }
.Ltmp4:
0x1cf: {  	v27 =	vor.u32 $0x7, v19;
	(pc) =	sbr.rel @p0 .LBB2_10-.Ltmp4, $4  }
0x1d0: {  	v9 =	vadd.f32 v28, v9;
	v29 =	vadd.f32 v30, v29;
	v30 =	vmul.f32 v28, v28;
	v24 =	vld.idx.msk [tilespmem:v26+s18+$0x0], $0xffff  }
0x1d1: {  	v25 =	vor.u32 $0x8, v19  }
0x1d2: {  	v8 =	vadd.f32 v31, v8;
	v28 =	vadd.f32 v30, v29;
	v29 =	vmul.f32 v31, v31;
	v23 =	vld.idx.msk [tilespmem:v23+s18+$0x0], $0xffff  }
0x1d3: {  	s1 =	sadd.s32 $0x1, s1;
	v26 =	vor.u32 $0x9, v19  }
0x1d4: {  	_ =	sdelay $0x2  }
0x1d5: {  	v28 =	vadd.f32 v29, v28;
	v54 =	vmul.f32 v22, v22  }
0x1d6: {  	v21 =	vadd.s32 s0, v21;
	v27 =	vld.idx.msk [tilespmem:v27+s18+$0x0], $0xffff  }
0x1d7: {  	v30 =	vor.u32 $0xA, v19;
	v55 =	vmul.f32 v24, v24;
	v28 =	vadd.f32 v54, v28  }
0x1d8: {  	v25 =	vld.idx.msk [tilespmem:v25+s18+$0x0], $0xffff  }
0x1d9: {  	v31 =	vor.u32 $0xB, v19;
	v56 =	vmul.f32 v23, v23;
	v28 =	vadd.f32 v55, v28  }
0x1da: {  	v26 =	vld.idx.msk [tilespmem:v26+s18+$0x0], $0xffff  }
0x1db: {  	v32 =	vor.u32 $0xC, v19;
	v21 =	vld.idx.msk [tilespmem:v21+s2+$0x0], $0xffff;
	v57 =	vmul.f32 v27, v27;
	v28 =	vadd.f32 v56, v28  }
0x1dc: {  	v30 =	vld.idx.msk [tilespmem:v30+s18+$0x0], $0xffff  }
0x1dd: {  	v33 =	vor.u32 $0xD, v19;
	v58 =	vmul.f32 v25, v25;
	v28 =	vadd.f32 v57, v28  }
0x1de: {  	v34 =	vmov s0;
	v35 =	vor.u32 $0xE, v19;
	v31 =	vld.idx.msk [tilespmem:v31+s18+$0x0], $0xffff  }
0x1df: {  	v34 =	vshll.u32 v34, $0x7;
	v59 =	vmul.f32 v26, v26;
	v28 =	vadd.f32 v58, v28  }
0x1e0: {  	v60 =	vor.u32 $0xF, v19;
	v34 =	vadd.s32 v2, v34;
	v32 =	vld.idx.msk [tilespmem:v32+s18+$0x0], $0xffff;
	v36 =	vshll.u32 v21, $0x4  }
0x1e1: {  	v61 =	vmul.f32 v30, v30;
	v36 =	vand.u32 $0x70, v36;
	v28 =	vadd.f32 v59, v28  }
0x1e2: {  	v33 =	vld.idx.msk [tilespmem:v33+s18+$0x0], $0xffff;
	v34 =	vor.u32 v34, v36  }
0x1e3: {  	v62 =	vmul.f32 v31, v31;
	v36 =	vor.u32 $0x1, v34;
	v28 =	vadd.f32 v61, v28  }
0x1e4: {  	v35 =	vld.idx.msk [tilespmem:v35+s18+$0x0], $0xffff;
	v37 =	vor.u32 $0x2, v34  }
0x1e5: {  	v63 =	vmul.f32 v32, v32;
	v28 =	vadd.f32 v62, v28  }
0x1e6: {  	v19 =	vld.idx.msk [tilespmem:v60+s18+$0x0], $0xffff;
	v42 =	vor.u32 $0x3, v34  }
0x1e7: {  	v14 =	vadd.f32 v22, v14;
	v40 =	vmul.f32 v33, v33;
	v41 =	vld.idx.msk [tilespmem:v34+s18+$0x0], $0xffff;
	v28 =	vadd.f32 v63, v28  }
0x1e8: {  	v20 =	vadd.f32 v24, v20;
	v17 =	vadd.f32 v23, v17;
	v44 =	vor.u32 $0x4, v34;
	v36 =	vld.idx.msk [tilespmem:v36+s18+$0x0], $0xffff  }
0x1e9: {  	v18 =	vadd.f32 v27, v18;
	v43 =	vmul.f32 v35, v35;
	v45 =	vld.idx.msk [tilespmem:v37+s18+$0x0], $0xffff;
	v28 =	vadd.f32 v40, v28  }
0x1ea: {  	v15 =	vadd.f32 v25, v15;
	v16 =	vadd.f32 v26, v16;
	v47 =	vor.u32 $0x5, v34  }
0x1eb: {  	v46 =	vmul.f32 v19, v19;
	v13 =	vadd.f32 v30, v13;
	v50 =	vld.idx.msk [tilespmem:v42+s18+$0x0], $0xffff;
	v28 =	vadd.f32 v43, v28  }
0x1ec: {  	v12 =	vadd.f32 v31, v12;
	v52 =	vor.u32 $0x6, v34;
	v10 =	vadd.f32 v41, v10  }
0x1ed: {  	v23 =	vld.idx.msk [tilespmem:v44+s18+$0x0], $0xffff;
	v49 =	vmul.f32 v41, v41;
	v11 =	vadd.f32 v36, v11;
	v48 =	vadd.f32 v46, v28  }
0x1ee: {  	v54 =	vor.u32 $0x7, v34;
	v53 =	vmul.f32 v36, v36;
	v9 =	vadd.f32 v45, v9  }
0x1ef: {  	v25 =	vld.idx.msk [tilespmem:v47+s18+$0x0], $0xffff;
	v10 =	vmul.f32 v10, v10;
	v11 =	vmul.f32 v11, v11;
	v51 =	vadd.f32 v49, v48  }
0x1f0: {  	v56 =	vor.u32 $0x8, v34;
	v55 =	vmul.f32 v45, v45;
	v8 =	vadd.f32 v50, v8  }
0x1f1: {  	v57 =	vld.idx.msk [tilespmem:v52+s18+$0x0], $0xffff;
	v9 =	vmul.f32 v9, v9;
	v10 =	vadd.f32 v11, v10;
	v24 =	vadd.f32 v53, v51  }
0x1f2: {  	v58 =	vor.u32 $0x9, v34;
	v22 =	vmul.f32 v50, v50;
	v14 =	vadd.f32 v23, v14  }
0x1f3: {  	v60 =	vld.idx.msk [tilespmem:v54+s18+$0x0], $0xffff;
	v8 =	vmul.f32 v8, v8;
	v9 =	vadd.f32 v9, v10;
	v11 =	vadd.f32 v55, v24  }
0x1f4: {  	v61 =	vor.u32 $0xA, v34;
	v59 =	vmul.f32 v23, v23;
	v20 =	vadd.f32 v25, v20  }
0x1f5: {  	v28 =	vld.idx.msk [tilespmem:v56+s18+$0x0], $0xffff;
	v62 =	vmul.f32 v14, v14;
	v8 =	vadd.f32 v8, v9;
	v11 =	vadd.f32 v22, v11  }
0x1f6: {  	v29 =	vor.u32 $0xB, v34;
	v63 =	vmul.f32 v25, v25;
	v17 =	vadd.f32 v57, v17  }
0x1f7: {  	v30 =	vmul.f32 v20, v20;
	v10 =	vld.idx.msk [tilespmem:v58+s18+$0x0], $0xffff;
	v8 =	vadd.f32 v62, v8;
	v11 =	vadd.f32 v59, v11  }
0x1f8: {  	v31 =	vmul.f32 v57, v57;
	v36 =	vor.u32 $0xC, v34;
	v18 =	vadd.f32 v60, v18  }
0x1f9: {  	v39 =	vld.idx.msk [tilespmem:v61+s18+$0x0], $0xffff;
	v37 =	vmul.f32 v17, v17;
	v8 =	vadd.f32 v30, v8;
	v11 =	vadd.f32 v63, v11  }
0x1fa: {  	v40 =	vor.u32 $0xD, v34;
	v38 =	vmul.f32 v60, v60;
	v15 =	vadd.f32 v28, v15  }
0x1fb: {  	v43 =	vld.idx.msk [tilespmem:v29+s18+$0x0], $0xffff;
	v41 =	vmul.f32 v18, v18;
	v8 =	vadd.f32 v37, v8;
	v11 =	vadd.f32 v31, v11  }
0x1fc: {  	v44 =	vor.u32 $0xE, v34;
	v42 =	vmul.f32 v28, v28;
	v16 =	vadd.f32 v10, v16  }
0x1fd: {  	v46 =	vld.idx.msk [tilespmem:v36+s18+$0x0], $0xffff;
	v45 =	vmul.f32 v15, v15;
	v8 =	vadd.f32 v41, v8;
	v11 =	vadd.f32 v38, v11  }
0x1fe: {  	v47 =	vor.u32 $0xF, v34;
	v13 =	vadd.f32 v39, v13;
	v10 =	vmul.f32 v10, v10  }
0x1ff: {  	v50 =	vld.idx.msk [tilespmem:v40+s18+$0x0], $0xffff;
	v48 =	vmul.f32 v16, v16;
	v8 =	vadd.f32 v45, v8;
	v11 =	vadd.f32 v42, v11  }
0x200: {  	v7 =	vadd.f32 v32, v7;
	v49 =	vmul.f32 v39, v39;
	v12 =	vadd.f32 v43, v12  }
0x201: {  	v51 =	vmul.f32 v13, v13;
	v53 =	vld.idx.msk [tilespmem:v44+s18+$0x0], $0xffff;
	v8 =	vadd.f32 v48, v8;
	v10 =	vadd.f32 v10, v11  }
0x202: {  	v6 =	vadd.f32 v33, v6;
	v52 =	vmul.f32 v43, v43;
	v7 =	vadd.f32 v46, v7  }
0x203: {  	v56 =	vld.idx.msk [tilespmem:v47+s18+$0x0], $0xffff;
	v54 =	vmul.f32 v12, v12;
	v8 =	vadd.f32 v51, v8;
	v10 =	vadd.f32 v49, v10  }
0x204: {  	v5 =	vadd.f32 v35, v5;
	v6 =	vadd.f32 v50, v6;
	v55 =	vmul.f32 v46, v46  }
0x205: {  	v7 =	vmul.f32 v7, v7;
	v8 =	vadd.f32 v54, v8;
	v10 =	vadd.f32 v52, v10  }
0x206: {  	v4 =	vadd.f32 v19, v4;
	v58 =	vmul.f32 v50, v50;
	v5 =	vadd.f32 v53, v5  }
0x207: {  	v6 =	vmul.f32 v6, v6;
	v7 =	vadd.f32 v7, v8;
	v57 =	vadd.f32 v55, v10  }
0x208: {  	v4 =	vadd.f32 v56, v4;
	v60 =	vmul.f32 v53, v53  }
0x209: {  	v5 =	vmul.f32 v5, v5;
	v6 =	vadd.f32 v6, v7;
	v59 =	vadd.f32 v58, v57  }
0x20a: {  	v4 =	vmul.f32 v4, v4  }
0x20b: {  	v62 =	vmul.f32 v56, v56;
	v5 =	vadd.f32 v5, v6;
	v61 =	vadd.f32 v60, v59;
	_ =	sdelay $0x1  }
0x20c: {  	v4 =	vadd.f32 v4, v5;
	v63 =	vadd.f32 v62, v61;
	_ =	sdelay $0x1  }
0x20d: {  	v4 =	vsub.f32 v4, v63  }
0x20e: {  	v3 =	vadd.s32 v3, v21  }
0x20f: {  	v3 =	vcvt.s32.f32 v3;
	v4 =	vmul.f32 $5.000000000e-01, v4;
	_ =	sdelay $0x1  }
0x210: {  	s30 =	sadd.s32 $0x1, s30;
	v3 =	vadd.f32 v3, v4  }
0x211: {  	p0 =	sne.s32 s30, s7  }
.Ltmp5:
0x212: {  	[tilespmem:$0x1BA70] =	vst v3;
	(pc) =	sbr.rel @p0 .LBB2_1-.Ltmp5, $4  }
0x213: {  	[hbm4b:s6+s2] =	stream.linear.scatter [tilespmem:s29], [sflag:$0x3], $0x80, $0x38;
	[tilespmem:$0x1BA80] =	vst v63  }
0x214: {  	_ =	swait.ge [sflag:s8], $0x80  }
0x215: {  	[sflag:s8] =	ssyncset.done $0x0  }
0x216: {  	[sflag:s8] =	ssyncadd.s32 $0xFFFFFF80  }
0x217: {  	_ =	sfence.sel $0x180000  }
0x218: {  	[bflag:$0x0] =	sbarrier.arrive $0xFFFF  }
0x219: {  	_ =	strace $0x9000004A  }
0x21a: {  	s0 =	stileid.u32;
	[bflag:$0x2] =	sbarrier.arrive $0xFFFF  }
0x21b: {  	p0 =	sne.s32 s0, $0x0;
	s0 =	rddreg [dreg:$0x2]  }
0x21c: {  	s0 =	sadd.s32 @!p0 $0x100000, s0  }
0x21d: {  	[sflag:s0] =	ssyncadd.tile.s32 @!p0 $0x1;
	_ =	shalt  }
.Lfunc_end2:
_tile_overlayer_lowered:
.L_overlay_start_2:
0x21e: {  	(tag) =	ssettag $0x2  }
0x21f: {  	s0 =	rddreg [dreg:$0x0];
	s2 =	stileid.u32  }
0x220: {  	s1 =	rddreg [dreg:$0x1];
	p0 =	sne.s32 s2, $0x0  }
0x221: {  	s3 =	rddreg [dreg:$0x2];
	[bflag:$0x3] =	sbarrier.arrive $0xFFFF;
	s2 =	simm.s32 @!p0 $0x1C03  }
0x222: {  	[timem:s3], [sflag:s2] =	dma.local @!p0 [hbm:s0], s1  }
0x223: {  	s0 =	simm.s32 @!p0 $0x3  }
0x224: {  	_ =	swait.ge @!p0 [sflag:s0], s1  }
0x225: {  	s1 =	ssub.s32 @!p0 $0x0, s1;
	[sflag:s0] =	ssyncset.done @!p0 $0x0  }
0x226: {  	[sflag:s0] =	ssyncadd.s32 @!p0 s1  }
0x227: {  	[bflag:$0x3] =	sbarrier.arrive $0xFFFF  }
0x228: {  	_ =	shalt  }

</sc_bundles>
